<compile_context>
chip_gen: v7x
topology: tpu7x:2x2x1
jax: 0.10.2.dev20260603
libtpu: 0.0.44.dev20260713+nightly
codegen_flags: <defaults>
</compile_context>

<pallas_src>
import functools

import jax
import jax.numpy as jnp
from jax import lax
from jax.experimental import pallas as pl
from jax.experimental.pallas import tpu as pltpu
from jax.experimental.pallas import tpu_sc as plsc

B = 16384
C = 10
L = 16
NC = 2
NS = 16
NW = NC * NS
B_PER_W = B // NW
GROUPS = B_PER_W // L
E_PER_W = B_PER_W * C
IDX_CHUNK = 128
N_CHUNKS = E_PER_W // IDX_CHUNK


def _sc_exp_sums(T_flat, bayes, partial_flat):
    mesh = plsc.VectorSubcoreMesh(core_axis_name="c", subcore_axis_name="s")

    @functools.partial(
        pl.kernel,
        mesh=mesh,
        out_type=jax.ShapeDtypeStruct((B,), jnp.float32),
        scratch_types=[
            pltpu.VMEM((B_PER_W,), jnp.int32),
            pltpu.VMEM((N_CHUNKS, IDX_CHUNK), jnp.int32),
            pltpu.VMEM((N_CHUNKS, IDX_CHUNK), jnp.int32),
            pltpu.VMEM((E_PER_W,), jnp.float32),
            pltpu.VMEM((E_PER_W,), jnp.int32),
            pltpu.VMEM((B_PER_W,), jnp.float32),
            pltpu.SemaphoreType.DMA,
        ],
    )
    def body(t_hbm, bayes_hbm, part_hbm, out_hbm, bayes_v, idx_v, idxp_v,
             q_v, p_v, out_v, sem):
        wid = lax.axis_index("s") * NC + lax.axis_index("c")
        base = pl.multiple_of(wid * B_PER_W, B_PER_W)

        pltpu.sync_copy(bayes_hbm.at[pl.ds(base, B_PER_W)], bayes_v)

        iota = lax.iota(jnp.int32, L)

        def idx_body(g, carry):
            goff = pl.multiple_of(g * L, L)
            bv = bayes_v[pl.ds(goff, L)]
            samp = base + goff + iota
            t_row0 = samp * (C * C) + bv * C
            p_row0 = samp * C
            flat = pl.multiple_of(g * (L * C), L)
            for c in range(C):
                pos = flat + c * L
                idx_v[pos // IDX_CHUNK, pl.ds(pos % IDX_CHUNK, L)] = t_row0 + c
                idxp_v[pos // IDX_CHUNK, pl.ds(pos % IDX_CHUNK, L)] = p_row0 + c
            return carry

        lax.fori_loop(0, GROUPS, idx_body, 0, unroll=2)

        gathers = [
            pltpu.async_copy(
                t_hbm.at[idx_v.at[j]],
                q_v.at[pl.ds(j * IDX_CHUNK, IDX_CHUNK)],
                sem,
            )
            for j in range(N_CHUNKS)
        ] + [
            pltpu.async_copy(
                part_hbm.at[idxp_v.at[j]],
                p_v.at[pl.ds(j * IDX_CHUNK, IDX_CHUNK)],
                sem,
            )
            for j in range(N_CHUNKS)
        ]
        for cp in gathers:
            cp.wait()

        def group_body(g, carry):
            goff = pl.multiple_of(g * L, L)
            flat = pl.multiple_of(g * (L * C), L)
            acc_neg = jnp.zeros((L,), jnp.float32)
            acc_pos = jnp.zeros((L,), jnp.float32)
            for c in range(C):
                q_c = q_v[pl.ds(flat + c * L, L)]
                p_c = p_v[pl.ds(flat + c * L, L)]
                e_pos = jnp.exp(q_c)
                e_neg = jnp.exp(-q_c)
                is_neg = p_c == 0
                acc_neg = acc_neg + jnp.where(is_neg, e_pos, 0.0)
                acc_pos = acc_pos + jnp.where(is_neg, 0.0, e_neg)
            out_v[pl.ds(goff, L)] = acc_neg * acc_pos
            return carry

        lax.fori_loop(0, GROUPS, group_body, 0)
        pltpu.sync_copy(out_v, out_hbm.at[pl.ds(base, B_PER_W)])

    return body(T_flat, bayes, partial_flat)


def _tc_mean_log1p(s):

    def tc_body(x_ref, o_ref):
        total = jnp.sum(jnp.log1p(x_ref[...]), keepdims=True)
        o_ref[...] = total * (1.0 / B)

    out = pl.pallas_call(
        tc_body,
        out_shape=jax.ShapeDtypeStruct((1, 1), jnp.float32),
    )(s.reshape(128, 128))
    return out[0, 0]


@jax.jit
def kernel(T, bayes, partial):
    exp_sum = _sc_exp_sums(
        T.reshape(B * C * C), bayes, partial.reshape(B * C))
    return _tc_mean_log1p(exp_sum)

# --- scband reference (transcript-rebuilt; emitter-appended) ---
"""Pipeline reference for scband-lsep-71545565217249 (READ-ONLY COPY).

The authoritative reference and input builder live on the scoring server;
editing this copy changes nothing except your own understanding.
"""

import jax, jax.numpy as jnp
import numpy as np

B = 16384
C = 10

def setup_inputs(seed: int = 0) -> dict:
    key = jax.random.key(seed)
    k1, k2, k3 = jax.random.split(key, 3)
    T = jax.random.normal(k1, (B, C, C), dtype=jnp.float32)
    bayes = jax.random.randint(k2, (B,), 0, C, dtype=jnp.int32)
    partial = jax.random.randint(k3, (B, C), 0, 2, dtype=jnp.int32)
    return {"T": T, "bayes": bayes, "partial": partial}

def reference(T, bayes, partial):
    # bayes_one_hot: [B, 1, 10] scattered one-hot -> here [B, 10]
    bayes_one_hot = jax.nn.one_hot(bayes, C, dtype=T.dtype)  # [B, C]
    T_transpose = jnp.swapaxes(T, 1, 2)  # [B, C, C]
    # q[i, m] = sum_n T_transpose[i, m, n] * onehot[i, n] = T[i, bayes[i], m]
    q = jnp.einsum('bmn,bn->bm', T_transpose, bayes_one_hot)  # [B, C]
    # per-sample: positive = q where partial==1, negative = q where partial==0
    pos_mask = (partial == 1).astype(T.dtype)  # [B, C]
    neg_mask = (partial == 0).astype(T.dtype)  # [B, C]
    # exp_sub[b, j, k] = exp(negative_j - positive_k) = exp(q_j - q_k)
    exp_sub = jnp.exp(q[:, :, None] - q[:, None, :])  # [B, C, C]
    exp_sum = jnp.einsum('bj,bk,bjk->b', neg_mask, pos_mask, exp_sub)  # [B]
    loss = jnp.mean(jnp.log(1.0 + exp_sum))
    return loss

if __name__ == "__main__":
    import jax
    _d = setup_inputs()
    print(jax.jit(kernel)(*tuple(_d.values())))

</pallas_src>

<mosaic_0001>
#map = affine_map<(d0, d1) -> (0)>
module attributes {stable_mosaic.version = 14 : i64} {
  func.func @body(%arg0: i32, %arg1: i32, %arg2: memref<1638400xf32, #tpu.memory_space<hbm>>, %arg3: memref<16384xi32, #tpu.memory_space<hbm>>, %arg4: memref<163840xi32, #tpu.memory_space<hbm>>, %arg5: memref<16384xf32, #tpu.memory_space<hbm>>, %arg6: memref<512xi32, #tpu.memory_space<vmem>>, %arg7: memref<40x128xi32, #tpu.memory_space<vmem>>, %arg8: memref<40x128xi32, #tpu.memory_space<vmem>>, %arg9: memref<5120xf32, #tpu.memory_space<vmem>>, %arg10: memref<5120xi32, #tpu.memory_space<vmem>>, %arg11: memref<512xf32, #tpu.memory_space<vmem>>, %arg12: memref<!tpu.dma_semaphore, #tpu.memory_space<semaphore_mem>>) attributes {dimension_semantics = [#tpu.dimension_semantics<core_parallel>, #tpu.dimension_semantics<subcore_parallel>], iteration_bounds = array<i64: 2, 16>, scalar_prefetch = 0 : i64, scratch_operands = 7 : i64, tpu.core_type = #tpu.core_type<sc_vector_subcore>, window_params = [{transform_indices = #map}, {transform_indices = #map}, {transform_indices = #map}, {transform_indices = #map}]} {
    %mul3A = arith.constant 2 : i32
    %mul3A_0 = arith.muli %arg1, %mul3A : i32
    %add3A = arith.addi %mul3A_0, %arg0 : i32
    %mul3A_1 = arith.constant 512 : i32
    %mul3A_2 = arith.muli %add3A, %mul3A_1 : i32
    %multiple_of3A = tpu.assume_multiple %mul3A_2, 512 : i32
    "tpu.region"() ({
      %run_scoped3A = tpu.sem_alloc : memref<!tpu.dma_semaphore, #tpu.memory_space<semaphore_mem>>
      %dma_start3A_1292 = tpu.memref_slice %arg3[%multiple_of3A] : memref<16384xi32, #tpu.memory_space<hbm>> -> memref<512xi32, #tpu.memory_space<hbm>>
      %dma_start3A_1293 = tpu.memref_slice %arg3[%multiple_of3A] : memref<16384xi32, #tpu.memory_space<hbm>> -> memref<512xi32, #tpu.memory_space<hbm>>
      tpu.enqueue_dma source(%dma_start3A_1293 : memref<512xi32, #tpu.memory_space<hbm>>) target(%arg6 : memref<512xi32, #tpu.memory_space<vmem>>) target_semaphore(%run_scoped3A : memref<!tpu.dma_semaphore, #tpu.memory_space<semaphore_mem>>)
      %dma_wait3A_1294 = tpu.memref_slice %arg3[%multiple_of3A] : memref<16384xi32, #tpu.memory_space<hbm>> -> memref<512xi32, #tpu.memory_space<hbm>>
      %dma_wait3A_1295 = tpu.memref_slice %arg3[%multiple_of3A] : memref<16384xi32, #tpu.memory_space<hbm>> -> memref<512xi32, #tpu.memory_space<hbm>>
      tpu.wait_dma2 semaphore(%run_scoped3A : memref<!tpu.dma_semaphore, #tpu.memory_space<semaphore_mem>>) src(%dma_wait3A_1295 : memref<512xi32, #tpu.memory_space<hbm>>) dst(%arg6 : memref<512xi32, #tpu.memory_space<vmem>>)
      tpu.yield
    }) : () -> ()
    %iota3A = tpu.iota {dimensions = array<i32: 0>} : vector<16xi32>
    %scan3A = arith.constant 0 : i32
    %scan3A_3 = arith.constant 0 : i32
    %scan3A_4 = arith.constant 32 : i32
    %scan3A_5 = arith.addi %scan3A_3, %scan3A_4 : i32
    %scan3A_6 = arith.constant 2 : i32
    scf.for %scan3A_1292 = %scan3A_3 to %scan3A_5 step %scan3A_6  : i32 {
      %mul3A_1293 = arith.constant 16 : i32
      %mul3A_1294 = arith.muli %scan3A_1292, %mul3A_1293 : i32
      %multiple_of3A_1295 = tpu.assume_multiple %mul3A_1294, 16 : i32
      %get3A = arith.index_cast %multiple_of3A_1295 : i32 to index
      %get3A_1296 = tpu.vector_load %arg6[%get3A] {strides = array<i32>} : memref<512xi32, #tpu.memory_space<vmem>>, vector<16xi32>,
      %get3A_1297 = vector.shape_cast %get3A_1296 : vector<16xi32> to vector<16xi32>
      %add3A_1298 = arith.addi %multiple_of3A, %multiple_of3A_1295 : i32
      %add3A_1299 = vector.broadcast %add3A_1298 : i32 to vector<16xi32>
      %add3A_1300 = arith.addi %add3A_1299, %iota3A : vector<16xi32>
      %mul3A_1301 = arith.constant 100 : i32
      %mul3A_1302 = vector.broadcast %mul3A_1301 : i32 to vector<16xi32>
      %mul3A_1303 = arith.muli %add3A_1300, %mul3A_1302 : vector<16xi32>
      %mul3A_1304 = arith.constant 10 : i32
      %mul3A_1305 = vector.broadcast %mul3A_1304 : i32 to vector<16xi32>
      %mul3A_1306 = arith.muli %get3A_1297, %mul3A_1305 : vector<16xi32>
      %add3A_1307 = arith.addi %mul3A_1303, %mul3A_1306 : vector<16xi32>
      %mul3A_1308 = arith.constant 10 : i32
      %mul3A_1309 = vector.broadcast %mul3A_1308 : i32 to vector<16xi32>
      %mul3A_1310 = arith.muli %add3A_1300, %mul3A_1309 : vector<16xi32>
      %mul3A_1311 = arith.constant 160 : i32
      %mul3A_1312 = arith.muli %scan3A_1292, %mul3A_1311 : i32
      %multiple_of3A_1313 = tpu.assume_multiple %mul3A_1312, 16 : i32
      %add3A_1314 = arith.constant 0 : i32
      %add3A_1315 = arith.addi %multiple_of3A_1313, %add3A_1314 : i32
      %add3A_1316 = arith.constant 0 : i32
      %add3A_1317 = vector.broadcast %add3A_1316 : i32 to vector<16xi32>
      %add3A_1318 = arith.addi %add3A_1307, %add3A_1317 : vector<16xi32>
      %jit3A = arith.constant 128 : i32
      %div3A = arith.divsi %add3A_1315, %jit3A : i32
      %sign3A = arith.constant 0 : i32
      %sign3A_1319 = arith.cmpi sgt, %add3A_1315, %sign3A : i32
      %sign3A_1320 = arith.extui %sign3A_1319 : i1 to i32
      %sign3A_1321 = arith.constant 0 : i32
      %sign3A_1322 = arith.cmpi slt, %add3A_1315, %sign3A_1321 : i32
      %sign3A_1323 = arith.extui %sign3A_1322 : i1 to i32
      %sign3A_1324 = arith.subi %sign3A_1320, %sign3A_1323 : i32
      %sign3A_1325 = arith.constant 0 : i32
      %sign3A_1326 = arith.cmpi sgt, %jit3A, %sign3A_1325 : i32
      %sign3A_1327 = arith.extui %sign3A_1326 : i1 to i32
      %sign3A_1328 = arith.constant 0 : i32
      %sign3A_1329 = arith.cmpi slt, %jit3A, %sign3A_1328 : i32
      %sign3A_1330 = arith.extui %sign3A_1329 : i1 to i32
      %sign3A_1331 = arith.subi %sign3A_1327, %sign3A_1330 : i32
      %ne3A = arith.cmpi ne, %sign3A_1324, %sign3A_1331 : i32
      %rem3A = arith.remsi %add3A_1315, %jit3A : i32
      %ne3A_1332 = arith.constant 0 : i32
      %ne3A_1333 = arith.cmpi ne, %rem3A, %ne3A_1332 : i32
      %and3A = arith.andi %ne3A, %ne3A_1333 : i1
      %sub3A = arith.constant 1 : i32
      %sub3A_1334 = arith.subi %div3A, %sub3A : i32
      %select_n3A = arith.select %and3A, %sub3A_1334, %div3A : i32
      %jit3A_1335 = arith.constant 128 : i32
      %eq3A = arith.constant 0 : i32
      %eq3A_1336 = arith.cmpi eq, %jit3A_1335, %eq3A : i32
      %jit3A_1337 = arith.constant 1 : i32
      %select_n3A_1338 = arith.select %eq3A_1336, %jit3A_1337, %jit3A_1335 : i32
      %rem3A_1339 = arith.remsi %add3A_1315, %select_n3A_1338 : i32
      %ne3A_1340 = arith.constant 0 : i32
      %ne3A_1341 = arith.cmpi ne, %rem3A_1339, %ne3A_1340 : i32
      %lt3A = arith.constant 0 : i32
      %lt3A_1342 = arith.cmpi slt, %rem3A_1339, %lt3A : i32
      %lt3A_1343 = arith.constant 0 : i32
      %lt3A_1344 = arith.cmpi slt, %select_n3A_1338, %lt3A_1343 : i32
      %ne3A_1345 = arith.xori %lt3A_1342, %lt3A_1344 : i1
      %and3A_1346 = arith.andi %ne3A_1345, %ne3A_1341 : i1
      %add3A_1347 = arith.addi %rem3A_1339, %select_n3A_1338 : i32
      %select_n3A_1348 = arith.select %and3A_1346, %add3A_1347, %rem3A_1339 : i32
      %swap3A = arith.index_cast %select_n3A : i32 to index
      %swap3A_1349 = arith.index_cast %select_n3A_1348 : i32 to index
      %swap3A_1350 = tpu.vector_load %arg7[%swap3A, %swap3A_1349] {strides = array<i32>} : memref<40x128xi32, #tpu.memory_space<vmem>>, vector<1x16xi32>,
      %swap3A_1351 = vector.shape_cast %swap3A_1350 : vector<1x16xi32> to vector<16xi32>
      %swap3A_1352 = vector.shape_cast %add3A_1318 : vector<16xi32> to vector<1x16xi32>
      tpu.vector_store %arg7[%swap3A, %swap3A_1349], %swap3A_1352 {strides = array<i32>} : memref<40x128xi32, #tpu.memory_space<vmem>>, vector<1x16xi32>,
      %add3A_1353 = arith.constant 0 : i32
      %add3A_1354 = vector.broadcast %add3A_1353 : i32 to vector<16xi32>
      %add3A_1355 = arith.addi %mul3A_1310, %add3A_1354 : vector<16xi32>
      %jit3A_1356 = arith.constant 128 : i32
      %div3A_1357 = arith.divsi %add3A_1315, %jit3A_1356 : i32
      %sign3A_1358 = arith.constant 0 : i32
      %sign3A_1359 = arith.cmpi sgt, %add3A_1315, %sign3A_1358 : i32
      %sign3A_1360 = arith.extui %sign3A_1359 : i1 to i32
      %sign3A_1361 = arith.constant 0 : i32
      %sign3A_1362 = arith.cmpi slt, %add3A_1315, %sign3A_1361 : i32
      %sign3A_1363 = arith.extui %sign3A_1362 : i1 to i32
      %sign3A_1364 = arith.subi %sign3A_1360, %sign3A_1363 : i32
      %sign3A_1365 = arith.constant 0 : i32
      %sign3A_1366 = arith.cmpi sgt, %jit3A_1356, %sign3A_1365 : i32
      %sign3A_1367 = arith.extui %sign3A_1366 : i1 to i32
      %sign3A_1368 = arith.constant 0 : i32
      %sign3A_1369 = arith.cmpi slt, %jit3A_1356, %sign3A_1368 : i32
      %sign3A_1370 = arith.extui %sign3A_1369 : i1 to i32
      %sign3A_1371 = arith.subi %sign3A_1367, %sign3A_1370 : i32
      %ne3A_1372 = arith.cmpi ne, %sign3A_1364, %sign3A_1371 : i32
      %rem3A_1373 = arith.remsi %add3A_1315, %jit3A_1356 : i32
      %ne3A_1374 = arith.constant 0 : i32
      %ne3A_1375 = arith.cmpi ne, %rem3A_1373, %ne3A_1374 : i32
      %and3A_1376 = arith.andi %ne3A_1372, %ne3A_1375 : i1
      %sub3A_1377 = arith.constant 1 : i32
      %sub3A_1378 = arith.subi %div3A_1357, %sub3A_1377 : i32
      %select_n3A_1379 = arith.select %and3A_1376, %sub3A_1378, %div3A_1357 : i32
      %jit3A_1380 = arith.constant 128 : i32
      %eq3A_1381 = arith.constant 0 : i32
      %eq3A_1382 = arith.cmpi eq, %jit3A_1380, %eq3A_1381 : i32
      %jit3A_1383 = arith.constant 1 : i32
      %select_n3A_1384 = arith.select %eq3A_1382, %jit3A_1383, %jit3A_1380 : i32
      %rem3A_1385 = arith.remsi %add3A_1315, %select_n3A_1384 : i32
      %ne3A_1386 = arith.constant 0 : i32
      %ne3A_1387 = arith.cmpi ne, %rem3A_1385, %ne3A_1386 : i32
      %lt3A_1388 = arith.constant 0 : i32
      %lt3A_1389 = arith.cmpi slt, %rem3A_1385, %lt3A_1388 : i32
      %lt3A_1390 = arith.constant 0 : i32
      %lt3A_1391 = arith.cmpi slt, %select_n3A_1384, %lt3A_1390 : i32
      %ne3A_1392 = arith.xori %lt3A_1389, %lt3A_1391 : i1
      %and3A_1393 = arith.andi %ne3A_1392, %ne3A_1387 : i1
      %add3A_1394 = arith.addi %rem3A_1385, %select_n3A_1384 : i32
      %select_n3A_1395 = arith.select %and3A_1393, %add3A_1394, %rem3A_1385 : i32
      %swap3A_1396 = arith.index_cast %select_n3A_1379 : i32 to index
      %swap3A_1397 = arith.index_cast %select_n3A_1395 : i32 to index
      %swap3A_1398 = tpu.vector_load %arg8[%swap3A_1396, %swap3A_1397] {strides = array<i32>} : memref<40x128xi32, #tpu.memory_space<vmem>>, vector<1x16xi32>,
      %swap3A_1399 = vector.shape_cast %swap3A_1398 : vector<1x16xi32> to vector<16xi32>
      %swap3A_1400 = vector.shape_cast %add3A_1355 : vector<16xi32> to vector<1x16xi32>
      tpu.vector_store %arg8[%swap3A_1396, %swap3A_1397], %swap3A_1400 {strides = array<i32>} : memref<40x128xi32, #tpu.memory_space<vmem>>, vector<1x16xi32>,
      %add3A_1401 = arith.constant 16 : i32
      %add3A_1402 = arith.addi %multiple_of3A_1313, %add3A_1401 : i32
      %add3A_1403 = arith.constant 1 : i32
      %add3A_1404 = vector.broadcast %add3A_1403 : i32 to vector<16xi32>
      %add3A_1405 = arith.addi %add3A_1307, %add3A_1404 : vector<16xi32>
      %jit3A_1406 = arith.constant 128 : i32
      %div3A_1407 = arith.divsi %add3A_1402, %jit3A_1406 : i32
      %sign3A_1408 = arith.constant 0 : i32
      %sign3A_1409 = arith.cmpi sgt, %add3A_1402, %sign3A_1408 : i32
      %sign3A_1410 = arith.extui %sign3A_1409 : i1 to i32
      %sign3A_1411 = arith.constant 0 : i32
      %sign3A_1412 = arith.cmpi slt, %add3A_1402, %sign3A_1411 : i32
      %sign3A_1413 = arith.extui %sign3A_1412 : i1 to i32
      %sign3A_1414 = arith.subi %sign3A_1410, %sign3A_1413 : i32
      %sign3A_1415 = arith.constant 0 : i32
      %sign3A_1416 = arith.cmpi sgt, %jit3A_1406, %sign3A_1415 : i32
      %sign3A_1417 = arith.extui %sign3A_1416 : i1 to i32
      %sign3A_1418 = arith.constant 0 : i32
      %sign3A_1419 = arith.cmpi slt, %jit3A_1406, %sign3A_1418 : i32
      %sign3A_1420 = arith.extui %sign3A_1419 : i1 to i32
      %sign3A_1421 = arith.subi %sign3A_1417, %sign3A_1420 : i32
      %ne3A_1422 = arith.cmpi ne, %sign3A_1414, %sign3A_1421 : i32
      %rem3A_1423 = arith.remsi %add3A_1402, %jit3A_1406 : i32
      %ne3A_1424 = arith.constant 0 : i32
      %ne3A_1425 = arith.cmpi ne, %rem3A_1423, %ne3A_1424 : i32
      %and3A_1426 = arith.andi %ne3A_1422, %ne3A_1425 : i1
      %sub3A_1427 = arith.constant 1 : i32
      %sub3A_1428 = arith.subi %div3A_1407, %sub3A_1427 : i32
      %select_n3A_1429 = arith.select %and3A_1426, %sub3A_1428, %div3A_1407 : i32
      %jit3A_1430 = arith.constant 128 : i32
      %eq3A_1431 = arith.constant 0 : i32
      %eq3A_1432 = arith.cmpi eq, %jit3A_1430, %eq3A_1431 : i32
      %jit3A_1433 = arith.constant 1 : i32
      %select_n3A_1434 = arith.select %eq3A_1432, %jit3A_1433, %jit3A_1430 : i32
      %rem3A_1435 = arith.remsi %add3A_1402, %select_n3A_1434 : i32
      %ne3A_1436 = arith.constant 0 : i32
      %ne3A_1437 = arith.cmpi ne, %rem3A_1435, %ne3A_1436 : i32
      %lt3A_1438 = arith.constant 0 : i32
      %lt3A_1439 = arith.cmpi slt, %rem3A_1435, %lt3A_1438 : i32
      %lt3A_1440 = arith.constant 0 : i32
      %lt3A_1441 = arith.cmpi slt, %select_n3A_1434, %lt3A_1440 : i32
      %ne3A_1442 = arith.xori %lt3A_1439, %lt3A_1441 : i1
      %and3A_1443 = arith.andi %ne3A_1442, %ne3A_1437 : i1
      %add3A_1444 = arith.addi %rem3A_1435, %select_n3A_1434 : i32
      %select_n3A_1445 = arith.select %and3A_1443, %add3A_1444, %rem3A_1435 : i32
      %swap3A_1446 = arith.index_cast %select_n3A_1429 : i32 to index
      %swap3A_1447 = arith.index_cast %select_n3A_1445 : i32 to index
      %swap3A_1448 = tpu.vector_load %arg7[%swap3A_1446, %swap3A_1447] {strides = array<i32>} : memref<40x128xi32, #tpu.memory_space<vmem>>, vector<1x16xi32>,
      %swap3A_1449 = vector.shape_cast %swap3A_1448 : vector<1x16xi32> to vector<16xi32>
      %swap3A_1450 = vector.shape_cast %add3A_1405 : vector<16xi32> to vector<1x16xi32>
      tpu.vector_store %arg7[%swap3A_1446, %swap3A_1447], %swap3A_1450 {strides = array<i32>} : memref<40x128xi32, #tpu.memory_space<vmem>>, vector<1x16xi32>,
      %add3A_1451 = arith.constant 1 : i32
      %add3A_1452 = vector.broadcast %add3A_1451 : i32 to vector<16xi32>
      %add3A_1453 = arith.addi %mul3A_1310, %add3A_1452 : vector<16xi32>
      %jit3A_1454 = arith.constant 128 : i32
      %div3A_1455 = arith.divsi %add3A_1402, %jit3A_1454 : i32
      %sign3A_1456 = arith.constant 0 : i32
      %sign3A_1457 = arith.cmpi sgt, %add3A_1402, %sign3A_1456 : i32
      %sign3A_1458 = arith.extui %sign3A_1457 : i1 to i32
      %sign3A_1459 = arith.constant 0 : i32
      %sign3A_1460 = arith.cmpi slt, %add3A_1402, %sign3A_1459 : i32
      %sign3A_1461 = arith.extui %sign3A_1460 : i1 to i32
      %sign3A_1462 = arith.subi %sign3A_1458, %sign3A_1461 : i32
      %sign3A_1463 = arith.constant 0 : i32
      %sign3A_1464 = arith.cmpi sgt, %jit3A_1454, %sign3A_1463 : i32
      %sign3A_1465 = arith.extui %sign3A_1464 : i1 to i32
      %sign3A_1466 = arith.constant 0 : i32
      %sign3A_1467 = arith.cmpi slt, %jit3A_1454, %sign3A_1466 : i32
      %sign3A_1468 = arith.extui %sign3A_1467 : i1 to i32
      %sign3A_1469 = arith.subi %sign3A_1465, %sign3A_1468 : i32
      %ne3A_1470 = arith.cmpi ne, %sign3A_1462, %sign3A_1469 : i32
      %rem3A_1471 = arith.remsi %add3A_1402, %jit3A_1454 : i32
      %ne3A_1472 = arith.constant 0 : i32
      %ne3A_1473 = arith.cmpi ne, %rem3A_1471, %ne3A_1472 : i32
      %and3A_1474 = arith.andi %ne3A_1470, %ne3A_1473 : i1
      %sub3A_1475 = arith.constant 1 : i32
      %sub3A_1476 = arith.subi %div3A_1455, %sub3A_1475 : i32
      %select_n3A_1477 = arith.select %and3A_1474, %sub3A_1476, %div3A_1455 : i32
      %jit3A_1478 = arith.constant 128 : i32
      %eq3A_1479 = arith.constant 0 : i32
      %eq3A_1480 = arith.cmpi eq, %jit3A_1478, %eq3A_1479 : i32
      %jit3A_1481 = arith.constant 1 : i32
      %select_n3A_1482 = arith.select %eq3A_1480, %jit3A_1481, %jit3A_1478 : i32
      %rem3A_1483 = arith.remsi %add3A_1402, %select_n3A_1482 : i32
      %ne3A_1484 = arith.constant 0 : i32
      %ne3A_1485 = arith.cmpi ne, %rem3A_1483, %ne3A_1484 : i32
      %lt3A_1486 = arith.constant 0 : i32
      %lt3A_1487 = arith.cmpi slt, %rem3A_1483, %lt3A_1486 : i32
      %lt3A_1488 = arith.constant 0 : i32
      %lt3A_1489 = arith.cmpi slt, %select_n3A_1482, %lt3A_1488 : i32
      %ne3A_1490 = arith.xori %lt3A_1487, %lt3A_1489 : i1
      %and3A_1491 = arith.andi %ne3A_1490, %ne3A_1485 : i1
      %add3A_1492 = arith.addi %rem3A_1483, %select_n3A_1482 : i32
      %select_n3A_1493 = arith.select %and3A_1491, %add3A_1492, %rem3A_1483 : i32
      %swap3A_1494 = arith.index_cast %select_n3A_1477 : i32 to index
      %swap3A_1495 = arith.index_cast %select_n3A_1493 : i32 to index
      %swap3A_1496 = tpu.vector_load %arg8[%swap3A_1494, %swap3A_1495] {strides = array<i32>} : memref<40x128xi32, #tpu.memory_space<vmem>>, vector<1x16xi32>,
      %swap3A_1497 = vector.shape_cast %swap3A_1496 : vector<1x16xi32> to vector<16xi32>
      %swap3A_1498 = vector.shape_cast %add3A_1453 : vector<16xi32> to vector<1x16xi32>
      tpu.vector_store %arg8[%swap3A_1494, %swap3A_1495], %swap3A_1498 {strides = array<i32>} : memref<40x128xi32, #tpu.memory_space<vmem>>, vector<1x16xi32>,
      %add3A_1499 = arith.constant 32 : i32
      %add3A_1500 = arith.addi %multiple_of3A_1313, %add3A_1499 : i32
      %add3A_1501 = arith.constant 2 : i32
      %add3A_1502 = vector.broadcast %add3A_1501 : i32 to vector<16xi32>
      %add3A_1503 = arith.addi %add3A_1307, %add3A_1502 : vector<16xi32>
      %jit3A_1504 = arith.constant 128 : i32
      %div3A_1505 = arith.divsi %add3A_1500, %jit3A_1504 : i32
      %sign3A_1506 = arith.constant 0 : i32
      %sign3A_1507 = arith.cmpi sgt, %add3A_1500, %sign3A_1506 : i32
      %sign3A_1508 = arith.extui %sign3A_1507 : i1 to i32
      %sign3A_1509 = arith.constant 0 : i32
      %sign3A_1510 = arith.cmpi slt, %add3A_1500, %sign3A_1509 : i32
      %sign3A_1511 = arith.extui %sign3A_1510 : i1 to i32
      %sign3A_1512 = arith.subi %sign3A_1508, %sign3A_1511 : i32
      %sign3A_1513 = arith.constant 0 : i32
      %sign3A_1514 = arith.cmpi sgt, %jit3A_1504, %sign3A_1513 : i32
      %sign3A_1515 = arith.extui %sign3A_1514 : i1 to i32
      %sign3A_1516 = arith.constant 0 : i32
      %sign3A_1517 = arith.cmpi slt, %jit3A_1504, %sign3A_1516 : i32
      %sign3A_1518 = arith.extui %sign3A_1517 : i1 to i32
      %sign3A_1519 = arith.subi %sign3A_1515, %sign3A_1518 : i32
      %ne3A_1520 = arith.cmpi ne, %sign3A_1512, %sign3A_1519 : i32
      %rem3A_1521 = arith.remsi %add3A_1500, %jit3A_1504 : i32
      %ne3A_1522 = arith.constant 0 : i32
      %ne3A_1523 = arith.cmpi ne, %rem3A_1521, %ne3A_1522 : i32
      %and3A_1524 = arith.andi %ne3A_1520, %ne3A_1523 : i1
      %sub3A_1525 = arith.constant 1 : i32
      %sub3A_1526 = arith.subi %div3A_1505, %sub3A_1525 : i32
      %select_n3A_1527 = arith.select %and3A_1524, %sub3A_1526, %div3A_1505 : i32
      %jit3A_1528 = arith.constant 128 : i32
      %eq3A_1529 = arith.constant 0 : i32
      %eq3A_1530 = arith.cmpi eq, %jit3A_1528, %eq3A_1529 : i32
      %jit3A_1531 = arith.constant 1 : i32
      %select_n3A_1532 = arith.select %eq3A_1530, %jit3A_1531, %jit3A_1528 : i32
      %rem3A_1533 = arith.remsi %add3A_1500, %select_n3A_1532 : i32
      %ne3A_1534 = arith.constant 0 : i32
      %ne3A_1535 = arith.cmpi ne, %rem3A_1533, %ne3A_1534 : i32
      %lt3A_1536 = arith.constant 0 : i32
      %lt3A_1537 = arith.cmpi slt, %rem3A_1533, %lt3A_1536 : i32
      %lt3A_1538 = arith.constant 0 : i32
      %lt3A_1539 = arith.cmpi slt, %select_n3A_1532, %lt3A_1538 : i32
      %ne3A_1540 = arith.xori %lt3A_1537, %lt3A_1539 : i1
      %and3A_1541 = arith.andi %ne3A_1540, %ne3A_1535 : i1
      %add3A_1542 = arith.addi %rem3A_1533, %select_n3A_1532 : i32
      %select_n3A_1543 = arith.select %and3A_1541, %add3A_1542, %rem3A_1533 : i32
      %swap3A_1544 = arith.index_cast %select_n3A_1527 : i32 to index
      %swap3A_1545 = arith.index_cast %select_n3A_1543 : i32 to index
      %swap3A_1546 = tpu.vector_load %arg7[%swap3A_1544, %swap3A_1545] {strides = array<i32>} : memref<40x128xi32, #tpu.memory_space<vmem>>, vector<1x16xi32>,
      %swap3A_1547 = vector.shape_cast %swap3A_1546 : vector<1x16xi32> to vector<16xi32>
      %swap3A_1548 = vector.shape_cast %add3A_1503 : vector<16xi32> to vector<1x16xi32>
      tpu.vector_store %arg7[%swap3A_1544, %swap3A_1545], %swap3A_1548 {strides = array<i32>} : memref<40x128xi32, #tpu.memory_space<vmem>>, vector<1x16xi32>,
      %add3A_1549 = arith.constant 2 : i32
      %add3A_1550 = vector.broadcast %add3A_1549 : i32 to vector<16xi32>
      %add3A_1551 = arith.addi %mul3A_1310, %add3A_1550 : vector<16xi32>
      %jit3A_1552 = arith.constant 128 : i32
      %div3A_1553 = arith.divsi %add3A_1500, %jit3A_1552 : i32
      %sign3A_1554 = arith.constant 0 : i32
      %sign3A_1555 = arith.cmpi sgt, %add3A_1500, %sign3A_1554 : i32
      %sign3A_1556 = arith.extui %sign3A_1555 : i1 to i32
      %sign3A_1557 = arith.constant 0 : i32
      %sign3A_1558 = arith.cmpi slt, %add3A_1500, %sign3A_1557 : i32
      %sign3A_1559 = arith.extui %sign3A_1558 : i1 to i32
      %sign3A_1560 = arith.subi %sign3A_1556, %sign3A_1559 : i32
      %sign3A_1561 = arith.constant 0 : i32
      %sign3A_1562 = arith.cmpi sgt, %jit3A_1552, %sign3A_1561 : i32
      %sign3A_1563 = arith.extui %sign3A_1562 : i1 to i32
      %sign3A_1564 = arith.constant 0 : i32
      %sign3A_1565 = arith.cmpi slt, %jit3A_1552, %sign3A_1564 : i32
      %sign3A_1566 = arith.extui %sign3A_1565 : i1 to i32
      %sign3A_1567 = arith.subi %sign3A_1563, %sign3A_1566 : i32
      %ne3A_1568 = arith.cmpi ne, %sign3A_1560, %sign3A_1567 : i32
      %rem3A_1569 = arith.remsi %add3A_1500, %jit3A_1552 : i32
      %ne3A_1570 = arith.constant 0 : i32
      %ne3A_1571 = arith.cmpi ne, %rem3A_1569, %ne3A_1570 : i32
      %and3A_1572 = arith.andi %ne3A_1568, %ne3A_1571 : i1
      %sub3A_1573 = arith.constant 1 : i32
      %sub3A_1574 = arith.subi %div3A_1553, %sub3A_1573 : i32
      %select_n3A_1575 = arith.select %and3A_1572, %sub3A_1574, %div3A_1553 : i32
      %jit3A_1576 = arith.constant 128 : i32
      %eq3A_1577 = arith.constant 0 : i32
      %eq3A_1578 = arith.cmpi eq, %jit3A_1576, %eq3A_1577 : i32
      %jit3A_1579 = arith.constant 1 : i32
      %select_n3A_1580 = arith.select %eq3A_1578, %jit3A_1579, %jit3A_1576 : i32
      %rem3A_1581 = arith.remsi %add3A_1500, %select_n3A_1580 : i32
      %ne3A_1582 = arith.constant 0 : i32
      %ne3A_1583 = arith.cmpi ne, %rem3A_1581, %ne3A_1582 : i32
      %lt3A_1584 = arith.constant 0 : i32
      %lt3A_1585 = arith.cmpi slt, %rem3A_1581, %lt3A_1584 : i32
      %lt3A_1586 = arith.constant 0 : i32
      %lt3A_1587 = arith.cmpi slt, %select_n3A_1580, %lt3A_1586 : i32
      %ne3A_1588 = arith.xori %lt3A_1585, %lt3A_1587 : i1
      %and3A_1589 = arith.andi %ne3A_1588, %ne3A_1583 : i1
      %add3A_1590 = arith.addi %rem3A_1581, %select_n3A_1580 : i32
      %select_n3A_1591 = arith.select %and3A_1589, %add3A_1590, %rem3A_1581 : i32
      %swap3A_1592 = arith.index_cast %select_n3A_1575 : i32 to index
      %swap3A_1593 = arith.index_cast %select_n3A_1591 : i32 to index
      %swap3A_1594 = tpu.vector_load %arg8[%swap3A_1592, %swap3A_1593] {strides = array<i32>} : memref<40x128xi32, #tpu.memory_space<vmem>>, vector<1x16xi32>,
      %swap3A_1595 = vector.shape_cast %swap3A_1594 : vector<1x16xi32> to vector<16xi32>
      %swap3A_1596 = vector.shape_cast %add3A_1551 : vector<16xi32> to vector<1x16xi32>
      tpu.vector_store %arg8[%swap3A_1592, %swap3A_1593], %swap3A_1596 {strides = array<i32>} : memref<40x128xi32, #tpu.memory_space<vmem>>, vector<1x16xi32>,
      %add3A_1597 = arith.constant 48 : i32
      %add3A_1598 = arith.addi %multiple_of3A_1313, %add3A_1597 : i32
      %add3A_1599 = arith.constant 3 : i32
      %add3A_1600 = vector.broadcast %add3A_1599 : i32 to vector<16xi32>
      %add3A_1601 = arith.addi %add3A_1307, %add3A_1600 : vector<16xi32>
      %jit3A_1602 = arith.constant 128 : i32
      %div3A_1603 = arith.divsi %add3A_1598, %jit3A_1602 : i32
      %sign3A_1604 = arith.constant 0 : i32
      %sign3A_1605 = arith.cmpi sgt, %add3A_1598, %sign3A_1604 : i32
      %sign3A_1606 = arith.extui %sign3A_1605 : i1 to i32
      %sign3A_1607 = arith.constant 0 : i32
      %sign3A_1608 = arith.cmpi slt, %add3A_1598, %sign3A_1607 : i32
      %sign3A_1609 = arith.extui %sign3A_1608 : i1 to i32
      %sign3A_1610 = arith.subi %sign3A_1606, %sign3A_1609 : i32
      %sign3A_1611 = arith.constant 0 : i32
      %sign3A_1612 = arith.cmpi sgt, %jit3A_1602, %sign3A_1611 : i32
      %sign3A_1613 = arith.extui %sign3A_1612 : i1 to i32
      %sign3A_1614 = arith.constant 0 : i32
      %sign3A_1615 = arith.cmpi slt, %jit3A_1602, %sign3A_1614 : i32
      %sign3A_1616 = arith.extui %sign3A_1615 : i1 to i32
      %sign3A_1617 = arith.subi %sign3A_1613, %sign3A_1616 : i32
      %ne3A_1618 = arith.cmpi ne, %sign3A_1610, %sign3A_1617 : i32
      %rem3A_1619 = arith.remsi %add3A_1598, %jit3A_1602 : i32
      %ne3A_1620 = arith.constant 0 : i32
      %ne3A_1621 = arith.cmpi ne, %rem3A_1619, %ne3A_1620 : i32
      %and3A_1622 = arith.andi %ne3A_1618, %ne3A_1621 : i1
      %sub3A_1623 = arith.constant 1 : i32
      %sub3A_1624 = arith.subi %div3A_1603, %sub3A_1623 : i32
      %select_n3A_1625 = arith.select %and3A_1622, %sub3A_1624, %div3A_1603 : i32
      %jit3A_1626 = arith.constant 128 : i32
      %eq3A_1627 = arith.constant 0 : i32
      %eq3A_1628 = arith.cmpi eq, %jit3A_1626, %eq3A_1627 : i32
      %jit3A_1629 = arith.constant 1 : i32
      %select_n3A_1630 = arith.select %eq3A_1628, %jit3A_1629, %jit3A_1626 : i32
      %rem3A_1631 = arith.remsi %add3A_1598, %select_n3A_1630 : i32
      %ne3A_1632 = arith.constant 0 : i32
      %ne3A_1633 = arith.cmpi ne, %rem3A_1631, %ne3A_1632 : i32
      %lt3A_1634 = arith.constant 0 : i32
      %lt3A_1635 = arith.cmpi slt, %rem3A_1631, %lt3A_1634 : i32
      %lt3A_1636 = arith.constant 0 : i32
      %lt3A_1637 = arith.cmpi slt, %select_n3A_1630, %lt3A_1636 : i32
      %ne3A_1638 = arith.xori %lt3A_1635, %lt3A_1637 : i1
      %and3A_1639 = arith.andi %ne3A_1638, %ne3A_1633 : i1
      %add3A_1640 = arith.addi %rem3A_1631, %select_n3A_1630 : i32
      %select_n3A_1641 = arith.select %and3A_1639, %add3A_1640, %rem3A_1631 : i32
      %swap3A_1642 = arith.index_cast %select_n3A_1625 : i32 to index
      %swap3A_1643 = arith.index_cast %select_n3A_1641 : i32 to index
      %swap3A_1644 = tpu.vector_load %arg7[%swap3A_1642, %swap3A_1643] {strides = array<i32>} : memref<40x128xi32, #tpu.memory_space<vmem>>, vector<1x16xi32>,
      %swap3A_1645 = vector.shape_cast %swap3A_1644 : vector<1x16xi32> to vector<16xi32>
      %swap3A_1646 = vector.shape_cast %add3A_1601 : vector<16xi32> to vector<1x16xi32>
      tpu.vector_store %arg7[%swap3A_1642, %swap3A_1643], %swap3A_1646 {strides = array<i32>} : memref<40x128xi32, #tpu.memory_space<vmem>>, vector<1x16xi32>,
      %add3A_1647 = arith.constant 3 : i32
      %add3A_1648 = vector.broadcast %add3A_1647 : i32 to vector<16xi32>
      %add3A_1649 = arith.addi %mul3A_1310, %add3A_1648 : vector<16xi32>
      %jit3A_1650 = arith.constant 128 : i32
      %div3A_1651 = arith.divsi %add3A_1598, %jit3A_1650 : i32
      %sign3A_1652 = arith.constant 0 : i32
      %sign3A_1653 = arith.cmpi sgt, %add3A_1598, %sign3A_1652 : i32
      %sign3A_1654 = arith.extui %sign3A_1653 : i1 to i32
      %sign3A_1655 = arith.constant 0 : i32
      %sign3A_1656 = arith.cmpi slt, %add3A_1598, %sign3A_1655 : i32
      %sign3A_1657 = arith.extui %sign3A_1656 : i1 to i32
      %sign3A_1658 = arith.subi %sign3A_1654, %sign3A_1657 : i32
      %sign3A_1659 = arith.constant 0 : i32
      %sign3A_1660 = arith.cmpi sgt, %jit3A_1650, %sign3A_1659 : i32
      %sign3A_1661 = arith.extui %sign3A_1660 : i1 to i32
      %sign3A_1662 = arith.constant 0 : i32
      %sign3A_1663 = arith.cmpi slt, %jit3A_1650, %sign3A_1662 : i32
      %sign3A_1664 = arith.extui %sign3A_1663 : i1 to i32
      %sign3A_1665 = arith.subi %sign3A_1661, %sign3A_1664 : i32
      %ne3A_1666 = arith.cmpi ne, %sign3A_1658, %sign3A_1665 : i32
      %rem3A_1667 = arith.remsi %add3A_1598, %jit3A_1650 : i32
      %ne3A_1668 = arith.constant 0 : i32
      %ne3A_1669 = arith.cmpi ne, %rem3A_1667, %ne3A_1668 : i32
      %and3A_1670 = arith.andi %ne3A_1666, %ne3A_1669 : i1
      %sub3A_1671 = arith.constant 1 : i32
      %sub3A_1672 = arith.subi %div3A_1651, %sub3A_1671 : i32
      %select_n3A_1673 = arith.select %and3A_1670, %sub3A_1672, %div3A_1651 : i32
      %jit3A_1674 = arith.constant 128 : i32
      %eq3A_1675 = arith.constant 0 : i32
      %eq3A_1676 = arith.cmpi eq, %jit3A_1674, %eq3A_1675 : i32
      %jit3A_1677 = arith.constant 1 : i32
      %select_n3A_1678 = arith.select %eq3A_1676, %jit3A_1677, %jit3A_1674 : i32
      %rem3A_1679 = arith.remsi %add3A_1598, %select_n3A_1678 : i32
      %ne3A_1680 = arith.constant 0 : i32
      %ne3A_1681 = arith.cmpi ne, %rem3A_1679, %ne3A_1680 : i32
      %lt3A_1682 = arith.constant 0 : i32
      %lt3A_1683 = arith.cmpi slt, %rem3A_1679, %lt3A_1682 : i32
      %lt3A_1684 = arith.constant 0 : i32
      %lt3A_1685 = arith.cmpi slt, %select_n3A_1678, %lt3A_1684 : i32
      %ne3A_1686 = arith.xori %lt3A_1683, %lt3A_1685 : i1
      %and3A_1687 = arith.andi %ne3A_1686, %ne3A_1681 : i1
      %add3A_1688 = arith.addi %rem3A_1679, %select_n3A_1678 : i32
      %select_n3A_1689 = arith.select %and3A_1687, %add3A_1688, %rem3A_1679 : i32
      %swap3A_1690 = arith.index_cast %select_n3A_1673 : i32 to index
      %swap3A_1691 = arith.index_cast %select_n3A_1689 : i32 to index
      %swap3A_1692 = tpu.vector_load %arg8[%swap3A_1690, %swap3A_1691] {strides = array<i32>} : memref<40x128xi32, #tpu.memory_space<vmem>>, vector<1x16xi32>,
      %swap3A_1693 = vector.shape_cast %swap3A_1692 : vector<1x16xi32> to vector<16xi32>
      %swap3A_1694 = vector.shape_cast %add3A_1649 : vector<16xi32> to vector<1x16xi32>
      tpu.vector_store %arg8[%swap3A_1690, %swap3A_1691], %swap3A_1694 {strides = array<i32>} : memref<40x128xi32, #tpu.memory_space<vmem>>, vector<1x16xi32>,
      %add3A_1695 = arith.constant 64 : i32
      %add3A_1696 = arith.addi %multiple_of3A_1313, %add3A_1695 : i32
      %add3A_1697 = arith.constant 4 : i32
      %add3A_1698 = vector.broadcast %add3A_1697 : i32 to vector<16xi32>
      %add3A_1699 = arith.addi %add3A_1307, %add3A_1698 : vector<16xi32>
      %jit3A_1700 = arith.constant 128 : i32
      %div3A_1701 = arith.divsi %add3A_1696, %jit3A_1700 : i32
      %sign3A_1702 = arith.constant 0 : i32
      %sign3A_1703 = arith.cmpi sgt, %add3A_1696, %sign3A_1702 : i32
      %sign3A_1704 = arith.extui %sign3A_1703 : i1 to i32
      %sign3A_1705 = arith.constant 0 : i32
      %sign3A_1706 = arith.cmpi slt, %add3A_1696, %sign3A_1705 : i32
      %sign3A_1707 = arith.extui %sign3A_1706 : i1 to i32
      %sign3A_1708 = arith.subi %sign3A_1704, %sign3A_1707 : i32
      %sign3A_1709 = arith.constant 0 : i32
      %sign3A_1710 = arith.cmpi sgt, %jit3A_1700, %sign3A_1709 : i32
      %sign3A_1711 = arith.extui %sign3A_1710 : i1 to i32
      %sign3A_1712 = arith.constant 0 : i32
      %sign3A_1713 = arith.cmpi slt, %jit3A_1700, %sign3A_1712 : i32
      %sign3A_1714 = arith.extui %sign3A_1713 : i1 to i32
      %sign3A_1715 = arith.subi %sign3A_1711, %sign3A_1714 : i32
      %ne3A_1716 = arith.cmpi ne, %sign3A_1708, %sign3A_1715 : i32
      %rem3A_1717 = arith.remsi %add3A_1696, %jit3A_1700 : i32
      %ne3A_1718 = arith.constant 0 : i32
      %ne3A_1719 = arith.cmpi ne, %rem3A_1717, %ne3A_1718 : i32
      %and3A_1720 = arith.andi %ne3A_1716, %ne3A_1719 : i1
      %sub3A_1721 = arith.constant 1 : i32
      %sub3A_1722 = arith.subi %div3A_1701, %sub3A_1721 : i32
      %select_n3A_1723 = arith.select %and3A_1720, %sub3A_1722, %div3A_1701 : i32
      %jit3A_1724 = arith.constant 128 : i32
      %eq3A_1725 = arith.constant 0 : i32
      %eq3A_1726 = arith.cmpi eq, %jit3A_1724, %eq3A_1725 : i32
      %jit3A_1727 = arith.constant 1 : i32
      %select_n3A_1728 = arith.select %eq3A_1726, %jit3A_1727, %jit3A_1724 : i32
      %rem3A_1729 = arith.remsi %add3A_1696, %select_n3A_1728 : i32
      %ne3A_1730 = arith.constant 0 : i32
      %ne3A_1731 = arith.cmpi ne, %rem3A_1729, %ne3A_1730 : i32
      %lt3A_1732 = arith.constant 0 : i32
      %lt3A_1733 = arith.cmpi slt, %rem3A_1729, %lt3A_1732 : i32
      %lt3A_1734 = arith.constant 0 : i32
      %lt3A_1735 = arith.cmpi slt, %select_n3A_1728, %lt3A_1734 : i32
      %ne3A_1736 = arith.xori %lt3A_1733, %lt3A_1735 : i1
      %and3A_1737 = arith.andi %ne3A_1736, %ne3A_1731 : i1
      %add3A_1738 = arith.addi %rem3A_1729, %select_n3A_1728 : i32
      %select_n3A_1739 = arith.select %and3A_1737, %add3A_1738, %rem3A_1729 : i32
      %swap3A_1740 = arith.index_cast %select_n3A_1723 : i32 to index
      %swap3A_1741 = arith.index_cast %select_n3A_1739 : i32 to index
      %swap3A_1742 = tpu.vector_load %arg7[%swap3A_1740, %swap3A_1741] {strides = array<i32>} : memref<40x128xi32, #tpu.memory_space<vmem>>, vector<1x16xi32>,
      %swap3A_1743 = vector.shape_cast %swap3A_1742 : vector<1x16xi32> to vector<16xi32>
      %swap3A_1744 = vector.shape_cast %add3A_1699 : vector<16xi32> to vector<1x16xi32>
      tpu.vector_store %arg7[%swap3A_1740, %swap3A_1741], %swap3A_1744 {strides = array<i32>} : memref<40x128xi32, #tpu.memory_space<vmem>>, vector<1x16xi32>,
      %add3A_1745 = arith.constant 4 : i32
      %add3A_1746 = vector.broadcast %add3A_1745 : i32 to vector<16xi32>
      %add3A_1747 = arith.addi %mul3A_1310, %add3A_1746 : vector<16xi32>
      %jit3A_1748 = arith.constant 128 : i32
      %div3A_1749 = arith.divsi %add3A_1696, %jit3A_1748 : i32
      %sign3A_1750 = arith.constant 0 : i32
      %sign3A_1751 = arith.cmpi sgt, %add3A_1696, %sign3A_1750 : i32
      %sign3A_1752 = arith.extui %sign3A_1751 : i1 to i32
      %sign3A_1753 = arith.constant 0 : i32
      %sign3A_1754 = arith.cmpi slt, %add3A_1696, %sign3A_1753 : i32
      %sign3A_1755 = arith.extui %sign3A_1754 : i1 to i32
      %sign3A_1756 = arith.subi %sign3A_1752, %sign3A_1755 : i32
      %sign3A_1757 = arith.constant 0 : i32
      %sign3A_1758 = arith.cmpi sgt, %jit3A_1748, %sign3A_1757 : i32
      %sign3A_1759 = arith.extui %sign3A_1758 : i1 to i32
      %sign3A_1760 = arith.constant 0 : i32
      %sign3A_1761 = arith.cmpi slt, %jit3A_1748, %sign3A_1760 : i32
      %sign3A_1762 = arith.extui %sign3A_1761 : i1 to i32
      %sign3A_1763 = arith.subi %sign3A_1759, %sign3A_1762 : i32
      %ne3A_1764 = arith.cmpi ne, %sign3A_1756, %sign3A_1763 : i32
      %rem3A_1765 = arith.remsi %add3A_1696, %jit3A_1748 : i32
      %ne3A_1766 = arith.constant 0 : i32
      %ne3A_1767 = arith.cmpi ne, %rem3A_1765, %ne3A_1766 : i32
      %and3A_1768 = arith.andi %ne3A_1764, %ne3A_1767 : i1
      %sub3A_1769 = arith.constant 1 : i32
      %sub3A_1770 = arith.subi %div3A_1749, %sub3A_1769 : i32
      %select_n3A_1771 = arith.select %and3A_1768, %sub3A_1770, %div3A_1749 : i32
      %jit3A_1772 = arith.constant 128 : i32
      %eq3A_1773 = arith.constant 0 : i32
      %eq3A_1774 = arith.cmpi eq, %jit3A_1772, %eq3A_1773 : i32
      %jit3A_1775 = arith.constant 1 : i32
      %select_n3A_1776 = arith.select %eq3A_1774, %jit3A_1775, %jit3A_1772 : i32
      %rem3A_1777 = arith.remsi %add3A_1696, %select_n3A_1776 : i32
      %ne3A_1778 = arith.constant 0 : i32
      %ne3A_1779 = arith.cmpi ne, %rem3A_1777, %ne3A_1778 : i32
      %lt3A_1780 = arith.constant 0 : i32
      %lt3A_1781 = arith.cmpi slt, %rem3A_1777, %lt3A_1780 : i32
      %lt3A_1782 = arith.constant 0 : i32
      %lt3A_1783 = arith.cmpi slt, %select_n3A_1776, %lt3A_1782 : i32
      %ne3A_1784 = arith.xori %lt3A_1781, %lt3A_1783 : i1
      %and3A_1785 = arith.andi %ne3A_1784, %ne3A_1779 : i1
      %add3A_1786 = arith.addi %rem3A_1777, %select_n3A_1776 : i32
      %select_n3A_1787 = arith.select %and3A_1785, %add3A_1786, %rem3A_1777 : i32
      %swap3A_1788 = arith.index_cast %select_n3A_1771 : i32 to index
      %swap3A_1789 = arith.index_cast %select_n3A_1787 : i32 to index
      %swap3A_1790 = tpu.vector_load %arg8[%swap3A_1788, %swap3A_1789] {strides = array<i32>} : memref<40x128xi32, #tpu.memory_space<vmem>>, vector<1x16xi32>,
      %swap3A_1791 = vector.shape_cast %swap3A_1790 : vector<1x16xi32> to vector<16xi32>
      %swap3A_1792 = vector.shape_cast %add3A_1747 : vector<16xi32> to vector<1x16xi32>
      tpu.vector_store %arg8[%swap3A_1788, %swap3A_1789], %swap3A_1792 {strides = array<i32>} : memref<40x128xi32, #tpu.memory_space<vmem>>, vector<1x16xi32>,
      %add3A_1793 = arith.constant 80 : i32
      %add3A_1794 = arith.addi %multiple_of3A_1313, %add3A_1793 : i32
      %add3A_1795 = arith.constant 5 : i32
      %add3A_1796 = vector.broadcast %add3A_1795 : i32 to vector<16xi32>
      %add3A_1797 = arith.addi %add3A_1307, %add3A_1796 : vector<16xi32>
      %jit3A_1798 = arith.constant 128 : i32
      %div3A_1799 = arith.divsi %add3A_1794, %jit3A_1798 : i32
      %sign3A_1800 = arith.constant 0 : i32
      %sign3A_1801 = arith.cmpi sgt, %add3A_1794, %sign3A_1800 : i32
      %sign3A_1802 = arith.extui %sign3A_1801 : i1 to i32
      %sign3A_1803 = arith.constant 0 : i32
      %sign3A_1804 = arith.cmpi slt, %add3A_1794, %sign3A_1803 : i32
      %sign3A_1805 = arith.extui %sign3A_1804 : i1 to i32
      %sign3A_1806 = arith.subi %sign3A_1802, %sign3A_1805 : i32
      %sign3A_1807 = arith.constant 0 : i32
      %sign3A_1808 = arith.cmpi sgt, %jit3A_1798, %sign3A_1807 : i32
      %sign3A_1809 = arith.extui %sign3A_1808 : i1 to i32
      %sign3A_1810 = arith.constant 0 : i32
      %sign3A_1811 = arith.cmpi slt, %jit3A_1798, %sign3A_1810 : i32
      %sign3A_1812 = arith.extui %sign3A_1811 : i1 to i32
      %sign3A_1813 = arith.subi %sign3A_1809, %sign3A_1812 : i32
      %ne3A_1814 = arith.cmpi ne, %sign3A_1806, %sign3A_1813 : i32
      %rem3A_1815 = arith.remsi %add3A_1794, %jit3A_1798 : i32
      %ne3A_1816 = arith.constant 0 : i32
      %ne3A_1817 = arith.cmpi ne, %rem3A_1815, %ne3A_1816 : i32
      %and3A_1818 = arith.andi %ne3A_1814, %ne3A_1817 : i1
      %sub3A_1819 = arith.constant 1 : i32
      %sub3A_1820 = arith.subi %div3A_1799, %sub3A_1819 : i32
      %select_n3A_1821 = arith.select %and3A_1818, %sub3A_1820, %div3A_1799 : i32
      %jit3A_1822 = arith.constant 128 : i32
      %eq3A_1823 = arith.constant 0 : i32
      %eq3A_1824 = arith.cmpi eq, %jit3A_1822, %eq3A_1823 : i32
      %jit3A_1825 = arith.constant 1 : i32
      %select_n3A_1826 = arith.select %eq3A_1824, %jit3A_1825, %jit3A_1822 : i32
      %rem3A_1827 = arith.remsi %add3A_1794, %select_n3A_1826 : i32
      %ne3A_1828 = arith.constant 0 : i32
      %ne3A_1829 = arith.cmpi ne, %rem3A_1827, %ne3A_1828 : i32
      %lt3A_1830 = arith.constant 0 : i32
      %lt3A_1831 = arith.cmpi slt, %rem3A_1827, %lt3A_1830 : i32
      %lt3A_1832 = arith.constant 0 : i32
      %lt3A_1833 = arith.cmpi slt, %select_n3A_1826, %lt3A_1832 : i32
      %ne3A_1834 = arith.xori %lt3A_1831, %lt3A_1833 : i1
      %and3A_1835 = arith.andi %ne3A_1834, %ne3A_1829 : i1
      %add3A_1836 = arith.addi %rem3A_1827, %select_n3A_1826 : i32
      %select_n3A_1837 = arith.select %and3A_1835, %add3A_1836, %rem3A_1827 : i32
      %swap3A_1838 = arith.index_cast %select_n3A_1821 : i32 to index
      %swap3A_1839 = arith.index_cast %select_n3A_1837 : i32 to index
      %swap3A_1840 = tpu.vector_load %arg7[%swap3A_1838, %swap3A_1839] {strides = array<i32>} : memref<40x128xi32, #tpu.memory_space<vmem>>, vector<1x16xi32>,
      %swap3A_1841 = vector.shape_cast %swap3A_1840 : vector<1x16xi32> to vector<16xi32>
      %swap3A_1842 = vector.shape_cast %add3A_1797 : vector<16xi32> to vector<1x16xi32>
      tpu.vector_store %arg7[%swap3A_1838, %swap3A_1839], %swap3A_1842 {strides = array<i32>} : memref<40x128xi32, #tpu.memory_space<vmem>>, vector<1x16xi32>,
      %add3A_1843 = arith.constant 5 : i32
      %add3A_1844 = vector.broadcast %add3A_1843 : i32 to vector<16xi32>
      %add3A_1845 = arith.addi %mul3A_1310, %add3A_1844 : vector<16xi32>
      %jit3A_1846 = arith.constant 128 : i32
      %div3A_1847 = arith.divsi %add3A_1794, %jit3A_1846 : i32
      %sign3A_1848 = arith.constant 0 : i32
      %sign3A_1849 = arith.cmpi sgt, %add3A_1794, %sign3A_1848 : i32
      %sign3A_1850 = arith.extui %sign3A_1849 : i1 to i32
      %sign3A_1851 = arith.constant 0 : i32
      %sign3A_1852 = arith.cmpi slt, %add3A_1794, %sign3A_1851 : i32
      %sign3A_1853 = arith.extui %sign3A_1852 : i1 to i32
      %sign3A_1854 = arith.subi %sign3A_1850, %sign3A_1853 : i32
      %sign3A_1855 = arith.constant 0 : i32
      %sign3A_1856 = arith.cmpi sgt, %jit3A_1846, %sign3A_1855 : i32
      %sign3A_1857 = arith.extui %sign3A_1856 : i1 to i32
      %sign3A_1858 = arith.constant 0 : i32
      %sign3A_1859 = arith.cmpi slt, %jit3A_1846, %sign3A_1858 : i32
      %sign3A_1860 = arith.extui %sign3A_1859 : i1 to i32
      %sign3A_1861 = arith.subi %sign3A_1857, %sign3A_1860 : i32
      %ne3A_1862 = arith.cmpi ne, %sign3A_1854, %sign3A_1861 : i32
      %rem3A_1863 = arith.remsi %add3A_1794, %jit3A_1846 : i32
      %ne3A_1864 = arith.constant 0 : i32
      %ne3A_1865 = arith.cmpi ne, %rem3A_1863, %ne3A_1864 : i32
      %and3A_1866 = arith.andi %ne3A_1862, %ne3A_1865 : i1
      %sub3A_1867 = arith.constant 1 : i32
      %sub3A_1868 = arith.subi %div3A_1847, %sub3A_1867 : i32
      %select_n3A_1869 = arith.select %and3A_1866, %sub3A_1868, %div3A_1847 : i32
      %jit3A_1870 = arith.constant 128 : i32
      %eq3A_1871 = arith.constant 0 : i32
      %eq3A_1872 = arith.cmpi eq, %jit3A_1870, %eq3A_1871 : i32
      %jit3A_1873 = arith.constant 1 : i32
      %select_n3A_1874 = arith.select %eq3A_1872, %jit3A_1873, %jit3A_1870 : i32
      %rem3A_1875 = arith.remsi %add3A_1794, %select_n3A_1874 : i32
      %ne3A_1876 = arith.constant 0 : i32
      %ne3A_1877 = arith.cmpi ne, %rem3A_1875, %ne3A_1876 : i32
      %lt3A_1878 = arith.constant 0 : i32
      %lt3A_1879 = arith.cmpi slt, %rem3A_1875, %lt3A_1878 : i32
      %lt3A_1880 = arith.constant 0 : i32
      %lt3A_1881 = arith.cmpi slt, %select_n3A_1874, %lt3A_1880 : i32
      %ne3A_1882 = arith.xori %lt3A_1879, %lt3A_1881 : i1
      %and3A_1883 = arith.andi %ne3A_1882, %ne3A_1877 : i1
      %add3A_1884 = arith.addi %rem3A_1875, %select_n3A_1874 : i32
      %select_n3A_1885 = arith.select %and3A_1883, %add3A_1884, %rem3A_1875 : i32
      %swap3A_1886 = arith.index_cast %select_n3A_1869 : i32 to index
      %swap3A_1887 = arith.index_cast %select_n3A_1885 : i32 to index
      %swap3A_1888 = tpu.vector_load %arg8[%swap3A_1886, %swap3A_1887] {strides = array<i32>} : memref<40x128xi32, #tpu.memory_space<vmem>>, vector<1x16xi32>,
      %swap3A_1889 = vector.shape_cast %swap3A_1888 : vector<1x16xi32> to vector<16xi32>
      %swap3A_1890 = vector.shape_cast %add3A_1845 : vector<16xi32> to vector<1x16xi32>
      tpu.vector_store %arg8[%swap3A_1886, %swap3A_1887], %swap3A_1890 {strides = array<i32>} : memref<40x128xi32, #tpu.memory_space<vmem>>, vector<1x16xi32>,
      %add3A_1891 = arith.constant 96 : i32
      %add3A_1892 = arith.addi %multiple_of3A_1313, %add3A_1891 : i32
      %add3A_1893 = arith.constant 6 : i32
      %add3A_1894 = vector.broadcast %add3A_1893 : i32 to vector<16xi32>
      %add3A_1895 = arith.addi %add3A_1307, %add3A_1894 : vector<16xi32>
      %jit3A_1896 = arith.constant 128 : i32
      %div3A_1897 = arith.divsi %add3A_1892, %jit3A_1896 : i32
      %sign3A_1898 = arith.constant 0 : i32
      %sign3A_1899 = arith.cmpi sgt, %add3A_1892, %sign3A_1898 : i32
      %sign3A_1900 = arith.extui %sign3A_1899 : i1 to i32
      %sign3A_1901 = arith.constant 0 : i32
      %sign3A_1902 = arith.cmpi slt, %add3A_1892, %sign3A_1901 : i32
      %sign3A_1903 = arith.extui %sign3A_1902 : i1 to i32
      %sign3A_1904 = arith.subi %sign3A_1900, %sign3A_1903 : i32
      %sign3A_1905 = arith.constant 0 : i32
      %sign3A_1906 = arith.cmpi sgt, %jit3A_1896, %sign3A_1905 : i32
      %sign3A_1907 = arith.extui %sign3A_1906 : i1 to i32
      %sign3A_1908 = arith.constant 0 : i32
      %sign3A_1909 = arith.cmpi slt, %jit3A_1896, %sign3A_1908 : i32
      %sign3A_1910 = arith.extui %sign3A_1909 : i1 to i32
      %sign3A_1911 = arith.subi %sign3A_1907, %sign3A_1910 : i32
      %ne3A_1912 = arith.cmpi ne, %sign3A_1904, %sign3A_1911 : i32
      %rem3A_1913 = arith.remsi %add3A_1892, %jit3A_1896 : i32
      %ne3A_1914 = arith.constant 0 : i32
      %ne3A_1915 = arith.cmpi ne, %rem3A_1913, %ne3A_1914 : i32
      %and3A_1916 = arith.andi %ne3A_1912, %ne3A_1915 : i1
      %sub3A_1917 = arith.constant 1 : i32
      %sub3A_1918 = arith.subi %div3A_1897, %sub3A_1917 : i32
      %select_n3A_1919 = arith.select %and3A_1916, %sub3A_1918, %div3A_1897 : i32
      %jit3A_1920 = arith.constant 128 : i32
      %eq3A_1921 = arith.constant 0 : i32
      %eq3A_1922 = arith.cmpi eq, %jit3A_1920, %eq3A_1921 : i32
      %jit3A_1923 = arith.constant 1 : i32
      %select_n3A_1924 = arith.select %eq3A_1922, %jit3A_1923, %jit3A_1920 : i32
      %rem3A_1925 = arith.remsi %add3A_1892, %select_n3A_1924 : i32
      %ne3A_1926 = arith.constant 0 : i32
      %ne3A_1927 = arith.cmpi ne, %rem3A_1925, %ne3A_1926 : i32
      %lt3A_1928 = arith.constant 0 : i32
      %lt3A_1929 = arith.cmpi slt, %rem3A_1925, %lt3A_1928 : i32
      %lt3A_1930 = arith.constant 0 : i32
      %lt3A_1931 = arith.cmpi slt, %select_n3A_1924, %lt3A_1930 : i32
      %ne3A_1932 = arith.xori %lt3A_1929, %lt3A_1931 : i1
      %and3A_1933 = arith.andi %ne3A_1932, %ne3A_1927 : i1
      %add3A_1934 = arith.addi %rem3A_1925, %select_n3A_1924 : i32
      %select_n3A_1935 = arith.select %and3A_1933, %add3A_1934, %rem3A_1925 : i32
      %swap3A_1936 = arith.index_cast %select_n3A_1919 : i32 to index
      %swap3A_1937 = arith.index_cast %select_n3A_1935 : i32 to index
      %swap3A_1938 = tpu.vector_load %arg7[%swap3A_1936, %swap3A_1937] {strides = array<i32>} : memref<40x128xi32, #tpu.memory_space<vmem>>, vector<1x16xi32>,
      %swap3A_1939 = vector.shape_cast %swap3A_1938 : vector<1x16xi32> to vector<16xi32>
      %swap3A_1940 = vector.shape_cast %add3A_1895 : vector<16xi32> to vector<1x16xi32>
      tpu.vector_store %arg7[%swap3A_1936, %swap3A_1937], %swap3A_1940 {strides = array<i32>} : memref<40x128xi32, #tpu.memory_space<vmem>>, vector<1x16xi32>,
      %add3A_1941 = arith.constant 6 : i32
      %add3A_1942 = vector.broadcast %add3A_1941 : i32 to vector<16xi32>
      %add3A_1943 = arith.addi %mul3A_1310, %add3A_1942 : vector<16xi32>
      %jit3A_1944 = arith.constant 128 : i32
      %div3A_1945 = arith.divsi %add3A_1892, %jit3A_1944 : i32
      %sign3A_1946 = arith.constant 0 : i32
      %sign3A_1947 = arith.cmpi sgt, %add3A_1892, %sign3A_1946 : i32
      %sign3A_1948 = arith.extui %sign3A_1947 : i1 to i32
      %sign3A_1949 = arith.constant 0 : i32
      %sign3A_1950 = arith.cmpi slt, %add3A_1892, %sign3A_1949 : i32
      %sign3A_1951 = arith.extui %sign3A_1950 : i1 to i32
      %sign3A_1952 = arith.subi %sign3A_1948, %sign3A_1951 : i32
      %sign3A_1953 = arith.constant 0 : i32
      %sign3A_1954 = arith.cmpi sgt, %jit3A_1944, %sign3A_1953 : i32
      %sign3A_1955 = arith.extui %sign3A_1954 : i1 to i32
      %sign3A_1956 = arith.constant 0 : i32
      %sign3A_1957 = arith.cmpi slt, %jit3A_1944, %sign3A_1956 : i32
      %sign3A_1958 = arith.extui %sign3A_1957 : i1 to i32
      %sign3A_1959 = arith.subi %sign3A_1955, %sign3A_1958 : i32
      %ne3A_1960 = arith.cmpi ne, %sign3A_1952, %sign3A_1959 : i32
      %rem3A_1961 = arith.remsi %add3A_1892, %jit3A_1944 : i32
      %ne3A_1962 = arith.constant 0 : i32
      %ne3A_1963 = arith.cmpi ne, %rem3A_1961, %ne3A_1962 : i32
      %and3A_1964 = arith.andi %ne3A_1960, %ne3A_1963 : i1
      %sub3A_1965 = arith.constant 1 : i32
      %sub3A_1966 = arith.subi %div3A_1945, %sub3A_1965 : i32
      %select_n3A_1967 = arith.select %and3A_1964, %sub3A_1966, %div3A_1945 : i32
      %jit3A_1968 = arith.constant 128 : i32
      %eq3A_1969 = arith.constant 0 : i32
      %eq3A_1970 = arith.cmpi eq, %jit3A_1968, %eq3A_1969 : i32
      %jit3A_1971 = arith.constant 1 : i32
      %select_n3A_1972 = arith.select %eq3A_1970, %jit3A_1971, %jit3A_1968 : i32
      %rem3A_1973 = arith.remsi %add3A_1892, %select_n3A_1972 : i32
      %ne3A_1974 = arith.constant 0 : i32
      %ne3A_1975 = arith.cmpi ne, %rem3A_1973, %ne3A_1974 : i32
      %lt3A_1976 = arith.constant 0 : i32
      %lt3A_1977 = arith.cmpi slt, %rem3A_1973, %lt3A_1976 : i32
      %lt3A_1978 = arith.constant 0 : i32
      %lt3A_1979 = arith.cmpi slt, %select_n3A_1972, %lt3A_1978 : i32
      %ne3A_1980 = arith.xori %lt3A_1977, %lt3A_1979 : i1
      %and3A_1981 = arith.andi %ne3A_1980, %ne3A_1975 : i1
      %add3A_1982 = arith.addi %rem3A_1973, %select_n3A_1972 : i32
      %select_n3A_1983 = arith.select %and3A_1981, %add3A_1982, %rem3A_1973 : i32
      %swap3A_1984 = arith.index_cast %select_n3A_1967 : i32 to index
      %swap3A_1985 = arith.index_cast %select_n3A_1983 : i32 to index
      %swap3A_1986 = tpu.vector_load %arg8[%swap3A_1984, %swap3A_1985] {strides = array<i32>} : memref<40x128xi32, #tpu.memory_space<vmem>>, vector<1x16xi32>,
      %swap3A_1987 = vector.shape_cast %swap3A_1986 : vector<1x16xi32> to vector<16xi32>
      %swap3A_1988 = vector.shape_cast %add3A_1943 : vector<16xi32> to vector<1x16xi32>
      tpu.vector_store %arg8[%swap3A_1984, %swap3A_1985], %swap3A_1988 {strides = array<i32>} : memref<40x128xi32, #tpu.memory_space<vmem>>, vector<1x16xi32>,
      %add3A_1989 = arith.constant 112 : i32
      %add3A_1990 = arith.addi %multiple_of3A_1313, %add3A_1989 : i32
      %add3A_1991 = arith.constant 7 : i32
      %add3A_1992 = vector.broadcast %add3A_1991 : i32 to vector<16xi32>
      %add3A_1993 = arith.addi %add3A_1307, %add3A_1992 : vector<16xi32>
      %jit3A_1994 = arith.constant 128 : i32
      %div3A_1995 = arith.divsi %add3A_1990, %jit3A_1994 : i32
      %sign3A_1996 = arith.constant 0 : i32
      %sign3A_1997 = arith.cmpi sgt, %add3A_1990, %sign3A_1996 : i32
      %sign3A_1998 = arith.extui %sign3A_1997 : i1 to i32
      %sign3A_1999 = arith.constant 0 : i32
      %sign3A_2000 = arith.cmpi slt, %add3A_1990, %sign3A_1999 : i32
      %sign3A_2001 = arith.extui %sign3A_2000 : i1 to i32
      %sign3A_2002 = arith.subi %sign3A_1998, %sign3A_2001 : i32
      %sign3A_2003 = arith.constant 0 : i32
      %sign3A_2004 = arith.cmpi sgt, %jit3A_1994, %sign3A_2003 : i32
      %sign3A_2005 = arith.extui %sign3A_2004 : i1 to i32
      %sign3A_2006 = arith.constant 0 : i32
      %sign3A_2007 = arith.cmpi slt, %jit3A_1994, %sign3A_2006 : i32
      %sign3A_2008 = arith.extui %sign3A_2007 : i1 to i32
      %sign3A_2009 = arith.subi %sign3A_2005, %sign3A_2008 : i32
      %ne3A_2010 = arith.cmpi ne, %sign3A_2002, %sign3A_2009 : i32
      %rem3A_2011 = arith.remsi %add3A_1990, %jit3A_1994 : i32
      %ne3A_2012 = arith.constant 0 : i32
      %ne3A_2013 = arith.cmpi ne, %rem3A_2011, %ne3A_2012 : i32
      %and3A_2014 = arith.andi %ne3A_2010, %ne3A_2013 : i1
      %sub3A_2015 = arith.constant 1 : i32
      %sub3A_2016 = arith.subi %div3A_1995, %sub3A_2015 : i32
      %select_n3A_2017 = arith.select %and3A_2014, %sub3A_2016, %div3A_1995 : i32
      %jit3A_2018 = arith.constant 128 : i32
      %eq3A_2019 = arith.constant 0 : i32
      %eq3A_2020 = arith.cmpi eq, %jit3A_2018, %eq3A_2019 : i32
      %jit3A_2021 = arith.constant 1 : i32
      %select_n3A_2022 = arith.select %eq3A_2020, %jit3A_2021, %jit3A_2018 : i32
      %rem3A_2023 = arith.remsi %add3A_1990, %select_n3A_2022 : i32
      %ne3A_2024 = arith.constant 0 : i32
      %ne3A_2025 = arith.cmpi ne, %rem3A_2023, %ne3A_2024 : i32
      %lt3A_2026 = arith.constant 0 : i32
      %lt3A_2027 = arith.cmpi slt, %rem3A_2023, %lt3A_2026 : i32
      %lt3A_2028 = arith.constant 0 : i32
      %lt3A_2029 = arith.cmpi slt, %select_n3A_2022, %lt3A_2028 : i32
      %ne3A_2030 = arith.xori %lt3A_2027, %lt3A_2029 : i1
      %and3A_2031 = arith.andi %ne3A_2030, %ne3A_2025 : i1
      %add3A_2032 = arith.addi %rem3A_2023, %select_n3A_2022 : i32
      %select_n3A_2033 = arith.select %and3A_2031, %add3A_2032, %rem3A_2023 : i32
      %swap3A_2034 = arith.index_cast %select_n3A_2017 : i32 to index
      %swap3A_2035 = arith.index_cast %select_n3A_2033 : i32 to index
      %swap3A_2036 = tpu.vector_load %arg7[%swap3A_2034, %swap3A_2035] {strides = array<i32>} : memref<40x128xi32, #tpu.memory_space<vmem>>, vector<1x16xi32>,
      %swap3A_2037 = vector.shape_cast %swap3A_2036 : vector<1x16xi32> to vector<16xi32>
      %swap3A_2038 = vector.shape_cast %add3A_1993 : vector<16xi32> to vector<1x16xi32>
      tpu.vector_store %arg7[%swap3A_2034, %swap3A_2035], %swap3A_2038 {strides = array<i32>} : memref<40x128xi32, #tpu.memory_space<vmem>>, vector<1x16xi32>,
      %add3A_2039 = arith.constant 7 : i32
      %add3A_2040 = vector.broadcast %add3A_2039 : i32 to vector<16xi32>
      %add3A_2041 = arith.addi %mul3A_1310, %add3A_2040 : vector<16xi32>
      %jit3A_2042 = arith.constant 128 : i32
      %div3A_2043 = arith.divsi %add3A_1990, %jit3A_2042 : i32
      %sign3A_2044 = arith.constant 0 : i32
      %sign3A_2045 = arith.cmpi sgt, %add3A_1990, %sign3A_2044 : i32
      %sign3A_2046 = arith.extui %sign3A_2045 : i1 to i32
      %sign3A_2047 = arith.constant 0 : i32
      %sign3A_2048 = arith.cmpi slt, %add3A_1990, %sign3A_2047 : i32
      %sign3A_2049 = arith.extui %sign3A_2048 : i1 to i32
      %sign3A_2050 = arith.subi %sign3A_2046, %sign3A_2049 : i32
      %sign3A_2051 = arith.constant 0 : i32
      %sign3A_2052 = arith.cmpi sgt, %jit3A_2042, %sign3A_2051 : i32
      %sign3A_2053 = arith.extui %sign3A_2052 : i1 to i32
      %sign3A_2054 = arith.constant 0 : i32
      %sign3A_2055 = arith.cmpi slt, %jit3A_2042, %sign3A_2054 : i32
      %sign3A_2056 = arith.extui %sign3A_2055 : i1 to i32
      %sign3A_2057 = arith.subi %sign3A_2053, %sign3A_2056 : i32
      %ne3A_2058 = arith.cmpi ne, %sign3A_2050, %sign3A_2057 : i32
      %rem3A_2059 = arith.remsi %add3A_1990, %jit3A_2042 : i32
      %ne3A_2060 = arith.constant 0 : i32
      %ne3A_2061 = arith.cmpi ne, %rem3A_2059, %ne3A_2060 : i32
      %and3A_2062 = arith.andi %ne3A_2058, %ne3A_2061 : i1
      %sub3A_2063 = arith.constant 1 : i32
      %sub3A_2064 = arith.subi %div3A_2043, %sub3A_2063 : i32
      %select_n3A_2065 = arith.select %and3A_2062, %sub3A_2064, %div3A_2043 : i32
      %jit3A_2066 = arith.constant 128 : i32
      %eq3A_2067 = arith.constant 0 : i32
      %eq3A_2068 = arith.cmpi eq, %jit3A_2066, %eq3A_2067 : i32
      %jit3A_2069 = arith.constant 1 : i32
      %select_n3A_2070 = arith.select %eq3A_2068, %jit3A_2069, %jit3A_2066 : i32
      %rem3A_2071 = arith.remsi %add3A_1990, %select_n3A_2070 : i32
      %ne3A_2072 = arith.constant 0 : i32
      %ne3A_2073 = arith.cmpi ne, %rem3A_2071, %ne3A_2072 : i32
      %lt3A_2074 = arith.constant 0 : i32
      %lt3A_2075 = arith.cmpi slt, %rem3A_2071, %lt3A_2074 : i32
      %lt3A_2076 = arith.constant 0 : i32
      %lt3A_2077 = arith.cmpi slt, %select_n3A_2070, %lt3A_2076 : i32
      %ne3A_2078 = arith.xori %lt3A_2075, %lt3A_2077 : i1
      %and3A_2079 = arith.andi %ne3A_2078, %ne3A_2073 : i1
      %add3A_2080 = arith.addi %rem3A_2071, %select_n3A_2070 : i32
      %select_n3A_2081 = arith.select %and3A_2079, %add3A_2080, %rem3A_2071 : i32
      %swap3A_2082 = arith.index_cast %select_n3A_2065 : i32 to index
      %swap3A_2083 = arith.index_cast %select_n3A_2081 : i32 to index
      %swap3A_2084 = tpu.vector_load %arg8[%swap3A_2082, %swap3A_2083] {strides = array<i32>} : memref<40x128xi32, #tpu.memory_space<vmem>>, vector<1x16xi32>,
      %swap3A_2085 = vector.shape_cast %swap3A_2084 : vector<1x16xi32> to vector<16xi32>
      %swap3A_2086 = vector.shape_cast %add3A_2041 : vector<16xi32> to vector<1x16xi32>
      tpu.vector_store %arg8[%swap3A_2082, %swap3A_2083], %swap3A_2086 {strides = array<i32>} : memref<40x128xi32, #tpu.memory_space<vmem>>, vector<1x16xi32>,
      %add3A_2087 = arith.constant 128 : i32
      %add3A_2088 = arith.addi %multiple_of3A_1313, %add3A_2087 : i32
      %add3A_2089 = arith.constant 8 : i32
      %add3A_2090 = vector.broadcast %add3A_2089 : i32 to vector<16xi32>
      %add3A_2091 = arith.addi %add3A_1307, %add3A_2090 : vector<16xi32>
      %jit3A_2092 = arith.constant 128 : i32
      %div3A_2093 = arith.divsi %add3A_2088, %jit3A_2092 : i32
      %sign3A_2094 = arith.constant 0 : i32
      %sign3A_2095 = arith.cmpi sgt, %add3A_2088, %sign3A_2094 : i32
      %sign3A_2096 = arith.extui %sign3A_2095 : i1 to i32
      %sign3A_2097 = arith.constant 0 : i32
      %sign3A_2098 = arith.cmpi slt, %add3A_2088, %sign3A_2097 : i32
      %sign3A_2099 = arith.extui %sign3A_2098 : i1 to i32
      %sign3A_2100 = arith.subi %sign3A_2096, %sign3A_2099 : i32
      %sign3A_2101 = arith.constant 0 : i32
      %sign3A_2102 = arith.cmpi sgt, %jit3A_2092, %sign3A_2101 : i32
      %sign3A_2103 = arith.extui %sign3A_2102 : i1 to i32
      %sign3A_2104 = arith.constant 0 : i32
      %sign3A_2105 = arith.cmpi slt, %jit3A_2092, %sign3A_2104 : i32
      %sign3A_2106 = arith.extui %sign3A_2105 : i1 to i32
      %sign3A_2107 = arith.subi %sign3A_2103, %sign3A_2106 : i32
      %ne3A_2108 = arith.cmpi ne, %sign3A_2100, %sign3A_2107 : i32
      %rem3A_2109 = arith.remsi %add3A_2088, %jit3A_2092 : i32
      %ne3A_2110 = arith.constant 0 : i32
      %ne3A_2111 = arith.cmpi ne, %rem3A_2109, %ne3A_2110 : i32
      %and3A_2112 = arith.andi %ne3A_2108, %ne3A_2111 : i1
      %sub3A_2113 = arith.constant 1 : i32
      %sub3A_2114 = arith.subi %div3A_2093, %sub3A_2113 : i32
      %select_n3A_2115 = arith.select %and3A_2112, %sub3A_2114, %div3A_2093 : i32
      %jit3A_2116 = arith.constant 128 : i32
      %eq3A_2117 = arith.constant 0 : i32
      %eq3A_2118 = arith.cmpi eq, %jit3A_2116, %eq3A_2117 : i32
      %jit3A_2119 = arith.constant 1 : i32
      %select_n3A_2120 = arith.select %eq3A_2118, %jit3A_2119, %jit3A_2116 : i32
      %rem3A_2121 = arith.remsi %add3A_2088, %select_n3A_2120 : i32
      %ne3A_2122 = arith.constant 0 : i32
      %ne3A_2123 = arith.cmpi ne, %rem3A_2121, %ne3A_2122 : i32
      %lt3A_2124 = arith.constant 0 : i32
      %lt3A_2125 = arith.cmpi slt, %rem3A_2121, %lt3A_2124 : i32
      %lt3A_2126 = arith.constant 0 : i32
      %lt3A_2127 = arith.cmpi slt, %select_n3A_2120, %lt3A_2126 : i32
      %ne3A_2128 = arith.xori %lt3A_2125, %lt3A_2127 : i1
      %and3A_2129 = arith.andi %ne3A_2128, %ne3A_2123 : i1
      %add3A_2130 = arith.addi %rem3A_2121, %select_n3A_2120 : i32
      %select_n3A_2131 = arith.select %and3A_2129, %add3A_2130, %rem3A_2121 : i32
      %swap3A_2132 = arith.index_cast %select_n3A_2115 : i32 to index
      %swap3A_2133 = arith.index_cast %select_n3A_2131 : i32 to index
      %swap3A_2134 = tpu.vector_load %arg7[%swap3A_2132, %swap3A_2133] {strides = array<i32>} : memref<40x128xi32, #tpu.memory_space<vmem>>, vector<1x16xi32>,
      %swap3A_2135 = vector.shape_cast %swap3A_2134 : vector<1x16xi32> to vector<16xi32>
      %swap3A_2136 = vector.shape_cast %add3A_2091 : vector<16xi32> to vector<1x16xi32>
      tpu.vector_store %arg7[%swap3A_2132, %swap3A_2133], %swap3A_2136 {strides = array<i32>} : memref<40x128xi32, #tpu.memory_space<vmem>>, vector<1x16xi32>,
      %add3A_2137 = arith.constant 8 : i32
      %add3A_2138 = vector.broadcast %add3A_2137 : i32 to vector<16xi32>
      %add3A_2139 = arith.addi %mul3A_1310, %add3A_2138 : vector<16xi32>
      %jit3A_2140 = arith.constant 128 : i32
      %div3A_2141 = arith.divsi %add3A_2088, %jit3A_2140 : i32
      %sign3A_2142 = arith.constant 0 : i32
      %sign3A_2143 = arith.cmpi sgt, %add3A_2088, %sign3A_2142 : i32
      %sign3A_2144 = arith.extui %sign3A_2143 : i1 to i32
      %sign3A_2145 = arith.constant 0 : i32
      %sign3A_2146 = arith.cmpi slt, %add3A_2088, %sign3A_2145 : i32
      %sign3A_2147 = arith.extui %sign3A_2146 : i1 to i32
      %sign3A_2148 = arith.subi %sign3A_2144, %sign3A_2147 : i32
      %sign3A_2149 = arith.constant 0 : i32
      %sign3A_2150 = arith.cmpi sgt, %jit3A_2140, %sign3A_2149 : i32
      %sign3A_2151 = arith.extui %sign3A_2150 : i1 to i32
      %sign3A_2152 = arith.constant 0 : i32
      %sign3A_2153 = arith.cmpi slt, %jit3A_2140, %sign3A_2152 : i32
      %sign3A_2154 = arith.extui %sign3A_2153 : i1 to i32
      %sign3A_2155 = arith.subi %sign3A_2151, %sign3A_2154 : i32
      %ne3A_2156 = arith.cmpi ne, %sign3A_2148, %sign3A_2155 : i32
      %rem3A_2157 = arith.remsi %add3A_2088, %jit3A_2140 : i32
      %ne3A_2158 = arith.constant 0 : i32
      %ne3A_2159 = arith.cmpi ne, %rem3A_2157, %ne3A_2158 : i32
      %and3A_2160 = arith.andi %ne3A_2156, %ne3A_2159 : i1
      %sub3A_2161 = arith.constant 1 : i32
      %sub3A_2162 = arith.subi %div3A_2141, %sub3A_2161 : i32
      %select_n3A_2163 = arith.select %and3A_2160, %sub3A_2162, %div3A_2141 : i32
      %jit3A_2164 = arith.constant 128 : i32
      %eq3A_2165 = arith.constant 0 : i32
      %eq3A_2166 = arith.cmpi eq, %jit3A_2164, %eq3A_2165 : i32
      %jit3A_2167 = arith.constant 1 : i32
      %select_n3A_2168 = arith.select %eq3A_2166, %jit3A_2167, %jit3A_2164 : i32
      %rem3A_2169 = arith.remsi %add3A_2088, %select_n3A_2168 : i32
      %ne3A_2170 = arith.constant 0 : i32
      %ne3A_2171 = arith.cmpi ne, %rem3A_2169, %ne3A_2170 : i32
      %lt3A_2172 = arith.constant 0 : i32
      %lt3A_2173 = arith.cmpi slt, %rem3A_2169, %lt3A_2172 : i32
      %lt3A_2174 = arith.constant 0 : i32
      %lt3A_2175 = arith.cmpi slt, %select_n3A_2168, %lt3A_2174 : i32
      %ne3A_2176 = arith.xori %lt3A_2173, %lt3A_2175 : i1
      %and3A_2177 = arith.andi %ne3A_2176, %ne3A_2171 : i1
      %add3A_2178 = arith.addi %rem3A_2169, %select_n3A_2168 : i32
      %select_n3A_2179 = arith.select %and3A_2177, %add3A_2178, %rem3A_2169 : i32
      %swap3A_2180 = arith.index_cast %select_n3A_2163 : i32 to index
      %swap3A_2181 = arith.index_cast %select_n3A_2179 : i32 to index
      %swap3A_2182 = tpu.vector_load %arg8[%swap3A_2180, %swap3A_2181] {strides = array<i32>} : memref<40x128xi32, #tpu.memory_space<vmem>>, vector<1x16xi32>,
      %swap3A_2183 = vector.shape_cast %swap3A_2182 : vector<1x16xi32> to vector<16xi32>
      %swap3A_2184 = vector.shape_cast %add3A_2139 : vector<16xi32> to vector<1x16xi32>
      tpu.vector_store %arg8[%swap3A_2180, %swap3A_2181], %swap3A_2184 {strides = array<i32>} : memref<40x128xi32, #tpu.memory_space<vmem>>, vector<1x16xi32>,
      %add3A_2185 = arith.constant 144 : i32
      %add3A_2186 = arith.addi %multiple_of3A_1313, %add3A_2185 : i32
      %add3A_2187 = arith.constant 9 : i32
      %add3A_2188 = vector.broadcast %add3A_2187 : i32 to vector<16xi32>
      %add3A_2189 = arith.addi %add3A_1307, %add3A_2188 : vector<16xi32>
      %jit3A_2190 = arith.constant 128 : i32
      %div3A_2191 = arith.divsi %add3A_2186, %jit3A_2190 : i32
      %sign3A_2192 = arith.constant 0 : i32
      %sign3A_2193 = arith.cmpi sgt, %add3A_2186, %sign3A_2192 : i32
      %sign3A_2194 = arith.extui %sign3A_2193 : i1 to i32
      %sign3A_2195 = arith.constant 0 : i32
      %sign3A_2196 = arith.cmpi slt, %add3A_2186, %sign3A_2195 : i32
      %sign3A_2197 = arith.extui %sign3A_2196 : i1 to i32
      %sign3A_2198 = arith.subi %sign3A_2194, %sign3A_2197 : i32
      %sign3A_2199 = arith.constant 0 : i32
      %sign3A_2200 = arith.cmpi sgt, %jit3A_2190, %sign3A_2199 : i32
      %sign3A_2201 = arith.extui %sign3A_2200 : i1 to i32
      %sign3A_2202 = arith.constant 0 : i32
      %sign3A_2203 = arith.cmpi slt, %jit3A_2190, %sign3A_2202 : i32
      %sign3A_2204 = arith.extui %sign3A_2203 : i1 to i32
      %sign3A_2205 = arith.subi %sign3A_2201, %sign3A_2204 : i32
      %ne3A_2206 = arith.cmpi ne, %sign3A_2198, %sign3A_2205 : i32
      %rem3A_2207 = arith.remsi %add3A_2186, %jit3A_2190 : i32
      %ne3A_2208 = arith.constant 0 : i32
      %ne3A_2209 = arith.cmpi ne, %rem3A_2207, %ne3A_2208 : i32
      %and3A_2210 = arith.andi %ne3A_2206, %ne3A_2209 : i1
      %sub3A_2211 = arith.constant 1 : i32
      %sub3A_2212 = arith.subi %div3A_2191, %sub3A_2211 : i32
      %select_n3A_2213 = arith.select %and3A_2210, %sub3A_2212, %div3A_2191 : i32
      %jit3A_2214 = arith.constant 128 : i32
      %eq3A_2215 = arith.constant 0 : i32
      %eq3A_2216 = arith.cmpi eq, %jit3A_2214, %eq3A_2215 : i32
      %jit3A_2217 = arith.constant 1 : i32
      %select_n3A_2218 = arith.select %eq3A_2216, %jit3A_2217, %jit3A_2214 : i32
      %rem3A_2219 = arith.remsi %add3A_2186, %select_n3A_2218 : i32
      %ne3A_2220 = arith.constant 0 : i32
      %ne3A_2221 = arith.cmpi ne, %rem3A_2219, %ne3A_2220 : i32
      %lt3A_2222 = arith.constant 0 : i32
      %lt3A_2223 = arith.cmpi slt, %rem3A_2219, %lt3A_2222 : i32
      %lt3A_2224 = arith.constant 0 : i32
      %lt3A_2225 = arith.cmpi slt, %select_n3A_2218, %lt3A_2224 : i32
      %ne3A_2226 = arith.xori %lt3A_2223, %lt3A_2225 : i1
      %and3A_2227 = arith.andi %ne3A_2226, %ne3A_2221 : i1
      %add3A_2228 = arith.addi %rem3A_2219, %select_n3A_2218 : i32
      %select_n3A_2229 = arith.select %and3A_2227, %add3A_2228, %rem3A_2219 : i32
      %swap3A_2230 = arith.index_cast %select_n3A_2213 : i32 to index
      %swap3A_2231 = arith.index_cast %select_n3A_2229 : i32 to index
      %swap3A_2232 = tpu.vector_load %arg7[%swap3A_2230, %swap3A_2231] {strides = array<i32>} : memref<40x128xi32, #tpu.memory_space<vmem>>, vector<1x16xi32>,
      %swap3A_2233 = vector.shape_cast %swap3A_2232 : vector<1x16xi32> to vector<16xi32>
      %swap3A_2234 = vector.shape_cast %add3A_2189 : vector<16xi32> to vector<1x16xi32>
      tpu.vector_store %arg7[%swap3A_2230, %swap3A_2231], %swap3A_2234 {strides = array<i32>} : memref<40x128xi32, #tpu.memory_space<vmem>>, vector<1x16xi32>,
      %add3A_2235 = arith.constant 9 : i32
      %add3A_2236 = vector.broadcast %add3A_2235 : i32 to vector<16xi32>
      %add3A_2237 = arith.addi %mul3A_1310, %add3A_2236 : vector<16xi32>
      %jit3A_2238 = arith.constant 128 : i32
      %div3A_2239 = arith.divsi %add3A_2186, %jit3A_2238 : i32
      %sign3A_2240 = arith.constant 0 : i32
      %sign3A_2241 = arith.cmpi sgt, %add3A_2186, %sign3A_2240 : i32
      %sign3A_2242 = arith.extui %sign3A_2241 : i1 to i32
      %sign3A_2243 = arith.constant 0 : i32
      %sign3A_2244 = arith.cmpi slt, %add3A_2186, %sign3A_2243 : i32
      %sign3A_2245 = arith.extui %sign3A_2244 : i1 to i32
      %sign3A_2246 = arith.subi %sign3A_2242, %sign3A_2245 : i32
      %sign3A_2247 = arith.constant 0 : i32
      %sign3A_2248 = arith.cmpi sgt, %jit3A_2238, %sign3A_2247 : i32
      %sign3A_2249 = arith.extui %sign3A_2248 : i1 to i32
      %sign3A_2250 = arith.constant 0 : i32
      %sign3A_2251 = arith.cmpi slt, %jit3A_2238, %sign3A_2250 : i32
      %sign3A_2252 = arith.extui %sign3A_2251 : i1 to i32
      %sign3A_2253 = arith.subi %sign3A_2249, %sign3A_2252 : i32
      %ne3A_2254 = arith.cmpi ne, %sign3A_2246, %sign3A_2253 : i32
      %rem3A_2255 = arith.remsi %add3A_2186, %jit3A_2238 : i32
      %ne3A_2256 = arith.constant 0 : i32
      %ne3A_2257 = arith.cmpi ne, %rem3A_2255, %ne3A_2256 : i32
      %and3A_2258 = arith.andi %ne3A_2254, %ne3A_2257 : i1
      %sub3A_2259 = arith.constant 1 : i32
      %sub3A_2260 = arith.subi %div3A_2239, %sub3A_2259 : i32
      %select_n3A_2261 = arith.select %and3A_2258, %sub3A_2260, %div3A_2239 : i32
      %jit3A_2262 = arith.constant 128 : i32
      %eq3A_2263 = arith.constant 0 : i32
      %eq3A_2264 = arith.cmpi eq, %jit3A_2262, %eq3A_2263 : i32
      %jit3A_2265 = arith.constant 1 : i32
      %select_n3A_2266 = arith.select %eq3A_2264, %jit3A_2265, %jit3A_2262 : i32
      %rem3A_2267 = arith.remsi %add3A_2186, %select_n3A_2266 : i32
      %ne3A_2268 = arith.constant 0 : i32
      %ne3A_2269 = arith.cmpi ne, %rem3A_2267, %ne3A_2268 : i32
      %lt3A_2270 = arith.constant 0 : i32
      %lt3A_2271 = arith.cmpi slt, %rem3A_2267, %lt3A_2270 : i32
      %lt3A_2272 = arith.constant 0 : i32
      %lt3A_2273 = arith.cmpi slt, %select_n3A_2266, %lt3A_2272 : i32
      %ne3A_2274 = arith.xori %lt3A_2271, %lt3A_2273 : i1
      %and3A_2275 = arith.andi %ne3A_2274, %ne3A_2269 : i1
      %add3A_2276 = arith.addi %rem3A_2267, %select_n3A_2266 : i32
      %select_n3A_2277 = arith.select %and3A_2275, %add3A_2276, %rem3A_2267 : i32
      %swap3A_2278 = arith.index_cast %select_n3A_2261 : i32 to index
      %swap3A_2279 = arith.index_cast %select_n3A_2277 : i32 to index
      %swap3A_2280 = tpu.vector_load %arg8[%swap3A_2278, %swap3A_2279] {strides = array<i32>} : memref<40x128xi32, #tpu.memory_space<vmem>>, vector<1x16xi32>,
      %swap3A_2281 = vector.shape_cast %swap3A_2280 : vector<1x16xi32> to vector<16xi32>
      %swap3A_2282 = vector.shape_cast %add3A_2237 : vector<16xi32> to vector<1x16xi32>
      tpu.vector_store %arg8[%swap3A_2278, %swap3A_2279], %swap3A_2282 {strides = array<i32>} : memref<40x128xi32, #tpu.memory_space<vmem>>, vector<1x16xi32>,
      %scan3A_2283 = arith.constant 1 : i32
      %scan3A_2284 = arith.addi %scan3A_1292, %scan3A_2283 : i32
      %mul3A_2285 = arith.constant 16 : i32
      %mul3A_2286 = arith.muli %scan3A_2284, %mul3A_2285 : i32
      %multiple_of3A_2287 = tpu.assume_multiple %mul3A_2286, 16 : i32
      %get3A_2288 = arith.index_cast %multiple_of3A_2287 : i32 to index
      %get3A_2289 = tpu.vector_load %arg6[%get3A_2288] {strides = array<i32>} : memref<512xi32, #tpu.memory_space<vmem>>, vector<16xi32>,
      %get3A_2290 = vector.shape_cast %get3A_2289 : vector<16xi32> to vector<16xi32>
      %add3A_2291 = arith.addi %multiple_of3A, %multiple_of3A_2287 : i32
      %add3A_2292 = vector.broadcast %add3A_2291 : i32 to vector<16xi32>
      %add3A_2293 = arith.addi %add3A_2292, %iota3A : vector<16xi32>
      %mul3A_2294 = arith.constant 100 : i32
      %mul3A_2295 = vector.broadcast %mul3A_2294 : i32 to vector<16xi32>
      %mul3A_2296 = arith.muli %add3A_2293, %mul3A_2295 : vector<16xi32>
      %mul3A_2297 = arith.constant 10 : i32
      %mul3A_2298 = vector.broadcast %mul3A_2297 : i32 to vector<16xi32>
      %mul3A_2299 = arith.muli %get3A_2290, %mul3A_2298 : vector<16xi32>
      %add3A_2300 = arith.addi %mul3A_2296, %mul3A_2299 : vector<16xi32>
      %mul3A_2301 = arith.constant 10 : i32
      %mul3A_2302 = vector.broadcast %mul3A_2301 : i32 to vector<16xi32>
      %mul3A_2303 = arith.muli %add3A_2293, %mul3A_2302 : vector<16xi32>
      %mul3A_2304 = arith.constant 160 : i32
      %mul3A_2305 = arith.muli %scan3A_2284, %mul3A_2304 : i32
      %multiple_of3A_2306 = tpu.assume_multiple %mul3A_2305, 16 : i32
      %add3A_2307 = arith.constant 0 : i32
      %add3A_2308 = arith.addi %multiple_of3A_2306, %add3A_2307 : i32
      %add3A_2309 = arith.constant 0 : i32
      %add3A_2310 = vector.broadcast %add3A_2309 : i32 to vector<16xi32>
      %add3A_2311 = arith.addi %add3A_2300, %add3A_2310 : vector<16xi32>
      %jit3A_2312 = arith.constant 128 : i32
      %div3A_2313 = arith.divsi %add3A_2308, %jit3A_2312 : i32
      %sign3A_2314 = arith.constant 0 : i32
      %sign3A_2315 = arith.cmpi sgt, %add3A_2308, %sign3A_2314 : i32
      %sign3A_2316 = arith.extui %sign3A_2315 : i1 to i32
      %sign3A_2317 = arith.constant 0 : i32
      %sign3A_2318 = arith.cmpi slt, %add3A_2308, %sign3A_2317 : i32
      %sign3A_2319 = arith.extui %sign3A_2318 : i1 to i32
      %sign3A_2320 = arith.subi %sign3A_2316, %sign3A_2319 : i32
      %sign3A_2321 = arith.constant 0 : i32
      %sign3A_2322 = arith.cmpi sgt, %jit3A_2312, %sign3A_2321 : i32
      %sign3A_2323 = arith.extui %sign3A_2322 : i1 to i32
      %sign3A_2324 = arith.constant 0 : i32
      %sign3A_2325 = arith.cmpi slt, %jit3A_2312, %sign3A_2324 : i32
      %sign3A_2326 = arith.extui %sign3A_2325 : i1 to i32
      %sign3A_2327 = arith.subi %sign3A_2323, %sign3A_2326 : i32
      %ne3A_2328 = arith.cmpi ne, %sign3A_2320, %sign3A_2327 : i32
      %rem3A_2329 = arith.remsi %add3A_2308, %jit3A_2312 : i32
      %ne3A_2330 = arith.constant 0 : i32
      %ne3A_2331 = arith.cmpi ne, %rem3A_2329, %ne3A_2330 : i32
      %and3A_2332 = arith.andi %ne3A_2328, %ne3A_2331 : i1
      %sub3A_2333 = arith.constant 1 : i32
      %sub3A_2334 = arith.subi %div3A_2313, %sub3A_2333 : i32
      %select_n3A_2335 = arith.select %and3A_2332, %sub3A_2334, %div3A_2313 : i32
      %jit3A_2336 = arith.constant 128 : i32
      %eq3A_2337 = arith.constant 0 : i32
      %eq3A_2338 = arith.cmpi eq, %jit3A_2336, %eq3A_2337 : i32
      %jit3A_2339 = arith.constant 1 : i32
      %select_n3A_2340 = arith.select %eq3A_2338, %jit3A_2339, %jit3A_2336 : i32
      %rem3A_2341 = arith.remsi %add3A_2308, %select_n3A_2340 : i32
      %ne3A_2342 = arith.constant 0 : i32
      %ne3A_2343 = arith.cmpi ne, %rem3A_2341, %ne3A_2342 : i32
      %lt3A_2344 = arith.constant 0 : i32
      %lt3A_2345 = arith.cmpi slt, %rem3A_2341, %lt3A_2344 : i32
      %lt3A_2346 = arith.constant 0 : i32
      %lt3A_2347 = arith.cmpi slt, %select_n3A_2340, %lt3A_2346 : i32
      %ne3A_2348 = arith.xori %lt3A_2345, %lt3A_2347 : i1
      %and3A_2349 = arith.andi %ne3A_2348, %ne3A_2343 : i1
      %add3A_2350 = arith.addi %rem3A_2341, %select_n3A_2340 : i32
      %select_n3A_2351 = arith.select %and3A_2349, %add3A_2350, %rem3A_2341 : i32
      %swap3A_2352 = arith.index_cast %select_n3A_2335 : i32 to index
      %swap3A_2353 = arith.index_cast %select_n3A_2351 : i32 to index
      %swap3A_2354 = tpu.vector_load %arg7[%swap3A_2352, %swap3A_2353] {strides = array<i32>} : memref<40x128xi32, #tpu.memory_space<vmem>>, vector<1x16xi32>,
      %swap3A_2355 = vector.shape_cast %swap3A_2354 : vector<1x16xi32> to vector<16xi32>
      %swap3A_2356 = vector.shape_cast %add3A_2311 : vector<16xi32> to vector<1x16xi32>
      tpu.vector_store %arg7[%swap3A_2352, %swap3A_2353], %swap3A_2356 {strides = array<i32>} : memref<40x128xi32, #tpu.memory_space<vmem>>, vector<1x16xi32>,
      %add3A_2357 = arith.constant 0 : i32
      %add3A_2358 = vector.broadcast %add3A_2357 : i32 to vector<16xi32>
      %add3A_2359 = arith.addi %mul3A_2303, %add3A_2358 : vector<16xi32>
      %jit3A_2360 = arith.constant 128 : i32
      %div3A_2361 = arith.divsi %add3A_2308, %jit3A_2360 : i32
      %sign3A_2362 = arith.constant 0 : i32
      %sign3A_2363 = arith.cmpi sgt, %add3A_2308, %sign3A_2362 : i32
      %sign3A_2364 = arith.extui %sign3A_2363 : i1 to i32
      %sign3A_2365 = arith.constant 0 : i32
      %sign3A_2366 = arith.cmpi slt, %add3A_2308, %sign3A_2365 : i32
      %sign3A_2367 = arith.extui %sign3A_2366 : i1 to i32
      %sign3A_2368 = arith.subi %sign3A_2364, %sign3A_2367 : i32
      %sign3A_2369 = arith.constant 0 : i32
      %sign3A_2370 = arith.cmpi sgt, %jit3A_2360, %sign3A_2369 : i32
      %sign3A_2371 = arith.extui %sign3A_2370 : i1 to i32
      %sign3A_2372 = arith.constant 0 : i32
      %sign3A_2373 = arith.cmpi slt, %jit3A_2360, %sign3A_2372 : i32
      %sign3A_2374 = arith.extui %sign3A_2373 : i1 to i32
      %sign3A_2375 = arith.subi %sign3A_2371, %sign3A_2374 : i32
      %ne3A_2376 = arith.cmpi ne, %sign3A_2368, %sign3A_2375 : i32
      %rem3A_2377 = arith.remsi %add3A_2308, %jit3A_2360 : i32
      %ne3A_2378 = arith.constant 0 : i32
      %ne3A_2379 = arith.cmpi ne, %rem3A_2377, %ne3A_2378 : i32
      %and3A_2380 = arith.andi %ne3A_2376, %ne3A_2379 : i1
      %sub3A_2381 = arith.constant 1 : i32
      %sub3A_2382 = arith.subi %div3A_2361, %sub3A_2381 : i32
      %select_n3A_2383 = arith.select %and3A_2380, %sub3A_2382, %div3A_2361 : i32
      %jit3A_2384 = arith.constant 128 : i32
      %eq3A_2385 = arith.constant 0 : i32
      %eq3A_2386 = arith.cmpi eq, %jit3A_2384, %eq3A_2385 : i32
      %jit3A_2387 = arith.constant 1 : i32
      %select_n3A_2388 = arith.select %eq3A_2386, %jit3A_2387, %jit3A_2384 : i32
      %rem3A_2389 = arith.remsi %add3A_2308, %select_n3A_2388 : i32
      %ne3A_2390 = arith.constant 0 : i32
      %ne3A_2391 = arith.cmpi ne, %rem3A_2389, %ne3A_2390 : i32
      %lt3A_2392 = arith.constant 0 : i32
      %lt3A_2393 = arith.cmpi slt, %rem3A_2389, %lt3A_2392 : i32
      %lt3A_2394 = arith.constant 0 : i32
      %lt3A_2395 = arith.cmpi slt, %select_n3A_2388, %lt3A_2394 : i32
      %ne3A_2396 = arith.xori %lt3A_2393, %lt3A_2395 : i1
      %and3A_2397 = arith.andi %ne3A_2396, %ne3A_2391 : i1
      %add3A_2398 = arith.addi %rem3A_2389, %select_n3A_2388 : i32
      %select_n3A_2399 = arith.select %and3A_2397, %add3A_2398, %rem3A_2389 : i32
      %swap3A_2400 = arith.index_cast %select_n3A_2383 : i32 to index
      %swap3A_2401 = arith.index_cast %select_n3A_2399 : i32 to index
      %swap3A_2402 = tpu.vector_load %arg8[%swap3A_2400, %swap3A_2401] {strides = array<i32>} : memref<40x128xi32, #tpu.memory_space<vmem>>, vector<1x16xi32>,
      %swap3A_2403 = vector.shape_cast %swap3A_2402 : vector<1x16xi32> to vector<16xi32>
      %swap3A_2404 = vector.shape_cast %add3A_2359 : vector<16xi32> to vector<1x16xi32>
      tpu.vector_store %arg8[%swap3A_2400, %swap3A_2401], %swap3A_2404 {strides = array<i32>} : memref<40x128xi32, #tpu.memory_space<vmem>>, vector<1x16xi32>,
      %add3A_2405 = arith.constant 16 : i32
      %add3A_2406 = arith.addi %multiple_of3A_2306, %add3A_2405 : i32
      %add3A_2407 = arith.constant 1 : i32
      %add3A_2408 = vector.broadcast %add3A_2407 : i32 to vector<16xi32>
      %add3A_2409 = arith.addi %add3A_2300, %add3A_2408 : vector<16xi32>
      %jit3A_2410 = arith.constant 128 : i32
      %div3A_2411 = arith.divsi %add3A_2406, %jit3A_2410 : i32
      %sign3A_2412 = arith.constant 0 : i32
      %sign3A_2413 = arith.cmpi sgt, %add3A_2406, %sign3A_2412 : i32
      %sign3A_2414 = arith.extui %sign3A_2413 : i1 to i32
      %sign3A_2415 = arith.constant 0 : i32
      %sign3A_2416 = arith.cmpi slt, %add3A_2406, %sign3A_2415 : i32
      %sign3A_2417 = arith.extui %sign3A_2416 : i1 to i32
      %sign3A_2418 = arith.subi %sign3A_2414, %sign3A_2417 : i32
      %sign3A_2419 = arith.constant 0 : i32
      %sign3A_2420 = arith.cmpi sgt, %jit3A_2410, %sign3A_2419 : i32
      %sign3A_2421 = arith.extui %sign3A_2420 : i1 to i32
      %sign3A_2422 = arith.constant 0 : i32
      %sign3A_2423 = arith.cmpi slt, %jit3A_2410, %sign3A_2422 : i32
      %sign3A_2424 = arith.extui %sign3A_2423 : i1 to i32
      %sign3A_2425 = arith.subi %sign3A_2421, %sign3A_2424 : i32
      %ne3A_2426 = arith.cmpi ne, %sign3A_2418, %sign3A_2425 : i32
      %rem3A_2427 = arith.remsi %add3A_2406, %jit3A_2410 : i32
      %ne3A_2428 = arith.constant 0 : i32
      %ne3A_2429 = arith.cmpi ne, %rem3A_2427, %ne3A_2428 : i32
      %and3A_2430 = arith.andi %ne3A_2426, %ne3A_2429 : i1
      %sub3A_2431 = arith.constant 1 : i32
      %sub3A_2432 = arith.subi %div3A_2411, %sub3A_2431 : i32
      %select_n3A_2433 = arith.select %and3A_2430, %sub3A_2432, %div3A_2411 : i32
      %jit3A_2434 = arith.constant 128 : i32
      %eq3A_2435 = arith.constant 0 : i32
      %eq3A_2436 = arith.cmpi eq, %jit3A_2434, %eq3A_2435 : i32
      %jit3A_2437 = arith.constant 1 : i32
      %select_n3A_2438 = arith.select %eq3A_2436, %jit3A_2437, %jit3A_2434 : i32
      %rem3A_2439 = arith.remsi %add3A_2406, %select_n3A_2438 : i32
      %ne3A_2440 = arith.constant 0 : i32
      %ne3A_2441 = arith.cmpi ne, %rem3A_2439, %ne3A_2440 : i32
      %lt3A_2442 = arith.constant 0 : i32
      %lt3A_2443 = arith.cmpi slt, %rem3A_2439, %lt3A_2442 : i32
      %lt3A_2444 = arith.constant 0 : i32
      %lt3A_2445 = arith.cmpi slt, %select_n3A_2438, %lt3A_2444 : i32
      %ne3A_2446 = arith.xori %lt3A_2443, %lt3A_2445 : i1
      %and3A_2447 = arith.andi %ne3A_2446, %ne3A_2441 : i1
      %add3A_2448 = arith.addi %rem3A_2439, %select_n3A_2438 : i32
      %select_n3A_2449 = arith.select %and3A_2447, %add3A_2448, %rem3A_2439 : i32
      %swap3A_2450 = arith.index_cast %select_n3A_2433 : i32 to index
      %swap3A_2451 = arith.index_cast %select_n3A_2449 : i32 to index
      %swap3A_2452 = tpu.vector_load %arg7[%swap3A_2450, %swap3A_2451] {strides = array<i32>} : memref<40x128xi32, #tpu.memory_space<vmem>>, vector<1x16xi32>,
      %swap3A_2453 = vector.shape_cast %swap3A_2452 : vector<1x16xi32> to vector<16xi32>
      %swap3A_2454 = vector.shape_cast %add3A_2409 : vector<16xi32> to vector<1x16xi32>
      tpu.vector_store %arg7[%swap3A_2450, %swap3A_2451], %swap3A_2454 {strides = array<i32>} : memref<40x128xi32, #tpu.memory_space<vmem>>, vector<1x16xi32>,
      %add3A_2455 = arith.constant 1 : i32
      %add3A_2456 = vector.broadcast %add3A_2455 : i32 to vector<16xi32>
      %add3A_2457 = arith.addi %mul3A_2303, %add3A_2456 : vector<16xi32>
      %jit3A_2458 = arith.constant 128 : i32
      %div3A_2459 = arith.divsi %add3A_2406, %jit3A_2458 : i32
      %sign3A_2460 = arith.constant 0 : i32
      %sign3A_2461 = arith.cmpi sgt, %add3A_2406, %sign3A_2460 : i32
      %sign3A_2462 = arith.extui %sign3A_2461 : i1 to i32
      %sign3A_2463 = arith.constant 0 : i32
      %sign3A_2464 = arith.cmpi slt, %add3A_2406, %sign3A_2463 : i32
      %sign3A_2465 = arith.extui %sign3A_2464 : i1 to i32
      %sign3A_2466 = arith.subi %sign3A_2462, %sign3A_2465 : i32
      %sign3A_2467 = arith.constant 0 : i32
      %sign3A_2468 = arith.cmpi sgt, %jit3A_2458, %sign3A_2467 : i32
      %sign3A_2469 = arith.extui %sign3A_2468 : i1 to i32
      %sign3A_2470 = arith.constant 0 : i32
      %sign3A_2471 = arith.cmpi slt, %jit3A_2458, %sign3A_2470 : i32
      %sign3A_2472 = arith.extui %sign3A_2471 : i1 to i32
      %sign3A_2473 = arith.subi %sign3A_2469, %sign3A_2472 : i32
      %ne3A_2474 = arith.cmpi ne, %sign3A_2466, %sign3A_2473 : i32
      %rem3A_2475 = arith.remsi %add3A_2406, %jit3A_2458 : i32
      %ne3A_2476 = arith.constant 0 : i32
      %ne3A_2477 = arith.cmpi ne, %rem3A_2475, %ne3A_2476 : i32
      %and3A_2478 = arith.andi %ne3A_2474, %ne3A_2477 : i1
      %sub3A_2479 = arith.constant 1 : i32
      %sub3A_2480 = arith.subi %div3A_2459, %sub3A_2479 : i32
      %select_n3A_2481 = arith.select %and3A_2478, %sub3A_2480, %div3A_2459 : i32
      %jit3A_2482 = arith.constant 128 : i32
      %eq3A_2483 = arith.constant 0 : i32
      %eq3A_2484 = arith.cmpi eq, %jit3A_2482, %eq3A_2483 : i32
      %jit3A_2485 = arith.constant 1 : i32
      %select_n3A_2486 = arith.select %eq3A_2484, %jit3A_2485, %jit3A_2482 : i32
      %rem3A_2487 = arith.remsi %add3A_2406, %select_n3A_2486 : i32
      %ne3A_2488 = arith.constant 0 : i32
      %ne3A_2489 = arith.cmpi ne, %rem3A_2487, %ne3A_2488 : i32
      %lt3A_2490 = arith.constant 0 : i32
      %lt3A_2491 = arith.cmpi slt, %rem3A_2487, %lt3A_2490 : i32
      %lt3A_2492 = arith.constant 0 : i32
      %lt3A_2493 = arith.cmpi slt, %select_n3A_2486, %lt3A_2492 : i32
      %ne3A_2494 = arith.xori %lt3A_2491, %lt3A_2493 : i1
      %and3A_2495 = arith.andi %ne3A_2494, %ne3A_2489 : i1
      %add3A_2496 = arith.addi %rem3A_2487, %select_n3A_2486 : i32
      %select_n3A_2497 = arith.select %and3A_2495, %add3A_2496, %rem3A_2487 : i32
      %swap3A_2498 = arith.index_cast %select_n3A_2481 : i32 to index
      %swap3A_2499 = arith.index_cast %select_n3A_2497 : i32 to index
      %swap3A_2500 = tpu.vector_load %arg8[%swap3A_2498, %swap3A_2499] {strides = array<i32>} : memref<40x128xi32, #tpu.memory_space<vmem>>, vector<1x16xi32>,
      %swap3A_2501 = vector.shape_cast %swap3A_2500 : vector<1x16xi32> to vector<16xi32>
      %swap3A_2502 = vector.shape_cast %add3A_2457 : vector<16xi32> to vector<1x16xi32>
      tpu.vector_store %arg8[%swap3A_2498, %swap3A_2499], %swap3A_2502 {strides = array<i32>} : memref<40x128xi32, #tpu.memory_space<vmem>>, vector<1x16xi32>,
      %add3A_2503 = arith.constant 32 : i32
      %add3A_2504 = arith.addi %multiple_of3A_2306, %add3A_2503 : i32
      %add3A_2505 = arith.constant 2 : i32
      %add3A_2506 = vector.broadcast %add3A_2505 : i32 to vector<16xi32>
      %add3A_2507 = arith.addi %add3A_2300, %add3A_2506 : vector<16xi32>
      %jit3A_2508 = arith.constant 128 : i32
      %div3A_2509 = arith.divsi %add3A_2504, %jit3A_2508 : i32
      %sign3A_2510 = arith.constant 0 : i32
      %sign3A_2511 = arith.cmpi sgt, %add3A_2504, %sign3A_2510 : i32
      %sign3A_2512 = arith.extui %sign3A_2511 : i1 to i32
      %sign3A_2513 = arith.constant 0 : i32
      %sign3A_2514 = arith.cmpi slt, %add3A_2504, %sign3A_2513 : i32
      %sign3A_2515 = arith.extui %sign3A_2514 : i1 to i32
      %sign3A_2516 = arith.subi %sign3A_2512, %sign3A_2515 : i32
      %sign3A_2517 = arith.constant 0 : i32
      %sign3A_2518 = arith.cmpi sgt, %jit3A_2508, %sign3A_2517 : i32
      %sign3A_2519 = arith.extui %sign3A_2518 : i1 to i32
      %sign3A_2520 = arith.constant 0 : i32
      %sign3A_2521 = arith.cmpi slt, %jit3A_2508, %sign3A_2520 : i32
      %sign3A_2522 = arith.extui %sign3A_2521 : i1 to i32
      %sign3A_2523 = arith.subi %sign3A_2519, %sign3A_2522 : i32
      %ne3A_2524 = arith.cmpi ne, %sign3A_2516, %sign3A_2523 : i32
      %rem3A_2525 = arith.remsi %add3A_2504, %jit3A_2508 : i32
      %ne3A_2526 = arith.constant 0 : i32
      %ne3A_2527 = arith.cmpi ne, %rem3A_2525, %ne3A_2526 : i32
      %and3A_2528 = arith.andi %ne3A_2524, %ne3A_2527 : i1
      %sub3A_2529 = arith.constant 1 : i32
      %sub3A_2530 = arith.subi %div3A_2509, %sub3A_2529 : i32
      %select_n3A_2531 = arith.select %and3A_2528, %sub3A_2530, %div3A_2509 : i32
      %jit3A_2532 = arith.constant 128 : i32
      %eq3A_2533 = arith.constant 0 : i32
      %eq3A_2534 = arith.cmpi eq, %jit3A_2532, %eq3A_2533 : i32
      %jit3A_2535 = arith.constant 1 : i32
      %select_n3A_2536 = arith.select %eq3A_2534, %jit3A_2535, %jit3A_2532 : i32
      %rem3A_2537 = arith.remsi %add3A_2504, %select_n3A_2536 : i32
      %ne3A_2538 = arith.constant 0 : i32
      %ne3A_2539 = arith.cmpi ne, %rem3A_2537, %ne3A_2538 : i32
      %lt3A_2540 = arith.constant 0 : i32
      %lt3A_2541 = arith.cmpi slt, %rem3A_2537, %lt3A_2540 : i32
      %lt3A_2542 = arith.constant 0 : i32
      %lt3A_2543 = arith.cmpi slt, %select_n3A_2536, %lt3A_2542 : i32
      %ne3A_2544 = arith.xori %lt3A_2541, %lt3A_2543 : i1
      %and3A_2545 = arith.andi %ne3A_2544, %ne3A_2539 : i1
      %add3A_2546 = arith.addi %rem3A_2537, %select_n3A_2536 : i32
      %select_n3A_2547 = arith.select %and3A_2545, %add3A_2546, %rem3A_2537 : i32
      %swap3A_2548 = arith.index_cast %select_n3A_2531 : i32 to index
      %swap3A_2549 = arith.index_cast %select_n3A_2547 : i32 to index
      %swap3A_2550 = tpu.vector_load %arg7[%swap3A_2548, %swap3A_2549] {strides = array<i32>} : memref<40x128xi32, #tpu.memory_space<vmem>>, vector<1x16xi32>,
      %swap3A_2551 = vector.shape_cast %swap3A_2550 : vector<1x16xi32> to vector<16xi32>
      %swap3A_2552 = vector.shape_cast %add3A_2507 : vector<16xi32> to vector<1x16xi32>
      tpu.vector_store %arg7[%swap3A_2548, %swap3A_2549], %swap3A_2552 {strides = array<i32>} : memref<40x128xi32, #tpu.memory_space<vmem>>, vector<1x16xi32>,
      %add3A_2553 = arith.constant 2 : i32
      %add3A_2554 = vector.broadcast %add3A_2553 : i32 to vector<16xi32>
      %add3A_2555 = arith.addi %mul3A_2303, %add3A_2554 : vector<16xi32>
      %jit3A_2556 = arith.constant 128 : i32
      %div3A_2557 = arith.divsi %add3A_2504, %jit3A_2556 : i32
      %sign3A_2558 = arith.constant 0 : i32
      %sign3A_2559 = arith.cmpi sgt, %add3A_2504, %sign3A_2558 : i32
      %sign3A_2560 = arith.extui %sign3A_2559 : i1 to i32
      %sign3A_2561 = arith.constant 0 : i32
      %sign3A_2562 = arith.cmpi slt, %add3A_2504, %sign3A_2561 : i32
      %sign3A_2563 = arith.extui %sign3A_2562 : i1 to i32
      %sign3A_2564 = arith.subi %sign3A_2560, %sign3A_2563 : i32
      %sign3A_2565 = arith.constant 0 : i32
      %sign3A_2566 = arith.cmpi sgt, %jit3A_2556, %sign3A_2565 : i32
      %sign3A_2567 = arith.extui %sign3A_2566 : i1 to i32
      %sign3A_2568 = arith.constant 0 : i32
      %sign3A_2569 = arith.cmpi slt, %jit3A_2556, %sign3A_2568 : i32
      %sign3A_2570 = arith.extui %sign3A_2569 : i1 to i32
      %sign3A_2571 = arith.subi %sign3A_2567, %sign3A_2570 : i32
      %ne3A_2572 = arith.cmpi ne, %sign3A_2564, %sign3A_2571 : i32
      %rem3A_2573 = arith.remsi %add3A_2504, %jit3A_2556 : i32
      %ne3A_2574 = arith.constant 0 : i32
      %ne3A_2575 = arith.cmpi ne, %rem3A_2573, %ne3A_2574 : i32
      %and3A_2576 = arith.andi %ne3A_2572, %ne3A_2575 : i1
      %sub3A_2577 = arith.constant 1 : i32
      %sub3A_2578 = arith.subi %div3A_2557, %sub3A_2577 : i32
      %select_n3A_2579 = arith.select %and3A_2576, %sub3A_2578, %div3A_2557 : i32
      %jit3A_2580 = arith.constant 128 : i32
      %eq3A_2581 = arith.constant 0 : i32
      %eq3A_2582 = arith.cmpi eq, %jit3A_2580, %eq3A_2581 : i32
      %jit3A_2583 = arith.constant 1 : i32
      %select_n3A_2584 = arith.select %eq3A_2582, %jit3A_2583, %jit3A_2580 : i32
      %rem3A_2585 = arith.remsi %add3A_2504, %select_n3A_2584 : i32
      %ne3A_2586 = arith.constant 0 : i32
      %ne3A_2587 = arith.cmpi ne, %rem3A_2585, %ne3A_2586 : i32
      %lt3A_2588 = arith.constant 0 : i32
      %lt3A_2589 = arith.cmpi slt, %rem3A_2585, %lt3A_2588 : i32
      %lt3A_2590 = arith.constant 0 : i32
      %lt3A_2591 = arith.cmpi slt, %select_n3A_2584, %lt3A_2590 : i32
      %ne3A_2592 = arith.xori %lt3A_2589, %lt3A_2591 : i1
      %and3A_2593 = arith.andi %ne3A_2592, %ne3A_2587 : i1
      %add3A_2594 = arith.addi %rem3A_2585, %select_n3A_2584 : i32
      %select_n3A_2595 = arith.select %and3A_2593, %add3A_2594, %rem3A_2585 : i32
      %swap3A_2596 = arith.index_cast %select_n3A_2579 : i32 to index
      %swap3A_2597 = arith.index_cast %select_n3A_2595 : i32 to index
      %swap3A_2598 = tpu.vector_load %arg8[%swap3A_2596, %swap3A_2597] {strides = array<i32>} : memref<40x128xi32, #tpu.memory_space<vmem>>, vector<1x16xi32>,
      %swap3A_2599 = vector.shape_cast %swap3A_2598 : vector<1x16xi32> to vector<16xi32>
      %swap3A_2600 = vector.shape_cast %add3A_2555 : vector<16xi32> to vector<1x16xi32>
      tpu.vector_store %arg8[%swap3A_2596, %swap3A_2597], %swap3A_2600 {strides = array<i32>} : memref<40x128xi32, #tpu.memory_space<vmem>>, vector<1x16xi32>,
      %add3A_2601 = arith.constant 48 : i32
      %add3A_2602 = arith.addi %multiple_of3A_2306, %add3A_2601 : i32
      %add3A_2603 = arith.constant 3 : i32
      %add3A_2604 = vector.broadcast %add3A_2603 : i32 to vector<16xi32>
      %add3A_2605 = arith.addi %add3A_2300, %add3A_2604 : vector<16xi32>
      %jit3A_2606 = arith.constant 128 : i32
      %div3A_2607 = arith.divsi %add3A_2602, %jit3A_2606 : i32
      %sign3A_2608 = arith.constant 0 : i32
      %sign3A_2609 = arith.cmpi sgt, %add3A_2602, %sign3A_2608 : i32
      %sign3A_2610 = arith.extui %sign3A_2609 : i1 to i32
      %sign3A_2611 = arith.constant 0 : i32
      %sign3A_2612 = arith.cmpi slt, %add3A_2602, %sign3A_2611 : i32
      %sign3A_2613 = arith.extui %sign3A_2612 : i1 to i32
      %sign3A_2614 = arith.subi %sign3A_2610, %sign3A_2613 : i32
      %sign3A_2615 = arith.constant 0 : i32
      %sign3A_2616 = arith.cmpi sgt, %jit3A_2606, %sign3A_2615 : i32
      %sign3A_2617 = arith.extui %sign3A_2616 : i1 to i32
      %sign3A_2618 = arith.constant 0 : i32
      %sign3A_2619 = arith.cmpi slt, %jit3A_2606, %sign3A_2618 : i32
      %sign3A_2620 = arith.extui %sign3A_2619 : i1 to i32
      %sign3A_2621 = arith.subi %sign3A_2617, %sign3A_2620 : i32
      %ne3A_2622 = arith.cmpi ne, %sign3A_2614, %sign3A_2621 : i32
      %rem3A_2623 = arith.remsi %add3A_2602, %jit3A_2606 : i32
      %ne3A_2624 = arith.constant 0 : i32
      %ne3A_2625 = arith.cmpi ne, %rem3A_2623, %ne3A_2624 : i32
      %and3A_2626 = arith.andi %ne3A_2622, %ne3A_2625 : i1
      %sub3A_2627 = arith.constant 1 : i32
      %sub3A_2628 = arith.subi %div3A_2607, %sub3A_2627 : i32
      %select_n3A_2629 = arith.select %and3A_2626, %sub3A_2628, %div3A_2607 : i32
      %jit3A_2630 = arith.constant 128 : i32
      %eq3A_2631 = arith.constant 0 : i32
      %eq3A_2632 = arith.cmpi eq, %jit3A_2630, %eq3A_2631 : i32
      %jit3A_2633 = arith.constant 1 : i32
      %select_n3A_2634 = arith.select %eq3A_2632, %jit3A_2633, %jit3A_2630 : i32
      %rem3A_2635 = arith.remsi %add3A_2602, %select_n3A_2634 : i32
      %ne3A_2636 = arith.constant 0 : i32
      %ne3A_2637 = arith.cmpi ne, %rem3A_2635, %ne3A_2636 : i32
      %lt3A_2638 = arith.constant 0 : i32
      %lt3A_2639 = arith.cmpi slt, %rem3A_2635, %lt3A_2638 : i32
      %lt3A_2640 = arith.constant 0 : i32
      %lt3A_2641 = arith.cmpi slt, %select_n3A_2634, %lt3A_2640 : i32
      %ne3A_2642 = arith.xori %lt3A_2639, %lt3A_2641 : i1
      %and3A_2643 = arith.andi %ne3A_2642, %ne3A_2637 : i1
      %add3A_2644 = arith.addi %rem3A_2635, %select_n3A_2634 : i32
      %select_n3A_2645 = arith.select %and3A_2643, %add3A_2644, %rem3A_2635 : i32
      %swap3A_2646 = arith.index_cast %select_n3A_2629 : i32 to index
      %swap3A_2647 = arith.index_cast %select_n3A_2645 : i32 to index
      %swap3A_2648 = tpu.vector_load %arg7[%swap3A_2646, %swap3A_2647] {strides = array<i32>} : memref<40x128xi32, #tpu.memory_space<vmem>>, vector<1x16xi32>,
      %swap3A_2649 = vector.shape_cast %swap3A_2648 : vector<1x16xi32> to vector<16xi32>
      %swap3A_2650 = vector.shape_cast %add3A_2605 : vector<16xi32> to vector<1x16xi32>
      tpu.vector_store %arg7[%swap3A_2646, %swap3A_2647], %swap3A_2650 {strides = array<i32>} : memref<40x128xi32, #tpu.memory_space<vmem>>, vector<1x16xi32>,
      %add3A_2651 = arith.constant 3 : i32
      %add3A_2652 = vector.broadcast %add3A_2651 : i32 to vector<16xi32>
      %add3A_2653 = arith.addi %mul3A_2303, %add3A_2652 : vector<16xi32>
      %jit3A_2654 = arith.constant 128 : i32
      %div3A_2655 = arith.divsi %add3A_2602, %jit3A_2654 : i32
      %sign3A_2656 = arith.constant 0 : i32
      %sign3A_2657 = arith.cmpi sgt, %add3A_2602, %sign3A_2656 : i32
      %sign3A_2658 = arith.extui %sign3A_2657 : i1 to i32
      %sign3A_2659 = arith.constant 0 : i32
      %sign3A_2660 = arith.cmpi slt, %add3A_2602, %sign3A_2659 : i32
      %sign3A_2661 = arith.extui %sign3A_2660 : i1 to i32
      %sign3A_2662 = arith.subi %sign3A_2658, %sign3A_2661 : i32
      %sign3A_2663 = arith.constant 0 : i32
      %sign3A_2664 = arith.cmpi sgt, %jit3A_2654, %sign3A_2663 : i32
      %sign3A_2665 = arith.extui %sign3A_2664 : i1 to i32
      %sign3A_2666 = arith.constant 0 : i32
      %sign3A_2667 = arith.cmpi slt, %jit3A_2654, %sign3A_2666 : i32
      %sign3A_2668 = arith.extui %sign3A_2667 : i1 to i32
      %sign3A_2669 = arith.subi %sign3A_2665, %sign3A_2668 : i32
      %ne3A_2670 = arith.cmpi ne, %sign3A_2662, %sign3A_2669 : i32
      %rem3A_2671 = arith.remsi %add3A_2602, %jit3A_2654 : i32
      %ne3A_2672 = arith.constant 0 : i32
      %ne3A_2673 = arith.cmpi ne, %rem3A_2671, %ne3A_2672 : i32
      %and3A_2674 = arith.andi %ne3A_2670, %ne3A_2673 : i1
      %sub3A_2675 = arith.constant 1 : i32
      %sub3A_2676 = arith.subi %div3A_2655, %sub3A_2675 : i32
      %select_n3A_2677 = arith.select %and3A_2674, %sub3A_2676, %div3A_2655 : i32
      %jit3A_2678 = arith.constant 128 : i32
      %eq3A_2679 = arith.constant 0 : i32
      %eq3A_2680 = arith.cmpi eq, %jit3A_2678, %eq3A_2679 : i32
      %jit3A_2681 = arith.constant 1 : i32
      %select_n3A_2682 = arith.select %eq3A_2680, %jit3A_2681, %jit3A_2678 : i32
      %rem3A_2683 = arith.remsi %add3A_2602, %select_n3A_2682 : i32
      %ne3A_2684 = arith.constant 0 : i32
      %ne3A_2685 = arith.cmpi ne, %rem3A_2683, %ne3A_2684 : i32
      %lt3A_2686 = arith.constant 0 : i32
      %lt3A_2687 = arith.cmpi slt, %rem3A_2683, %lt3A_2686 : i32
      %lt3A_2688 = arith.constant 0 : i32
      %lt3A_2689 = arith.cmpi slt, %select_n3A_2682, %lt3A_2688 : i32
      %ne3A_2690 = arith.xori %lt3A_2687, %lt3A_2689 : i1
      %and3A_2691 = arith.andi %ne3A_2690, %ne3A_2685 : i1
      %add3A_2692 = arith.addi %rem3A_2683, %select_n3A_2682 : i32
      %select_n3A_2693 = arith.select %and3A_2691, %add3A_2692, %rem3A_2683 : i32
      %swap3A_2694 = arith.index_cast %select_n3A_2677 : i32 to index
      %swap3A_2695 = arith.index_cast %select_n3A_2693 : i32 to index
      %swap3A_2696 = tpu.vector_load %arg8[%swap3A_2694, %swap3A_2695] {strides = array<i32>} : memref<40x128xi32, #tpu.memory_space<vmem>>, vector<1x16xi32>,
      %swap3A_2697 = vector.shape_cast %swap3A_2696 : vector<1x16xi32> to vector<16xi32>
      %swap3A_2698 = vector.shape_cast %add3A_2653 : vector<16xi32> to vector<1x16xi32>
      tpu.vector_store %arg8[%swap3A_2694, %swap3A_2695], %swap3A_2698 {strides = array<i32>} : memref<40x128xi32, #tpu.memory_space<vmem>>, vector<1x16xi32>,
      %add3A_2699 = arith.constant 64 : i32
      %add3A_2700 = arith.addi %multiple_of3A_2306, %add3A_2699 : i32
      %add3A_2701 = arith.constant 4 : i32
      %add3A_2702 = vector.broadcast %add3A_2701 : i32 to vector<16xi32>
      %add3A_2703 = arith.addi %add3A_2300, %add3A_2702 : vector<16xi32>
      %jit3A_2704 = arith.constant 128 : i32
      %div3A_2705 = arith.divsi %add3A_2700, %jit3A_2704 : i32
      %sign3A_2706 = arith.constant 0 : i32
      %sign3A_2707 = arith.cmpi sgt, %add3A_2700, %sign3A_2706 : i32
      %sign3A_2708 = arith.extui %sign3A_2707 : i1 to i32
      %sign3A_2709 = arith.constant 0 : i32
      %sign3A_2710 = arith.cmpi slt, %add3A_2700, %sign3A_2709 : i32
      %sign3A_2711 = arith.extui %sign3A_2710 : i1 to i32
      %sign3A_2712 = arith.subi %sign3A_2708, %sign3A_2711 : i32
      %sign3A_2713 = arith.constant 0 : i32
      %sign3A_2714 = arith.cmpi sgt, %jit3A_2704, %sign3A_2713 : i32
      %sign3A_2715 = arith.extui %sign3A_2714 : i1 to i32
      %sign3A_2716 = arith.constant 0 : i32
      %sign3A_2717 = arith.cmpi slt, %jit3A_2704, %sign3A_2716 : i32
      %sign3A_2718 = arith.extui %sign3A_2717 : i1 to i32
      %sign3A_2719 = arith.subi %sign3A_2715, %sign3A_2718 : i32
      %ne3A_2720 = arith.cmpi ne, %sign3A_2712, %sign3A_2719 : i32
      %rem3A_2721 = arith.remsi %add3A_2700, %jit3A_2704 : i32
      %ne3A_2722 = arith.constant 0 : i32
      %ne3A_2723 = arith.cmpi ne, %rem3A_2721, %ne3A_2722 : i32
      %and3A_2724 = arith.andi %ne3A_2720, %ne3A_2723 : i1
      %sub3A_2725 = arith.constant 1 : i32
      %sub3A_2726 = arith.subi %div3A_2705, %sub3A_2725 : i32
      %select_n3A_2727 = arith.select %and3A_2724, %sub3A_2726, %div3A_2705 : i32
      %jit3A_2728 = arith.constant 128 : i32
      %eq3A_2729 = arith.constant 0 : i32
      %eq3A_2730 = arith.cmpi eq, %jit3A_2728, %eq3A_2729 : i32
      %jit3A_2731 = arith.constant 1 : i32
      %select_n3A_2732 = arith.select %eq3A_2730, %jit3A_2731, %jit3A_2728 : i32
      %rem3A_2733 = arith.remsi %add3A_2700, %select_n3A_2732 : i32
      %ne3A_2734 = arith.constant 0 : i32
      %ne3A_2735 = arith.cmpi ne, %rem3A_2733, %ne3A_2734 : i32
      %lt3A_2736 = arith.constant 0 : i32
      %lt3A_2737 = arith.cmpi slt, %rem3A_2733, %lt3A_2736 : i32
      %lt3A_2738 = arith.constant 0 : i32
      %lt3A_2739 = arith.cmpi slt, %select_n3A_2732, %lt3A_2738 : i32
      %ne3A_2740 = arith.xori %lt3A_2737, %lt3A_2739 : i1
      %and3A_2741 = arith.andi %ne3A_2740, %ne3A_2735 : i1
      %add3A_2742 = arith.addi %rem3A_2733, %select_n3A_2732 : i32
      %select_n3A_2743 = arith.select %and3A_2741, %add3A_2742, %rem3A_2733 : i32
      %swap3A_2744 = arith.index_cast %select_n3A_2727 : i32 to index
      %swap3A_2745 = arith.index_cast %select_n3A_2743 : i32 to index
      %swap3A_2746 = tpu.vector_load %arg7[%swap3A_2744, %swap3A_2745] {strides = array<i32>} : memref<40x128xi32, #tpu.memory_space<vmem>>, vector<1x16xi32>,
      %swap3A_2747 = vector.shape_cast %swap3A_2746 : vector<1x16xi32> to vector<16xi32>
      %swap3A_2748 = vector.shape_cast %add3A_2703 : vector<16xi32> to vector<1x16xi32>
      tpu.vector_store %arg7[%swap3A_2744, %swap3A_2745], %swap3A_2748 {strides = array<i32>} : memref<40x128xi32, #tpu.memory_space<vmem>>, vector<1x16xi32>,
      %add3A_2749 = arith.constant 4 : i32
      %add3A_2750 = vector.broadcast %add3A_2749 : i32 to vector<16xi32>
      %add3A_2751 = arith.addi %mul3A_2303, %add3A_2750 : vector<16xi32>
      %jit3A_2752 = arith.constant 128 : i32
      %div3A_2753 = arith.divsi %add3A_2700, %jit3A_2752 : i32
      %sign3A_2754 = arith.constant 0 : i32
      %sign3A_2755 = arith.cmpi sgt, %add3A_2700, %sign3A_2754 : i32
      %sign3A_2756 = arith.extui %sign3A_2755 : i1 to i32
      %sign3A_2757 = arith.constant 0 : i32
      %sign3A_2758 = arith.cmpi slt, %add3A_2700, %sign3A_2757 : i32
      %sign3A_2759 = arith.extui %sign3A_2758 : i1 to i32
      %sign3A_2760 = arith.subi %sign3A_2756, %sign3A_2759 : i32
      %sign3A_2761 = arith.constant 0 : i32
      %sign3A_2762 = arith.cmpi sgt, %jit3A_2752, %sign3A_2761 : i32
      %sign3A_2763 = arith.extui %sign3A_2762 : i1 to i32
      %sign3A_2764 = arith.constant 0 : i32
      %sign3A_2765 = arith.cmpi slt, %jit3A_2752, %sign3A_2764 : i32
      %sign3A_2766 = arith.extui %sign3A_2765 : i1 to i32
      %sign3A_2767 = arith.subi %sign3A_2763, %sign3A_2766 : i32
      %ne3A_2768 = arith.cmpi ne, %sign3A_2760, %sign3A_2767 : i32
      %rem3A_2769 = arith.remsi %add3A_2700, %jit3A_2752 : i32
      %ne3A_2770 = arith.constant 0 : i32
      %ne3A_2771 = arith.cmpi ne, %rem3A_2769, %ne3A_2770 : i32
      %and3A_2772 = arith.andi %ne3A_2768, %ne3A_2771 : i1
      %sub3A_2773 = arith.constant 1 : i32
      %sub3A_2774 = arith.subi %div3A_2753, %sub3A_2773 : i32
      %select_n3A_2775 = arith.select %and3A_2772, %sub3A_2774, %div3A_2753 : i32
      %jit3A_2776 = arith.constant 128 : i32
      %eq3A_2777 = arith.constant 0 : i32
      %eq3A_2778 = arith.cmpi eq, %jit3A_2776, %eq3A_2777 : i32
      %jit3A_2779 = arith.constant 1 : i32
      %select_n3A_2780 = arith.select %eq3A_2778, %jit3A_2779, %jit3A_2776 : i32
      %rem3A_2781 = arith.remsi %add3A_2700, %select_n3A_2780 : i32
      %ne3A_2782 = arith.constant 0 : i32
      %ne3A_2783 = arith.cmpi ne, %rem3A_2781, %ne3A_2782 : i32
      %lt3A_2784 = arith.constant 0 : i32
      %lt3A_2785 = arith.cmpi slt, %rem3A_2781, %lt3A_2784 : i32
      %lt3A_2786 = arith.constant 0 : i32
      %lt3A_2787 = arith.cmpi slt, %select_n3A_2780, %lt3A_2786 : i32
      %ne3A_2788 = arith.xori %lt3A_2785, %lt3A_2787 : i1
      %and3A_2789 = arith.andi %ne3A_2788, %ne3A_2783 : i1
      %add3A_2790 = arith.addi %rem3A_2781, %select_n3A_2780 : i32
      %select_n3A_2791 = arith.select %and3A_2789, %add3A_2790, %rem3A_2781 : i32
      %swap3A_2792 = arith.index_cast %select_n3A_2775 : i32 to index
      %swap3A_2793 = arith.index_cast %select_n3A_2791 : i32 to index
      %swap3A_2794 = tpu.vector_load %arg8[%swap3A_2792, %swap3A_2793] {strides = array<i32>} : memref<40x128xi32, #tpu.memory_space<vmem>>, vector<1x16xi32>,
      %swap3A_2795 = vector.shape_cast %swap3A_2794 : vector<1x16xi32> to vector<16xi32>
      %swap3A_2796 = vector.shape_cast %add3A_2751 : vector<16xi32> to vector<1x16xi32>
      tpu.vector_store %arg8[%swap3A_2792, %swap3A_2793], %swap3A_2796 {strides = array<i32>} : memref<40x128xi32, #tpu.memory_space<vmem>>, vector<1x16xi32>,
      %add3A_2797 = arith.constant 80 : i32
      %add3A_2798 = arith.addi %multiple_of3A_2306, %add3A_2797 : i32
      %add3A_2799 = arith.constant 5 : i32
      %add3A_2800 = vector.broadcast %add3A_2799 : i32 to vector<16xi32>
      %add3A_2801 = arith.addi %add3A_2300, %add3A_2800 : vector<16xi32>
      %jit3A_2802 = arith.constant 128 : i32
      %div3A_2803 = arith.divsi %add3A_2798, %jit3A_2802 : i32
      %sign3A_2804 = arith.constant 0 : i32
      %sign3A_2805 = arith.cmpi sgt, %add3A_2798, %sign3A_2804 : i32
      %sign3A_2806 = arith.extui %sign3A_2805 : i1 to i32
      %sign3A_2807 = arith.constant 0 : i32
      %sign3A_2808 = arith.cmpi slt, %add3A_2798, %sign3A_2807 : i32
      %sign3A_2809 = arith.extui %sign3A_2808 : i1 to i32
      %sign3A_2810 = arith.subi %sign3A_2806, %sign3A_2809 : i32
      %sign3A_2811 = arith.constant 0 : i32
      %sign3A_2812 = arith.cmpi sgt, %jit3A_2802, %sign3A_2811 : i32
      %sign3A_2813 = arith.extui %sign3A_2812 : i1 to i32
      %sign3A_2814 = arith.constant 0 : i32
      %sign3A_2815 = arith.cmpi slt, %jit3A_2802, %sign3A_2814 : i32
      %sign3A_2816 = arith.extui %sign3A_2815 : i1 to i32
      %sign3A_2817 = arith.subi %sign3A_2813, %sign3A_2816 : i32
      %ne3A_2818 = arith.cmpi ne, %sign3A_2810, %sign3A_2817 : i32
      %rem3A_2819 = arith.remsi %add3A_2798, %jit3A_2802 : i32
      %ne3A_2820 = arith.constant 0 : i32
      %ne3A_2821 = arith.cmpi ne, %rem3A_2819, %ne3A_2820 : i32
      %and3A_2822 = arith.andi %ne3A_2818, %ne3A_2821 : i1
      %sub3A_2823 = arith.constant 1 : i32
      %sub3A_2824 = arith.subi %div3A_2803, %sub3A_2823 : i32
      %select_n3A_2825 = arith.select %and3A_2822, %sub3A_2824, %div3A_2803 : i32
      %jit3A_2826 = arith.constant 128 : i32
      %eq3A_2827 = arith.constant 0 : i32
      %eq3A_2828 = arith.cmpi eq, %jit3A_2826, %eq3A_2827 : i32
      %jit3A_2829 = arith.constant 1 : i32
      %select_n3A_2830 = arith.select %eq3A_2828, %jit3A_2829, %jit3A_2826 : i32
      %rem3A_2831 = arith.remsi %add3A_2798, %select_n3A_2830 : i32
      %ne3A_2832 = arith.constant 0 : i32
      %ne3A_2833 = arith.cmpi ne, %rem3A_2831, %ne3A_2832 : i32
      %lt3A_2834 = arith.constant 0 : i32
      %lt3A_2835 = arith.cmpi slt, %rem3A_2831, %lt3A_2834 : i32
      %lt3A_2836 = arith.constant 0 : i32
      %lt3A_2837 = arith.cmpi slt, %select_n3A_2830, %lt3A_2836 : i32
      %ne3A_2838 = arith.xori %lt3A_2835, %lt3A_2837 : i1
      %and3A_2839 = arith.andi %ne3A_2838, %ne3A_2833 : i1
      %add3A_2840 = arith.addi %rem3A_2831, %select_n3A_2830 : i32
      %select_n3A_2841 = arith.select %and3A_2839, %add3A_2840, %rem3A_2831 : i32
      %swap3A_2842 = arith.index_cast %select_n3A_2825 : i32 to index
      %swap3A_2843 = arith.index_cast %select_n3A_2841 : i32 to index
      %swap3A_2844 = tpu.vector_load %arg7[%swap3A_2842, %swap3A_2843] {strides = array<i32>} : memref<40x128xi32, #tpu.memory_space<vmem>>, vector<1x16xi32>,
      %swap3A_2845 = vector.shape_cast %swap3A_2844 : vector<1x16xi32> to vector<16xi32>
      %swap3A_2846 = vector.shape_cast %add3A_2801 : vector<16xi32> to vector<1x16xi32>
      tpu.vector_store %arg7[%swap3A_2842, %swap3A_2843], %swap3A_2846 {strides = array<i32>} : memref<40x128xi32, #tpu.memory_space<vmem>>, vector<1x16xi32>,
      %add3A_2847 = arith.constant 5 : i32
      %add3A_2848 = vector.broadcast %add3A_2847 : i32 to vector<16xi32>
      %add3A_2849 = arith.addi %mul3A_2303, %add3A_2848 : vector<16xi32>
      %jit3A_2850 = arith.constant 128 : i32
      %div3A_2851 = arith.divsi %add3A_2798, %jit3A_2850 : i32
      %sign3A_2852 = arith.constant 0 : i32
      %sign3A_2853 = arith.cmpi sgt, %add3A_2798, %sign3A_2852 : i32
      %sign3A_2854 = arith.extui %sign3A_2853 : i1 to i32
      %sign3A_2855 = arith.constant 0 : i32
      %sign3A_2856 = arith.cmpi slt, %add3A_2798, %sign3A_2855 : i32
      %sign3A_2857 = arith.extui %sign3A_2856 : i1 to i32
      %sign3A_2858 = arith.subi %sign3A_2854, %sign3A_2857 : i32
      %sign3A_2859 = arith.constant 0 : i32
      %sign3A_2860 = arith.cmpi sgt, %jit3A_2850, %sign3A_2859 : i32
      %sign3A_2861 = arith.extui %sign3A_2860 : i1 to i32
      %sign3A_2862 = arith.constant 0 : i32
      %sign3A_2863 = arith.cmpi slt, %jit3A_2850, %sign3A_2862 : i32
      %sign3A_2864 = arith.extui %sign3A_2863 : i1 to i32
      %sign3A_2865 = arith.subi %sign3A_2861, %sign3A_2864 : i32
      %ne3A_2866 = arith.cmpi ne, %sign3A_2858, %sign3A_2865 : i32
      %rem3A_2867 = arith.remsi %add3A_2798, %jit3A_2850 : i32
      %ne3A_2868 = arith.constant 0 : i32
      %ne3A_2869 = arith.cmpi ne, %rem3A_2867, %ne3A_2868 : i32
      %and3A_2870 = arith.andi %ne3A_2866, %ne3A_2869 : i1
      %sub3A_2871 = arith.constant 1 : i32
      %sub3A_2872 = arith.subi %div3A_2851, %sub3A_2871 : i32
      %select_n3A_2873 = arith.select %and3A_2870, %sub3A_2872, %div3A_2851 : i32
      %jit3A_2874 = arith.constant 128 : i32
      %eq3A_2875 = arith.constant 0 : i32
      %eq3A_2876 = arith.cmpi eq, %jit3A_2874, %eq3A_2875 : i32
      %jit3A_2877 = arith.constant 1 : i32
      %select_n3A_2878 = arith.select %eq3A_2876, %jit3A_2877, %jit3A_2874 : i32
      %rem3A_2879 = arith.remsi %add3A_2798, %select_n3A_2878 : i32
      %ne3A_2880 = arith.constant 0 : i32
      %ne3A_2881 = arith.cmpi ne, %rem3A_2879, %ne3A_2880 : i32
      %lt3A_2882 = arith.constant 0 : i32
      %lt3A_2883 = arith.cmpi slt, %rem3A_2879, %lt3A_2882 : i32
      %lt3A_2884 = arith.constant 0 : i32
      %lt3A_2885 = arith.cmpi slt, %select_n3A_2878, %lt3A_2884 : i32
      %ne3A_2886 = arith.xori %lt3A_2883, %lt3A_2885 : i1
      %and3A_2887 = arith.andi %ne3A_2886, %ne3A_2881 : i1
      %add3A_2888 = arith.addi %rem3A_2879, %select_n3A_2878 : i32
      %select_n3A_2889 = arith.select %and3A_2887, %add3A_2888, %rem3A_2879 : i32
      %swap3A_2890 = arith.index_cast %select_n3A_2873 : i32 to index
      %swap3A_2891 = arith.index_cast %select_n3A_2889 : i32 to index
      %swap3A_2892 = tpu.vector_load %arg8[%swap3A_2890, %swap3A_2891] {strides = array<i32>} : memref<40x128xi32, #tpu.memory_space<vmem>>, vector<1x16xi32>,
      %swap3A_2893 = vector.shape_cast %swap3A_2892 : vector<1x16xi32> to vector<16xi32>
      %swap3A_2894 = vector.shape_cast %add3A_2849 : vector<16xi32> to vector<1x16xi32>
      tpu.vector_store %arg8[%swap3A_2890, %swap3A_2891], %swap3A_2894 {strides = array<i32>} : memref<40x128xi32, #tpu.memory_space<vmem>>, vector<1x16xi32>,
      %add3A_2895 = arith.constant 96 : i32
      %add3A_2896 = arith.addi %multiple_of3A_2306, %add3A_2895 : i32
      %add3A_2897 = arith.constant 6 : i32
      %add3A_2898 = vector.broadcast %add3A_2897 : i32 to vector<16xi32>
      %add3A_2899 = arith.addi %add3A_2300, %add3A_2898 : vector<16xi32>
      %jit3A_2900 = arith.constant 128 : i32
      %div3A_2901 = arith.divsi %add3A_2896, %jit3A_2900 : i32
      %sign3A_2902 = arith.constant 0 : i32
      %sign3A_2903 = arith.cmpi sgt, %add3A_2896, %sign3A_2902 : i32
      %sign3A_2904 = arith.extui %sign3A_2903 : i1 to i32
      %sign3A_2905 = arith.constant 0 : i32
      %sign3A_2906 = arith.cmpi slt, %add3A_2896, %sign3A_2905 : i32
      %sign3A_2907 = arith.extui %sign3A_2906 : i1 to i32
      %sign3A_2908 = arith.subi %sign3A_2904, %sign3A_2907 : i32
      %sign3A_2909 = arith.constant 0 : i32
      %sign3A_2910 = arith.cmpi sgt, %jit3A_2900, %sign3A_2909 : i32
      %sign3A_2911 = arith.extui %sign3A_2910 : i1 to i32
      %sign3A_2912 = arith.constant 0 : i32
      %sign3A_2913 = arith.cmpi slt, %jit3A_2900, %sign3A_2912 : i32
      %sign3A_2914 = arith.extui %sign3A_2913 : i1 to i32
      %sign3A_2915 = arith.subi %sign3A_2911, %sign3A_2914 : i32
      %ne3A_2916 = arith.cmpi ne, %sign3A_2908, %sign3A_2915 : i32
      %rem3A_2917 = arith.remsi %add3A_2896, %jit3A_2900 : i32
      %ne3A_2918 = arith.constant 0 : i32
      %ne3A_2919 = arith.cmpi ne, %rem3A_2917, %ne3A_2918 : i32
      %and3A_2920 = arith.andi %ne3A_2916, %ne3A_2919 : i1
      %sub3A_2921 = arith.constant 1 : i32
      %sub3A_2922 = arith.subi %div3A_2901, %sub3A_2921 : i32
      %select_n3A_2923 = arith.select %and3A_2920, %sub3A_2922, %div3A_2901 : i32
      %jit3A_2924 = arith.constant 128 : i32
      %eq3A_2925 = arith.constant 0 : i32
      %eq3A_2926 = arith.cmpi eq, %jit3A_2924, %eq3A_2925 : i32
      %jit3A_2927 = arith.constant 1 : i32
      %select_n3A_2928 = arith.select %eq3A_2926, %jit3A_2927, %jit3A_2924 : i32
      %rem3A_2929 = arith.remsi %add3A_2896, %select_n3A_2928 : i32
      %ne3A_2930 = arith.constant 0 : i32
      %ne3A_2931 = arith.cmpi ne, %rem3A_2929, %ne3A_2930 : i32
      %lt3A_2932 = arith.constant 0 : i32
      %lt3A_2933 = arith.cmpi slt, %rem3A_2929, %lt3A_2932 : i32
      %lt3A_2934 = arith.constant 0 : i32
      %lt3A_2935 = arith.cmpi slt, %select_n3A_2928, %lt3A_2934 : i32
      %ne3A_2936 = arith.xori %lt3A_2933, %lt3A_2935 : i1
      %and3A_2937 = arith.andi %ne3A_2936, %ne3A_2931 : i1
      %add3A_2938 = arith.addi %rem3A_2929, %select_n3A_2928 : i32
      %select_n3A_2939 = arith.select %and3A_2937, %add3A_2938, %rem3A_2929 : i32
      %swap3A_2940 = arith.index_cast %select_n3A_2923 : i32 to index
      %swap3A_2941 = arith.index_cast %select_n3A_2939 : i32 to index
      %swap3A_2942 = tpu.vector_load %arg7[%swap3A_2940, %swap3A_2941] {strides = array<i32>} : memref<40x128xi32, #tpu.memory_space<vmem>>, vector<1x16xi32>,
      %swap3A_2943 = vector.shape_cast %swap3A_2942 : vector<1x16xi32> to vector<16xi32>
      %swap3A_2944 = vector.shape_cast %add3A_2899 : vector<16xi32> to vector<1x16xi32>
      tpu.vector_store %arg7[%swap3A_2940, %swap3A_2941], %swap3A_2944 {strides = array<i32>} : memref<40x128xi32, #tpu.memory_space<vmem>>, vector<1x16xi32>,
      %add3A_2945 = arith.constant 6 : i32
      %add3A_2946 = vector.broadcast %add3A_2945 : i32 to vector<16xi32>
      %add3A_2947 = arith.addi %mul3A_2303, %add3A_2946 : vector<16xi32>
      %jit3A_2948 = arith.constant 128 : i32
      %div3A_2949 = arith.divsi %add3A_2896, %jit3A_2948 : i32
      %sign3A_2950 = arith.constant 0 : i32
      %sign3A_2951 = arith.cmpi sgt, %add3A_2896, %sign3A_2950 : i32
      %sign3A_2952 = arith.extui %sign3A_2951 : i1 to i32
      %sign3A_2953 = arith.constant 0 : i32
      %sign3A_2954 = arith.cmpi slt, %add3A_2896, %sign3A_2953 : i32
      %sign3A_2955 = arith.extui %sign3A_2954 : i1 to i32
      %sign3A_2956 = arith.subi %sign3A_2952, %sign3A_2955 : i32
      %sign3A_2957 = arith.constant 0 : i32
      %sign3A_2958 = arith.cmpi sgt, %jit3A_2948, %sign3A_2957 : i32
      %sign3A_2959 = arith.extui %sign3A_2958 : i1 to i32
      %sign3A_2960 = arith.constant 0 : i32
      %sign3A_2961 = arith.cmpi slt, %jit3A_2948, %sign3A_2960 : i32
      %sign3A_2962 = arith.extui %sign3A_2961 : i1 to i32
      %sign3A_2963 = arith.subi %sign3A_2959, %sign3A_2962 : i32
      %ne3A_2964 = arith.cmpi ne, %sign3A_2956, %sign3A_2963 : i32
      %rem3A_2965 = arith.remsi %add3A_2896, %jit3A_2948 : i32
      %ne3A_2966 = arith.constant 0 : i32
      %ne3A_2967 = arith.cmpi ne, %rem3A_2965, %ne3A_2966 : i32
      %and3A_2968 = arith.andi %ne3A_2964, %ne3A_2967 : i1
      %sub3A_2969 = arith.constant 1 : i32
      %sub3A_2970 = arith.subi %div3A_2949, %sub3A_2969 : i32
      %select_n3A_2971 = arith.select %and3A_2968, %sub3A_2970, %div3A_2949 : i32
      %jit3A_2972 = arith.constant 128 : i32
      %eq3A_2973 = arith.constant 0 : i32
      %eq3A_2974 = arith.cmpi eq, %jit3A_2972, %eq3A_2973 : i32
      %jit3A_2975 = arith.constant 1 : i32
      %select_n3A_2976 = arith.select %eq3A_2974, %jit3A_2975, %jit3A_2972 : i32
      %rem3A_2977 = arith.remsi %add3A_2896, %select_n3A_2976 : i32
      %ne3A_2978 = arith.constant 0 : i32
      %ne3A_2979 = arith.cmpi ne, %rem3A_2977, %ne3A_2978 : i32
      %lt3A_2980 = arith.constant 0 : i32
      %lt3A_2981 = arith.cmpi slt, %rem3A_2977, %lt3A_2980 : i32
      %lt3A_2982 = arith.constant 0 : i32
      %lt3A_2983 = arith.cmpi slt, %select_n3A_2976, %lt3A_2982 : i32
      %ne3A_2984 = arith.xori %lt3A_2981, %lt3A_2983 : i1
      %and3A_2985 = arith.andi %ne3A_2984, %ne3A_2979 : i1
      %add3A_2986 = arith.addi %rem3A_2977, %select_n3A_2976 : i32
      %select_n3A_2987 = arith.select %and3A_2985, %add3A_2986, %rem3A_2977 : i32
      %swap3A_2988 = arith.index_cast %select_n3A_2971 : i32 to index
      %swap3A_2989 = arith.index_cast %select_n3A_2987 : i32 to index
      %swap3A_2990 = tpu.vector_load %arg8[%swap3A_2988, %swap3A_2989] {strides = array<i32>} : memref<40x128xi32, #tpu.memory_space<vmem>>, vector<1x16xi32>,
      %swap3A_2991 = vector.shape_cast %swap3A_2990 : vector<1x16xi32> to vector<16xi32>
      %swap3A_2992 = vector.shape_cast %add3A_2947 : vector<16xi32> to vector<1x16xi32>
      tpu.vector_store %arg8[%swap3A_2988, %swap3A_2989], %swap3A_2992 {strides = array<i32>} : memref<40x128xi32, #tpu.memory_space<vmem>>, vector<1x16xi32>,
      %add3A_2993 = arith.constant 112 : i32
      %add3A_2994 = arith.addi %multiple_of3A_2306, %add3A_2993 : i32
      %add3A_2995 = arith.constant 7 : i32
      %add3A_2996 = vector.broadcast %add3A_2995 : i32 to vector<16xi32>
      %add3A_2997 = arith.addi %add3A_2300, %add3A_2996 : vector<16xi32>
      %jit3A_2998 = arith.constant 128 : i32
      %div3A_2999 = arith.divsi %add3A_2994, %jit3A_2998 : i32
      %sign3A_3000 = arith.constant 0 : i32
      %sign3A_3001 = arith.cmpi sgt, %add3A_2994, %sign3A_3000 : i32
      %sign3A_3002 = arith.extui %sign3A_3001 : i1 to i32
      %sign3A_3003 = arith.constant 0 : i32
      %sign3A_3004 = arith.cmpi slt, %add3A_2994, %sign3A_3003 : i32
      %sign3A_3005 = arith.extui %sign3A_3004 : i1 to i32
      %sign3A_3006 = arith.subi %sign3A_3002, %sign3A_3005 : i32
      %sign3A_3007 = arith.constant 0 : i32
      %sign3A_3008 = arith.cmpi sgt, %jit3A_2998, %sign3A_3007 : i32
      %sign3A_3009 = arith.extui %sign3A_3008 : i1 to i32
      %sign3A_3010 = arith.constant 0 : i32
      %sign3A_3011 = arith.cmpi slt, %jit3A_2998, %sign3A_3010 : i32
      %sign3A_3012 = arith.extui %sign3A_3011 : i1 to i32
      %sign3A_3013 = arith.subi %sign3A_3009, %sign3A_3012 : i32
      %ne3A_3014 = arith.cmpi ne, %sign3A_3006, %sign3A_3013 : i32
      %rem3A_3015 = arith.remsi %add3A_2994, %jit3A_2998 : i32
      %ne3A_3016 = arith.constant 0 : i32
      %ne3A_3017 = arith.cmpi ne, %rem3A_3015, %ne3A_3016 : i32
      %and3A_3018 = arith.andi %ne3A_3014, %ne3A_3017 : i1
      %sub3A_3019 = arith.constant 1 : i32
      %sub3A_3020 = arith.subi %div3A_2999, %sub3A_3019 : i32
      %select_n3A_3021 = arith.select %and3A_3018, %sub3A_3020, %div3A_2999 : i32
      %jit3A_3022 = arith.constant 128 : i32
      %eq3A_3023 = arith.constant 0 : i32
      %eq3A_3024 = arith.cmpi eq, %jit3A_3022, %eq3A_3023 : i32
      %jit3A_3025 = arith.constant 1 : i32
      %select_n3A_3026 = arith.select %eq3A_3024, %jit3A_3025, %jit3A_3022 : i32
      %rem3A_3027 = arith.remsi %add3A_2994, %select_n3A_3026 : i32
      %ne3A_3028 = arith.constant 0 : i32
      %ne3A_3029 = arith.cmpi ne, %rem3A_3027, %ne3A_3028 : i32
      %lt3A_3030 = arith.constant 0 : i32
      %lt3A_3031 = arith.cmpi slt, %rem3A_3027, %lt3A_3030 : i32
      %lt3A_3032 = arith.constant 0 : i32
      %lt3A_3033 = arith.cmpi slt, %select_n3A_3026, %lt3A_3032 : i32
      %ne3A_3034 = arith.xori %lt3A_3031, %lt3A_3033 : i1
      %and3A_3035 = arith.andi %ne3A_3034, %ne3A_3029 : i1
      %add3A_3036 = arith.addi %rem3A_3027, %select_n3A_3026 : i32
      %select_n3A_3037 = arith.select %and3A_3035, %add3A_3036, %rem3A_3027 : i32
      %swap3A_3038 = arith.index_cast %select_n3A_3021 : i32 to index
      %swap3A_3039 = arith.index_cast %select_n3A_3037 : i32 to index
      %swap3A_3040 = tpu.vector_load %arg7[%swap3A_3038, %swap3A_3039] {strides = array<i32>} : memref<40x128xi32, #tpu.memory_space<vmem>>, vector<1x16xi32>,
      %swap3A_3041 = vector.shape_cast %swap3A_3040 : vector<1x16xi32> to vector<16xi32>
      %swap3A_3042 = vector.shape_cast %add3A_2997 : vector<16xi32> to vector<1x16xi32>
      tpu.vector_store %arg7[%swap3A_3038, %swap3A_3039], %swap3A_3042 {strides = array<i32>} : memref<40x128xi32, #tpu.memory_space<vmem>>, vector<1x16xi32>,
      %add3A_3043 = arith.constant 7 : i32
      %add3A_3044 = vector.broadcast %add3A_3043 : i32 to vector<16xi32>
      %add3A_3045 = arith.addi %mul3A_2303, %add3A_3044 : vector<16xi32>
      %jit3A_3046 = arith.constant 128 : i32
      %div3A_3047 = arith.divsi %add3A_2994, %jit3A_3046 : i32
      %sign3A_3048 = arith.constant 0 : i32
      %sign3A_3049 = arith.cmpi sgt, %add3A_2994, %sign3A_3048 : i32
      %sign3A_3050 = arith.extui %sign3A_3049 : i1 to i32
      %sign3A_3051 = arith.constant 0 : i32
      %sign3A_3052 = arith.cmpi slt, %add3A_2994, %sign3A_3051 : i32
      %sign3A_3053 = arith.extui %sign3A_3052 : i1 to i32
      %sign3A_3054 = arith.subi %sign3A_3050, %sign3A_3053 : i32
      %sign3A_3055 = arith.constant 0 : i32
      %sign3A_3056 = arith.cmpi sgt, %jit3A_3046, %sign3A_3055 : i32
      %sign3A_3057 = arith.extui %sign3A_3056 : i1 to i32
      %sign3A_3058 = arith.constant 0 : i32
      %sign3A_3059 = arith.cmpi slt, %jit3A_3046, %sign3A_3058 : i32
      %sign3A_3060 = arith.extui %sign3A_3059 : i1 to i32
      %sign3A_3061 = arith.subi %sign3A_3057, %sign3A_3060 : i32
      %ne3A_3062 = arith.cmpi ne, %sign3A_3054, %sign3A_3061 : i32
      %rem3A_3063 = arith.remsi %add3A_2994, %jit3A_3046 : i32
      %ne3A_3064 = arith.constant 0 : i32
      %ne3A_3065 = arith.cmpi ne, %rem3A_3063, %ne3A_3064 : i32
      %and3A_3066 = arith.andi %ne3A_3062, %ne3A_3065 : i1
      %sub3A_3067 = arith.constant 1 : i32
      %sub3A_3068 = arith.subi %div3A_3047, %sub3A_3067 : i32
      %select_n3A_3069 = arith.select %and3A_3066, %sub3A_3068, %div3A_3047 : i32
      %jit3A_3070 = arith.constant 128 : i32
      %eq3A_3071 = arith.constant 0 : i32
      %eq3A_3072 = arith.cmpi eq, %jit3A_3070, %eq3A_3071 : i32
      %jit3A_3073 = arith.constant 1 : i32
      %select_n3A_3074 = arith.select %eq3A_3072, %jit3A_3073, %jit3A_3070 : i32
      %rem3A_3075 = arith.remsi %add3A_2994, %select_n3A_3074 : i32
      %ne3A_3076 = arith.constant 0 : i32
      %ne3A_3077 = arith.cmpi ne, %rem3A_3075, %ne3A_3076 : i32
      %lt3A_3078 = arith.constant 0 : i32
      %lt3A_3079 = arith.cmpi slt, %rem3A_3075, %lt3A_3078 : i32
      %lt3A_3080 = arith.constant 0 : i32
      %lt3A_3081 = arith.cmpi slt, %select_n3A_3074, %lt3A_3080 : i32
      %ne3A_3082 = arith.xori %lt3A_3079, %lt3A_3081 : i1
      %and3A_3083 = arith.andi %ne3A_3082, %ne3A_3077 : i1
      %add3A_3084 = arith.addi %rem3A_3075, %select_n3A_3074 : i32
      %select_n3A_3085 = arith.select %and3A_3083, %add3A_3084, %rem3A_3075 : i32
      %swap3A_3086 = arith.index_cast %select_n3A_3069 : i32 to index
      %swap3A_3087 = arith.index_cast %select_n3A_3085 : i32 to index
      %swap3A_3088 = tpu.vector_load %arg8[%swap3A_3086, %swap3A_3087] {strides = array<i32>} : memref<40x128xi32, #tpu.memory_space<vmem>>, vector<1x16xi32>,
      %swap3A_3089 = vector.shape_cast %swap3A_3088 : vector<1x16xi32> to vector<16xi32>
      %swap3A_3090 = vector.shape_cast %add3A_3045 : vector<16xi32> to vector<1x16xi32>
      tpu.vector_store %arg8[%swap3A_3086, %swap3A_3087], %swap3A_3090 {strides = array<i32>} : memref<40x128xi32, #tpu.memory_space<vmem>>, vector<1x16xi32>,
      %add3A_3091 = arith.constant 128 : i32
      %add3A_3092 = arith.addi %multiple_of3A_2306, %add3A_3091 : i32
      %add3A_3093 = arith.constant 8 : i32
      %add3A_3094 = vector.broadcast %add3A_3093 : i32 to vector<16xi32>
      %add3A_3095 = arith.addi %add3A_2300, %add3A_3094 : vector<16xi32>
      %jit3A_3096 = arith.constant 128 : i32
      %div3A_3097 = arith.divsi %add3A_3092, %jit3A_3096 : i32
      %sign3A_3098 = arith.constant 0 : i32
      %sign3A_3099 = arith.cmpi sgt, %add3A_3092, %sign3A_3098 : i32
      %sign3A_3100 = arith.extui %sign3A_3099 : i1 to i32
      %sign3A_3101 = arith.constant 0 : i32
      %sign3A_3102 = arith.cmpi slt, %add3A_3092, %sign3A_3101 : i32
      %sign3A_3103 = arith.extui %sign3A_3102 : i1 to i32
      %sign3A_3104 = arith.subi %sign3A_3100, %sign3A_3103 : i32
      %sign3A_3105 = arith.constant 0 : i32
      %sign3A_3106 = arith.cmpi sgt, %jit3A_3096, %sign3A_3105 : i32
      %sign3A_3107 = arith.extui %sign3A_3106 : i1 to i32
      %sign3A_3108 = arith.constant 0 : i32
      %sign3A_3109 = arith.cmpi slt, %jit3A_3096, %sign3A_3108 : i32
      %sign3A_3110 = arith.extui %sign3A_3109 : i1 to i32
      %sign3A_3111 = arith.subi %sign3A_3107, %sign3A_3110 : i32
      %ne3A_3112 = arith.cmpi ne, %sign3A_3104, %sign3A_3111 : i32
      %rem3A_3113 = arith.remsi %add3A_3092, %jit3A_3096 : i32
      %ne3A_3114 = arith.constant 0 : i32
      %ne3A_3115 = arith.cmpi ne, %rem3A_3113, %ne3A_3114 : i32
      %and3A_3116 = arith.andi %ne3A_3112, %ne3A_3115 : i1
      %sub3A_3117 = arith.constant 1 : i32
      %sub3A_3118 = arith.subi %div3A_3097, %sub3A_3117 : i32
      %select_n3A_3119 = arith.select %and3A_3116, %sub3A_3118, %div3A_3097 : i32
      %jit3A_3120 = arith.constant 128 : i32
      %eq3A_3121 = arith.constant 0 : i32
      %eq3A_3122 = arith.cmpi eq, %jit3A_3120, %eq3A_3121 : i32
      %jit3A_3123 = arith.constant 1 : i32
      %select_n3A_3124 = arith.select %eq3A_3122, %jit3A_3123, %jit3A_3120 : i32
      %rem3A_3125 = arith.remsi %add3A_3092, %select_n3A_3124 : i32
      %ne3A_3126 = arith.constant 0 : i32
      %ne3A_3127 = arith.cmpi ne, %rem3A_3125, %ne3A_3126 : i32
      %lt3A_3128 = arith.constant 0 : i32
      %lt3A_3129 = arith.cmpi slt, %rem3A_3125, %lt3A_3128 : i32
      %lt3A_3130 = arith.constant 0 : i32
      %lt3A_3131 = arith.cmpi slt, %select_n3A_3124, %lt3A_3130 : i32
      %ne3A_3132 = arith.xori %lt3A_3129, %lt3A_3131 : i1
      %and3A_3133 = arith.andi %ne3A_3132, %ne3A_3127 : i1
      %add3A_3134 = arith.addi %rem3A_3125, %select_n3A_3124 : i32
      %select_n3A_3135 = arith.select %and3A_3133, %add3A_3134, %rem3A_3125 : i32
      %swap3A_3136 = arith.index_cast %select_n3A_3119 : i32 to index
      %swap3A_3137 = arith.index_cast %select_n3A_3135 : i32 to index
      %swap3A_3138 = tpu.vector_load %arg7[%swap3A_3136, %swap3A_3137] {strides = array<i32>} : memref<40x128xi32, #tpu.memory_space<vmem>>, vector<1x16xi32>,
      %swap3A_3139 = vector.shape_cast %swap3A_3138 : vector<1x16xi32> to vector<16xi32>
      %swap3A_3140 = vector.shape_cast %add3A_3095 : vector<16xi32> to vector<1x16xi32>
      tpu.vector_store %arg7[%swap3A_3136, %swap3A_3137], %swap3A_3140 {strides = array<i32>} : memref<40x128xi32, #tpu.memory_space<vmem>>, vector<1x16xi32>,
      %add3A_3141 = arith.constant 8 : i32
      %add3A_3142 = vector.broadcast %add3A_3141 : i32 to vector<16xi32>
      %add3A_3143 = arith.addi %mul3A_2303, %add3A_3142 : vector<16xi32>
      %jit3A_3144 = arith.constant 128 : i32
      %div3A_3145 = arith.divsi %add3A_3092, %jit3A_3144 : i32
      %sign3A_3146 = arith.constant 0 : i32
      %sign3A_3147 = arith.cmpi sgt, %add3A_3092, %sign3A_3146 : i32
      %sign3A_3148 = arith.extui %sign3A_3147 : i1 to i32
      %sign3A_3149 = arith.constant 0 : i32
      %sign3A_3150 = arith.cmpi slt, %add3A_3092, %sign3A_3149 : i32
      %sign3A_3151 = arith.extui %sign3A_3150 : i1 to i32
      %sign3A_3152 = arith.subi %sign3A_3148, %sign3A_3151 : i32
      %sign3A_3153 = arith.constant 0 : i32
      %sign3A_3154 = arith.cmpi sgt, %jit3A_3144, %sign3A_3153 : i32
      %sign3A_3155 = arith.extui %sign3A_3154 : i1 to i32
      %sign3A_3156 = arith.constant 0 : i32
      %sign3A_3157 = arith.cmpi slt, %jit3A_3144, %sign3A_3156 : i32
      %sign3A_3158 = arith.extui %sign3A_3157 : i1 to i32
      %sign3A_3159 = arith.subi %sign3A_3155, %sign3A_3158 : i32
      %ne3A_3160 = arith.cmpi ne, %sign3A_3152, %sign3A_3159 : i32
      %rem3A_3161 = arith.remsi %add3A_3092, %jit3A_3144 : i32
      %ne3A_3162 = arith.constant 0 : i32
      %ne3A_3163 = arith.cmpi ne, %rem3A_3161, %ne3A_3162 : i32
      %and3A_3164 = arith.andi %ne3A_3160, %ne3A_3163 : i1
      %sub3A_3165 = arith.constant 1 : i32
      %sub3A_3166 = arith.subi %div3A_3145, %sub3A_3165 : i32
      %select_n3A_3167 = arith.select %and3A_3164, %sub3A_3166, %div3A_3145 : i32
      %jit3A_3168 = arith.constant 128 : i32
      %eq3A_3169 = arith.constant 0 : i32
      %eq3A_3170 = arith.cmpi eq, %jit3A_3168, %eq3A_3169 : i32
      %jit3A_3171 = arith.constant 1 : i32
      %select_n3A_3172 = arith.select %eq3A_3170, %jit3A_3171, %jit3A_3168 : i32
      %rem3A_3173 = arith.remsi %add3A_3092, %select_n3A_3172 : i32
      %ne3A_3174 = arith.constant 0 : i32
      %ne3A_3175 = arith.cmpi ne, %rem3A_3173, %ne3A_3174 : i32
      %lt3A_3176 = arith.constant 0 : i32
      %lt3A_3177 = arith.cmpi slt, %rem3A_3173, %lt3A_3176 : i32
      %lt3A_3178 = arith.constant 0 : i32
      %lt3A_3179 = arith.cmpi slt, %select_n3A_3172, %lt3A_3178 : i32
      %ne3A_3180 = arith.xori %lt3A_3177, %lt3A_3179 : i1
      %and3A_3181 = arith.andi %ne3A_3180, %ne3A_3175 : i1
      %add3A_3182 = arith.addi %rem3A_3173, %select_n3A_3172 : i32
      %select_n3A_3183 = arith.select %and3A_3181, %add3A_3182, %rem3A_3173 : i32
      %swap3A_3184 = arith.index_cast %select_n3A_3167 : i32 to index
      %swap3A_3185 = arith.index_cast %select_n3A_3183 : i32 to index
      %swap3A_3186 = tpu.vector_load %arg8[%swap3A_3184, %swap3A_3185] {strides = array<i32>} : memref<40x128xi32, #tpu.memory_space<vmem>>, vector<1x16xi32>,
      %swap3A_3187 = vector.shape_cast %swap3A_3186 : vector<1x16xi32> to vector<16xi32>
      %swap3A_3188 = vector.shape_cast %add3A_3143 : vector<16xi32> to vector<1x16xi32>
      tpu.vector_store %arg8[%swap3A_3184, %swap3A_3185], %swap3A_3188 {strides = array<i32>} : memref<40x128xi32, #tpu.memory_space<vmem>>, vector<1x16xi32>,
      %add3A_3189 = arith.constant 144 : i32
      %add3A_3190 = arith.addi %multiple_of3A_2306, %add3A_3189 : i32
      %add3A_3191 = arith.constant 9 : i32
      %add3A_3192 = vector.broadcast %add3A_3191 : i32 to vector<16xi32>
      %add3A_3193 = arith.addi %add3A_2300, %add3A_3192 : vector<16xi32>
      %jit3A_3194 = arith.constant 128 : i32
      %div3A_3195 = arith.divsi %add3A_3190, %jit3A_3194 : i32
      %sign3A_3196 = arith.constant 0 : i32
      %sign3A_3197 = arith.cmpi sgt, %add3A_3190, %sign3A_3196 : i32
      %sign3A_3198 = arith.extui %sign3A_3197 : i1 to i32
      %sign3A_3199 = arith.constant 0 : i32
      %sign3A_3200 = arith.cmpi slt, %add3A_3190, %sign3A_3199 : i32
      %sign3A_3201 = arith.extui %sign3A_3200 : i1 to i32
      %sign3A_3202 = arith.subi %sign3A_3198, %sign3A_3201 : i32
      %sign3A_3203 = arith.constant 0 : i32
      %sign3A_3204 = arith.cmpi sgt, %jit3A_3194, %sign3A_3203 : i32
      %sign3A_3205 = arith.extui %sign3A_3204 : i1 to i32
      %sign3A_3206 = arith.constant 0 : i32
      %sign3A_3207 = arith.cmpi slt, %jit3A_3194, %sign3A_3206 : i32
      %sign3A_3208 = arith.extui %sign3A_3207 : i1 to i32
      %sign3A_3209 = arith.subi %sign3A_3205, %sign3A_3208 : i32
      %ne3A_3210 = arith.cmpi ne, %sign3A_3202, %sign3A_3209 : i32
      %rem3A_3211 = arith.remsi %add3A_3190, %jit3A_3194 : i32
      %ne3A_3212 = arith.constant 0 : i32
      %ne3A_3213 = arith.cmpi ne, %rem3A_3211, %ne3A_3212 : i32
      %and3A_3214 = arith.andi %ne3A_3210, %ne3A_3213 : i1
      %sub3A_3215 = arith.constant 1 : i32
      %sub3A_3216 = arith.subi %div3A_3195, %sub3A_3215 : i32
      %select_n3A_3217 = arith.select %and3A_3214, %sub3A_3216, %div3A_3195 : i32
      %jit3A_3218 = arith.constant 128 : i32
      %eq3A_3219 = arith.constant 0 : i32
      %eq3A_3220 = arith.cmpi eq, %jit3A_3218, %eq3A_3219 : i32
      %jit3A_3221 = arith.constant 1 : i32
      %select_n3A_3222 = arith.select %eq3A_3220, %jit3A_3221, %jit3A_3218 : i32
      %rem3A_3223 = arith.remsi %add3A_3190, %select_n3A_3222 : i32
      %ne3A_3224 = arith.constant 0 : i32
      %ne3A_3225 = arith.cmpi ne, %rem3A_3223, %ne3A_3224 : i32
      %lt3A_3226 = arith.constant 0 : i32
      %lt3A_3227 = arith.cmpi slt, %rem3A_3223, %lt3A_3226 : i32
      %lt3A_3228 = arith.constant 0 : i32
      %lt3A_3229 = arith.cmpi slt, %select_n3A_3222, %lt3A_3228 : i32
      %ne3A_3230 = arith.xori %lt3A_3227, %lt3A_3229 : i1
      %and3A_3231 = arith.andi %ne3A_3230, %ne3A_3225 : i1
      %add3A_3232 = arith.addi %rem3A_3223, %select_n3A_3222 : i32
      %select_n3A_3233 = arith.select %and3A_3231, %add3A_3232, %rem3A_3223 : i32
      %swap3A_3234 = arith.index_cast %select_n3A_3217 : i32 to index
      %swap3A_3235 = arith.index_cast %select_n3A_3233 : i32 to index
      %swap3A_3236 = tpu.vector_load %arg7[%swap3A_3234, %swap3A_3235] {strides = array<i32>} : memref<40x128xi32, #tpu.memory_space<vmem>>, vector<1x16xi32>,
      %swap3A_3237 = vector.shape_cast %swap3A_3236 : vector<1x16xi32> to vector<16xi32>
      %swap3A_3238 = vector.shape_cast %add3A_3193 : vector<16xi32> to vector<1x16xi32>
      tpu.vector_store %arg7[%swap3A_3234, %swap3A_3235], %swap3A_3238 {strides = array<i32>} : memref<40x128xi32, #tpu.memory_space<vmem>>, vector<1x16xi32>,
      %add3A_3239 = arith.constant 9 : i32
      %add3A_3240 = vector.broadcast %add3A_3239 : i32 to vector<16xi32>
      %add3A_3241 = arith.addi %mul3A_2303, %add3A_3240 : vector<16xi32>
      %jit3A_3242 = arith.constant 128 : i32
      %div3A_3243 = arith.divsi %add3A_3190, %jit3A_3242 : i32
      %sign3A_3244 = arith.constant 0 : i32
      %sign3A_3245 = arith.cmpi sgt, %add3A_3190, %sign3A_3244 : i32
      %sign3A_3246 = arith.extui %sign3A_3245 : i1 to i32
      %sign3A_3247 = arith.constant 0 : i32
      %sign3A_3248 = arith.cmpi slt, %add3A_3190, %sign3A_3247 : i32
      %sign3A_3249 = arith.extui %sign3A_3248 : i1 to i32
      %sign3A_3250 = arith.subi %sign3A_3246, %sign3A_3249 : i32
      %sign3A_3251 = arith.constant 0 : i32
      %sign3A_3252 = arith.cmpi sgt, %jit3A_3242, %sign3A_3251 : i32
      %sign3A_3253 = arith.extui %sign3A_3252 : i1 to i32
      %sign3A_3254 = arith.constant 0 : i32
      %sign3A_3255 = arith.cmpi slt, %jit3A_3242, %sign3A_3254 : i32
      %sign3A_3256 = arith.extui %sign3A_3255 : i1 to i32
      %sign3A_3257 = arith.subi %sign3A_3253, %sign3A_3256 : i32
      %ne3A_3258 = arith.cmpi ne, %sign3A_3250, %sign3A_3257 : i32
      %rem3A_3259 = arith.remsi %add3A_3190, %jit3A_3242 : i32
      %ne3A_3260 = arith.constant 0 : i32
      %ne3A_3261 = arith.cmpi ne, %rem3A_3259, %ne3A_3260 : i32
      %and3A_3262 = arith.andi %ne3A_3258, %ne3A_3261 : i1
      %sub3A_3263 = arith.constant 1 : i32
      %sub3A_3264 = arith.subi %div3A_3243, %sub3A_3263 : i32
      %select_n3A_3265 = arith.select %and3A_3262, %sub3A_3264, %div3A_3243 : i32
      %jit3A_3266 = arith.constant 128 : i32
      %eq3A_3267 = arith.constant 0 : i32
      %eq3A_3268 = arith.cmpi eq, %jit3A_3266, %eq3A_3267 : i32
      %jit3A_3269 = arith.constant 1 : i32
      %select_n3A_3270 = arith.select %eq3A_3268, %jit3A_3269, %jit3A_3266 : i32
      %rem3A_3271 = arith.remsi %add3A_3190, %select_n3A_3270 : i32
      %ne3A_3272 = arith.constant 0 : i32
      %ne3A_3273 = arith.cmpi ne, %rem3A_3271, %ne3A_3272 : i32
      %lt3A_3274 = arith.constant 0 : i32
      %lt3A_3275 = arith.cmpi slt, %rem3A_3271, %lt3A_3274 : i32
      %lt3A_3276 = arith.constant 0 : i32
      %lt3A_3277 = arith.cmpi slt, %select_n3A_3270, %lt3A_3276 : i32
      %ne3A_3278 = arith.xori %lt3A_3275, %lt3A_3277 : i1
      %and3A_3279 = arith.andi %ne3A_3278, %ne3A_3273 : i1
      %add3A_3280 = arith.addi %rem3A_3271, %select_n3A_3270 : i32
      %select_n3A_3281 = arith.select %and3A_3279, %add3A_3280, %rem3A_3271 : i32
      %swap3A_3282 = arith.index_cast %select_n3A_3265 : i32 to index
      %swap3A_3283 = arith.index_cast %select_n3A_3281 : i32 to index
      %swap3A_3284 = tpu.vector_load %arg8[%swap3A_3282, %swap3A_3283] {strides = array<i32>} : memref<40x128xi32, #tpu.memory_space<vmem>>, vector<1x16xi32>,
      %swap3A_3285 = vector.shape_cast %swap3A_3284 : vector<1x16xi32> to vector<16xi32>
      %swap3A_3286 = vector.shape_cast %add3A_3241 : vector<16xi32> to vector<1x16xi32>
      tpu.vector_store %arg8[%swap3A_3282, %swap3A_3283], %swap3A_3286 {strides = array<i32>} : memref<40x128xi32, #tpu.memory_space<vmem>>, vector<1x16xi32>,
    }
    %scan3A_7 = arith.constant 32 : i32
    %dma_start3A = arith.constant 0 : i32
    %dma_start3A_8 = arith.constant 0 : i32
    %dma_start3A_9 = tpu.memref_slice %arg9[%dma_start3A_8] : memref<5120xf32, #tpu.memory_space<vmem>> -> memref<128xf32, #tpu.memory_space<vmem>>
    %dma_start3A_10 = arith.constant 0 : i32
    %dma_start3A_11 = tpu.memref_slice %arg7[%dma_start3A, %dma_start3A_10] : memref<40x128xi32, #tpu.memory_space<vmem>> -> memref<1x128xi32, #tpu.memory_space<vmem>>
    %dma_start3A_12 = tpu.memref_squeeze %dma_start3A_11 : memref<1x128xi32, #tpu.memory_space<vmem>> -> memref<128xi32, #tpu.memory_space<vmem>>
    %dma_start3A_13 = arith.constant 0 : i32
    %dma_start3A_14 = tpu.memref_slice %arg2[%dma_start3A_13] : memref<1638400xf32, #tpu.memory_space<hbm>> -> memref<1638400xf32, #tpu.memory_space<hbm>>
    tpu.enqueue_indirect_dma source(%dma_start3A_14 : memref<1638400xf32, #tpu.memory_space<hbm>>) target(%dma_start3A_9 : memref<128xf32, #tpu.memory_space<vmem>>) offsets(%dma_start3A_12 : memref<128xi32, #tpu.memory_space<vmem>>) semaphore(%arg12 : memref<!tpu.dma_semaphore, #tpu.memory_space<semaphore_mem>>)
    %dma_start3A_15 = arith.constant 1 : i32
    %dma_start3A_16 = arith.constant 128 : i32
    %dma_start3A_17 = tpu.memref_slice %arg9[%dma_start3A_16] : memref<5120xf32, #tpu.memory_space<vmem>> -> memref<128xf32, #tpu.memory_space<vmem>>
    %dma_start3A_18 = arith.constant 0 : i32
    %dma_start3A_19 = tpu.memref_slice %arg7[%dma_start3A_15, %dma_start3A_18] : memref<40x128xi32, #tpu.memory_space<vmem>> -> memref<1x128xi32, #tpu.memory_space<vmem>>
    %dma_start3A_20 = tpu.memref_squeeze %dma_start3A_19 : memref<1x128xi32, #tpu.memory_space<vmem>> -> memref<128xi32, #tpu.memory_space<vmem>>
    %dma_start3A_21 = arith.constant 0 : i32
    %dma_start3A_22 = tpu.memref_slice %arg2[%dma_start3A_21] : memref<1638400xf32, #tpu.memory_space<hbm>> -> memref<1638400xf32, #tpu.memory_space<hbm>>
    tpu.enqueue_indirect_dma source(%dma_start3A_22 : memref<1638400xf32, #tpu.memory_space<hbm>>) target(%dma_start3A_17 : memref<128xf32, #tpu.memory_space<vmem>>) offsets(%dma_start3A_20 : memref<128xi32, #tpu.memory_space<vmem>>) semaphore(%arg12 : memref<!tpu.dma_semaphore, #tpu.memory_space<semaphore_mem>>)
    %dma_start3A_23 = arith.constant 2 : i32
    %dma_start3A_24 = arith.constant 256 : i32
    %dma_start3A_25 = tpu.memref_slice %arg9[%dma_start3A_24] : memref<5120xf32, #tpu.memory_space<vmem>> -> memref<128xf32, #tpu.memory_space<vmem>>
    %dma_start3A_26 = arith.constant 0 : i32
    %dma_start3A_27 = tpu.memref_slice %arg7[%dma_start3A_23, %dma_start3A_26] : memref<40x128xi32, #tpu.memory_space<vmem>> -> memref<1x128xi32, #tpu.memory_space<vmem>>
    %dma_start3A_28 = tpu.memref_squeeze %dma_start3A_27 : memref<1x128xi32, #tpu.memory_space<vmem>> -> memref<128xi32, #tpu.memory_space<vmem>>
    %dma_start3A_29 = arith.constant 0 : i32
    %dma_start3A_30 = tpu.memref_slice %arg2[%dma_start3A_29] : memref<1638400xf32, #tpu.memory_space<hbm>> -> memref<1638400xf32, #tpu.memory_space<hbm>>
    tpu.enqueue_indirect_dma source(%dma_start3A_30 : memref<1638400xf32, #tpu.memory_space<hbm>>) target(%dma_start3A_25 : memref<128xf32, #tpu.memory_space<vmem>>) offsets(%dma_start3A_28 : memref<128xi32, #tpu.memory_space<vmem>>) semaphore(%arg12 : memref<!tpu.dma_semaphore, #tpu.memory_space<semaphore_mem>>)
    %dma_start3A_31 = arith.constant 3 : i32
    %dma_start3A_32 = arith.constant 384 : i32
    %dma_start3A_33 = tpu.memref_slice %arg9[%dma_start3A_32] : memref<5120xf32, #tpu.memory_space<vmem>> -> memref<128xf32, #tpu.memory_space<vmem>>
    %dma_start3A_34 = arith.constant 0 : i32
    %dma_start3A_35 = tpu.memref_slice %arg7[%dma_start3A_31, %dma_start3A_34] : memref<40x128xi32, #tpu.memory_space<vmem>> -> memref<1x128xi32, #tpu.memory_space<vmem>>
    %dma_start3A_36 = tpu.memref_squeeze %dma_start3A_35 : memref<1x128xi32, #tpu.memory_space<vmem>> -> memref<128xi32, #tpu.memory_space<vmem>>
    %dma_start3A_37 = arith.constant 0 : i32
    %dma_start3A_38 = tpu.memref_slice %arg2[%dma_start3A_37] : memref<1638400xf32, #tpu.memory_space<hbm>> -> memref<1638400xf32, #tpu.memory_space<hbm>>
    tpu.enqueue_indirect_dma source(%dma_start3A_38 : memref<1638400xf32, #tpu.memory_space<hbm>>) target(%dma_start3A_33 : memref<128xf32, #tpu.memory_space<vmem>>) offsets(%dma_start3A_36 : memref<128xi32, #tpu.memory_space<vmem>>) semaphore(%arg12 : memref<!tpu.dma_semaphore, #tpu.memory_space<semaphore_mem>>)
    %dma_start3A_39 = arith.constant 4 : i32
    %dma_start3A_40 = arith.constant 512 : i32
    %dma_start3A_41 = tpu.memref_slice %arg9[%dma_start3A_40] : memref<5120xf32, #tpu.memory_space<vmem>> -> memref<128xf32, #tpu.memory_space<vmem>>
    %dma_start3A_42 = arith.constant 0 : i32
    %dma_start3A_43 = tpu.memref_slice %arg7[%dma_start3A_39, %dma_start3A_42] : memref<40x128xi32, #tpu.memory_space<vmem>> -> memref<1x128xi32, #tpu.memory_space<vmem>>
    %dma_start3A_44 = tpu.memref_squeeze %dma_start3A_43 : memref<1x128xi32, #tpu.memory_space<vmem>> -> memref<128xi32, #tpu.memory_space<vmem>>
    %dma_start3A_45 = arith.constant 0 : i32
    %dma_start3A_46 = tpu.memref_slice %arg2[%dma_start3A_45] : memref<1638400xf32, #tpu.memory_space<hbm>> -> memref<1638400xf32, #tpu.memory_space<hbm>>
    tpu.enqueue_indirect_dma source(%dma_start3A_46 : memref<1638400xf32, #tpu.memory_space<hbm>>) target(%dma_start3A_41 : memref<128xf32, #tpu.memory_space<vmem>>) offsets(%dma_start3A_44 : memref<128xi32, #tpu.memory_space<vmem>>) semaphore(%arg12 : memref<!tpu.dma_semaphore, #tpu.memory_space<semaphore_mem>>)
    %dma_start3A_47 = arith.constant 5 : i32
    %dma_start3A_48 = arith.constant 640 : i32
    %dma_start3A_49 = tpu.memref_slice %arg9[%dma_start3A_48] : memref<5120xf32, #tpu.memory_space<vmem>> -> memref<128xf32, #tpu.memory_space<vmem>>
    %dma_start3A_50 = arith.constant 0 : i32
    %dma_start3A_51 = tpu.memref_slice %arg7[%dma_start3A_47, %dma_start3A_50] : memref<40x128xi32, #tpu.memory_space<vmem>> -> memref<1x128xi32, #tpu.memory_space<vmem>>
    %dma_start3A_52 = tpu.memref_squeeze %dma_start3A_51 : memref<1x128xi32, #tpu.memory_space<vmem>> -> memref<128xi32, #tpu.memory_space<vmem>>
    %dma_start3A_53 = arith.constant 0 : i32
    %dma_start3A_54 = tpu.memref_slice %arg2[%dma_start3A_53] : memref<1638400xf32, #tpu.memory_space<hbm>> -> memref<1638400xf32, #tpu.memory_space<hbm>>
    tpu.enqueue_indirect_dma source(%dma_start3A_54 : memref<1638400xf32, #tpu.memory_space<hbm>>) target(%dma_start3A_49 : memref<128xf32, #tpu.memory_space<vmem>>) offsets(%dma_start3A_52 : memref<128xi32, #tpu.memory_space<vmem>>) semaphore(%arg12 : memref<!tpu.dma_semaphore, #tpu.memory_space<semaphore_mem>>)
    %dma_start3A_55 = arith.constant 6 : i32
    %dma_start3A_56 = arith.constant 768 : i32
    %dma_start3A_57 = tpu.memref_slice %arg9[%dma_start3A_56] : memref<5120xf32, #tpu.memory_space<vmem>> -> memref<128xf32, #tpu.memory_space<vmem>>
    %dma_start3A_58 = arith.constant 0 : i32
    %dma_start3A_59 = tpu.memref_slice %arg7[%dma_start3A_55, %dma_start3A_58] : memref<40x128xi32, #tpu.memory_space<vmem>> -> memref<1x128xi32, #tpu.memory_space<vmem>>
    %dma_start3A_60 = tpu.memref_squeeze %dma_start3A_59 : memref<1x128xi32, #tpu.memory_space<vmem>> -> memref<128xi32, #tpu.memory_space<vmem>>
    %dma_start3A_61 = arith.constant 0 : i32
    %dma_start3A_62 = tpu.memref_slice %arg2[%dma_start3A_61] : memref<1638400xf32, #tpu.memory_space<hbm>> -> memref<1638400xf32, #tpu.memory_space<hbm>>
    tpu.enqueue_indirect_dma source(%dma_start3A_62 : memref<1638400xf32, #tpu.memory_space<hbm>>) target(%dma_start3A_57 : memref<128xf32, #tpu.memory_space<vmem>>) offsets(%dma_start3A_60 : memref<128xi32, #tpu.memory_space<vmem>>) semaphore(%arg12 : memref<!tpu.dma_semaphore, #tpu.memory_space<semaphore_mem>>)
    %dma_start3A_63 = arith.constant 7 : i32
    %dma_start3A_64 = arith.constant 896 : i32
    %dma_start3A_65 = tpu.memref_slice %arg9[%dma_start3A_64] : memref<5120xf32, #tpu.memory_space<vmem>> -> memref<128xf32, #tpu.memory_space<vmem>>
    %dma_start3A_66 = arith.constant 0 : i32
    %dma_start3A_67 = tpu.memref_slice %arg7[%dma_start3A_63, %dma_start3A_66] : memref<40x128xi32, #tpu.memory_space<vmem>> -> memref<1x128xi32, #tpu.memory_space<vmem>>
    %dma_start3A_68 = tpu.memref_squeeze %dma_start3A_67 : memref<1x128xi32, #tpu.memory_space<vmem>> -> memref<128xi32, #tpu.memory_space<vmem>>
    %dma_start3A_69 = arith.constant 0 : i32
    %dma_start3A_70 = tpu.memref_slice %arg2[%dma_start3A_69] : memref<1638400xf32, #tpu.memory_space<hbm>> -> memref<1638400xf32, #tpu.memory_space<hbm>>
    tpu.enqueue_indirect_dma source(%dma_start3A_70 : memref<1638400xf32, #tpu.memory_space<hbm>>) target(%dma_start3A_65 : memref<128xf32, #tpu.memory_space<vmem>>) offsets(%dma_start3A_68 : memref<128xi32, #tpu.memory_space<vmem>>) semaphore(%arg12 : memref<!tpu.dma_semaphore, #tpu.memory_space<semaphore_mem>>)
    %dma_start3A_71 = arith.constant 8 : i32
    %dma_start3A_72 = arith.constant 1024 : i32
    %dma_start3A_73 = tpu.memref_slice %arg9[%dma_start3A_72] : memref<5120xf32, #tpu.memory_space<vmem>> -> memref<128xf32, #tpu.memory_space<vmem>>
    %dma_start3A_74 = arith.constant 0 : i32
    %dma_start3A_75 = tpu.memref_slice %arg7[%dma_start3A_71, %dma_start3A_74] : memref<40x128xi32, #tpu.memory_space<vmem>> -> memref<1x128xi32, #tpu.memory_space<vmem>>
    %dma_start3A_76 = tpu.memref_squeeze %dma_start3A_75 : memref<1x128xi32, #tpu.memory_space<vmem>> -> memref<128xi32, #tpu.memory_space<vmem>>
    %dma_start3A_77 = arith.constant 0 : i32
    %dma_start3A_78 = tpu.memref_slice %arg2[%dma_start3A_77] : memref<1638400xf32, #tpu.memory_space<hbm>> -> memref<1638400xf32, #tpu.memory_space<hbm>>
    tpu.enqueue_indirect_dma source(%dma_start3A_78 : memref<1638400xf32, #tpu.memory_space<hbm>>) target(%dma_start3A_73 : memref<128xf32, #tpu.memory_space<vmem>>) offsets(%dma_start3A_76 : memref<128xi32, #tpu.memory_space<vmem>>) semaphore(%arg12 : memref<!tpu.dma_semaphore, #tpu.memory_space<semaphore_mem>>)
    %dma_start3A_79 = arith.constant 9 : i32
    %dma_start3A_80 = arith.constant 1152 : i32
    %dma_start3A_81 = tpu.memref_slice %arg9[%dma_start3A_80] : memref<5120xf32, #tpu.memory_space<vmem>> -> memref<128xf32, #tpu.memory_space<vmem>>
    %dma_start3A_82 = arith.constant 0 : i32
    %dma_start3A_83 = tpu.memref_slice %arg7[%dma_start3A_79, %dma_start3A_82] : memref<40x128xi32, #tpu.memory_space<vmem>> -> memref<1x128xi32, #tpu.memory_space<vmem>>
    %dma_start3A_84 = tpu.memref_squeeze %dma_start3A_83 : memref<1x128xi32, #tpu.memory_space<vmem>> -> memref<128xi32, #tpu.memory_space<vmem>>
    %dma_start3A_85 = arith.constant 0 : i32
    %dma_start3A_86 = tpu.memref_slice %arg2[%dma_start3A_85] : memref<1638400xf32, #tpu.memory_space<hbm>> -> memref<1638400xf32, #tpu.memory_space<hbm>>
    tpu.enqueue_indirect_dma source(%dma_start3A_86 : memref<1638400xf32, #tpu.memory_space<hbm>>) target(%dma_start3A_81 : memref<128xf32, #tpu.memory_space<vmem>>) offsets(%dma_start3A_84 : memref<128xi32, #tpu.memory_space<vmem>>) semaphore(%arg12 : memref<!tpu.dma_semaphore, #tpu.memory_space<semaphore_mem>>)
    %dma_start3A_87 = arith.constant 10 : i32
    %dma_start3A_88 = arith.constant 1280 : i32
    %dma_start3A_89 = tpu.memref_slice %arg9[%dma_start3A_88] : memref<5120xf32, #tpu.memory_space<vmem>> -> memref<128xf32, #tpu.memory_space<vmem>>
    %dma_start3A_90 = arith.constant 0 : i32
    %dma_start3A_91 = tpu.memref_slice %arg7[%dma_start3A_87, %dma_start3A_90] : memref<40x128xi32, #tpu.memory_space<vmem>> -> memref<1x128xi32, #tpu.memory_space<vmem>>
    %dma_start3A_92 = tpu.memref_squeeze %dma_start3A_91 : memref<1x128xi32, #tpu.memory_space<vmem>> -> memref<128xi32, #tpu.memory_space<vmem>>
    %dma_start3A_93 = arith.constant 0 : i32
    %dma_start3A_94 = tpu.memref_slice %arg2[%dma_start3A_93] : memref<1638400xf32, #tpu.memory_space<hbm>> -> memref<1638400xf32, #tpu.memory_space<hbm>>
    tpu.enqueue_indirect_dma source(%dma_start3A_94 : memref<1638400xf32, #tpu.memory_space<hbm>>) target(%dma_start3A_89 : memref<128xf32, #tpu.memory_space<vmem>>) offsets(%dma_start3A_92 : memref<128xi32, #tpu.memory_space<vmem>>) semaphore(%arg12 : memref<!tpu.dma_semaphore, #tpu.memory_space<semaphore_mem>>)
    %dma_start3A_95 = arith.constant 11 : i32
    %dma_start3A_96 = arith.constant 1408 : i32
    %dma_start3A_97 = tpu.memref_slice %arg9[%dma_start3A_96] : memref<5120xf32, #tpu.memory_space<vmem>> -> memref<128xf32, #tpu.memory_space<vmem>>
    %dma_start3A_98 = arith.constant 0 : i32
    %dma_start3A_99 = tpu.memref_slice %arg7[%dma_start3A_95, %dma_start3A_98] : memref<40x128xi32, #tpu.memory_space<vmem>> -> memref<1x128xi32, #tpu.memory_space<vmem>>
    %dma_start3A_100 = tpu.memref_squeeze %dma_start3A_99 : memref<1x128xi32, #tpu.memory_space<vmem>> -> memref<128xi32, #tpu.memory_space<vmem>>
    %dma_start3A_101 = arith.constant 0 : i32
    %dma_start3A_102 = tpu.memref_slice %arg2[%dma_start3A_101] : memref<1638400xf32, #tpu.memory_space<hbm>> -> memref<1638400xf32, #tpu.memory_space<hbm>>
    tpu.enqueue_indirect_dma source(%dma_start3A_102 : memref<1638400xf32, #tpu.memory_space<hbm>>) target(%dma_start3A_97 : memref<128xf32, #tpu.memory_space<vmem>>) offsets(%dma_start3A_100 : memref<128xi32, #tpu.memory_space<vmem>>) semaphore(%arg12 : memref<!tpu.dma_semaphore, #tpu.memory_space<semaphore_mem>>)
    %dma_start3A_103 = arith.constant 12 : i32
    %dma_start3A_104 = arith.constant 1536 : i32
    %dma_start3A_105 = tpu.memref_slice %arg9[%dma_start3A_104] : memref<5120xf32, #tpu.memory_space<vmem>> -> memref<128xf32, #tpu.memory_space<vmem>>
    %dma_start3A_106 = arith.constant 0 : i32
    %dma_start3A_107 = tpu.memref_slice %arg7[%dma_start3A_103, %dma_start3A_106] : memref<40x128xi32, #tpu.memory_space<vmem>> -> memref<1x128xi32, #tpu.memory_space<vmem>>
    %dma_start3A_108 = tpu.memref_squeeze %dma_start3A_107 : memref<1x128xi32, #tpu.memory_space<vmem>> -> memref<128xi32, #tpu.memory_space<vmem>>
    %dma_start3A_109 = arith.constant 0 : i32
    %dma_start3A_110 = tpu.memref_slice %arg2[%dma_start3A_109] : memref<1638400xf32, #tpu.memory_space<hbm>> -> memref<1638400xf32, #tpu.memory_space<hbm>>
    tpu.enqueue_indirect_dma source(%dma_start3A_110 : memref<1638400xf32, #tpu.memory_space<hbm>>) target(%dma_start3A_105 : memref<128xf32, #tpu.memory_space<vmem>>) offsets(%dma_start3A_108 : memref<128xi32, #tpu.memory_space<vmem>>) semaphore(%arg12 : memref<!tpu.dma_semaphore, #tpu.memory_space<semaphore_mem>>)
    %dma_start3A_111 = arith.constant 13 : i32
    %dma_start3A_112 = arith.constant 1664 : i32
    %dma_start3A_113 = tpu.memref_slice %arg9[%dma_start3A_112] : memref<5120xf32, #tpu.memory_space<vmem>> -> memref<128xf32, #tpu.memory_space<vmem>>
    %dma_start3A_114 = arith.constant 0 : i32
    %dma_start3A_115 = tpu.memref_slice %arg7[%dma_start3A_111, %dma_start3A_114] : memref<40x128xi32, #tpu.memory_space<vmem>> -> memref<1x128xi32, #tpu.memory_space<vmem>>
    %dma_start3A_116 = tpu.memref_squeeze %dma_start3A_115 : memref<1x128xi32, #tpu.memory_space<vmem>> -> memref<128xi32, #tpu.memory_space<vmem>>
    %dma_start3A_117 = arith.constant 0 : i32
    %dma_start3A_118 = tpu.memref_slice %arg2[%dma_start3A_117] : memref<1638400xf32, #tpu.memory_space<hbm>> -> memref<1638400xf32, #tpu.memory_space<hbm>>
    tpu.enqueue_indirect_dma source(%dma_start3A_118 : memref<1638400xf32, #tpu.memory_space<hbm>>) target(%dma_start3A_113 : memref<128xf32, #tpu.memory_space<vmem>>) offsets(%dma_start3A_116 : memref<128xi32, #tpu.memory_space<vmem>>) semaphore(%arg12 : memref<!tpu.dma_semaphore, #tpu.memory_space<semaphore_mem>>)
    %dma_start3A_119 = arith.constant 14 : i32
    %dma_start3A_120 = arith.constant 1792 : i32
    %dma_start3A_121 = tpu.memref_slice %arg9[%dma_start3A_120] : memref<5120xf32, #tpu.memory_space<vmem>> -> memref<128xf32, #tpu.memory_space<vmem>>
    %dma_start3A_122 = arith.constant 0 : i32
    %dma_start3A_123 = tpu.memref_slice %arg7[%dma_start3A_119, %dma_start3A_122] : memref<40x128xi32, #tpu.memory_space<vmem>> -> memref<1x128xi32, #tpu.memory_space<vmem>>
    %dma_start3A_124 = tpu.memref_squeeze %dma_start3A_123 : memref<1x128xi32, #tpu.memory_space<vmem>> -> memref<128xi32, #tpu.memory_space<vmem>>
    %dma_start3A_125 = arith.constant 0 : i32
    %dma_start3A_126 = tpu.memref_slice %arg2[%dma_start3A_125] : memref<1638400xf32, #tpu.memory_space<hbm>> -> memref<1638400xf32, #tpu.memory_space<hbm>>
    tpu.enqueue_indirect_dma source(%dma_start3A_126 : memref<1638400xf32, #tpu.memory_space<hbm>>) target(%dma_start3A_121 : memref<128xf32, #tpu.memory_space<vmem>>) offsets(%dma_start3A_124 : memref<128xi32, #tpu.memory_space<vmem>>) semaphore(%arg12 : memref<!tpu.dma_semaphore, #tpu.memory_space<semaphore_mem>>)
    %dma_start3A_127 = arith.constant 15 : i32
    %dma_start3A_128 = arith.constant 1920 : i32
    %dma_start3A_129 = tpu.memref_slice %arg9[%dma_start3A_128] : memref<5120xf32, #tpu.memory_space<vmem>> -> memref<128xf32, #tpu.memory_space<vmem>>
    %dma_start3A_130 = arith.constant 0 : i32
    %dma_start3A_131 = tpu.memref_slice %arg7[%dma_start3A_127, %dma_start3A_130] : memref<40x128xi32, #tpu.memory_space<vmem>> -> memref<1x128xi32, #tpu.memory_space<vmem>>
    %dma_start3A_132 = tpu.memref_squeeze %dma_start3A_131 : memref<1x128xi32, #tpu.memory_space<vmem>> -> memref<128xi32, #tpu.memory_space<vmem>>
    %dma_start3A_133 = arith.constant 0 : i32
    %dma_start3A_134 = tpu.memref_slice %arg2[%dma_start3A_133] : memref<1638400xf32, #tpu.memory_space<hbm>> -> memref<1638400xf32, #tpu.memory_space<hbm>>
    tpu.enqueue_indirect_dma source(%dma_start3A_134 : memref<1638400xf32, #tpu.memory_space<hbm>>) target(%dma_start3A_129 : memref<128xf32, #tpu.memory_space<vmem>>) offsets(%dma_start3A_132 : memref<128xi32, #tpu.memory_space<vmem>>) semaphore(%arg12 : memref<!tpu.dma_semaphore, #tpu.memory_space<semaphore_mem>>)
    %dma_start3A_135 = arith.constant 16 : i32
    %dma_start3A_136 = arith.constant 2048 : i32
    %dma_start3A_137 = tpu.memref_slice %arg9[%dma_start3A_136] : memref<5120xf32, #tpu.memory_space<vmem>> -> memref<128xf32, #tpu.memory_space<vmem>>
    %dma_start3A_138 = arith.constant 0 : i32
    %dma_start3A_139 = tpu.memref_slice %arg7[%dma_start3A_135, %dma_start3A_138] : memref<40x128xi32, #tpu.memory_space<vmem>> -> memref<1x128xi32, #tpu.memory_space<vmem>>
    %dma_start3A_140 = tpu.memref_squeeze %dma_start3A_139 : memref<1x128xi32, #tpu.memory_space<vmem>> -> memref<128xi32, #tpu.memory_space<vmem>>
    %dma_start3A_141 = arith.constant 0 : i32
    %dma_start3A_142 = tpu.memref_slice %arg2[%dma_start3A_141] : memref<1638400xf32, #tpu.memory_space<hbm>> -> memref<1638400xf32, #tpu.memory_space<hbm>>
    tpu.enqueue_indirect_dma source(%dma_start3A_142 : memref<1638400xf32, #tpu.memory_space<hbm>>) target(%dma_start3A_137 : memref<128xf32, #tpu.memory_space<vmem>>) offsets(%dma_start3A_140 : memref<128xi32, #tpu.memory_space<vmem>>) semaphore(%arg12 : memref<!tpu.dma_semaphore, #tpu.memory_space<semaphore_mem>>)
    %dma_start3A_143 = arith.constant 17 : i32
    %dma_start3A_144 = arith.constant 2176 : i32
    %dma_start3A_145 = tpu.memref_slice %arg9[%dma_start3A_144] : memref<5120xf32, #tpu.memory_space<vmem>> -> memref<128xf32, #tpu.memory_space<vmem>>
    %dma_start3A_146 = arith.constant 0 : i32
    %dma_start3A_147 = tpu.memref_slice %arg7[%dma_start3A_143, %dma_start3A_146] : memref<40x128xi32, #tpu.memory_space<vmem>> -> memref<1x128xi32, #tpu.memory_space<vmem>>
    %dma_start3A_148 = tpu.memref_squeeze %dma_start3A_147 : memref<1x128xi32, #tpu.memory_space<vmem>> -> memref<128xi32, #tpu.memory_space<vmem>>
    %dma_start3A_149 = arith.constant 0 : i32
    %dma_start3A_150 = tpu.memref_slice %arg2[%dma_start3A_149] : memref<1638400xf32, #tpu.memory_space<hbm>> -> memref<1638400xf32, #tpu.memory_space<hbm>>
    tpu.enqueue_indirect_dma source(%dma_start3A_150 : memref<1638400xf32, #tpu.memory_space<hbm>>) target(%dma_start3A_145 : memref<128xf32, #tpu.memory_space<vmem>>) offsets(%dma_start3A_148 : memref<128xi32, #tpu.memory_space<vmem>>) semaphore(%arg12 : memref<!tpu.dma_semaphore, #tpu.memory_space<semaphore_mem>>)
    %dma_start3A_151 = arith.constant 18 : i32
    %dma_start3A_152 = arith.constant 2304 : i32
    %dma_start3A_153 = tpu.memref_slice %arg9[%dma_start3A_152] : memref<5120xf32, #tpu.memory_space<vmem>> -> memref<128xf32, #tpu.memory_space<vmem>>
    %dma_start3A_154 = arith.constant 0 : i32
    %dma_start3A_155 = tpu.memref_slice %arg7[%dma_start3A_151, %dma_start3A_154] : memref<40x128xi32, #tpu.memory_space<vmem>> -> memref<1x128xi32, #tpu.memory_space<vmem>>
    %dma_start3A_156 = tpu.memref_squeeze %dma_start3A_155 : memref<1x128xi32, #tpu.memory_space<vmem>> -> memref<128xi32, #tpu.memory_space<vmem>>
    %dma_start3A_157 = arith.constant 0 : i32
    %dma_start3A_158 = tpu.memref_slice %arg2[%dma_start3A_157] : memref<1638400xf32, #tpu.memory_space<hbm>> -> memref<1638400xf32, #tpu.memory_space<hbm>>
    tpu.enqueue_indirect_dma source(%dma_start3A_158 : memref<1638400xf32, #tpu.memory_space<hbm>>) target(%dma_start3A_153 : memref<128xf32, #tpu.memory_space<vmem>>) offsets(%dma_start3A_156 : memref<128xi32, #tpu.memory_space<vmem>>) semaphore(%arg12 : memref<!tpu.dma_semaphore, #tpu.memory_space<semaphore_mem>>)
    %dma_start3A_159 = arith.constant 19 : i32
    %dma_start3A_160 = arith.constant 2432 : i32
    %dma_start3A_161 = tpu.memref_slice %arg9[%dma_start3A_160] : memref<5120xf32, #tpu.memory_space<vmem>> -> memref<128xf32, #tpu.memory_space<vmem>>
    %dma_start3A_162 = arith.constant 0 : i32
    %dma_start3A_163 = tpu.memref_slice %arg7[%dma_start3A_159, %dma_start3A_162] : memref<40x128xi32, #tpu.memory_space<vmem>> -> memref<1x128xi32, #tpu.memory_space<vmem>>
    %dma_start3A_164 = tpu.memref_squeeze %dma_start3A_163 : memref<1x128xi32, #tpu.memory_space<vmem>> -> memref<128xi32, #tpu.memory_space<vmem>>
    %dma_start3A_165 = arith.constant 0 : i32
    %dma_start3A_166 = tpu.memref_slice %arg2[%dma_start3A_165] : memref<1638400xf32, #tpu.memory_space<hbm>> -> memref<1638400xf32, #tpu.memory_space<hbm>>
    tpu.enqueue_indirect_dma source(%dma_start3A_166 : memref<1638400xf32, #tpu.memory_space<hbm>>) target(%dma_start3A_161 : memref<128xf32, #tpu.memory_space<vmem>>) offsets(%dma_start3A_164 : memref<128xi32, #tpu.memory_space<vmem>>) semaphore(%arg12 : memref<!tpu.dma_semaphore, #tpu.memory_space<semaphore_mem>>)
    %dma_start3A_167 = arith.constant 20 : i32
    %dma_start3A_168 = arith.constant 2560 : i32
    %dma_start3A_169 = tpu.memref_slice %arg9[%dma_start3A_168] : memref<5120xf32, #tpu.memory_space<vmem>> -> memref<128xf32, #tpu.memory_space<vmem>>
    %dma_start3A_170 = arith.constant 0 : i32
    %dma_start3A_171 = tpu.memref_slice %arg7[%dma_start3A_167, %dma_start3A_170] : memref<40x128xi32, #tpu.memory_space<vmem>> -> memref<1x128xi32, #tpu.memory_space<vmem>>
    %dma_start3A_172 = tpu.memref_squeeze %dma_start3A_171 : memref<1x128xi32, #tpu.memory_space<vmem>> -> memref<128xi32, #tpu.memory_space<vmem>>
    %dma_start3A_173 = arith.constant 0 : i32
    %dma_start3A_174 = tpu.memref_slice %arg2[%dma_start3A_173] : memref<1638400xf32, #tpu.memory_space<hbm>> -> memref<1638400xf32, #tpu.memory_space<hbm>>
    tpu.enqueue_indirect_dma source(%dma_start3A_174 : memref<1638400xf32, #tpu.memory_space<hbm>>) target(%dma_start3A_169 : memref<128xf32, #tpu.memory_space<vmem>>) offsets(%dma_start3A_172 : memref<128xi32, #tpu.memory_space<vmem>>) semaphore(%arg12 : memref<!tpu.dma_semaphore, #tpu.memory_space<semaphore_mem>>)
    %dma_start3A_175 = arith.constant 21 : i32
    %dma_start3A_176 = arith.constant 2688 : i32
    %dma_start3A_177 = tpu.memref_slice %arg9[%dma_start3A_176] : memref<5120xf32, #tpu.memory_space<vmem>> -> memref<128xf32, #tpu.memory_space<vmem>>
    %dma_start3A_178 = arith.constant 0 : i32
    %dma_start3A_179 = tpu.memref_slice %arg7[%dma_start3A_175, %dma_start3A_178] : memref<40x128xi32, #tpu.memory_space<vmem>> -> memref<1x128xi32, #tpu.memory_space<vmem>>
    %dma_start3A_180 = tpu.memref_squeeze %dma_start3A_179 : memref<1x128xi32, #tpu.memory_space<vmem>> -> memref<128xi32, #tpu.memory_space<vmem>>
    %dma_start3A_181 = arith.constant 0 : i32
    %dma_start3A_182 = tpu.memref_slice %arg2[%dma_start3A_181] : memref<1638400xf32, #tpu.memory_space<hbm>> -> memref<1638400xf32, #tpu.memory_space<hbm>>
    tpu.enqueue_indirect_dma source(%dma_start3A_182 : memref<1638400xf32, #tpu.memory_space<hbm>>) target(%dma_start3A_177 : memref<128xf32, #tpu.memory_space<vmem>>) offsets(%dma_start3A_180 : memref<128xi32, #tpu.memory_space<vmem>>) semaphore(%arg12 : memref<!tpu.dma_semaphore, #tpu.memory_space<semaphore_mem>>)
    %dma_start3A_183 = arith.constant 22 : i32
    %dma_start3A_184 = arith.constant 2816 : i32
    %dma_start3A_185 = tpu.memref_slice %arg9[%dma_start3A_184] : memref<5120xf32, #tpu.memory_space<vmem>> -> memref<128xf32, #tpu.memory_space<vmem>>
    %dma_start3A_186 = arith.constant 0 : i32
    %dma_start3A_187 = tpu.memref_slice %arg7[%dma_start3A_183, %dma_start3A_186] : memref<40x128xi32, #tpu.memory_space<vmem>> -> memref<1x128xi32, #tpu.memory_space<vmem>>
    %dma_start3A_188 = tpu.memref_squeeze %dma_start3A_187 : memref<1x128xi32, #tpu.memory_space<vmem>> -> memref<128xi32, #tpu.memory_space<vmem>>
    %dma_start3A_189 = arith.constant 0 : i32
    %dma_start3A_190 = tpu.memref_slice %arg2[%dma_start3A_189] : memref<1638400xf32, #tpu.memory_space<hbm>> -> memref<1638400xf32, #tpu.memory_space<hbm>>
    tpu.enqueue_indirect_dma source(%dma_start3A_190 : memref<1638400xf32, #tpu.memory_space<hbm>>) target(%dma_start3A_185 : memref<128xf32, #tpu.memory_space<vmem>>) offsets(%dma_start3A_188 : memref<128xi32, #tpu.memory_space<vmem>>) semaphore(%arg12 : memref<!tpu.dma_semaphore, #tpu.memory_space<semaphore_mem>>)
    %dma_start3A_191 = arith.constant 23 : i32
    %dma_start3A_192 = arith.constant 2944 : i32
    %dma_start3A_193 = tpu.memref_slice %arg9[%dma_start3A_192] : memref<5120xf32, #tpu.memory_space<vmem>> -> memref<128xf32, #tpu.memory_space<vmem>>
    %dma_start3A_194 = arith.constant 0 : i32
    %dma_start3A_195 = tpu.memref_slice %arg7[%dma_start3A_191, %dma_start3A_194] : memref<40x128xi32, #tpu.memory_space<vmem>> -> memref<1x128xi32, #tpu.memory_space<vmem>>
    %dma_start3A_196 = tpu.memref_squeeze %dma_start3A_195 : memref<1x128xi32, #tpu.memory_space<vmem>> -> memref<128xi32, #tpu.memory_space<vmem>>
    %dma_start3A_197 = arith.constant 0 : i32
    %dma_start3A_198 = tpu.memref_slice %arg2[%dma_start3A_197] : memref<1638400xf32, #tpu.memory_space<hbm>> -> memref<1638400xf32, #tpu.memory_space<hbm>>
    tpu.enqueue_indirect_dma source(%dma_start3A_198 : memref<1638400xf32, #tpu.memory_space<hbm>>) target(%dma_start3A_193 : memref<128xf32, #tpu.memory_space<vmem>>) offsets(%dma_start3A_196 : memref<128xi32, #tpu.memory_space<vmem>>) semaphore(%arg12 : memref<!tpu.dma_semaphore, #tpu.memory_space<semaphore_mem>>)
    %dma_start3A_199 = arith.constant 24 : i32
    %dma_start3A_200 = arith.constant 3072 : i32
    %dma_start3A_201 = tpu.memref_slice %arg9[%dma_start3A_200] : memref<5120xf32, #tpu.memory_space<vmem>> -> memref<128xf32, #tpu.memory_space<vmem>>
    %dma_start3A_202 = arith.constant 0 : i32
    %dma_start3A_203 = tpu.memref_slice %arg7[%dma_start3A_199, %dma_start3A_202] : memref<40x128xi32, #tpu.memory_space<vmem>> -> memref<1x128xi32, #tpu.memory_space<vmem>>
    %dma_start3A_204 = tpu.memref_squeeze %dma_start3A_203 : memref<1x128xi32, #tpu.memory_space<vmem>> -> memref<128xi32, #tpu.memory_space<vmem>>
    %dma_start3A_205 = arith.constant 0 : i32
    %dma_start3A_206 = tpu.memref_slice %arg2[%dma_start3A_205] : memref<1638400xf32, #tpu.memory_space<hbm>> -> memref<1638400xf32, #tpu.memory_space<hbm>>
    tpu.enqueue_indirect_dma source(%dma_start3A_206 : memref<1638400xf32, #tpu.memory_space<hbm>>) target(%dma_start3A_201 : memref<128xf32, #tpu.memory_space<vmem>>) offsets(%dma_start3A_204 : memref<128xi32, #tpu.memory_space<vmem>>) semaphore(%arg12 : memref<!tpu.dma_semaphore, #tpu.memory_space<semaphore_mem>>)
    %dma_start3A_207 = arith.constant 25 : i32
    %dma_start3A_208 = arith.constant 3200 : i32
    %dma_start3A_209 = tpu.memref_slice %arg9[%dma_start3A_208] : memref<5120xf32, #tpu.memory_space<vmem>> -> memref<128xf32, #tpu.memory_space<vmem>>
    %dma_start3A_210 = arith.constant 0 : i32
    %dma_start3A_211 = tpu.memref_slice %arg7[%dma_start3A_207, %dma_start3A_210] : memref<40x128xi32, #tpu.memory_space<vmem>> -> memref<1x128xi32, #tpu.memory_space<vmem>>
    %dma_start3A_212 = tpu.memref_squeeze %dma_start3A_211 : memref<1x128xi32, #tpu.memory_space<vmem>> -> memref<128xi32, #tpu.memory_space<vmem>>
    %dma_start3A_213 = arith.constant 0 : i32
    %dma_start3A_214 = tpu.memref_slice %arg2[%dma_start3A_213] : memref<1638400xf32, #tpu.memory_space<hbm>> -> memref<1638400xf32, #tpu.memory_space<hbm>>
    tpu.enqueue_indirect_dma source(%dma_start3A_214 : memref<1638400xf32, #tpu.memory_space<hbm>>) target(%dma_start3A_209 : memref<128xf32, #tpu.memory_space<vmem>>) offsets(%dma_start3A_212 : memref<128xi32, #tpu.memory_space<vmem>>) semaphore(%arg12 : memref<!tpu.dma_semaphore, #tpu.memory_space<semaphore_mem>>)
    %dma_start3A_215 = arith.constant 26 : i32
    %dma_start3A_216 = arith.constant 3328 : i32
    %dma_start3A_217 = tpu.memref_slice %arg9[%dma_start3A_216] : memref<5120xf32, #tpu.memory_space<vmem>> -> memref<128xf32, #tpu.memory_space<vmem>>
    %dma_start3A_218 = arith.constant 0 : i32
    %dma_start3A_219 = tpu.memref_slice %arg7[%dma_start3A_215, %dma_start3A_218] : memref<40x128xi32, #tpu.memory_space<vmem>> -> memref<1x128xi32, #tpu.memory_space<vmem>>
    %dma_start3A_220 = tpu.memref_squeeze %dma_start3A_219 : memref<1x128xi32, #tpu.memory_space<vmem>> -> memref<128xi32, #tpu.memory_space<vmem>>
    %dma_start3A_221 = arith.constant 0 : i32
    %dma_start3A_222 = tpu.memref_slice %arg2[%dma_start3A_221] : memref<1638400xf32, #tpu.memory_space<hbm>> -> memref<1638400xf32, #tpu.memory_space<hbm>>
    tpu.enqueue_indirect_dma source(%dma_start3A_222 : memref<1638400xf32, #tpu.memory_space<hbm>>) target(%dma_start3A_217 : memref<128xf32, #tpu.memory_space<vmem>>) offsets(%dma_start3A_220 : memref<128xi32, #tpu.memory_space<vmem>>) semaphore(%arg12 : memref<!tpu.dma_semaphore, #tpu.memory_space<semaphore_mem>>)
    %dma_start3A_223 = arith.constant 27 : i32
    %dma_start3A_224 = arith.constant 3456 : i32
    %dma_start3A_225 = tpu.memref_slice %arg9[%dma_start3A_224] : memref<5120xf32, #tpu.memory_space<vmem>> -> memref<128xf32, #tpu.memory_space<vmem>>
    %dma_start3A_226 = arith.constant 0 : i32
    %dma_start3A_227 = tpu.memref_slice %arg7[%dma_start3A_223, %dma_start3A_226] : memref<40x128xi32, #tpu.memory_space<vmem>> -> memref<1x128xi32, #tpu.memory_space<vmem>>
    %dma_start3A_228 = tpu.memref_squeeze %dma_start3A_227 : memref<1x128xi32, #tpu.memory_space<vmem>> -> memref<128xi32, #tpu.memory_space<vmem>>
    %dma_start3A_229 = arith.constant 0 : i32
    %dma_start3A_230 = tpu.memref_slice %arg2[%dma_start3A_229] : memref<1638400xf32, #tpu.memory_space<hbm>> -> memref<1638400xf32, #tpu.memory_space<hbm>>
    tpu.enqueue_indirect_dma source(%dma_start3A_230 : memref<1638400xf32, #tpu.memory_space<hbm>>) target(%dma_start3A_225 : memref<128xf32, #tpu.memory_space<vmem>>) offsets(%dma_start3A_228 : memref<128xi32, #tpu.memory_space<vmem>>) semaphore(%arg12 : memref<!tpu.dma_semaphore, #tpu.memory_space<semaphore_mem>>)
    %dma_start3A_231 = arith.constant 28 : i32
    %dma_start3A_232 = arith.constant 3584 : i32
    %dma_start3A_233 = tpu.memref_slice %arg9[%dma_start3A_232] : memref<5120xf32, #tpu.memory_space<vmem>> -> memref<128xf32, #tpu.memory_space<vmem>>
    %dma_start3A_234 = arith.constant 0 : i32
    %dma_start3A_235 = tpu.memref_slice %arg7[%dma_start3A_231, %dma_start3A_234] : memref<40x128xi32, #tpu.memory_space<vmem>> -> memref<1x128xi32, #tpu.memory_space<vmem>>
    %dma_start3A_236 = tpu.memref_squeeze %dma_start3A_235 : memref<1x128xi32, #tpu.memory_space<vmem>> -> memref<128xi32, #tpu.memory_space<vmem>>
    %dma_start3A_237 = arith.constant 0 : i32
    %dma_start3A_238 = tpu.memref_slice %arg2[%dma_start3A_237] : memref<1638400xf32, #tpu.memory_space<hbm>> -> memref<1638400xf32, #tpu.memory_space<hbm>>
    tpu.enqueue_indirect_dma source(%dma_start3A_238 : memref<1638400xf32, #tpu.memory_space<hbm>>) target(%dma_start3A_233 : memref<128xf32, #tpu.memory_space<vmem>>) offsets(%dma_start3A_236 : memref<128xi32, #tpu.memory_space<vmem>>) semaphore(%arg12 : memref<!tpu.dma_semaphore, #tpu.memory_space<semaphore_mem>>)
    %dma_start3A_239 = arith.constant 29 : i32
    %dma_start3A_240 = arith.constant 3712 : i32
    %dma_start3A_241 = tpu.memref_slice %arg9[%dma_start3A_240] : memref<5120xf32, #tpu.memory_space<vmem>> -> memref<128xf32, #tpu.memory_space<vmem>>
    %dma_start3A_242 = arith.constant 0 : i32
    %dma_start3A_243 = tpu.memref_slice %arg7[%dma_start3A_239, %dma_start3A_242] : memref<40x128xi32, #tpu.memory_space<vmem>> -> memref<1x128xi32, #tpu.memory_space<vmem>>
    %dma_start3A_244 = tpu.memref_squeeze %dma_start3A_243 : memref<1x128xi32, #tpu.memory_space<vmem>> -> memref<128xi32, #tpu.memory_space<vmem>>
    %dma_start3A_245 = arith.constant 0 : i32
    %dma_start3A_246 = tpu.memref_slice %arg2[%dma_start3A_245] : memref<1638400xf32, #tpu.memory_space<hbm>> -> memref<1638400xf32, #tpu.memory_space<hbm>>
    tpu.enqueue_indirect_dma source(%dma_start3A_246 : memref<1638400xf32, #tpu.memory_space<hbm>>) target(%dma_start3A_241 : memref<128xf32, #tpu.memory_space<vmem>>) offsets(%dma_start3A_244 : memref<128xi32, #tpu.memory_space<vmem>>) semaphore(%arg12 : memref<!tpu.dma_semaphore, #tpu.memory_space<semaphore_mem>>)
    %dma_start3A_247 = arith.constant 30 : i32
    %dma_start3A_248 = arith.constant 3840 : i32
    %dma_start3A_249 = tpu.memref_slice %arg9[%dma_start3A_248] : memref<5120xf32, #tpu.memory_space<vmem>> -> memref<128xf32, #tpu.memory_space<vmem>>
    %dma_start3A_250 = arith.constant 0 : i32
    %dma_start3A_251 = tpu.memref_slice %arg7[%dma_start3A_247, %dma_start3A_250] : memref<40x128xi32, #tpu.memory_space<vmem>> -> memref<1x128xi32, #tpu.memory_space<vmem>>
    %dma_start3A_252 = tpu.memref_squeeze %dma_start3A_251 : memref<1x128xi32, #tpu.memory_space<vmem>> -> memref<128xi32, #tpu.memory_space<vmem>>
    %dma_start3A_253 = arith.constant 0 : i32
    %dma_start3A_254 = tpu.memref_slice %arg2[%dma_start3A_253] : memref<1638400xf32, #tpu.memory_space<hbm>> -> memref<1638400xf32, #tpu.memory_space<hbm>>
    tpu.enqueue_indirect_dma source(%dma_start3A_254 : memref<1638400xf32, #tpu.memory_space<hbm>>) target(%dma_start3A_249 : memref<128xf32, #tpu.memory_space<vmem>>) offsets(%dma_start3A_252 : memref<128xi32, #tpu.memory_space<vmem>>) semaphore(%arg12 : memref<!tpu.dma_semaphore, #tpu.memory_space<semaphore_mem>>)
    %dma_start3A_255 = arith.constant 31 : i32
    %dma_start3A_256 = arith.constant 3968 : i32
    %dma_start3A_257 = tpu.memref_slice %arg9[%dma_start3A_256] : memref<5120xf32, #tpu.memory_space<vmem>> -> memref<128xf32, #tpu.memory_space<vmem>>
    %dma_start3A_258 = arith.constant 0 : i32
    %dma_start3A_259 = tpu.memref_slice %arg7[%dma_start3A_255, %dma_start3A_258] : memref<40x128xi32, #tpu.memory_space<vmem>> -> memref<1x128xi32, #tpu.memory_space<vmem>>
    %dma_start3A_260 = tpu.memref_squeeze %dma_start3A_259 : memref<1x128xi32, #tpu.memory_space<vmem>> -> memref<128xi32, #tpu.memory_space<vmem>>
    %dma_start3A_261 = arith.constant 0 : i32
    %dma_start3A_262 = tpu.memref_slice %arg2[%dma_start3A_261] : memref<1638400xf32, #tpu.memory_space<hbm>> -> memref<1638400xf32, #tpu.memory_space<hbm>>
    tpu.enqueue_indirect_dma source(%dma_start3A_262 : memref<1638400xf32, #tpu.memory_space<hbm>>) target(%dma_start3A_257 : memref<128xf32, #tpu.memory_space<vmem>>) offsets(%dma_start3A_260 : memref<128xi32, #tpu.memory_space<vmem>>) semaphore(%arg12 : memref<!tpu.dma_semaphore, #tpu.memory_space<semaphore_mem>>)
    %dma_start3A_263 = arith.constant 32 : i32
    %dma_start3A_264 = arith.constant 4096 : i32
    %dma_start3A_265 = tpu.memref_slice %arg9[%dma_start3A_264] : memref<5120xf32, #tpu.memory_space<vmem>> -> memref<128xf32, #tpu.memory_space<vmem>>
    %dma_start3A_266 = arith.constant 0 : i32
    %dma_start3A_267 = tpu.memref_slice %arg7[%dma_start3A_263, %dma_start3A_266] : memref<40x128xi32, #tpu.memory_space<vmem>> -> memref<1x128xi32, #tpu.memory_space<vmem>>
    %dma_start3A_268 = tpu.memref_squeeze %dma_start3A_267 : memref<1x128xi32, #tpu.memory_space<vmem>> -> memref<128xi32, #tpu.memory_space<vmem>>
    %dma_start3A_269 = arith.constant 0 : i32
    %dma_start3A_270 = tpu.memref_slice %arg2[%dma_start3A_269] : memref<1638400xf32, #tpu.memory_space<hbm>> -> memref<1638400xf32, #tpu.memory_space<hbm>>
    tpu.enqueue_indirect_dma source(%dma_start3A_270 : memref<1638400xf32, #tpu.memory_space<hbm>>) target(%dma_start3A_265 : memref<128xf32, #tpu.memory_space<vmem>>) offsets(%dma_start3A_268 : memref<128xi32, #tpu.memory_space<vmem>>) semaphore(%arg12 : memref<!tpu.dma_semaphore, #tpu.memory_space<semaphore_mem>>)
    %dma_start3A_271 = arith.constant 33 : i32
    %dma_start3A_272 = arith.constant 4224 : i32
    %dma_start3A_273 = tpu.memref_slice %arg9[%dma_start3A_272] : memref<5120xf32, #tpu.memory_space<vmem>> -> memref<128xf32, #tpu.memory_space<vmem>>
    %dma_start3A_274 = arith.constant 0 : i32
    %dma_start3A_275 = tpu.memref_slice %arg7[%dma_start3A_271, %dma_start3A_274] : memref<40x128xi32, #tpu.memory_space<vmem>> -> memref<1x128xi32, #tpu.memory_space<vmem>>
    %dma_start3A_276 = tpu.memref_squeeze %dma_start3A_275 : memref<1x128xi32, #tpu.memory_space<vmem>> -> memref<128xi32, #tpu.memory_space<vmem>>
    %dma_start3A_277 = arith.constant 0 : i32
    %dma_start3A_278 = tpu.memref_slice %arg2[%dma_start3A_277] : memref<1638400xf32, #tpu.memory_space<hbm>> -> memref<1638400xf32, #tpu.memory_space<hbm>>
    tpu.enqueue_indirect_dma source(%dma_start3A_278 : memref<1638400xf32, #tpu.memory_space<hbm>>) target(%dma_start3A_273 : memref<128xf32, #tpu.memory_space<vmem>>) offsets(%dma_start3A_276 : memref<128xi32, #tpu.memory_space<vmem>>) semaphore(%arg12 : memref<!tpu.dma_semaphore, #tpu.memory_space<semaphore_mem>>)
    %dma_start3A_279 = arith.constant 34 : i32
    %dma_start3A_280 = arith.constant 4352 : i32
    %dma_start3A_281 = tpu.memref_slice %arg9[%dma_start3A_280] : memref<5120xf32, #tpu.memory_space<vmem>> -> memref<128xf32, #tpu.memory_space<vmem>>
    %dma_start3A_282 = arith.constant 0 : i32
    %dma_start3A_283 = tpu.memref_slice %arg7[%dma_start3A_279, %dma_start3A_282] : memref<40x128xi32, #tpu.memory_space<vmem>> -> memref<1x128xi32, #tpu.memory_space<vmem>>
    %dma_start3A_284 = tpu.memref_squeeze %dma_start3A_283 : memref<1x128xi32, #tpu.memory_space<vmem>> -> memref<128xi32, #tpu.memory_space<vmem>>
    %dma_start3A_285 = arith.constant 0 : i32
    %dma_start3A_286 = tpu.memref_slice %arg2[%dma_start3A_285] : memref<1638400xf32, #tpu.memory_space<hbm>> -> memref<1638400xf32, #tpu.memory_space<hbm>>
    tpu.enqueue_indirect_dma source(%dma_start3A_286 : memref<1638400xf32, #tpu.memory_space<hbm>>) target(%dma_start3A_281 : memref<128xf32, #tpu.memory_space<vmem>>) offsets(%dma_start3A_284 : memref<128xi32, #tpu.memory_space<vmem>>) semaphore(%arg12 : memref<!tpu.dma_semaphore, #tpu.memory_space<semaphore_mem>>)
    %dma_start3A_287 = arith.constant 35 : i32
    %dma_start3A_288 = arith.constant 4480 : i32
    %dma_start3A_289 = tpu.memref_slice %arg9[%dma_start3A_288] : memref<5120xf32, #tpu.memory_space<vmem>> -> memref<128xf32, #tpu.memory_space<vmem>>
    %dma_start3A_290 = arith.constant 0 : i32
    %dma_start3A_291 = tpu.memref_slice %arg7[%dma_start3A_287, %dma_start3A_290] : memref<40x128xi32, #tpu.memory_space<vmem>> -> memref<1x128xi32, #tpu.memory_space<vmem>>
    %dma_start3A_292 = tpu.memref_squeeze %dma_start3A_291 : memref<1x128xi32, #tpu.memory_space<vmem>> -> memref<128xi32, #tpu.memory_space<vmem>>
    %dma_start3A_293 = arith.constant 0 : i32
    %dma_start3A_294 = tpu.memref_slice %arg2[%dma_start3A_293] : memref<1638400xf32, #tpu.memory_space<hbm>> -> memref<1638400xf32, #tpu.memory_space<hbm>>
    tpu.enqueue_indirect_dma source(%dma_start3A_294 : memref<1638400xf32, #tpu.memory_space<hbm>>) target(%dma_start3A_289 : memref<128xf32, #tpu.memory_space<vmem>>) offsets(%dma_start3A_292 : memref<128xi32, #tpu.memory_space<vmem>>) semaphore(%arg12 : memref<!tpu.dma_semaphore, #tpu.memory_space<semaphore_mem>>)
    %dma_start3A_295 = arith.constant 36 : i32
    %dma_start3A_296 = arith.constant 4608 : i32
    %dma_start3A_297 = tpu.memref_slice %arg9[%dma_start3A_296] : memref<5120xf32, #tpu.memory_space<vmem>> -> memref<128xf32, #tpu.memory_space<vmem>>
    %dma_start3A_298 = arith.constant 0 : i32
    %dma_start3A_299 = tpu.memref_slice %arg7[%dma_start3A_295, %dma_start3A_298] : memref<40x128xi32, #tpu.memory_space<vmem>> -> memref<1x128xi32, #tpu.memory_space<vmem>>
    %dma_start3A_300 = tpu.memref_squeeze %dma_start3A_299 : memref<1x128xi32, #tpu.memory_space<vmem>> -> memref<128xi32, #tpu.memory_space<vmem>>
    %dma_start3A_301 = arith.constant 0 : i32
    %dma_start3A_302 = tpu.memref_slice %arg2[%dma_start3A_301] : memref<1638400xf32, #tpu.memory_space<hbm>> -> memref<1638400xf32, #tpu.memory_space<hbm>>
    tpu.enqueue_indirect_dma source(%dma_start3A_302 : memref<1638400xf32, #tpu.memory_space<hbm>>) target(%dma_start3A_297 : memref<128xf32, #tpu.memory_space<vmem>>) offsets(%dma_start3A_300 : memref<128xi32, #tpu.memory_space<vmem>>) semaphore(%arg12 : memref<!tpu.dma_semaphore, #tpu.memory_space<semaphore_mem>>)
    %dma_start3A_303 = arith.constant 37 : i32
    %dma_start3A_304 = arith.constant 4736 : i32
    %dma_start3A_305 = tpu.memref_slice %arg9[%dma_start3A_304] : memref<5120xf32, #tpu.memory_space<vmem>> -> memref<128xf32, #tpu.memory_space<vmem>>
    %dma_start3A_306 = arith.constant 0 : i32
    %dma_start3A_307 = tpu.memref_slice %arg7[%dma_start3A_303, %dma_start3A_306] : memref<40x128xi32, #tpu.memory_space<vmem>> -> memref<1x128xi32, #tpu.memory_space<vmem>>
    %dma_start3A_308 = tpu.memref_squeeze %dma_start3A_307 : memref<1x128xi32, #tpu.memory_space<vmem>> -> memref<128xi32, #tpu.memory_space<vmem>>
    %dma_start3A_309 = arith.constant 0 : i32
    %dma_start3A_310 = tpu.memref_slice %arg2[%dma_start3A_309] : memref<1638400xf32, #tpu.memory_space<hbm>> -> memref<1638400xf32, #tpu.memory_space<hbm>>
    tpu.enqueue_indirect_dma source(%dma_start3A_310 : memref<1638400xf32, #tpu.memory_space<hbm>>) target(%dma_start3A_305 : memref<128xf32, #tpu.memory_space<vmem>>) offsets(%dma_start3A_308 : memref<128xi32, #tpu.memory_space<vmem>>) semaphore(%arg12 : memref<!tpu.dma_semaphore, #tpu.memory_space<semaphore_mem>>)
    %dma_start3A_311 = arith.constant 38 : i32
    %dma_start3A_312 = arith.constant 4864 : i32
    %dma_start3A_313 = tpu.memref_slice %arg9[%dma_start3A_312] : memref<5120xf32, #tpu.memory_space<vmem>> -> memref<128xf32, #tpu.memory_space<vmem>>
    %dma_start3A_314 = arith.constant 0 : i32
    %dma_start3A_315 = tpu.memref_slice %arg7[%dma_start3A_311, %dma_start3A_314] : memref<40x128xi32, #tpu.memory_space<vmem>> -> memref<1x128xi32, #tpu.memory_space<vmem>>
    %dma_start3A_316 = tpu.memref_squeeze %dma_start3A_315 : memref<1x128xi32, #tpu.memory_space<vmem>> -> memref<128xi32, #tpu.memory_space<vmem>>
    %dma_start3A_317 = arith.constant 0 : i32
    %dma_start3A_318 = tpu.memref_slice %arg2[%dma_start3A_317] : memref<1638400xf32, #tpu.memory_space<hbm>> -> memref<1638400xf32, #tpu.memory_space<hbm>>
    tpu.enqueue_indirect_dma source(%dma_start3A_318 : memref<1638400xf32, #tpu.memory_space<hbm>>) target(%dma_start3A_313 : memref<128xf32, #tpu.memory_space<vmem>>) offsets(%dma_start3A_316 : memref<128xi32, #tpu.memory_space<vmem>>) semaphore(%arg12 : memref<!tpu.dma_semaphore, #tpu.memory_space<semaphore_mem>>)
    %dma_start3A_319 = arith.constant 39 : i32
    %dma_start3A_320 = arith.constant 4992 : i32
    %dma_start3A_321 = tpu.memref_slice %arg9[%dma_start3A_320] : memref<5120xf32, #tpu.memory_space<vmem>> -> memref<128xf32, #tpu.memory_space<vmem>>
    %dma_start3A_322 = arith.constant 0 : i32
    %dma_start3A_323 = tpu.memref_slice %arg7[%dma_start3A_319, %dma_start3A_322] : memref<40x128xi32, #tpu.memory_space<vmem>> -> memref<1x128xi32, #tpu.memory_space<vmem>>
    %dma_start3A_324 = tpu.memref_squeeze %dma_start3A_323 : memref<1x128xi32, #tpu.memory_space<vmem>> -> memref<128xi32, #tpu.memory_space<vmem>>
    %dma_start3A_325 = arith.constant 0 : i32
    %dma_start3A_326 = tpu.memref_slice %arg2[%dma_start3A_325] : memref<1638400xf32, #tpu.memory_space<hbm>> -> memref<1638400xf32, #tpu.memory_space<hbm>>
    tpu.enqueue_indirect_dma source(%dma_start3A_326 : memref<1638400xf32, #tpu.memory_space<hbm>>) target(%dma_start3A_321 : memref<128xf32, #tpu.memory_space<vmem>>) offsets(%dma_start3A_324 : memref<128xi32, #tpu.memory_space<vmem>>) semaphore(%arg12 : memref<!tpu.dma_semaphore, #tpu.memory_space<semaphore_mem>>)
    %dma_start3A_327 = arith.constant 0 : i32
    %dma_start3A_328 = arith.constant 0 : i32
    %dma_start3A_329 = tpu.memref_slice %arg10[%dma_start3A_328] : memref<5120xi32, #tpu.memory_space<vmem>> -> memref<128xi32, #tpu.memory_space<vmem>>
    %dma_start3A_330 = arith.constant 0 : i32
    %dma_start3A_331 = tpu.memref_slice %arg8[%dma_start3A_327, %dma_start3A_330] : memref<40x128xi32, #tpu.memory_space<vmem>> -> memref<1x128xi32, #tpu.memory_space<vmem>>
    %dma_start3A_332 = tpu.memref_squeeze %dma_start3A_331 : memref<1x128xi32, #tpu.memory_space<vmem>> -> memref<128xi32, #tpu.memory_space<vmem>>
    %dma_start3A_333 = arith.constant 0 : i32
    %dma_start3A_334 = tpu.memref_slice %arg4[%dma_start3A_333] : memref<163840xi32, #tpu.memory_space<hbm>> -> memref<163840xi32, #tpu.memory_space<hbm>>
    tpu.enqueue_indirect_dma source(%dma_start3A_334 : memref<163840xi32, #tpu.memory_space<hbm>>) target(%dma_start3A_329 : memref<128xi32, #tpu.memory_space<vmem>>) offsets(%dma_start3A_332 : memref<128xi32, #tpu.memory_space<vmem>>) semaphore(%arg12 : memref<!tpu.dma_semaphore, #tpu.memory_space<semaphore_mem>>)
    %dma_start3A_335 = arith.constant 1 : i32
    %dma_start3A_336 = arith.constant 128 : i32
    %dma_start3A_337 = tpu.memref_slice %arg10[%dma_start3A_336] : memref<5120xi32, #tpu.memory_space<vmem>> -> memref<128xi32, #tpu.memory_space<vmem>>
    %dma_start3A_338 = arith.constant 0 : i32
    %dma_start3A_339 = tpu.memref_slice %arg8[%dma_start3A_335, %dma_start3A_338] : memref<40x128xi32, #tpu.memory_space<vmem>> -> memref<1x128xi32, #tpu.memory_space<vmem>>
    %dma_start3A_340 = tpu.memref_squeeze %dma_start3A_339 : memref<1x128xi32, #tpu.memory_space<vmem>> -> memref<128xi32, #tpu.memory_space<vmem>>
    %dma_start3A_341 = arith.constant 0 : i32
    %dma_start3A_342 = tpu.memref_slice %arg4[%dma_start3A_341] : memref<163840xi32, #tpu.memory_space<hbm>> -> memref<163840xi32, #tpu.memory_space<hbm>>
    tpu.enqueue_indirect_dma source(%dma_start3A_342 : memref<163840xi32, #tpu.memory_space<hbm>>) target(%dma_start3A_337 : memref<128xi32, #tpu.memory_space<vmem>>) offsets(%dma_start3A_340 : memref<128xi32, #tpu.memory_space<vmem>>) semaphore(%arg12 : memref<!tpu.dma_semaphore, #tpu.memory_space<semaphore_mem>>)
    %dma_start3A_343 = arith.constant 2 : i32
    %dma_start3A_344 = arith.constant 256 : i32
    %dma_start3A_345 = tpu.memref_slice %arg10[%dma_start3A_344] : memref<5120xi32, #tpu.memory_space<vmem>> -> memref<128xi32, #tpu.memory_space<vmem>>
    %dma_start3A_346 = arith.constant 0 : i32
    %dma_start3A_347 = tpu.memref_slice %arg8[%dma_start3A_343, %dma_start3A_346] : memref<40x128xi32, #tpu.memory_space<vmem>> -> memref<1x128xi32, #tpu.memory_space<vmem>>
    %dma_start3A_348 = tpu.memref_squeeze %dma_start3A_347 : memref<1x128xi32, #tpu.memory_space<vmem>> -> memref<128xi32, #tpu.memory_space<vmem>>
    %dma_start3A_349 = arith.constant 0 : i32
    %dma_start3A_350 = tpu.memref_slice %arg4[%dma_start3A_349] : memref<163840xi32, #tpu.memory_space<hbm>> -> memref<163840xi32, #tpu.memory_space<hbm>>
    tpu.enqueue_indirect_dma source(%dma_start3A_350 : memref<163840xi32, #tpu.memory_space<hbm>>) target(%dma_start3A_345 : memref<128xi32, #tpu.memory_space<vmem>>) offsets(%dma_start3A_348 : memref<128xi32, #tpu.memory_space<vmem>>) semaphore(%arg12 : memref<!tpu.dma_semaphore, #tpu.memory_space<semaphore_mem>>)
    %dma_start3A_351 = arith.constant 3 : i32
    %dma_start3A_352 = arith.constant 384 : i32
    %dma_start3A_353 = tpu.memref_slice %arg10[%dma_start3A_352] : memref<5120xi32, #tpu.memory_space<vmem>> -> memref<128xi32, #tpu.memory_space<vmem>>
    %dma_start3A_354 = arith.constant 0 : i32
    %dma_start3A_355 = tpu.memref_slice %arg8[%dma_start3A_351, %dma_start3A_354] : memref<40x128xi32, #tpu.memory_space<vmem>> -> memref<1x128xi32, #tpu.memory_space<vmem>>
    %dma_start3A_356 = tpu.memref_squeeze %dma_start3A_355 : memref<1x128xi32, #tpu.memory_space<vmem>> -> memref<128xi32, #tpu.memory_space<vmem>>
    %dma_start3A_357 = arith.constant 0 : i32
    %dma_start3A_358 = tpu.memref_slice %arg4[%dma_start3A_357] : memref<163840xi32, #tpu.memory_space<hbm>> -> memref<163840xi32, #tpu.memory_space<hbm>>
    tpu.enqueue_indirect_dma source(%dma_start3A_358 : memref<163840xi32, #tpu.memory_space<hbm>>) target(%dma_start3A_353 : memref<128xi32, #tpu.memory_space<vmem>>) offsets(%dma_start3A_356 : memref<128xi32, #tpu.memory_space<vmem>>) semaphore(%arg12 : memref<!tpu.dma_semaphore, #tpu.memory_space<semaphore_mem>>)
    %dma_start3A_359 = arith.constant 4 : i32
    %dma_start3A_360 = arith.constant 512 : i32
    %dma_start3A_361 = tpu.memref_slice %arg10[%dma_start3A_360] : memref<5120xi32, #tpu.memory_space<vmem>> -> memref<128xi32, #tpu.memory_space<vmem>>
    %dma_start3A_362 = arith.constant 0 : i32
    %dma_start3A_363 = tpu.memref_slice %arg8[%dma_start3A_359, %dma_start3A_362] : memref<40x128xi32, #tpu.memory_space<vmem>> -> memref<1x128xi32, #tpu.memory_space<vmem>>
    %dma_start3A_364 = tpu.memref_squeeze %dma_start3A_363 : memref<1x128xi32, #tpu.memory_space<vmem>> -> memref<128xi32, #tpu.memory_space<vmem>>
    %dma_start3A_365 = arith.constant 0 : i32
    %dma_start3A_366 = tpu.memref_slice %arg4[%dma_start3A_365] : memref<163840xi32, #tpu.memory_space<hbm>> -> memref<163840xi32, #tpu.memory_space<hbm>>
    tpu.enqueue_indirect_dma source(%dma_start3A_366 : memref<163840xi32, #tpu.memory_space<hbm>>) target(%dma_start3A_361 : memref<128xi32, #tpu.memory_space<vmem>>) offsets(%dma_start3A_364 : memref<128xi32, #tpu.memory_space<vmem>>) semaphore(%arg12 : memref<!tpu.dma_semaphore, #tpu.memory_space<semaphore_mem>>)
    %dma_start3A_367 = arith.constant 5 : i32
    %dma_start3A_368 = arith.constant 640 : i32
    %dma_start3A_369 = tpu.memref_slice %arg10[%dma_start3A_368] : memref<5120xi32, #tpu.memory_space<vmem>> -> memref<128xi32, #tpu.memory_space<vmem>>
    %dma_start3A_370 = arith.constant 0 : i32
    %dma_start3A_371 = tpu.memref_slice %arg8[%dma_start3A_367, %dma_start3A_370] : memref<40x128xi32, #tpu.memory_space<vmem>> -> memref<1x128xi32, #tpu.memory_space<vmem>>
    %dma_start3A_372 = tpu.memref_squeeze %dma_start3A_371 : memref<1x128xi32, #tpu.memory_space<vmem>> -> memref<128xi32, #tpu.memory_space<vmem>>
    %dma_start3A_373 = arith.constant 0 : i32
    %dma_start3A_374 = tpu.memref_slice %arg4[%dma_start3A_373] : memref<163840xi32, #tpu.memory_space<hbm>> -> memref<163840xi32, #tpu.memory_space<hbm>>
    tpu.enqueue_indirect_dma source(%dma_start3A_374 : memref<163840xi32, #tpu.memory_space<hbm>>) target(%dma_start3A_369 : memref<128xi32, #tpu.memory_space<vmem>>) offsets(%dma_start3A_372 : memref<128xi32, #tpu.memory_space<vmem>>) semaphore(%arg12 : memref<!tpu.dma_semaphore, #tpu.memory_space<semaphore_mem>>)
    %dma_start3A_375 = arith.constant 6 : i32
    %dma_start3A_376 = arith.constant 768 : i32
    %dma_start3A_377 = tpu.memref_slice %arg10[%dma_start3A_376] : memref<5120xi32, #tpu.memory_space<vmem>> -> memref<128xi32, #tpu.memory_space<vmem>>
    %dma_start3A_378 = arith.constant 0 : i32
    %dma_start3A_379 = tpu.memref_slice %arg8[%dma_start3A_375, %dma_start3A_378] : memref<40x128xi32, #tpu.memory_space<vmem>> -> memref<1x128xi32, #tpu.memory_space<vmem>>
    %dma_start3A_380 = tpu.memref_squeeze %dma_start3A_379 : memref<1x128xi32, #tpu.memory_space<vmem>> -> memref<128xi32, #tpu.memory_space<vmem>>
    %dma_start3A_381 = arith.constant 0 : i32
    %dma_start3A_382 = tpu.memref_slice %arg4[%dma_start3A_381] : memref<163840xi32, #tpu.memory_space<hbm>> -> memref<163840xi32, #tpu.memory_space<hbm>>
    tpu.enqueue_indirect_dma source(%dma_start3A_382 : memref<163840xi32, #tpu.memory_space<hbm>>) target(%dma_start3A_377 : memref<128xi32, #tpu.memory_space<vmem>>) offsets(%dma_start3A_380 : memref<128xi32, #tpu.memory_space<vmem>>) semaphore(%arg12 : memref<!tpu.dma_semaphore, #tpu.memory_space<semaphore_mem>>)
    %dma_start3A_383 = arith.constant 7 : i32
    %dma_start3A_384 = arith.constant 896 : i32
    %dma_start3A_385 = tpu.memref_slice %arg10[%dma_start3A_384] : memref<5120xi32, #tpu.memory_space<vmem>> -> memref<128xi32, #tpu.memory_space<vmem>>
    %dma_start3A_386 = arith.constant 0 : i32
    %dma_start3A_387 = tpu.memref_slice %arg8[%dma_start3A_383, %dma_start3A_386] : memref<40x128xi32, #tpu.memory_space<vmem>> -> memref<1x128xi32, #tpu.memory_space<vmem>>
    %dma_start3A_388 = tpu.memref_squeeze %dma_start3A_387 : memref<1x128xi32, #tpu.memory_space<vmem>> -> memref<128xi32, #tpu.memory_space<vmem>>
    %dma_start3A_389 = arith.constant 0 : i32
    %dma_start3A_390 = tpu.memref_slice %arg4[%dma_start3A_389] : memref<163840xi32, #tpu.memory_space<hbm>> -> memref<163840xi32, #tpu.memory_space<hbm>>
    tpu.enqueue_indirect_dma source(%dma_start3A_390 : memref<163840xi32, #tpu.memory_space<hbm>>) target(%dma_start3A_385 : memref<128xi32, #tpu.memory_space<vmem>>) offsets(%dma_start3A_388 : memref<128xi32, #tpu.memory_space<vmem>>) semaphore(%arg12 : memref<!tpu.dma_semaphore, #tpu.memory_space<semaphore_mem>>)
    %dma_start3A_391 = arith.constant 8 : i32
    %dma_start3A_392 = arith.constant 1024 : i32
    %dma_start3A_393 = tpu.memref_slice %arg10[%dma_start3A_392] : memref<5120xi32, #tpu.memory_space<vmem>> -> memref<128xi32, #tpu.memory_space<vmem>>
    %dma_start3A_394 = arith.constant 0 : i32
    %dma_start3A_395 = tpu.memref_slice %arg8[%dma_start3A_391, %dma_start3A_394] : memref<40x128xi32, #tpu.memory_space<vmem>> -> memref<1x128xi32, #tpu.memory_space<vmem>>
    %dma_start3A_396 = tpu.memref_squeeze %dma_start3A_395 : memref<1x128xi32, #tpu.memory_space<vmem>> -> memref<128xi32, #tpu.memory_space<vmem>>
    %dma_start3A_397 = arith.constant 0 : i32
    %dma_start3A_398 = tpu.memref_slice %arg4[%dma_start3A_397] : memref<163840xi32, #tpu.memory_space<hbm>> -> memref<163840xi32, #tpu.memory_space<hbm>>
    tpu.enqueue_indirect_dma source(%dma_start3A_398 : memref<163840xi32, #tpu.memory_space<hbm>>) target(%dma_start3A_393 : memref<128xi32, #tpu.memory_space<vmem>>) offsets(%dma_start3A_396 : memref<128xi32, #tpu.memory_space<vmem>>) semaphore(%arg12 : memref<!tpu.dma_semaphore, #tpu.memory_space<semaphore_mem>>)
    %dma_start3A_399 = arith.constant 9 : i32
    %dma_start3A_400 = arith.constant 1152 : i32
    %dma_start3A_401 = tpu.memref_slice %arg10[%dma_start3A_400] : memref<5120xi32, #tpu.memory_space<vmem>> -> memref<128xi32, #tpu.memory_space<vmem>>
    %dma_start3A_402 = arith.constant 0 : i32
    %dma_start3A_403 = tpu.memref_slice %arg8[%dma_start3A_399, %dma_start3A_402] : memref<40x128xi32, #tpu.memory_space<vmem>> -> memref<1x128xi32, #tpu.memory_space<vmem>>
    %dma_start3A_404 = tpu.memref_squeeze %dma_start3A_403 : memref<1x128xi32, #tpu.memory_space<vmem>> -> memref<128xi32, #tpu.memory_space<vmem>>
    %dma_start3A_405 = arith.constant 0 : i32
    %dma_start3A_406 = tpu.memref_slice %arg4[%dma_start3A_405] : memref<163840xi32, #tpu.memory_space<hbm>> -> memref<163840xi32, #tpu.memory_space<hbm>>
    tpu.enqueue_indirect_dma source(%dma_start3A_406 : memref<163840xi32, #tpu.memory_space<hbm>>) target(%dma_start3A_401 : memref<128xi32, #tpu.memory_space<vmem>>) offsets(%dma_start3A_404 : memref<128xi32, #tpu.memory_space<vmem>>) semaphore(%arg12 : memref<!tpu.dma_semaphore, #tpu.memory_space<semaphore_mem>>)
    %dma_start3A_407 = arith.constant 10 : i32
    %dma_start3A_408 = arith.constant 1280 : i32
    %dma_start3A_409 = tpu.memref_slice %arg10[%dma_start3A_408] : memref<5120xi32, #tpu.memory_space<vmem>> -> memref<128xi32, #tpu.memory_space<vmem>>
    %dma_start3A_410 = arith.constant 0 : i32
    %dma_start3A_411 = tpu.memref_slice %arg8[%dma_start3A_407, %dma_start3A_410] : memref<40x128xi32, #tpu.memory_space<vmem>> -> memref<1x128xi32, #tpu.memory_space<vmem>>
    %dma_start3A_412 = tpu.memref_squeeze %dma_start3A_411 : memref<1x128xi32, #tpu.memory_space<vmem>> -> memref<128xi32, #tpu.memory_space<vmem>>
    %dma_start3A_413 = arith.constant 0 : i32
    %dma_start3A_414 = tpu.memref_slice %arg4[%dma_start3A_413] : memref<163840xi32, #tpu.memory_space<hbm>> -> memref<163840xi32, #tpu.memory_space<hbm>>
    tpu.enqueue_indirect_dma source(%dma_start3A_414 : memref<163840xi32, #tpu.memory_space<hbm>>) target(%dma_start3A_409 : memref<128xi32, #tpu.memory_space<vmem>>) offsets(%dma_start3A_412 : memref<128xi32, #tpu.memory_space<vmem>>) semaphore(%arg12 : memref<!tpu.dma_semaphore, #tpu.memory_space<semaphore_mem>>)
    %dma_start3A_415 = arith.constant 11 : i32
    %dma_start3A_416 = arith.constant 1408 : i32
    %dma_start3A_417 = tpu.memref_slice %arg10[%dma_start3A_416] : memref<5120xi32, #tpu.memory_space<vmem>> -> memref<128xi32, #tpu.memory_space<vmem>>
    %dma_start3A_418 = arith.constant 0 : i32
    %dma_start3A_419 = tpu.memref_slice %arg8[%dma_start3A_415, %dma_start3A_418] : memref<40x128xi32, #tpu.memory_space<vmem>> -> memref<1x128xi32, #tpu.memory_space<vmem>>
    %dma_start3A_420 = tpu.memref_squeeze %dma_start3A_419 : memref<1x128xi32, #tpu.memory_space<vmem>> -> memref<128xi32, #tpu.memory_space<vmem>>
    %dma_start3A_421 = arith.constant 0 : i32
    %dma_start3A_422 = tpu.memref_slice %arg4[%dma_start3A_421] : memref<163840xi32, #tpu.memory_space<hbm>> -> memref<163840xi32, #tpu.memory_space<hbm>>
    tpu.enqueue_indirect_dma source(%dma_start3A_422 : memref<163840xi32, #tpu.memory_space<hbm>>) target(%dma_start3A_417 : memref<128xi32, #tpu.memory_space<vmem>>) offsets(%dma_start3A_420 : memref<128xi32, #tpu.memory_space<vmem>>) semaphore(%arg12 : memref<!tpu.dma_semaphore, #tpu.memory_space<semaphore_mem>>)
    %dma_start3A_423 = arith.constant 12 : i32
    %dma_start3A_424 = arith.constant 1536 : i32
    %dma_start3A_425 = tpu.memref_slice %arg10[%dma_start3A_424] : memref<5120xi32, #tpu.memory_space<vmem>> -> memref<128xi32, #tpu.memory_space<vmem>>
    %dma_start3A_426 = arith.constant 0 : i32
    %dma_start3A_427 = tpu.memref_slice %arg8[%dma_start3A_423, %dma_start3A_426] : memref<40x128xi32, #tpu.memory_space<vmem>> -> memref<1x128xi32, #tpu.memory_space<vmem>>
    %dma_start3A_428 = tpu.memref_squeeze %dma_start3A_427 : memref<1x128xi32, #tpu.memory_space<vmem>> -> memref<128xi32, #tpu.memory_space<vmem>>
    %dma_start3A_429 = arith.constant 0 : i32
    %dma_start3A_430 = tpu.memref_slice %arg4[%dma_start3A_429] : memref<163840xi32, #tpu.memory_space<hbm>> -> memref<163840xi32, #tpu.memory_space<hbm>>
    tpu.enqueue_indirect_dma source(%dma_start3A_430 : memref<163840xi32, #tpu.memory_space<hbm>>) target(%dma_start3A_425 : memref<128xi32, #tpu.memory_space<vmem>>) offsets(%dma_start3A_428 : memref<128xi32, #tpu.memory_space<vmem>>) semaphore(%arg12 : memref<!tpu.dma_semaphore, #tpu.memory_space<semaphore_mem>>)
    %dma_start3A_431 = arith.constant 13 : i32
    %dma_start3A_432 = arith.constant 1664 : i32
    %dma_start3A_433 = tpu.memref_slice %arg10[%dma_start3A_432] : memref<5120xi32, #tpu.memory_space<vmem>> -> memref<128xi32, #tpu.memory_space<vmem>>
    %dma_start3A_434 = arith.constant 0 : i32
    %dma_start3A_435 = tpu.memref_slice %arg8[%dma_start3A_431, %dma_start3A_434] : memref<40x128xi32, #tpu.memory_space<vmem>> -> memref<1x128xi32, #tpu.memory_space<vmem>>
    %dma_start3A_436 = tpu.memref_squeeze %dma_start3A_435 : memref<1x128xi32, #tpu.memory_space<vmem>> -> memref<128xi32, #tpu.memory_space<vmem>>
    %dma_start3A_437 = arith.constant 0 : i32
    %dma_start3A_438 = tpu.memref_slice %arg4[%dma_start3A_437] : memref<163840xi32, #tpu.memory_space<hbm>> -> memref<163840xi32, #tpu.memory_space<hbm>>
    tpu.enqueue_indirect_dma source(%dma_start3A_438 : memref<163840xi32, #tpu.memory_space<hbm>>) target(%dma_start3A_433 : memref<128xi32, #tpu.memory_space<vmem>>) offsets(%dma_start3A_436 : memref<128xi32, #tpu.memory_space<vmem>>) semaphore(%arg12 : memref<!tpu.dma_semaphore, #tpu.memory_space<semaphore_mem>>)
    %dma_start3A_439 = arith.constant 14 : i32
    %dma_start3A_440 = arith.constant 1792 : i32
    %dma_start3A_441 = tpu.memref_slice %arg10[%dma_start3A_440] : memref<5120xi32, #tpu.memory_space<vmem>> -> memref<128xi32, #tpu.memory_space<vmem>>
    %dma_start3A_442 = arith.constant 0 : i32
    %dma_start3A_443 = tpu.memref_slice %arg8[%dma_start3A_439, %dma_start3A_442] : memref<40x128xi32, #tpu.memory_space<vmem>> -> memref<1x128xi32, #tpu.memory_space<vmem>>
    %dma_start3A_444 = tpu.memref_squeeze %dma_start3A_443 : memref<1x128xi32, #tpu.memory_space<vmem>> -> memref<128xi32, #tpu.memory_space<vmem>>
    %dma_start3A_445 = arith.constant 0 : i32
    %dma_start3A_446 = tpu.memref_slice %arg4[%dma_start3A_445] : memref<163840xi32, #tpu.memory_space<hbm>> -> memref<163840xi32, #tpu.memory_space<hbm>>
    tpu.enqueue_indirect_dma source(%dma_start3A_446 : memref<163840xi32, #tpu.memory_space<hbm>>) target(%dma_start3A_441 : memref<128xi32, #tpu.memory_space<vmem>>) offsets(%dma_start3A_444 : memref<128xi32, #tpu.memory_space<vmem>>) semaphore(%arg12 : memref<!tpu.dma_semaphore, #tpu.memory_space<semaphore_mem>>)
    %dma_start3A_447 = arith.constant 15 : i32
    %dma_start3A_448 = arith.constant 1920 : i32
    %dma_start3A_449 = tpu.memref_slice %arg10[%dma_start3A_448] : memref<5120xi32, #tpu.memory_space<vmem>> -> memref<128xi32, #tpu.memory_space<vmem>>
    %dma_start3A_450 = arith.constant 0 : i32
    %dma_start3A_451 = tpu.memref_slice %arg8[%dma_start3A_447, %dma_start3A_450] : memref<40x128xi32, #tpu.memory_space<vmem>> -> memref<1x128xi32, #tpu.memory_space<vmem>>
    %dma_start3A_452 = tpu.memref_squeeze %dma_start3A_451 : memref<1x128xi32, #tpu.memory_space<vmem>> -> memref<128xi32, #tpu.memory_space<vmem>>
    %dma_start3A_453 = arith.constant 0 : i32
    %dma_start3A_454 = tpu.memref_slice %arg4[%dma_start3A_453] : memref<163840xi32, #tpu.memory_space<hbm>> -> memref<163840xi32, #tpu.memory_space<hbm>>
    tpu.enqueue_indirect_dma source(%dma_start3A_454 : memref<163840xi32, #tpu.memory_space<hbm>>) target(%dma_start3A_449 : memref<128xi32, #tpu.memory_space<vmem>>) offsets(%dma_start3A_452 : memref<128xi32, #tpu.memory_space<vmem>>) semaphore(%arg12 : memref<!tpu.dma_semaphore, #tpu.memory_space<semaphore_mem>>)
    %dma_start3A_455 = arith.constant 16 : i32
    %dma_start3A_456 = arith.constant 2048 : i32
    %dma_start3A_457 = tpu.memref_slice %arg10[%dma_start3A_456] : memref<5120xi32, #tpu.memory_space<vmem>> -> memref<128xi32, #tpu.memory_space<vmem>>
    %dma_start3A_458 = arith.constant 0 : i32
    %dma_start3A_459 = tpu.memref_slice %arg8[%dma_start3A_455, %dma_start3A_458] : memref<40x128xi32, #tpu.memory_space<vmem>> -> memref<1x128xi32, #tpu.memory_space<vmem>>
    %dma_start3A_460 = tpu.memref_squeeze %dma_start3A_459 : memref<1x128xi32, #tpu.memory_space<vmem>> -> memref<128xi32, #tpu.memory_space<vmem>>
    %dma_start3A_461 = arith.constant 0 : i32
    %dma_start3A_462 = tpu.memref_slice %arg4[%dma_start3A_461] : memref<163840xi32, #tpu.memory_space<hbm>> -> memref<163840xi32, #tpu.memory_space<hbm>>
    tpu.enqueue_indirect_dma source(%dma_start3A_462 : memref<163840xi32, #tpu.memory_space<hbm>>) target(%dma_start3A_457 : memref<128xi32, #tpu.memory_space<vmem>>) offsets(%dma_start3A_460 : memref<128xi32, #tpu.memory_space<vmem>>) semaphore(%arg12 : memref<!tpu.dma_semaphore, #tpu.memory_space<semaphore_mem>>)
    %dma_start3A_463 = arith.constant 17 : i32
    %dma_start3A_464 = arith.constant 2176 : i32
    %dma_start3A_465 = tpu.memref_slice %arg10[%dma_start3A_464] : memref<5120xi32, #tpu.memory_space<vmem>> -> memref<128xi32, #tpu.memory_space<vmem>>
    %dma_start3A_466 = arith.constant 0 : i32
    %dma_start3A_467 = tpu.memref_slice %arg8[%dma_start3A_463, %dma_start3A_466] : memref<40x128xi32, #tpu.memory_space<vmem>> -> memref<1x128xi32, #tpu.memory_space<vmem>>
    %dma_start3A_468 = tpu.memref_squeeze %dma_start3A_467 : memref<1x128xi32, #tpu.memory_space<vmem>> -> memref<128xi32, #tpu.memory_space<vmem>>
    %dma_start3A_469 = arith.constant 0 : i32
    %dma_start3A_470 = tpu.memref_slice %arg4[%dma_start3A_469] : memref<163840xi32, #tpu.memory_space<hbm>> -> memref<163840xi32, #tpu.memory_space<hbm>>
    tpu.enqueue_indirect_dma source(%dma_start3A_470 : memref<163840xi32, #tpu.memory_space<hbm>>) target(%dma_start3A_465 : memref<128xi32, #tpu.memory_space<vmem>>) offsets(%dma_start3A_468 : memref<128xi32, #tpu.memory_space<vmem>>) semaphore(%arg12 : memref<!tpu.dma_semaphore, #tpu.memory_space<semaphore_mem>>)
    %dma_start3A_471 = arith.constant 18 : i32
    %dma_start3A_472 = arith.constant 2304 : i32
    %dma_start3A_473 = tpu.memref_slice %arg10[%dma_start3A_472] : memref<5120xi32, #tpu.memory_space<vmem>> -> memref<128xi32, #tpu.memory_space<vmem>>
    %dma_start3A_474 = arith.constant 0 : i32
    %dma_start3A_475 = tpu.memref_slice %arg8[%dma_start3A_471, %dma_start3A_474] : memref<40x128xi32, #tpu.memory_space<vmem>> -> memref<1x128xi32, #tpu.memory_space<vmem>>
    %dma_start3A_476 = tpu.memref_squeeze %dma_start3A_475 : memref<1x128xi32, #tpu.memory_space<vmem>> -> memref<128xi32, #tpu.memory_space<vmem>>
    %dma_start3A_477 = arith.constant 0 : i32
    %dma_start3A_478 = tpu.memref_slice %arg4[%dma_start3A_477] : memref<163840xi32, #tpu.memory_space<hbm>> -> memref<163840xi32, #tpu.memory_space<hbm>>
    tpu.enqueue_indirect_dma source(%dma_start3A_478 : memref<163840xi32, #tpu.memory_space<hbm>>) target(%dma_start3A_473 : memref<128xi32, #tpu.memory_space<vmem>>) offsets(%dma_start3A_476 : memref<128xi32, #tpu.memory_space<vmem>>) semaphore(%arg12 : memref<!tpu.dma_semaphore, #tpu.memory_space<semaphore_mem>>)
    %dma_start3A_479 = arith.constant 19 : i32
    %dma_start3A_480 = arith.constant 2432 : i32
    %dma_start3A_481 = tpu.memref_slice %arg10[%dma_start3A_480] : memref<5120xi32, #tpu.memory_space<vmem>> -> memref<128xi32, #tpu.memory_space<vmem>>
    %dma_start3A_482 = arith.constant 0 : i32
    %dma_start3A_483 = tpu.memref_slice %arg8[%dma_start3A_479, %dma_start3A_482] : memref<40x128xi32, #tpu.memory_space<vmem>> -> memref<1x128xi32, #tpu.memory_space<vmem>>
    %dma_start3A_484 = tpu.memref_squeeze %dma_start3A_483 : memref<1x128xi32, #tpu.memory_space<vmem>> -> memref<128xi32, #tpu.memory_space<vmem>>
    %dma_start3A_485 = arith.constant 0 : i32
    %dma_start3A_486 = tpu.memref_slice %arg4[%dma_start3A_485] : memref<163840xi32, #tpu.memory_space<hbm>> -> memref<163840xi32, #tpu.memory_space<hbm>>
    tpu.enqueue_indirect_dma source(%dma_start3A_486 : memref<163840xi32, #tpu.memory_space<hbm>>) target(%dma_start3A_481 : memref<128xi32, #tpu.memory_space<vmem>>) offsets(%dma_start3A_484 : memref<128xi32, #tpu.memory_space<vmem>>) semaphore(%arg12 : memref<!tpu.dma_semaphore, #tpu.memory_space<semaphore_mem>>)
    %dma_start3A_487 = arith.constant 20 : i32
    %dma_start3A_488 = arith.constant 2560 : i32
    %dma_start3A_489 = tpu.memref_slice %arg10[%dma_start3A_488] : memref<5120xi32, #tpu.memory_space<vmem>> -> memref<128xi32, #tpu.memory_space<vmem>>
    %dma_start3A_490 = arith.constant 0 : i32
    %dma_start3A_491 = tpu.memref_slice %arg8[%dma_start3A_487, %dma_start3A_490] : memref<40x128xi32, #tpu.memory_space<vmem>> -> memref<1x128xi32, #tpu.memory_space<vmem>>
    %dma_start3A_492 = tpu.memref_squeeze %dma_start3A_491 : memref<1x128xi32, #tpu.memory_space<vmem>> -> memref<128xi32, #tpu.memory_space<vmem>>
    %dma_start3A_493 = arith.constant 0 : i32
    %dma_start3A_494 = tpu.memref_slice %arg4[%dma_start3A_493] : memref<163840xi32, #tpu.memory_space<hbm>> -> memref<163840xi32, #tpu.memory_space<hbm>>
    tpu.enqueue_indirect_dma source(%dma_start3A_494 : memref<163840xi32, #tpu.memory_space<hbm>>) target(%dma_start3A_489 : memref<128xi32, #tpu.memory_space<vmem>>) offsets(%dma_start3A_492 : memref<128xi32, #tpu.memory_space<vmem>>) semaphore(%arg12 : memref<!tpu.dma_semaphore, #tpu.memory_space<semaphore_mem>>)
    %dma_start3A_495 = arith.constant 21 : i32
    %dma_start3A_496 = arith.constant 2688 : i32
    %dma_start3A_497 = tpu.memref_slice %arg10[%dma_start3A_496] : memref<5120xi32, #tpu.memory_space<vmem>> -> memref<128xi32, #tpu.memory_space<vmem>>
    %dma_start3A_498 = arith.constant 0 : i32
    %dma_start3A_499 = tpu.memref_slice %arg8[%dma_start3A_495, %dma_start3A_498] : memref<40x128xi32, #tpu.memory_space<vmem>> -> memref<1x128xi32, #tpu.memory_space<vmem>>
    %dma_start3A_500 = tpu.memref_squeeze %dma_start3A_499 : memref<1x128xi32, #tpu.memory_space<vmem>> -> memref<128xi32, #tpu.memory_space<vmem>>
    %dma_start3A_501 = arith.constant 0 : i32
    %dma_start3A_502 = tpu.memref_slice %arg4[%dma_start3A_501] : memref<163840xi32, #tpu.memory_space<hbm>> -> memref<163840xi32, #tpu.memory_space<hbm>>
    tpu.enqueue_indirect_dma source(%dma_start3A_502 : memref<163840xi32, #tpu.memory_space<hbm>>) target(%dma_start3A_497 : memref<128xi32, #tpu.memory_space<vmem>>) offsets(%dma_start3A_500 : memref<128xi32, #tpu.memory_space<vmem>>) semaphore(%arg12 : memref<!tpu.dma_semaphore, #tpu.memory_space<semaphore_mem>>)
    %dma_start3A_503 = arith.constant 22 : i32
    %dma_start3A_504 = arith.constant 2816 : i32
    %dma_start3A_505 = tpu.memref_slice %arg10[%dma_start3A_504] : memref<5120xi32, #tpu.memory_space<vmem>> -> memref<128xi32, #tpu.memory_space<vmem>>
    %dma_start3A_506 = arith.constant 0 : i32
    %dma_start3A_507 = tpu.memref_slice %arg8[%dma_start3A_503, %dma_start3A_506] : memref<40x128xi32, #tpu.memory_space<vmem>> -> memref<1x128xi32, #tpu.memory_space<vmem>>
    %dma_start3A_508 = tpu.memref_squeeze %dma_start3A_507 : memref<1x128xi32, #tpu.memory_space<vmem>> -> memref<128xi32, #tpu.memory_space<vmem>>
    %dma_start3A_509 = arith.constant 0 : i32
    %dma_start3A_510 = tpu.memref_slice %arg4[%dma_start3A_509] : memref<163840xi32, #tpu.memory_space<hbm>> -> memref<163840xi32, #tpu.memory_space<hbm>>
    tpu.enqueue_indirect_dma source(%dma_start3A_510 : memref<163840xi32, #tpu.memory_space<hbm>>) target(%dma_start3A_505 : memref<128xi32, #tpu.memory_space<vmem>>) offsets(%dma_start3A_508 : memref<128xi32, #tpu.memory_space<vmem>>) semaphore(%arg12 : memref<!tpu.dma_semaphore, #tpu.memory_space<semaphore_mem>>)
    %dma_start3A_511 = arith.constant 23 : i32
    %dma_start3A_512 = arith.constant 2944 : i32
    %dma_start3A_513 = tpu.memref_slice %arg10[%dma_start3A_512] : memref<5120xi32, #tpu.memory_space<vmem>> -> memref<128xi32, #tpu.memory_space<vmem>>
    %dma_start3A_514 = arith.constant 0 : i32
    %dma_start3A_515 = tpu.memref_slice %arg8[%dma_start3A_511, %dma_start3A_514] : memref<40x128xi32, #tpu.memory_space<vmem>> -> memref<1x128xi32, #tpu.memory_space<vmem>>
    %dma_start3A_516 = tpu.memref_squeeze %dma_start3A_515 : memref<1x128xi32, #tpu.memory_space<vmem>> -> memref<128xi32, #tpu.memory_space<vmem>>
    %dma_start3A_517 = arith.constant 0 : i32
    %dma_start3A_518 = tpu.memref_slice %arg4[%dma_start3A_517] : memref<163840xi32, #tpu.memory_space<hbm>> -> memref<163840xi32, #tpu.memory_space<hbm>>
    tpu.enqueue_indirect_dma source(%dma_start3A_518 : memref<163840xi32, #tpu.memory_space<hbm>>) target(%dma_start3A_513 : memref<128xi32, #tpu.memory_space<vmem>>) offsets(%dma_start3A_516 : memref<128xi32, #tpu.memory_space<vmem>>) semaphore(%arg12 : memref<!tpu.dma_semaphore, #tpu.memory_space<semaphore_mem>>)
    %dma_start3A_519 = arith.constant 24 : i32
    %dma_start3A_520 = arith.constant 3072 : i32
    %dma_start3A_521 = tpu.memref_slice %arg10[%dma_start3A_520] : memref<5120xi32, #tpu.memory_space<vmem>> -> memref<128xi32, #tpu.memory_space<vmem>>
    %dma_start3A_522 = arith.constant 0 : i32
    %dma_start3A_523 = tpu.memref_slice %arg8[%dma_start3A_519, %dma_start3A_522] : memref<40x128xi32, #tpu.memory_space<vmem>> -> memref<1x128xi32, #tpu.memory_space<vmem>>
    %dma_start3A_524 = tpu.memref_squeeze %dma_start3A_523 : memref<1x128xi32, #tpu.memory_space<vmem>> -> memref<128xi32, #tpu.memory_space<vmem>>
    %dma_start3A_525 = arith.constant 0 : i32
    %dma_start3A_526 = tpu.memref_slice %arg4[%dma_start3A_525] : memref<163840xi32, #tpu.memory_space<hbm>> -> memref<163840xi32, #tpu.memory_space<hbm>>
    tpu.enqueue_indirect_dma source(%dma_start3A_526 : memref<163840xi32, #tpu.memory_space<hbm>>) target(%dma_start3A_521 : memref<128xi32, #tpu.memory_space<vmem>>) offsets(%dma_start3A_524 : memref<128xi32, #tpu.memory_space<vmem>>) semaphore(%arg12 : memref<!tpu.dma_semaphore, #tpu.memory_space<semaphore_mem>>)
    %dma_start3A_527 = arith.constant 25 : i32
    %dma_start3A_528 = arith.constant 3200 : i32
    %dma_start3A_529 = tpu.memref_slice %arg10[%dma_start3A_528] : memref<5120xi32, #tpu.memory_space<vmem>> -> memref<128xi32, #tpu.memory_space<vmem>>
    %dma_start3A_530 = arith.constant 0 : i32
    %dma_start3A_531 = tpu.memref_slice %arg8[%dma_start3A_527, %dma_start3A_530] : memref<40x128xi32, #tpu.memory_space<vmem>> -> memref<1x128xi32, #tpu.memory_space<vmem>>
    %dma_start3A_532 = tpu.memref_squeeze %dma_start3A_531 : memref<1x128xi32, #tpu.memory_space<vmem>> -> memref<128xi32, #tpu.memory_space<vmem>>
    %dma_start3A_533 = arith.constant 0 : i32
    %dma_start3A_534 = tpu.memref_slice %arg4[%dma_start3A_533] : memref<163840xi32, #tpu.memory_space<hbm>> -> memref<163840xi32, #tpu.memory_space<hbm>>
    tpu.enqueue_indirect_dma source(%dma_start3A_534 : memref<163840xi32, #tpu.memory_space<hbm>>) target(%dma_start3A_529 : memref<128xi32, #tpu.memory_space<vmem>>) offsets(%dma_start3A_532 : memref<128xi32, #tpu.memory_space<vmem>>) semaphore(%arg12 : memref<!tpu.dma_semaphore, #tpu.memory_space<semaphore_mem>>)
    %dma_start3A_535 = arith.constant 26 : i32
    %dma_start3A_536 = arith.constant 3328 : i32
    %dma_start3A_537 = tpu.memref_slice %arg10[%dma_start3A_536] : memref<5120xi32, #tpu.memory_space<vmem>> -> memref<128xi32, #tpu.memory_space<vmem>>
    %dma_start3A_538 = arith.constant 0 : i32
    %dma_start3A_539 = tpu.memref_slice %arg8[%dma_start3A_535, %dma_start3A_538] : memref<40x128xi32, #tpu.memory_space<vmem>> -> memref<1x128xi32, #tpu.memory_space<vmem>>
    %dma_start3A_540 = tpu.memref_squeeze %dma_start3A_539 : memref<1x128xi32, #tpu.memory_space<vmem>> -> memref<128xi32, #tpu.memory_space<vmem>>
    %dma_start3A_541 = arith.constant 0 : i32
    %dma_start3A_542 = tpu.memref_slice %arg4[%dma_start3A_541] : memref<163840xi32, #tpu.memory_space<hbm>> -> memref<163840xi32, #tpu.memory_space<hbm>>
    tpu.enqueue_indirect_dma source(%dma_start3A_542 : memref<163840xi32, #tpu.memory_space<hbm>>) target(%dma_start3A_537 : memref<128xi32, #tpu.memory_space<vmem>>) offsets(%dma_start3A_540 : memref<128xi32, #tpu.memory_space<vmem>>) semaphore(%arg12 : memref<!tpu.dma_semaphore, #tpu.memory_space<semaphore_mem>>)
    %dma_start3A_543 = arith.constant 27 : i32
    %dma_start3A_544 = arith.constant 3456 : i32
    %dma_start3A_545 = tpu.memref_slice %arg10[%dma_start3A_544] : memref<5120xi32, #tpu.memory_space<vmem>> -> memref<128xi32, #tpu.memory_space<vmem>>
    %dma_start3A_546 = arith.constant 0 : i32
    %dma_start3A_547 = tpu.memref_slice %arg8[%dma_start3A_543, %dma_start3A_546] : memref<40x128xi32, #tpu.memory_space<vmem>> -> memref<1x128xi32, #tpu.memory_space<vmem>>
    %dma_start3A_548 = tpu.memref_squeeze %dma_start3A_547 : memref<1x128xi32, #tpu.memory_space<vmem>> -> memref<128xi32, #tpu.memory_space<vmem>>
    %dma_start3A_549 = arith.constant 0 : i32
    %dma_start3A_550 = tpu.memref_slice %arg4[%dma_start3A_549] : memref<163840xi32, #tpu.memory_space<hbm>> -> memref<163840xi32, #tpu.memory_space<hbm>>
    tpu.enqueue_indirect_dma source(%dma_start3A_550 : memref<163840xi32, #tpu.memory_space<hbm>>) target(%dma_start3A_545 : memref<128xi32, #tpu.memory_space<vmem>>) offsets(%dma_start3A_548 : memref<128xi32, #tpu.memory_space<vmem>>) semaphore(%arg12 : memref<!tpu.dma_semaphore, #tpu.memory_space<semaphore_mem>>)
    %dma_start3A_551 = arith.constant 28 : i32
    %dma_start3A_552 = arith.constant 3584 : i32
    %dma_start3A_553 = tpu.memref_slice %arg10[%dma_start3A_552] : memref<5120xi32, #tpu.memory_space<vmem>> -> memref<128xi32, #tpu.memory_space<vmem>>
    %dma_start3A_554 = arith.constant 0 : i32
    %dma_start3A_555 = tpu.memref_slice %arg8[%dma_start3A_551, %dma_start3A_554] : memref<40x128xi32, #tpu.memory_space<vmem>> -> memref<1x128xi32, #tpu.memory_space<vmem>>
    %dma_start3A_556 = tpu.memref_squeeze %dma_start3A_555 : memref<1x128xi32, #tpu.memory_space<vmem>> -> memref<128xi32, #tpu.memory_space<vmem>>
    %dma_start3A_557 = arith.constant 0 : i32
    %dma_start3A_558 = tpu.memref_slice %arg4[%dma_start3A_557] : memref<163840xi32, #tpu.memory_space<hbm>> -> memref<163840xi32, #tpu.memory_space<hbm>>
    tpu.enqueue_indirect_dma source(%dma_start3A_558 : memref<163840xi32, #tpu.memory_space<hbm>>) target(%dma_start3A_553 : memref<128xi32, #tpu.memory_space<vmem>>) offsets(%dma_start3A_556 : memref<128xi32, #tpu.memory_space<vmem>>) semaphore(%arg12 : memref<!tpu.dma_semaphore, #tpu.memory_space<semaphore_mem>>)
    %dma_start3A_559 = arith.constant 29 : i32
    %dma_start3A_560 = arith.constant 3712 : i32
    %dma_start3A_561 = tpu.memref_slice %arg10[%dma_start3A_560] : memref<5120xi32, #tpu.memory_space<vmem>> -> memref<128xi32, #tpu.memory_space<vmem>>
    %dma_start3A_562 = arith.constant 0 : i32
    %dma_start3A_563 = tpu.memref_slice %arg8[%dma_start3A_559, %dma_start3A_562] : memref<40x128xi32, #tpu.memory_space<vmem>> -> memref<1x128xi32, #tpu.memory_space<vmem>>
    %dma_start3A_564 = tpu.memref_squeeze %dma_start3A_563 : memref<1x128xi32, #tpu.memory_space<vmem>> -> memref<128xi32, #tpu.memory_space<vmem>>
    %dma_start3A_565 = arith.constant 0 : i32
    %dma_start3A_566 = tpu.memref_slice %arg4[%dma_start3A_565] : memref<163840xi32, #tpu.memory_space<hbm>> -> memref<163840xi32, #tpu.memory_space<hbm>>
    tpu.enqueue_indirect_dma source(%dma_start3A_566 : memref<163840xi32, #tpu.memory_space<hbm>>) target(%dma_start3A_561 : memref<128xi32, #tpu.memory_space<vmem>>) offsets(%dma_start3A_564 : memref<128xi32, #tpu.memory_space<vmem>>) semaphore(%arg12 : memref<!tpu.dma_semaphore, #tpu.memory_space<semaphore_mem>>)
    %dma_start3A_567 = arith.constant 30 : i32
    %dma_start3A_568 = arith.constant 3840 : i32
    %dma_start3A_569 = tpu.memref_slice %arg10[%dma_start3A_568] : memref<5120xi32, #tpu.memory_space<vmem>> -> memref<128xi32, #tpu.memory_space<vmem>>
    %dma_start3A_570 = arith.constant 0 : i32
    %dma_start3A_571 = tpu.memref_slice %arg8[%dma_start3A_567, %dma_start3A_570] : memref<40x128xi32, #tpu.memory_space<vmem>> -> memref<1x128xi32, #tpu.memory_space<vmem>>
    %dma_start3A_572 = tpu.memref_squeeze %dma_start3A_571 : memref<1x128xi32, #tpu.memory_space<vmem>> -> memref<128xi32, #tpu.memory_space<vmem>>
    %dma_start3A_573 = arith.constant 0 : i32
    %dma_start3A_574 = tpu.memref_slice %arg4[%dma_start3A_573] : memref<163840xi32, #tpu.memory_space<hbm>> -> memref<163840xi32, #tpu.memory_space<hbm>>
    tpu.enqueue_indirect_dma source(%dma_start3A_574 : memref<163840xi32, #tpu.memory_space<hbm>>) target(%dma_start3A_569 : memref<128xi32, #tpu.memory_space<vmem>>) offsets(%dma_start3A_572 : memref<128xi32, #tpu.memory_space<vmem>>) semaphore(%arg12 : memref<!tpu.dma_semaphore, #tpu.memory_space<semaphore_mem>>)
    %dma_start3A_575 = arith.constant 31 : i32
    %dma_start3A_576 = arith.constant 3968 : i32
    %dma_start3A_577 = tpu.memref_slice %arg10[%dma_start3A_576] : memref<5120xi32, #tpu.memory_space<vmem>> -> memref<128xi32, #tpu.memory_space<vmem>>
    %dma_start3A_578 = arith.constant 0 : i32
    %dma_start3A_579 = tpu.memref_slice %arg8[%dma_start3A_575, %dma_start3A_578] : memref<40x128xi32, #tpu.memory_space<vmem>> -> memref<1x128xi32, #tpu.memory_space<vmem>>
    %dma_start3A_580 = tpu.memref_squeeze %dma_start3A_579 : memref<1x128xi32, #tpu.memory_space<vmem>> -> memref<128xi32, #tpu.memory_space<vmem>>
    %dma_start3A_581 = arith.constant 0 : i32
    %dma_start3A_582 = tpu.memref_slice %arg4[%dma_start3A_581] : memref<163840xi32, #tpu.memory_space<hbm>> -> memref<163840xi32, #tpu.memory_space<hbm>>
    tpu.enqueue_indirect_dma source(%dma_start3A_582 : memref<163840xi32, #tpu.memory_space<hbm>>) target(%dma_start3A_577 : memref<128xi32, #tpu.memory_space<vmem>>) offsets(%dma_start3A_580 : memref<128xi32, #tpu.memory_space<vmem>>) semaphore(%arg12 : memref<!tpu.dma_semaphore, #tpu.memory_space<semaphore_mem>>)
    %dma_start3A_583 = arith.constant 32 : i32
    %dma_start3A_584 = arith.constant 4096 : i32
    %dma_start3A_585 = tpu.memref_slice %arg10[%dma_start3A_584] : memref<5120xi32, #tpu.memory_space<vmem>> -> memref<128xi32, #tpu.memory_space<vmem>>
    %dma_start3A_586 = arith.constant 0 : i32
    %dma_start3A_587 = tpu.memref_slice %arg8[%dma_start3A_583, %dma_start3A_586] : memref<40x128xi32, #tpu.memory_space<vmem>> -> memref<1x128xi32, #tpu.memory_space<vmem>>
    %dma_start3A_588 = tpu.memref_squeeze %dma_start3A_587 : memref<1x128xi32, #tpu.memory_space<vmem>> -> memref<128xi32, #tpu.memory_space<vmem>>
    %dma_start3A_589 = arith.constant 0 : i32
    %dma_start3A_590 = tpu.memref_slice %arg4[%dma_start3A_589] : memref<163840xi32, #tpu.memory_space<hbm>> -> memref<163840xi32, #tpu.memory_space<hbm>>
    tpu.enqueue_indirect_dma source(%dma_start3A_590 : memref<163840xi32, #tpu.memory_space<hbm>>) target(%dma_start3A_585 : memref<128xi32, #tpu.memory_space<vmem>>) offsets(%dma_start3A_588 : memref<128xi32, #tpu.memory_space<vmem>>) semaphore(%arg12 : memref<!tpu.dma_semaphore, #tpu.memory_space<semaphore_mem>>)
    %dma_start3A_591 = arith.constant 33 : i32
    %dma_start3A_592 = arith.constant 4224 : i32
    %dma_start3A_593 = tpu.memref_slice %arg10[%dma_start3A_592] : memref<5120xi32, #tpu.memory_space<vmem>> -> memref<128xi32, #tpu.memory_space<vmem>>
    %dma_start3A_594 = arith.constant 0 : i32
    %dma_start3A_595 = tpu.memref_slice %arg8[%dma_start3A_591, %dma_start3A_594] : memref<40x128xi32, #tpu.memory_space<vmem>> -> memref<1x128xi32, #tpu.memory_space<vmem>>
    %dma_start3A_596 = tpu.memref_squeeze %dma_start3A_595 : memref<1x128xi32, #tpu.memory_space<vmem>> -> memref<128xi32, #tpu.memory_space<vmem>>
    %dma_start3A_597 = arith.constant 0 : i32
    %dma_start3A_598 = tpu.memref_slice %arg4[%dma_start3A_597] : memref<163840xi32, #tpu.memory_space<hbm>> -> memref<163840xi32, #tpu.memory_space<hbm>>
    tpu.enqueue_indirect_dma source(%dma_start3A_598 : memref<163840xi32, #tpu.memory_space<hbm>>) target(%dma_start3A_593 : memref<128xi32, #tpu.memory_space<vmem>>) offsets(%dma_start3A_596 : memref<128xi32, #tpu.memory_space<vmem>>) semaphore(%arg12 : memref<!tpu.dma_semaphore, #tpu.memory_space<semaphore_mem>>)
    %dma_start3A_599 = arith.constant 34 : i32
    %dma_start3A_600 = arith.constant 4352 : i32
    %dma_start3A_601 = tpu.memref_slice %arg10[%dma_start3A_600] : memref<5120xi32, #tpu.memory_space<vmem>> -> memref<128xi32, #tpu.memory_space<vmem>>
    %dma_start3A_602 = arith.constant 0 : i32
    %dma_start3A_603 = tpu.memref_slice %arg8[%dma_start3A_599, %dma_start3A_602] : memref<40x128xi32, #tpu.memory_space<vmem>> -> memref<1x128xi32, #tpu.memory_space<vmem>>
    %dma_start3A_604 = tpu.memref_squeeze %dma_start3A_603 : memref<1x128xi32, #tpu.memory_space<vmem>> -> memref<128xi32, #tpu.memory_space<vmem>>
    %dma_start3A_605 = arith.constant 0 : i32
    %dma_start3A_606 = tpu.memref_slice %arg4[%dma_start3A_605] : memref<163840xi32, #tpu.memory_space<hbm>> -> memref<163840xi32, #tpu.memory_space<hbm>>
    tpu.enqueue_indirect_dma source(%dma_start3A_606 : memref<163840xi32, #tpu.memory_space<hbm>>) target(%dma_start3A_601 : memref<128xi32, #tpu.memory_space<vmem>>) offsets(%dma_start3A_604 : memref<128xi32, #tpu.memory_space<vmem>>) semaphore(%arg12 : memref<!tpu.dma_semaphore, #tpu.memory_space<semaphore_mem>>)
    %dma_start3A_607 = arith.constant 35 : i32
    %dma_start3A_608 = arith.constant 4480 : i32
    %dma_start3A_609 = tpu.memref_slice %arg10[%dma_start3A_608] : memref<5120xi32, #tpu.memory_space<vmem>> -> memref<128xi32, #tpu.memory_space<vmem>>
    %dma_start3A_610 = arith.constant 0 : i32
    %dma_start3A_611 = tpu.memref_slice %arg8[%dma_start3A_607, %dma_start3A_610] : memref<40x128xi32, #tpu.memory_space<vmem>> -> memref<1x128xi32, #tpu.memory_space<vmem>>
    %dma_start3A_612 = tpu.memref_squeeze %dma_start3A_611 : memref<1x128xi32, #tpu.memory_space<vmem>> -> memref<128xi32, #tpu.memory_space<vmem>>
    %dma_start3A_613 = arith.constant 0 : i32
    %dma_start3A_614 = tpu.memref_slice %arg4[%dma_start3A_613] : memref<163840xi32, #tpu.memory_space<hbm>> -> memref<163840xi32, #tpu.memory_space<hbm>>
    tpu.enqueue_indirect_dma source(%dma_start3A_614 : memref<163840xi32, #tpu.memory_space<hbm>>) target(%dma_start3A_609 : memref<128xi32, #tpu.memory_space<vmem>>) offsets(%dma_start3A_612 : memref<128xi32, #tpu.memory_space<vmem>>) semaphore(%arg12 : memref<!tpu.dma_semaphore, #tpu.memory_space<semaphore_mem>>)
    %dma_start3A_615 = arith.constant 36 : i32
    %dma_start3A_616 = arith.constant 4608 : i32
    %dma_start3A_617 = tpu.memref_slice %arg10[%dma_start3A_616] : memref<5120xi32, #tpu.memory_space<vmem>> -> memref<128xi32, #tpu.memory_space<vmem>>
    %dma_start3A_618 = arith.constant 0 : i32
    %dma_start3A_619 = tpu.memref_slice %arg8[%dma_start3A_615, %dma_start3A_618] : memref<40x128xi32, #tpu.memory_space<vmem>> -> memref<1x128xi32, #tpu.memory_space<vmem>>
    %dma_start3A_620 = tpu.memref_squeeze %dma_start3A_619 : memref<1x128xi32, #tpu.memory_space<vmem>> -> memref<128xi32, #tpu.memory_space<vmem>>
    %dma_start3A_621 = arith.constant 0 : i32
    %dma_start3A_622 = tpu.memref_slice %arg4[%dma_start3A_621] : memref<163840xi32, #tpu.memory_space<hbm>> -> memref<163840xi32, #tpu.memory_space<hbm>>
    tpu.enqueue_indirect_dma source(%dma_start3A_622 : memref<163840xi32, #tpu.memory_space<hbm>>) target(%dma_start3A_617 : memref<128xi32, #tpu.memory_space<vmem>>) offsets(%dma_start3A_620 : memref<128xi32, #tpu.memory_space<vmem>>) semaphore(%arg12 : memref<!tpu.dma_semaphore, #tpu.memory_space<semaphore_mem>>)
    %dma_start3A_623 = arith.constant 37 : i32
    %dma_start3A_624 = arith.constant 4736 : i32
    %dma_start3A_625 = tpu.memref_slice %arg10[%dma_start3A_624] : memref<5120xi32, #tpu.memory_space<vmem>> -> memref<128xi32, #tpu.memory_space<vmem>>
    %dma_start3A_626 = arith.constant 0 : i32
    %dma_start3A_627 = tpu.memref_slice %arg8[%dma_start3A_623, %dma_start3A_626] : memref<40x128xi32, #tpu.memory_space<vmem>> -> memref<1x128xi32, #tpu.memory_space<vmem>>
    %dma_start3A_628 = tpu.memref_squeeze %dma_start3A_627 : memref<1x128xi32, #tpu.memory_space<vmem>> -> memref<128xi32, #tpu.memory_space<vmem>>
    %dma_start3A_629 = arith.constant 0 : i32
    %dma_start3A_630 = tpu.memref_slice %arg4[%dma_start3A_629] : memref<163840xi32, #tpu.memory_space<hbm>> -> memref<163840xi32, #tpu.memory_space<hbm>>
    tpu.enqueue_indirect_dma source(%dma_start3A_630 : memref<163840xi32, #tpu.memory_space<hbm>>) target(%dma_start3A_625 : memref<128xi32, #tpu.memory_space<vmem>>) offsets(%dma_start3A_628 : memref<128xi32, #tpu.memory_space<vmem>>) semaphore(%arg12 : memref<!tpu.dma_semaphore, #tpu.memory_space<semaphore_mem>>)
    %dma_start3A_631 = arith.constant 38 : i32
    %dma_start3A_632 = arith.constant 4864 : i32
    %dma_start3A_633 = tpu.memref_slice %arg10[%dma_start3A_632] : memref<5120xi32, #tpu.memory_space<vmem>> -> memref<128xi32, #tpu.memory_space<vmem>>
    %dma_start3A_634 = arith.constant 0 : i32
    %dma_start3A_635 = tpu.memref_slice %arg8[%dma_start3A_631, %dma_start3A_634] : memref<40x128xi32, #tpu.memory_space<vmem>> -> memref<1x128xi32, #tpu.memory_space<vmem>>
    %dma_start3A_636 = tpu.memref_squeeze %dma_start3A_635 : memref<1x128xi32, #tpu.memory_space<vmem>> -> memref<128xi32, #tpu.memory_space<vmem>>
    %dma_start3A_637 = arith.constant 0 : i32
    %dma_start3A_638 = tpu.memref_slice %arg4[%dma_start3A_637] : memref<163840xi32, #tpu.memory_space<hbm>> -> memref<163840xi32, #tpu.memory_space<hbm>>
    tpu.enqueue_indirect_dma source(%dma_start3A_638 : memref<163840xi32, #tpu.memory_space<hbm>>) target(%dma_start3A_633 : memref<128xi32, #tpu.memory_space<vmem>>) offsets(%dma_start3A_636 : memref<128xi32, #tpu.memory_space<vmem>>) semaphore(%arg12 : memref<!tpu.dma_semaphore, #tpu.memory_space<semaphore_mem>>)
    %dma_start3A_639 = arith.constant 39 : i32
    %dma_start3A_640 = arith.constant 4992 : i32
    %dma_start3A_641 = tpu.memref_slice %arg10[%dma_start3A_640] : memref<5120xi32, #tpu.memory_space<vmem>> -> memref<128xi32, #tpu.memory_space<vmem>>
    %dma_start3A_642 = arith.constant 0 : i32
    %dma_start3A_643 = tpu.memref_slice %arg8[%dma_start3A_639, %dma_start3A_642] : memref<40x128xi32, #tpu.memory_space<vmem>> -> memref<1x128xi32, #tpu.memory_space<vmem>>
    %dma_start3A_644 = tpu.memref_squeeze %dma_start3A_643 : memref<1x128xi32, #tpu.memory_space<vmem>> -> memref<128xi32, #tpu.memory_space<vmem>>
    %dma_start3A_645 = arith.constant 0 : i32
    %dma_start3A_646 = tpu.memref_slice %arg4[%dma_start3A_645] : memref<163840xi32, #tpu.memory_space<hbm>> -> memref<163840xi32, #tpu.memory_space<hbm>>
    tpu.enqueue_indirect_dma source(%dma_start3A_646 : memref<163840xi32, #tpu.memory_space<hbm>>) target(%dma_start3A_641 : memref<128xi32, #tpu.memory_space<vmem>>) offsets(%dma_start3A_644 : memref<128xi32, #tpu.memory_space<vmem>>) semaphore(%arg12 : memref<!tpu.dma_semaphore, #tpu.memory_space<semaphore_mem>>)
    %dma_wait3A = arith.constant 0 : i32
    %dma_wait3A_647 = arith.constant 0 : i32
    %dma_wait3A_648 = tpu.memref_slice %arg9[%dma_wait3A_647] : memref<5120xf32, #tpu.memory_space<vmem>> -> memref<128xf32, #tpu.memory_space<vmem>>
    %dma_wait3A_649 = arith.constant 0 : i32
    %dma_wait3A_650 = tpu.memref_slice %arg7[%dma_wait3A, %dma_wait3A_649] : memref<40x128xi32, #tpu.memory_space<vmem>> -> memref<1x128xi32, #tpu.memory_space<vmem>>
    %dma_wait3A_651 = tpu.memref_squeeze %dma_wait3A_650 : memref<1x128xi32, #tpu.memory_space<vmem>> -> memref<128xi32, #tpu.memory_space<vmem>>
    %dma_wait3A_652 = arith.constant 0 : i32
    %dma_wait3A_653 = tpu.memref_slice %arg2[%dma_wait3A_652] : memref<1638400xf32, #tpu.memory_space<hbm>> -> memref<1638400xf32, #tpu.memory_space<hbm>>
    tpu.wait_indirect_dma semaphore(%arg12 : memref<!tpu.dma_semaphore, #tpu.memory_space<semaphore_mem>>) src(%dma_wait3A_653 : memref<1638400xf32, #tpu.memory_space<hbm>>) dst(%dma_wait3A_648 : memref<128xf32, #tpu.memory_space<vmem>>)
    %dma_wait3A_654 = arith.constant 1 : i32
    %dma_wait3A_655 = arith.constant 128 : i32
    %dma_wait3A_656 = tpu.memref_slice %arg9[%dma_wait3A_655] : memref<5120xf32, #tpu.memory_space<vmem>> -> memref<128xf32, #tpu.memory_space<vmem>>
    %dma_wait3A_657 = arith.constant 0 : i32
    %dma_wait3A_658 = tpu.memref_slice %arg7[%dma_wait3A_654, %dma_wait3A_657] : memref<40x128xi32, #tpu.memory_space<vmem>> -> memref<1x128xi32, #tpu.memory_space<vmem>>
    %dma_wait3A_659 = tpu.memref_squeeze %dma_wait3A_658 : memref<1x128xi32, #tpu.memory_space<vmem>> -> memref<128xi32, #tpu.memory_space<vmem>>
    %dma_wait3A_660 = arith.constant 0 : i32
    %dma_wait3A_661 = tpu.memref_slice %arg2[%dma_wait3A_660] : memref<1638400xf32, #tpu.memory_space<hbm>> -> memref<1638400xf32, #tpu.memory_space<hbm>>
    tpu.wait_indirect_dma semaphore(%arg12 : memref<!tpu.dma_semaphore, #tpu.memory_space<semaphore_mem>>) src(%dma_wait3A_661 : memref<1638400xf32, #tpu.memory_space<hbm>>) dst(%dma_wait3A_656 : memref<128xf32, #tpu.memory_space<vmem>>)
    %dma_wait3A_662 = arith.constant 2 : i32
    %dma_wait3A_663 = arith.constant 256 : i32
    %dma_wait3A_664 = tpu.memref_slice %arg9[%dma_wait3A_663] : memref<5120xf32, #tpu.memory_space<vmem>> -> memref<128xf32, #tpu.memory_space<vmem>>
    %dma_wait3A_665 = arith.constant 0 : i32
    %dma_wait3A_666 = tpu.memref_slice %arg7[%dma_wait3A_662, %dma_wait3A_665] : memref<40x128xi32, #tpu.memory_space<vmem>> -> memref<1x128xi32, #tpu.memory_space<vmem>>
    %dma_wait3A_667 = tpu.memref_squeeze %dma_wait3A_666 : memref<1x128xi32, #tpu.memory_space<vmem>> -> memref<128xi32, #tpu.memory_space<vmem>>
    %dma_wait3A_668 = arith.constant 0 : i32
    %dma_wait3A_669 = tpu.memref_slice %arg2[%dma_wait3A_668] : memref<1638400xf32, #tpu.memory_space<hbm>> -> memref<1638400xf32, #tpu.memory_space<hbm>>
    tpu.wait_indirect_dma semaphore(%arg12 : memref<!tpu.dma_semaphore, #tpu.memory_space<semaphore_mem>>) src(%dma_wait3A_669 : memref<1638400xf32, #tpu.memory_space<hbm>>) dst(%dma_wait3A_664 : memref<128xf32, #tpu.memory_space<vmem>>)
    %dma_wait3A_670 = arith.constant 3 : i32
    %dma_wait3A_671 = arith.constant 384 : i32
    %dma_wait3A_672 = tpu.memref_slice %arg9[%dma_wait3A_671] : memref<5120xf32, #tpu.memory_space<vmem>> -> memref<128xf32, #tpu.memory_space<vmem>>
    %dma_wait3A_673 = arith.constant 0 : i32
    %dma_wait3A_674 = tpu.memref_slice %arg7[%dma_wait3A_670, %dma_wait3A_673] : memref<40x128xi32, #tpu.memory_space<vmem>> -> memref<1x128xi32, #tpu.memory_space<vmem>>
    %dma_wait3A_675 = tpu.memref_squeeze %dma_wait3A_674 : memref<1x128xi32, #tpu.memory_space<vmem>> -> memref<128xi32, #tpu.memory_space<vmem>>
    %dma_wait3A_676 = arith.constant 0 : i32
    %dma_wait3A_677 = tpu.memref_slice %arg2[%dma_wait3A_676] : memref<1638400xf32, #tpu.memory_space<hbm>> -> memref<1638400xf32, #tpu.memory_space<hbm>>
    tpu.wait_indirect_dma semaphore(%arg12 : memref<!tpu.dma_semaphore, #tpu.memory_space<semaphore_mem>>) src(%dma_wait3A_677 : memref<1638400xf32, #tpu.memory_space<hbm>>) dst(%dma_wait3A_672 : memref<128xf32, #tpu.memory_space<vmem>>)
    %dma_wait3A_678 = arith.constant 4 : i32
    %dma_wait3A_679 = arith.constant 512 : i32
    %dma_wait3A_680 = tpu.memref_slice %arg9[%dma_wait3A_679] : memref<5120xf32, #tpu.memory_space<vmem>> -> memref<128xf32, #tpu.memory_space<vmem>>
    %dma_wait3A_681 = arith.constant 0 : i32
    %dma_wait3A_682 = tpu.memref_slice %arg7[%dma_wait3A_678, %dma_wait3A_681] : memref<40x128xi32, #tpu.memory_space<vmem>> -> memref<1x128xi32, #tpu.memory_space<vmem>>
    %dma_wait3A_683 = tpu.memref_squeeze %dma_wait3A_682 : memref<1x128xi32, #tpu.memory_space<vmem>> -> memref<128xi32, #tpu.memory_space<vmem>>
    %dma_wait3A_684 = arith.constant 0 : i32
    %dma_wait3A_685 = tpu.memref_slice %arg2[%dma_wait3A_684] : memref<1638400xf32, #tpu.memory_space<hbm>> -> memref<1638400xf32, #tpu.memory_space<hbm>>
    tpu.wait_indirect_dma semaphore(%arg12 : memref<!tpu.dma_semaphore, #tpu.memory_space<semaphore_mem>>) src(%dma_wait3A_685 : memref<1638400xf32, #tpu.memory_space<hbm>>) dst(%dma_wait3A_680 : memref<128xf32, #tpu.memory_space<vmem>>)
    %dma_wait3A_686 = arith.constant 5 : i32
    %dma_wait3A_687 = arith.constant 640 : i32
    %dma_wait3A_688 = tpu.memref_slice %arg9[%dma_wait3A_687] : memref<5120xf32, #tpu.memory_space<vmem>> -> memref<128xf32, #tpu.memory_space<vmem>>
    %dma_wait3A_689 = arith.constant 0 : i32
    %dma_wait3A_690 = tpu.memref_slice %arg7[%dma_wait3A_686, %dma_wait3A_689] : memref<40x128xi32, #tpu.memory_space<vmem>> -> memref<1x128xi32, #tpu.memory_space<vmem>>
    %dma_wait3A_691 = tpu.memref_squeeze %dma_wait3A_690 : memref<1x128xi32, #tpu.memory_space<vmem>> -> memref<128xi32, #tpu.memory_space<vmem>>
    %dma_wait3A_692 = arith.constant 0 : i32
    %dma_wait3A_693 = tpu.memref_slice %arg2[%dma_wait3A_692] : memref<1638400xf32, #tpu.memory_space<hbm>> -> memref<1638400xf32, #tpu.memory_space<hbm>>
    tpu.wait_indirect_dma semaphore(%arg12 : memref<!tpu.dma_semaphore, #tpu.memory_space<semaphore_mem>>) src(%dma_wait3A_693 : memref<1638400xf32, #tpu.memory_space<hbm>>) dst(%dma_wait3A_688 : memref<128xf32, #tpu.memory_space<vmem>>)
    %dma_wait3A_694 = arith.constant 6 : i32
    %dma_wait3A_695 = arith.constant 768 : i32
    %dma_wait3A_696 = tpu.memref_slice %arg9[%dma_wait3A_695] : memref<5120xf32, #tpu.memory_space<vmem>> -> memref<128xf32, #tpu.memory_space<vmem>>
    %dma_wait3A_697 = arith.constant 0 : i32
    %dma_wait3A_698 = tpu.memref_slice %arg7[%dma_wait3A_694, %dma_wait3A_697] : memref<40x128xi32, #tpu.memory_space<vmem>> -> memref<1x128xi32, #tpu.memory_space<vmem>>
    %dma_wait3A_699 = tpu.memref_squeeze %dma_wait3A_698 : memref<1x128xi32, #tpu.memory_space<vmem>> -> memref<128xi32, #tpu.memory_space<vmem>>
    %dma_wait3A_700 = arith.constant 0 : i32
    %dma_wait3A_701 = tpu.memref_slice %arg2[%dma_wait3A_700] : memref<1638400xf32, #tpu.memory_space<hbm>> -> memref<1638400xf32, #tpu.memory_space<hbm>>
    tpu.wait_indirect_dma semaphore(%arg12 : memref<!tpu.dma_semaphore, #tpu.memory_space<semaphore_mem>>) src(%dma_wait3A_701 : memref<1638400xf32, #tpu.memory_space<hbm>>) dst(%dma_wait3A_696 : memref<128xf32, #tpu.memory_space<vmem>>)
    %dma_wait3A_702 = arith.constant 7 : i32
    %dma_wait3A_703 = arith.constant 896 : i32
    %dma_wait3A_704 = tpu.memref_slice %arg9[%dma_wait3A_703] : memref<5120xf32, #tpu.memory_space<vmem>> -> memref<128xf32, #tpu.memory_space<vmem>>
    %dma_wait3A_705 = arith.constant 0 : i32
    %dma_wait3A_706 = tpu.memref_slice %arg7[%dma_wait3A_702, %dma_wait3A_705] : memref<40x128xi32, #tpu.memory_space<vmem>> -> memref<1x128xi32, #tpu.memory_space<vmem>>
    %dma_wait3A_707 = tpu.memref_squeeze %dma_wait3A_706 : memref<1x128xi32, #tpu.memory_space<vmem>> -> memref<128xi32, #tpu.memory_space<vmem>>
    %dma_wait3A_708 = arith.constant 0 : i32
    %dma_wait3A_709 = tpu.memref_slice %arg2[%dma_wait3A_708] : memref<1638400xf32, #tpu.memory_space<hbm>> -> memref<1638400xf32, #tpu.memory_space<hbm>>
    tpu.wait_indirect_dma semaphore(%arg12 : memref<!tpu.dma_semaphore, #tpu.memory_space<semaphore_mem>>) src(%dma_wait3A_709 : memref<1638400xf32, #tpu.memory_space<hbm>>) dst(%dma_wait3A_704 : memref<128xf32, #tpu.memory_space<vmem>>)
    %dma_wait3A_710 = arith.constant 8 : i32
    %dma_wait3A_711 = arith.constant 1024 : i32
    %dma_wait3A_712 = tpu.memref_slice %arg9[%dma_wait3A_711] : memref<5120xf32, #tpu.memory_space<vmem>> -> memref<128xf32, #tpu.memory_space<vmem>>
    %dma_wait3A_713 = arith.constant 0 : i32
    %dma_wait3A_714 = tpu.memref_slice %arg7[%dma_wait3A_710, %dma_wait3A_713] : memref<40x128xi32, #tpu.memory_space<vmem>> -> memref<1x128xi32, #tpu.memory_space<vmem>>
    %dma_wait3A_715 = tpu.memref_squeeze %dma_wait3A_714 : memref<1x128xi32, #tpu.memory_space<vmem>> -> memref<128xi32, #tpu.memory_space<vmem>>
    %dma_wait3A_716 = arith.constant 0 : i32
    %dma_wait3A_717 = tpu.memref_slice %arg2[%dma_wait3A_716] : memref<1638400xf32, #tpu.memory_space<hbm>> -> memref<1638400xf32, #tpu.memory_space<hbm>>
    tpu.wait_indirect_dma semaphore(%arg12 : memref<!tpu.dma_semaphore, #tpu.memory_space<semaphore_mem>>) src(%dma_wait3A_717 : memref<1638400xf32, #tpu.memory_space<hbm>>) dst(%dma_wait3A_712 : memref<128xf32, #tpu.memory_space<vmem>>)
    %dma_wait3A_718 = arith.constant 9 : i32
    %dma_wait3A_719 = arith.constant 1152 : i32
    %dma_wait3A_720 = tpu.memref_slice %arg9[%dma_wait3A_719] : memref<5120xf32, #tpu.memory_space<vmem>> -> memref<128xf32, #tpu.memory_space<vmem>>
    %dma_wait3A_721 = arith.constant 0 : i32
    %dma_wait3A_722 = tpu.memref_slice %arg7[%dma_wait3A_718, %dma_wait3A_721] : memref<40x128xi32, #tpu.memory_space<vmem>> -> memref<1x128xi32, #tpu.memory_space<vmem>>
    %dma_wait3A_723 = tpu.memref_squeeze %dma_wait3A_722 : memref<1x128xi32, #tpu.memory_space<vmem>> -> memref<128xi32, #tpu.memory_space<vmem>>
    %dma_wait3A_724 = arith.constant 0 : i32
    %dma_wait3A_725 = tpu.memref_slice %arg2[%dma_wait3A_724] : memref<1638400xf32, #tpu.memory_space<hbm>> -> memref<1638400xf32, #tpu.memory_space<hbm>>
    tpu.wait_indirect_dma semaphore(%arg12 : memref<!tpu.dma_semaphore, #tpu.memory_space<semaphore_mem>>) src(%dma_wait3A_725 : memref<1638400xf32, #tpu.memory_space<hbm>>) dst(%dma_wait3A_720 : memref<128xf32, #tpu.memory_space<vmem>>)
    %dma_wait3A_726 = arith.constant 10 : i32
    %dma_wait3A_727 = arith.constant 1280 : i32
    %dma_wait3A_728 = tpu.memref_slice %arg9[%dma_wait3A_727] : memref<5120xf32, #tpu.memory_space<vmem>> -> memref<128xf32, #tpu.memory_space<vmem>>
    %dma_wait3A_729 = arith.constant 0 : i32
    %dma_wait3A_730 = tpu.memref_slice %arg7[%dma_wait3A_726, %dma_wait3A_729] : memref<40x128xi32, #tpu.memory_space<vmem>> -> memref<1x128xi32, #tpu.memory_space<vmem>>
    %dma_wait3A_731 = tpu.memref_squeeze %dma_wait3A_730 : memref<1x128xi32, #tpu.memory_space<vmem>> -> memref<128xi32, #tpu.memory_space<vmem>>
    %dma_wait3A_732 = arith.constant 0 : i32
    %dma_wait3A_733 = tpu.memref_slice %arg2[%dma_wait3A_732] : memref<1638400xf32, #tpu.memory_space<hbm>> -> memref<1638400xf32, #tpu.memory_space<hbm>>
    tpu.wait_indirect_dma semaphore(%arg12 : memref<!tpu.dma_semaphore, #tpu.memory_space<semaphore_mem>>) src(%dma_wait3A_733 : memref<1638400xf32, #tpu.memory_space<hbm>>) dst(%dma_wait3A_728 : memref<128xf32, #tpu.memory_space<vmem>>)
    %dma_wait3A_734 = arith.constant 11 : i32
    %dma_wait3A_735 = arith.constant 1408 : i32
    %dma_wait3A_736 = tpu.memref_slice %arg9[%dma_wait3A_735] : memref<5120xf32, #tpu.memory_space<vmem>> -> memref<128xf32, #tpu.memory_space<vmem>>
    %dma_wait3A_737 = arith.constant 0 : i32
    %dma_wait3A_738 = tpu.memref_slice %arg7[%dma_wait3A_734, %dma_wait3A_737] : memref<40x128xi32, #tpu.memory_space<vmem>> -> memref<1x128xi32, #tpu.memory_space<vmem>>
    %dma_wait3A_739 = tpu.memref_squeeze %dma_wait3A_738 : memref<1x128xi32, #tpu.memory_space<vmem>> -> memref<128xi32, #tpu.memory_space<vmem>>
    %dma_wait3A_740 = arith.constant 0 : i32
    %dma_wait3A_741 = tpu.memref_slice %arg2[%dma_wait3A_740] : memref<1638400xf32, #tpu.memory_space<hbm>> -> memref<1638400xf32, #tpu.memory_space<hbm>>
    tpu.wait_indirect_dma semaphore(%arg12 : memref<!tpu.dma_semaphore, #tpu.memory_space<semaphore_mem>>) src(%dma_wait3A_741 : memref<1638400xf32, #tpu.memory_space<hbm>>) dst(%dma_wait3A_736 : memref<128xf32, #tpu.memory_space<vmem>>)
    %dma_wait3A_742 = arith.constant 12 : i32
    %dma_wait3A_743 = arith.constant 1536 : i32
    %dma_wait3A_744 = tpu.memref_slice %arg9[%dma_wait3A_743] : memref<5120xf32, #tpu.memory_space<vmem>> -> memref<128xf32, #tpu.memory_space<vmem>>
    %dma_wait3A_745 = arith.constant 0 : i32
    %dma_wait3A_746 = tpu.memref_slice %arg7[%dma_wait3A_742, %dma_wait3A_745] : memref<40x128xi32, #tpu.memory_space<vmem>> -> memref<1x128xi32, #tpu.memory_space<vmem>>
    %dma_wait3A_747 = tpu.memref_squeeze %dma_wait3A_746 : memref<1x128xi32, #tpu.memory_space<vmem>> -> memref<128xi32, #tpu.memory_space<vmem>>
    %dma_wait3A_748 = arith.constant 0 : i32
    %dma_wait3A_749 = tpu.memref_slice %arg2[%dma_wait3A_748] : memref<1638400xf32, #tpu.memory_space<hbm>> -> memref<1638400xf32, #tpu.memory_space<hbm>>
    tpu.wait_indirect_dma semaphore(%arg12 : memref<!tpu.dma_semaphore, #tpu.memory_space<semaphore_mem>>) src(%dma_wait3A_749 : memref<1638400xf32, #tpu.memory_space<hbm>>) dst(%dma_wait3A_744 : memref<128xf32, #tpu.memory_space<vmem>>)
    %dma_wait3A_750 = arith.constant 13 : i32
    %dma_wait3A_751 = arith.constant 1664 : i32
    %dma_wait3A_752 = tpu.memref_slice %arg9[%dma_wait3A_751] : memref<5120xf32, #tpu.memory_space<vmem>> -> memref<128xf32, #tpu.memory_space<vmem>>
    %dma_wait3A_753 = arith.constant 0 : i32
    %dma_wait3A_754 = tpu.memref_slice %arg7[%dma_wait3A_750, %dma_wait3A_753] : memref<40x128xi32, #tpu.memory_space<vmem>> -> memref<1x128xi32, #tpu.memory_space<vmem>>
    %dma_wait3A_755 = tpu.memref_squeeze %dma_wait3A_754 : memref<1x128xi32, #tpu.memory_space<vmem>> -> memref<128xi32, #tpu.memory_space<vmem>>
    %dma_wait3A_756 = arith.constant 0 : i32
    %dma_wait3A_757 = tpu.memref_slice %arg2[%dma_wait3A_756] : memref<1638400xf32, #tpu.memory_space<hbm>> -> memref<1638400xf32, #tpu.memory_space<hbm>>
    tpu.wait_indirect_dma semaphore(%arg12 : memref<!tpu.dma_semaphore, #tpu.memory_space<semaphore_mem>>) src(%dma_wait3A_757 : memref<1638400xf32, #tpu.memory_space<hbm>>) dst(%dma_wait3A_752 : memref<128xf32, #tpu.memory_space<vmem>>)
    %dma_wait3A_758 = arith.constant 14 : i32
    %dma_wait3A_759 = arith.constant 1792 : i32
    %dma_wait3A_760 = tpu.memref_slice %arg9[%dma_wait3A_759] : memref<5120xf32, #tpu.memory_space<vmem>> -> memref<128xf32, #tpu.memory_space<vmem>>
    %dma_wait3A_761 = arith.constant 0 : i32
    %dma_wait3A_762 = tpu.memref_slice %arg7[%dma_wait3A_758, %dma_wait3A_761] : memref<40x128xi32, #tpu.memory_space<vmem>> -> memref<1x128xi32, #tpu.memory_space<vmem>>
    %dma_wait3A_763 = tpu.memref_squeeze %dma_wait3A_762 : memref<1x128xi32, #tpu.memory_space<vmem>> -> memref<128xi32, #tpu.memory_space<vmem>>
    %dma_wait3A_764 = arith.constant 0 : i32
    %dma_wait3A_765 = tpu.memref_slice %arg2[%dma_wait3A_764] : memref<1638400xf32, #tpu.memory_space<hbm>> -> memref<1638400xf32, #tpu.memory_space<hbm>>
    tpu.wait_indirect_dma semaphore(%arg12 : memref<!tpu.dma_semaphore, #tpu.memory_space<semaphore_mem>>) src(%dma_wait3A_765 : memref<1638400xf32, #tpu.memory_space<hbm>>) dst(%dma_wait3A_760 : memref<128xf32, #tpu.memory_space<vmem>>)
    %dma_wait3A_766 = arith.constant 15 : i32
    %dma_wait3A_767 = arith.constant 1920 : i32
    %dma_wait3A_768 = tpu.memref_slice %arg9[%dma_wait3A_767] : memref<5120xf32, #tpu.memory_space<vmem>> -> memref<128xf32, #tpu.memory_space<vmem>>
    %dma_wait3A_769 = arith.constant 0 : i32
    %dma_wait3A_770 = tpu.memref_slice %arg7[%dma_wait3A_766, %dma_wait3A_769] : memref<40x128xi32, #tpu.memory_space<vmem>> -> memref<1x128xi32, #tpu.memory_space<vmem>>
    %dma_wait3A_771 = tpu.memref_squeeze %dma_wait3A_770 : memref<1x128xi32, #tpu.memory_space<vmem>> -> memref<128xi32, #tpu.memory_space<vmem>>
    %dma_wait3A_772 = arith.constant 0 : i32
    %dma_wait3A_773 = tpu.memref_slice %arg2[%dma_wait3A_772] : memref<1638400xf32, #tpu.memory_space<hbm>> -> memref<1638400xf32, #tpu.memory_space<hbm>>
    tpu.wait_indirect_dma semaphore(%arg12 : memref<!tpu.dma_semaphore, #tpu.memory_space<semaphore_mem>>) src(%dma_wait3A_773 : memref<1638400xf32, #tpu.memory_space<hbm>>) dst(%dma_wait3A_768 : memref<128xf32, #tpu.memory_space<vmem>>)
    %dma_wait3A_774 = arith.constant 16 : i32
    %dma_wait3A_775 = arith.constant 2048 : i32
    %dma_wait3A_776 = tpu.memref_slice %arg9[%dma_wait3A_775] : memref<5120xf32, #tpu.memory_space<vmem>> -> memref<128xf32, #tpu.memory_space<vmem>>
    %dma_wait3A_777 = arith.constant 0 : i32
    %dma_wait3A_778 = tpu.memref_slice %arg7[%dma_wait3A_774, %dma_wait3A_777] : memref<40x128xi32, #tpu.memory_space<vmem>> -> memref<1x128xi32, #tpu.memory_space<vmem>>
    %dma_wait3A_779 = tpu.memref_squeeze %dma_wait3A_778 : memref<1x128xi32, #tpu.memory_space<vmem>> -> memref<128xi32, #tpu.memory_space<vmem>>
    %dma_wait3A_780 = arith.constant 0 : i32
    %dma_wait3A_781 = tpu.memref_slice %arg2[%dma_wait3A_780] : memref<1638400xf32, #tpu.memory_space<hbm>> -> memref<1638400xf32, #tpu.memory_space<hbm>>
    tpu.wait_indirect_dma semaphore(%arg12 : memref<!tpu.dma_semaphore, #tpu.memory_space<semaphore_mem>>) src(%dma_wait3A_781 : memref<1638400xf32, #tpu.memory_space<hbm>>) dst(%dma_wait3A_776 : memref<128xf32, #tpu.memory_space<vmem>>)
    %dma_wait3A_782 = arith.constant 17 : i32
    %dma_wait3A_783 = arith.constant 2176 : i32
    %dma_wait3A_784 = tpu.memref_slice %arg9[%dma_wait3A_783] : memref<5120xf32, #tpu.memory_space<vmem>> -> memref<128xf32, #tpu.memory_space<vmem>>
    %dma_wait3A_785 = arith.constant 0 : i32
    %dma_wait3A_786 = tpu.memref_slice %arg7[%dma_wait3A_782, %dma_wait3A_785] : memref<40x128xi32, #tpu.memory_space<vmem>> -> memref<1x128xi32, #tpu.memory_space<vmem>>
    %dma_wait3A_787 = tpu.memref_squeeze %dma_wait3A_786 : memref<1x128xi32, #tpu.memory_space<vmem>> -> memref<128xi32, #tpu.memory_space<vmem>>
    %dma_wait3A_788 = arith.constant 0 : i32
    %dma_wait3A_789 = tpu.memref_slice %arg2[%dma_wait3A_788] : memref<1638400xf32, #tpu.memory_space<hbm>> -> memref<1638400xf32, #tpu.memory_space<hbm>>
    tpu.wait_indirect_dma semaphore(%arg12 : memref<!tpu.dma_semaphore, #tpu.memory_space<semaphore_mem>>) src(%dma_wait3A_789 : memref<1638400xf32, #tpu.memory_space<hbm>>) dst(%dma_wait3A_784 : memref<128xf32, #tpu.memory_space<vmem>>)
    %dma_wait3A_790 = arith.constant 18 : i32
    %dma_wait3A_791 = arith.constant 2304 : i32
    %dma_wait3A_792 = tpu.memref_slice %arg9[%dma_wait3A_791] : memref<5120xf32, #tpu.memory_space<vmem>> -> memref<128xf32, #tpu.memory_space<vmem>>
    %dma_wait3A_793 = arith.constant 0 : i32
    %dma_wait3A_794 = tpu.memref_slice %arg7[%dma_wait3A_790, %dma_wait3A_793] : memref<40x128xi32, #tpu.memory_space<vmem>> -> memref<1x128xi32, #tpu.memory_space<vmem>>
    %dma_wait3A_795 = tpu.memref_squeeze %dma_wait3A_794 : memref<1x128xi32, #tpu.memory_space<vmem>> -> memref<128xi32, #tpu.memory_space<vmem>>
    %dma_wait3A_796 = arith.constant 0 : i32
    %dma_wait3A_797 = tpu.memref_slice %arg2[%dma_wait3A_796] : memref<1638400xf32, #tpu.memory_space<hbm>> -> memref<1638400xf32, #tpu.memory_space<hbm>>
    tpu.wait_indirect_dma semaphore(%arg12 : memref<!tpu.dma_semaphore, #tpu.memory_space<semaphore_mem>>) src(%dma_wait3A_797 : memref<1638400xf32, #tpu.memory_space<hbm>>) dst(%dma_wait3A_792 : memref<128xf32, #tpu.memory_space<vmem>>)
    %dma_wait3A_798 = arith.constant 19 : i32
    %dma_wait3A_799 = arith.constant 2432 : i32
    %dma_wait3A_800 = tpu.memref_slice %arg9[%dma_wait3A_799] : memref<5120xf32, #tpu.memory_space<vmem>> -> memref<128xf32, #tpu.memory_space<vmem>>
    %dma_wait3A_801 = arith.constant 0 : i32
    %dma_wait3A_802 = tpu.memref_slice %arg7[%dma_wait3A_798, %dma_wait3A_801] : memref<40x128xi32, #tpu.memory_space<vmem>> -> memref<1x128xi32, #tpu.memory_space<vmem>>
    %dma_wait3A_803 = tpu.memref_squeeze %dma_wait3A_802 : memref<1x128xi32, #tpu.memory_space<vmem>> -> memref<128xi32, #tpu.memory_space<vmem>>
    %dma_wait3A_804 = arith.constant 0 : i32
    %dma_wait3A_805 = tpu.memref_slice %arg2[%dma_wait3A_804] : memref<1638400xf32, #tpu.memory_space<hbm>> -> memref<1638400xf32, #tpu.memory_space<hbm>>
    tpu.wait_indirect_dma semaphore(%arg12 : memref<!tpu.dma_semaphore, #tpu.memory_space<semaphore_mem>>) src(%dma_wait3A_805 : memref<1638400xf32, #tpu.memory_space<hbm>>) dst(%dma_wait3A_800 : memref<128xf32, #tpu.memory_space<vmem>>)
    %dma_wait3A_806 = arith.constant 20 : i32
    %dma_wait3A_807 = arith.constant 2560 : i32
    %dma_wait3A_808 = tpu.memref_slice %arg9[%dma_wait3A_807] : memref<5120xf32, #tpu.memory_space<vmem>> -> memref<128xf32, #tpu.memory_space<vmem>>
    %dma_wait3A_809 = arith.constant 0 : i32
    %dma_wait3A_810 = tpu.memref_slice %arg7[%dma_wait3A_806, %dma_wait3A_809] : memref<40x128xi32, #tpu.memory_space<vmem>> -> memref<1x128xi32, #tpu.memory_space<vmem>>
    %dma_wait3A_811 = tpu.memref_squeeze %dma_wait3A_810 : memref<1x128xi32, #tpu.memory_space<vmem>> -> memref<128xi32, #tpu.memory_space<vmem>>
    %dma_wait3A_812 = arith.constant 0 : i32
    %dma_wait3A_813 = tpu.memref_slice %arg2[%dma_wait3A_812] : memref<1638400xf32, #tpu.memory_space<hbm>> -> memref<1638400xf32, #tpu.memory_space<hbm>>
    tpu.wait_indirect_dma semaphore(%arg12 : memref<!tpu.dma_semaphore, #tpu.memory_space<semaphore_mem>>) src(%dma_wait3A_813 : memref<1638400xf32, #tpu.memory_space<hbm>>) dst(%dma_wait3A_808 : memref<128xf32, #tpu.memory_space<vmem>>)
    %dma_wait3A_814 = arith.constant 21 : i32
    %dma_wait3A_815 = arith.constant 2688 : i32
    %dma_wait3A_816 = tpu.memref_slice %arg9[%dma_wait3A_815] : memref<5120xf32, #tpu.memory_space<vmem>> -> memref<128xf32, #tpu.memory_space<vmem>>
    %dma_wait3A_817 = arith.constant 0 : i32
    %dma_wait3A_818 = tpu.memref_slice %arg7[%dma_wait3A_814, %dma_wait3A_817] : memref<40x128xi32, #tpu.memory_space<vmem>> -> memref<1x128xi32, #tpu.memory_space<vmem>>
    %dma_wait3A_819 = tpu.memref_squeeze %dma_wait3A_818 : memref<1x128xi32, #tpu.memory_space<vmem>> -> memref<128xi32, #tpu.memory_space<vmem>>
    %dma_wait3A_820 = arith.constant 0 : i32
    %dma_wait3A_821 = tpu.memref_slice %arg2[%dma_wait3A_820] : memref<1638400xf32, #tpu.memory_space<hbm>> -> memref<1638400xf32, #tpu.memory_space<hbm>>
    tpu.wait_indirect_dma semaphore(%arg12 : memref<!tpu.dma_semaphore, #tpu.memory_space<semaphore_mem>>) src(%dma_wait3A_821 : memref<1638400xf32, #tpu.memory_space<hbm>>) dst(%dma_wait3A_816 : memref<128xf32, #tpu.memory_space<vmem>>)
    %dma_wait3A_822 = arith.constant 22 : i32
    %dma_wait3A_823 = arith.constant 2816 : i32
    %dma_wait3A_824 = tpu.memref_slice %arg9[%dma_wait3A_823] : memref<5120xf32, #tpu.memory_space<vmem>> -> memref<128xf32, #tpu.memory_space<vmem>>
    %dma_wait3A_825 = arith.constant 0 : i32
    %dma_wait3A_826 = tpu.memref_slice %arg7[%dma_wait3A_822, %dma_wait3A_825] : memref<40x128xi32, #tpu.memory_space<vmem>> -> memref<1x128xi32, #tpu.memory_space<vmem>>
    %dma_wait3A_827 = tpu.memref_squeeze %dma_wait3A_826 : memref<1x128xi32, #tpu.memory_space<vmem>> -> memref<128xi32, #tpu.memory_space<vmem>>
    %dma_wait3A_828 = arith.constant 0 : i32
    %dma_wait3A_829 = tpu.memref_slice %arg2[%dma_wait3A_828] : memref<1638400xf32, #tpu.memory_space<hbm>> -> memref<1638400xf32, #tpu.memory_space<hbm>>
    tpu.wait_indirect_dma semaphore(%arg12 : memref<!tpu.dma_semaphore, #tpu.memory_space<semaphore_mem>>) src(%dma_wait3A_829 : memref<1638400xf32, #tpu.memory_space<hbm>>) dst(%dma_wait3A_824 : memref<128xf32, #tpu.memory_space<vmem>>)
    %dma_wait3A_830 = arith.constant 23 : i32
    %dma_wait3A_831 = arith.constant 2944 : i32
    %dma_wait3A_832 = tpu.memref_slice %arg9[%dma_wait3A_831] : memref<5120xf32, #tpu.memory_space<vmem>> -> memref<128xf32, #tpu.memory_space<vmem>>
    %dma_wait3A_833 = arith.constant 0 : i32
    %dma_wait3A_834 = tpu.memref_slice %arg7[%dma_wait3A_830, %dma_wait3A_833] : memref<40x128xi32, #tpu.memory_space<vmem>> -> memref<1x128xi32, #tpu.memory_space<vmem>>
    %dma_wait3A_835 = tpu.memref_squeeze %dma_wait3A_834 : memref<1x128xi32, #tpu.memory_space<vmem>> -> memref<128xi32, #tpu.memory_space<vmem>>
    %dma_wait3A_836 = arith.constant 0 : i32
    %dma_wait3A_837 = tpu.memref_slice %arg2[%dma_wait3A_836] : memref<1638400xf32, #tpu.memory_space<hbm>> -> memref<1638400xf32, #tpu.memory_space<hbm>>
    tpu.wait_indirect_dma semaphore(%arg12 : memref<!tpu.dma_semaphore, #tpu.memory_space<semaphore_mem>>) src(%dma_wait3A_837 : memref<1638400xf32, #tpu.memory_space<hbm>>) dst(%dma_wait3A_832 : memref<128xf32, #tpu.memory_space<vmem>>)
    %dma_wait3A_838 = arith.constant 24 : i32
    %dma_wait3A_839 = arith.constant 3072 : i32
    %dma_wait3A_840 = tpu.memref_slice %arg9[%dma_wait3A_839] : memref<5120xf32, #tpu.memory_space<vmem>> -> memref<128xf32, #tpu.memory_space<vmem>>
    %dma_wait3A_841 = arith.constant 0 : i32
    %dma_wait3A_842 = tpu.memref_slice %arg7[%dma_wait3A_838, %dma_wait3A_841] : memref<40x128xi32, #tpu.memory_space<vmem>> -> memref<1x128xi32, #tpu.memory_space<vmem>>
    %dma_wait3A_843 = tpu.memref_squeeze %dma_wait3A_842 : memref<1x128xi32, #tpu.memory_space<vmem>> -> memref<128xi32, #tpu.memory_space<vmem>>
    %dma_wait3A_844 = arith.constant 0 : i32
    %dma_wait3A_845 = tpu.memref_slice %arg2[%dma_wait3A_844] : memref<1638400xf32, #tpu.memory_space<hbm>> -> memref<1638400xf32, #tpu.memory_space<hbm>>
    tpu.wait_indirect_dma semaphore(%arg12 : memref<!tpu.dma_semaphore, #tpu.memory_space<semaphore_mem>>) src(%dma_wait3A_845 : memref<1638400xf32, #tpu.memory_space<hbm>>) dst(%dma_wait3A_840 : memref<128xf32, #tpu.memory_space<vmem>>)
    %dma_wait3A_846 = arith.constant 25 : i32
    %dma_wait3A_847 = arith.constant 3200 : i32
    %dma_wait3A_848 = tpu.memref_slice %arg9[%dma_wait3A_847] : memref<5120xf32, #tpu.memory_space<vmem>> -> memref<128xf32, #tpu.memory_space<vmem>>
    %dma_wait3A_849 = arith.constant 0 : i32
    %dma_wait3A_850 = tpu.memref_slice %arg7[%dma_wait3A_846, %dma_wait3A_849] : memref<40x128xi32, #tpu.memory_space<vmem>> -> memref<1x128xi32, #tpu.memory_space<vmem>>
    %dma_wait3A_851 = tpu.memref_squeeze %dma_wait3A_850 : memref<1x128xi32, #tpu.memory_space<vmem>> -> memref<128xi32, #tpu.memory_space<vmem>>
    %dma_wait3A_852 = arith.constant 0 : i32
    %dma_wait3A_853 = tpu.memref_slice %arg2[%dma_wait3A_852] : memref<1638400xf32, #tpu.memory_space<hbm>> -> memref<1638400xf32, #tpu.memory_space<hbm>>
    tpu.wait_indirect_dma semaphore(%arg12 : memref<!tpu.dma_semaphore, #tpu.memory_space<semaphore_mem>>) src(%dma_wait3A_853 : memref<1638400xf32, #tpu.memory_space<hbm>>) dst(%dma_wait3A_848 : memref<128xf32, #tpu.memory_space<vmem>>)
    %dma_wait3A_854 = arith.constant 26 : i32
    %dma_wait3A_855 = arith.constant 3328 : i32
    %dma_wait3A_856 = tpu.memref_slice %arg9[%dma_wait3A_855] : memref<5120xf32, #tpu.memory_space<vmem>> -> memref<128xf32, #tpu.memory_space<vmem>>
    %dma_wait3A_857 = arith.constant 0 : i32
    %dma_wait3A_858 = tpu.memref_slice %arg7[%dma_wait3A_854, %dma_wait3A_857] : memref<40x128xi32, #tpu.memory_space<vmem>> -> memref<1x128xi32, #tpu.memory_space<vmem>>
    %dma_wait3A_859 = tpu.memref_squeeze %dma_wait3A_858 : memref<1x128xi32, #tpu.memory_space<vmem>> -> memref<128xi32, #tpu.memory_space<vmem>>
    %dma_wait3A_860 = arith.constant 0 : i32
    %dma_wait3A_861 = tpu.memref_slice %arg2[%dma_wait3A_860] : memref<1638400xf32, #tpu.memory_space<hbm>> -> memref<1638400xf32, #tpu.memory_space<hbm>>
    tpu.wait_indirect_dma semaphore(%arg12 : memref<!tpu.dma_semaphore, #tpu.memory_space<semaphore_mem>>) src(%dma_wait3A_861 : memref<1638400xf32, #tpu.memory_space<hbm>>) dst(%dma_wait3A_856 : memref<128xf32, #tpu.memory_space<vmem>>)
    %dma_wait3A_862 = arith.constant 27 : i32
    %dma_wait3A_863 = arith.constant 3456 : i32
    %dma_wait3A_864 = tpu.memref_slice %arg9[%dma_wait3A_863] : memref<5120xf32, #tpu.memory_space<vmem>> -> memref<128xf32, #tpu.memory_space<vmem>>
    %dma_wait3A_865 = arith.constant 0 : i32
    %dma_wait3A_866 = tpu.memref_slice %arg7[%dma_wait3A_862, %dma_wait3A_865] : memref<40x128xi32, #tpu.memory_space<vmem>> -> memref<1x128xi32, #tpu.memory_space<vmem>>
    %dma_wait3A_867 = tpu.memref_squeeze %dma_wait3A_866 : memref<1x128xi32, #tpu.memory_space<vmem>> -> memref<128xi32, #tpu.memory_space<vmem>>
    %dma_wait3A_868 = arith.constant 0 : i32
    %dma_wait3A_869 = tpu.memref_slice %arg2[%dma_wait3A_868] : memref<1638400xf32, #tpu.memory_space<hbm>> -> memref<1638400xf32, #tpu.memory_space<hbm>>
    tpu.wait_indirect_dma semaphore(%arg12 : memref<!tpu.dma_semaphore, #tpu.memory_space<semaphore_mem>>) src(%dma_wait3A_869 : memref<1638400xf32, #tpu.memory_space<hbm>>) dst(%dma_wait3A_864 : memref<128xf32, #tpu.memory_space<vmem>>)
    %dma_wait3A_870 = arith.constant 28 : i32
    %dma_wait3A_871 = arith.constant 3584 : i32
    %dma_wait3A_872 = tpu.memref_slice %arg9[%dma_wait3A_871] : memref<5120xf32, #tpu.memory_space<vmem>> -> memref<128xf32, #tpu.memory_space<vmem>>
    %dma_wait3A_873 = arith.constant 0 : i32
    %dma_wait3A_874 = tpu.memref_slice %arg7[%dma_wait3A_870, %dma_wait3A_873] : memref<40x128xi32, #tpu.memory_space<vmem>> -> memref<1x128xi32, #tpu.memory_space<vmem>>
    %dma_wait3A_875 = tpu.memref_squeeze %dma_wait3A_874 : memref<1x128xi32, #tpu.memory_space<vmem>> -> memref<128xi32, #tpu.memory_space<vmem>>
    %dma_wait3A_876 = arith.constant 0 : i32
    %dma_wait3A_877 = tpu.memref_slice %arg2[%dma_wait3A_876] : memref<1638400xf32, #tpu.memory_space<hbm>> -> memref<1638400xf32, #tpu.memory_space<hbm>>
    tpu.wait_indirect_dma semaphore(%arg12 : memref<!tpu.dma_semaphore, #tpu.memory_space<semaphore_mem>>) src(%dma_wait3A_877 : memref<1638400xf32, #tpu.memory_space<hbm>>) dst(%dma_wait3A_872 : memref<128xf32, #tpu.memory_space<vmem>>)
    %dma_wait3A_878 = arith.constant 29 : i32
    %dma_wait3A_879 = arith.constant 3712 : i32
    %dma_wait3A_880 = tpu.memref_slice %arg9[%dma_wait3A_879] : memref<5120xf32, #tpu.memory_space<vmem>> -> memref<128xf32, #tpu.memory_space<vmem>>
    %dma_wait3A_881 = arith.constant 0 : i32
    %dma_wait3A_882 = tpu.memref_slice %arg7[%dma_wait3A_878, %dma_wait3A_881] : memref<40x128xi32, #tpu.memory_space<vmem>> -> memref<1x128xi32, #tpu.memory_space<vmem>>
    %dma_wait3A_883 = tpu.memref_squeeze %dma_wait3A_882 : memref<1x128xi32, #tpu.memory_space<vmem>> -> memref<128xi32, #tpu.memory_space<vmem>>
    %dma_wait3A_884 = arith.constant 0 : i32
    %dma_wait3A_885 = tpu.memref_slice %arg2[%dma_wait3A_884] : memref<1638400xf32, #tpu.memory_space<hbm>> -> memref<1638400xf32, #tpu.memory_space<hbm>>
    tpu.wait_indirect_dma semaphore(%arg12 : memref<!tpu.dma_semaphore, #tpu.memory_space<semaphore_mem>>) src(%dma_wait3A_885 : memref<1638400xf32, #tpu.memory_space<hbm>>) dst(%dma_wait3A_880 : memref<128xf32, #tpu.memory_space<vmem>>)
    %dma_wait3A_886 = arith.constant 30 : i32
    %dma_wait3A_887 = arith.constant 3840 : i32
    %dma_wait3A_888 = tpu.memref_slice %arg9[%dma_wait3A_887] : memref<5120xf32, #tpu.memory_space<vmem>> -> memref<128xf32, #tpu.memory_space<vmem>>
    %dma_wait3A_889 = arith.constant 0 : i32
    %dma_wait3A_890 = tpu.memref_slice %arg7[%dma_wait3A_886, %dma_wait3A_889] : memref<40x128xi32, #tpu.memory_space<vmem>> -> memref<1x128xi32, #tpu.memory_space<vmem>>
    %dma_wait3A_891 = tpu.memref_squeeze %dma_wait3A_890 : memref<1x128xi32, #tpu.memory_space<vmem>> -> memref<128xi32, #tpu.memory_space<vmem>>
    %dma_wait3A_892 = arith.constant 0 : i32
    %dma_wait3A_893 = tpu.memref_slice %arg2[%dma_wait3A_892] : memref<1638400xf32, #tpu.memory_space<hbm>> -> memref<1638400xf32, #tpu.memory_space<hbm>>
    tpu.wait_indirect_dma semaphore(%arg12 : memref<!tpu.dma_semaphore, #tpu.memory_space<semaphore_mem>>) src(%dma_wait3A_893 : memref<1638400xf32, #tpu.memory_space<hbm>>) dst(%dma_wait3A_888 : memref<128xf32, #tpu.memory_space<vmem>>)
    %dma_wait3A_894 = arith.constant 31 : i32
    %dma_wait3A_895 = arith.constant 3968 : i32
    %dma_wait3A_896 = tpu.memref_slice %arg9[%dma_wait3A_895] : memref<5120xf32, #tpu.memory_space<vmem>> -> memref<128xf32, #tpu.memory_space<vmem>>
    %dma_wait3A_897 = arith.constant 0 : i32
    %dma_wait3A_898 = tpu.memref_slice %arg7[%dma_wait3A_894, %dma_wait3A_897] : memref<40x128xi32, #tpu.memory_space<vmem>> -> memref<1x128xi32, #tpu.memory_space<vmem>>
    %dma_wait3A_899 = tpu.memref_squeeze %dma_wait3A_898 : memref<1x128xi32, #tpu.memory_space<vmem>> -> memref<128xi32, #tpu.memory_space<vmem>>
    %dma_wait3A_900 = arith.constant 0 : i32
    %dma_wait3A_901 = tpu.memref_slice %arg2[%dma_wait3A_900] : memref<1638400xf32, #tpu.memory_space<hbm>> -> memref<1638400xf32, #tpu.memory_space<hbm>>
    tpu.wait_indirect_dma semaphore(%arg12 : memref<!tpu.dma_semaphore, #tpu.memory_space<semaphore_mem>>) src(%dma_wait3A_901 : memref<1638400xf32, #tpu.memory_space<hbm>>) dst(%dma_wait3A_896 : memref<128xf32, #tpu.memory_space<vmem>>)
    %dma_wait3A_902 = arith.constant 32 : i32
    %dma_wait3A_903 = arith.constant 4096 : i32
    %dma_wait3A_904 = tpu.memref_slice %arg9[%dma_wait3A_903] : memref<5120xf32, #tpu.memory_space<vmem>> -> memref<128xf32, #tpu.memory_space<vmem>>
    %dma_wait3A_905 = arith.constant 0 : i32
    %dma_wait3A_906 = tpu.memref_slice %arg7[%dma_wait3A_902, %dma_wait3A_905] : memref<40x128xi32, #tpu.memory_space<vmem>> -> memref<1x128xi32, #tpu.memory_space<vmem>>
    %dma_wait3A_907 = tpu.memref_squeeze %dma_wait3A_906 : memref<1x128xi32, #tpu.memory_space<vmem>> -> memref<128xi32, #tpu.memory_space<vmem>>
    %dma_wait3A_908 = arith.constant 0 : i32
    %dma_wait3A_909 = tpu.memref_slice %arg2[%dma_wait3A_908] : memref<1638400xf32, #tpu.memory_space<hbm>> -> memref<1638400xf32, #tpu.memory_space<hbm>>
    tpu.wait_indirect_dma semaphore(%arg12 : memref<!tpu.dma_semaphore, #tpu.memory_space<semaphore_mem>>) src(%dma_wait3A_909 : memref<1638400xf32, #tpu.memory_space<hbm>>) dst(%dma_wait3A_904 : memref<128xf32, #tpu.memory_space<vmem>>)
    %dma_wait3A_910 = arith.constant 33 : i32
    %dma_wait3A_911 = arith.constant 4224 : i32
    %dma_wait3A_912 = tpu.memref_slice %arg9[%dma_wait3A_911] : memref<5120xf32, #tpu.memory_space<vmem>> -> memref<128xf32, #tpu.memory_space<vmem>>
    %dma_wait3A_913 = arith.constant 0 : i32
    %dma_wait3A_914 = tpu.memref_slice %arg7[%dma_wait3A_910, %dma_wait3A_913] : memref<40x128xi32, #tpu.memory_space<vmem>> -> memref<1x128xi32, #tpu.memory_space<vmem>>
    %dma_wait3A_915 = tpu.memref_squeeze %dma_wait3A_914 : memref<1x128xi32, #tpu.memory_space<vmem>> -> memref<128xi32, #tpu.memory_space<vmem>>
    %dma_wait3A_916 = arith.constant 0 : i32
    %dma_wait3A_917 = tpu.memref_slice %arg2[%dma_wait3A_916] : memref<1638400xf32, #tpu.memory_space<hbm>> -> memref<1638400xf32, #tpu.memory_space<hbm>>
    tpu.wait_indirect_dma semaphore(%arg12 : memref<!tpu.dma_semaphore, #tpu.memory_space<semaphore_mem>>) src(%dma_wait3A_917 : memref<1638400xf32, #tpu.memory_space<hbm>>) dst(%dma_wait3A_912 : memref<128xf32, #tpu.memory_space<vmem>>)
    %dma_wait3A_918 = arith.constant 34 : i32
    %dma_wait3A_919 = arith.constant 4352 : i32
    %dma_wait3A_920 = tpu.memref_slice %arg9[%dma_wait3A_919] : memref<5120xf32, #tpu.memory_space<vmem>> -> memref<128xf32, #tpu.memory_space<vmem>>
    %dma_wait3A_921 = arith.constant 0 : i32
    %dma_wait3A_922 = tpu.memref_slice %arg7[%dma_wait3A_918, %dma_wait3A_921] : memref<40x128xi32, #tpu.memory_space<vmem>> -> memref<1x128xi32, #tpu.memory_space<vmem>>
    %dma_wait3A_923 = tpu.memref_squeeze %dma_wait3A_922 : memref<1x128xi32, #tpu.memory_space<vmem>> -> memref<128xi32, #tpu.memory_space<vmem>>
    %dma_wait3A_924 = arith.constant 0 : i32
    %dma_wait3A_925 = tpu.memref_slice %arg2[%dma_wait3A_924] : memref<1638400xf32, #tpu.memory_space<hbm>> -> memref<1638400xf32, #tpu.memory_space<hbm>>
    tpu.wait_indirect_dma semaphore(%arg12 : memref<!tpu.dma_semaphore, #tpu.memory_space<semaphore_mem>>) src(%dma_wait3A_925 : memref<1638400xf32, #tpu.memory_space<hbm>>) dst(%dma_wait3A_920 : memref<128xf32, #tpu.memory_space<vmem>>)
    %dma_wait3A_926 = arith.constant 35 : i32
    %dma_wait3A_927 = arith.constant 4480 : i32
    %dma_wait3A_928 = tpu.memref_slice %arg9[%dma_wait3A_927] : memref<5120xf32, #tpu.memory_space<vmem>> -> memref<128xf32, #tpu.memory_space<vmem>>
    %dma_wait3A_929 = arith.constant 0 : i32
    %dma_wait3A_930 = tpu.memref_slice %arg7[%dma_wait3A_926, %dma_wait3A_929] : memref<40x128xi32, #tpu.memory_space<vmem>> -> memref<1x128xi32, #tpu.memory_space<vmem>>
    %dma_wait3A_931 = tpu.memref_squeeze %dma_wait3A_930 : memref<1x128xi32, #tpu.memory_space<vmem>> -> memref<128xi32, #tpu.memory_space<vmem>>
    %dma_wait3A_932 = arith.constant 0 : i32
    %dma_wait3A_933 = tpu.memref_slice %arg2[%dma_wait3A_932] : memref<1638400xf32, #tpu.memory_space<hbm>> -> memref<1638400xf32, #tpu.memory_space<hbm>>
    tpu.wait_indirect_dma semaphore(%arg12 : memref<!tpu.dma_semaphore, #tpu.memory_space<semaphore_mem>>) src(%dma_wait3A_933 : memref<1638400xf32, #tpu.memory_space<hbm>>) dst(%dma_wait3A_928 : memref<128xf32, #tpu.memory_space<vmem>>)
    %dma_wait3A_934 = arith.constant 36 : i32
    %dma_wait3A_935 = arith.constant 4608 : i32
    %dma_wait3A_936 = tpu.memref_slice %arg9[%dma_wait3A_935] : memref<5120xf32, #tpu.memory_space<vmem>> -> memref<128xf32, #tpu.memory_space<vmem>>
    %dma_wait3A_937 = arith.constant 0 : i32
    %dma_wait3A_938 = tpu.memref_slice %arg7[%dma_wait3A_934, %dma_wait3A_937] : memref<40x128xi32, #tpu.memory_space<vmem>> -> memref<1x128xi32, #tpu.memory_space<vmem>>
    %dma_wait3A_939 = tpu.memref_squeeze %dma_wait3A_938 : memref<1x128xi32, #tpu.memory_space<vmem>> -> memref<128xi32, #tpu.memory_space<vmem>>
    %dma_wait3A_940 = arith.constant 0 : i32
    %dma_wait3A_941 = tpu.memref_slice %arg2[%dma_wait3A_940] : memref<1638400xf32, #tpu.memory_space<hbm>> -> memref<1638400xf32, #tpu.memory_space<hbm>>
    tpu.wait_indirect_dma semaphore(%arg12 : memref<!tpu.dma_semaphore, #tpu.memory_space<semaphore_mem>>) src(%dma_wait3A_941 : memref<1638400xf32, #tpu.memory_space<hbm>>) dst(%dma_wait3A_936 : memref<128xf32, #tpu.memory_space<vmem>>)
    %dma_wait3A_942 = arith.constant 37 : i32
    %dma_wait3A_943 = arith.constant 4736 : i32
    %dma_wait3A_944 = tpu.memref_slice %arg9[%dma_wait3A_943] : memref<5120xf32, #tpu.memory_space<vmem>> -> memref<128xf32, #tpu.memory_space<vmem>>
    %dma_wait3A_945 = arith.constant 0 : i32
    %dma_wait3A_946 = tpu.memref_slice %arg7[%dma_wait3A_942, %dma_wait3A_945] : memref<40x128xi32, #tpu.memory_space<vmem>> -> memref<1x128xi32, #tpu.memory_space<vmem>>
    %dma_wait3A_947 = tpu.memref_squeeze %dma_wait3A_946 : memref<1x128xi32, #tpu.memory_space<vmem>> -> memref<128xi32, #tpu.memory_space<vmem>>
    %dma_wait3A_948 = arith.constant 0 : i32
    %dma_wait3A_949 = tpu.memref_slice %arg2[%dma_wait3A_948] : memref<1638400xf32, #tpu.memory_space<hbm>> -> memref<1638400xf32, #tpu.memory_space<hbm>>
    tpu.wait_indirect_dma semaphore(%arg12 : memref<!tpu.dma_semaphore, #tpu.memory_space<semaphore_mem>>) src(%dma_wait3A_949 : memref<1638400xf32, #tpu.memory_space<hbm>>) dst(%dma_wait3A_944 : memref<128xf32, #tpu.memory_space<vmem>>)
    %dma_wait3A_950 = arith.constant 38 : i32
    %dma_wait3A_951 = arith.constant 4864 : i32
    %dma_wait3A_952 = tpu.memref_slice %arg9[%dma_wait3A_951] : memref<5120xf32, #tpu.memory_space<vmem>> -> memref<128xf32, #tpu.memory_space<vmem>>
    %dma_wait3A_953 = arith.constant 0 : i32
    %dma_wait3A_954 = tpu.memref_slice %arg7[%dma_wait3A_950, %dma_wait3A_953] : memref<40x128xi32, #tpu.memory_space<vmem>> -> memref<1x128xi32, #tpu.memory_space<vmem>>
    %dma_wait3A_955 = tpu.memref_squeeze %dma_wait3A_954 : memref<1x128xi32, #tpu.memory_space<vmem>> -> memref<128xi32, #tpu.memory_space<vmem>>
    %dma_wait3A_956 = arith.constant 0 : i32
    %dma_wait3A_957 = tpu.memref_slice %arg2[%dma_wait3A_956] : memref<1638400xf32, #tpu.memory_space<hbm>> -> memref<1638400xf32, #tpu.memory_space<hbm>>
    tpu.wait_indirect_dma semaphore(%arg12 : memref<!tpu.dma_semaphore, #tpu.memory_space<semaphore_mem>>) src(%dma_wait3A_957 : memref<1638400xf32, #tpu.memory_space<hbm>>) dst(%dma_wait3A_952 : memref<128xf32, #tpu.memory_space<vmem>>)
    %dma_wait3A_958 = arith.constant 39 : i32
    %dma_wait3A_959 = arith.constant 4992 : i32
    %dma_wait3A_960 = tpu.memref_slice %arg9[%dma_wait3A_959] : memref<5120xf32, #tpu.memory_space<vmem>> -> memref<128xf32, #tpu.memory_space<vmem>>
    %dma_wait3A_961 = arith.constant 0 : i32
    %dma_wait3A_962 = tpu.memref_slice %arg7[%dma_wait3A_958, %dma_wait3A_961] : memref<40x128xi32, #tpu.memory_space<vmem>> -> memref<1x128xi32, #tpu.memory_space<vmem>>
    %dma_wait3A_963 = tpu.memref_squeeze %dma_wait3A_962 : memref<1x128xi32, #tpu.memory_space<vmem>> -> memref<128xi32, #tpu.memory_space<vmem>>
    %dma_wait3A_964 = arith.constant 0 : i32
    %dma_wait3A_965 = tpu.memref_slice %arg2[%dma_wait3A_964] : memref<1638400xf32, #tpu.memory_space<hbm>> -> memref<1638400xf32, #tpu.memory_space<hbm>>
    tpu.wait_indirect_dma semaphore(%arg12 : memref<!tpu.dma_semaphore, #tpu.memory_space<semaphore_mem>>) src(%dma_wait3A_965 : memref<1638400xf32, #tpu.memory_space<hbm>>) dst(%dma_wait3A_960 : memref<128xf32, #tpu.memory_space<vmem>>)
    %dma_wait3A_966 = arith.constant 0 : i32
    %dma_wait3A_967 = arith.constant 0 : i32
    %dma_wait3A_968 = tpu.memref_slice %arg10[%dma_wait3A_967] : memref<5120xi32, #tpu.memory_space<vmem>> -> memref<128xi32, #tpu.memory_space<vmem>>
    %dma_wait3A_969 = arith.constant 0 : i32
    %dma_wait3A_970 = tpu.memref_slice %arg8[%dma_wait3A_966, %dma_wait3A_969] : memref<40x128xi32, #tpu.memory_space<vmem>> -> memref<1x128xi32, #tpu.memory_space<vmem>>
    %dma_wait3A_971 = tpu.memref_squeeze %dma_wait3A_970 : memref<1x128xi32, #tpu.memory_space<vmem>> -> memref<128xi32, #tpu.memory_space<vmem>>
    %dma_wait3A_972 = arith.constant 0 : i32
    %dma_wait3A_973 = tpu.memref_slice %arg4[%dma_wait3A_972] : memref<163840xi32, #tpu.memory_space<hbm>> -> memref<163840xi32, #tpu.memory_space<hbm>>
    tpu.wait_indirect_dma semaphore(%arg12 : memref<!tpu.dma_semaphore, #tpu.memory_space<semaphore_mem>>) src(%dma_wait3A_973 : memref<163840xi32, #tpu.memory_space<hbm>>) dst(%dma_wait3A_968 : memref<128xi32, #tpu.memory_space<vmem>>)
    %dma_wait3A_974 = arith.constant 1 : i32
    %dma_wait3A_975 = arith.constant 128 : i32
    %dma_wait3A_976 = tpu.memref_slice %arg10[%dma_wait3A_975] : memref<5120xi32, #tpu.memory_space<vmem>> -> memref<128xi32, #tpu.memory_space<vmem>>
    %dma_wait3A_977 = arith.constant 0 : i32
    %dma_wait3A_978 = tpu.memref_slice %arg8[%dma_wait3A_974, %dma_wait3A_977] : memref<40x128xi32, #tpu.memory_space<vmem>> -> memref<1x128xi32, #tpu.memory_space<vmem>>
    %dma_wait3A_979 = tpu.memref_squeeze %dma_wait3A_978 : memref<1x128xi32, #tpu.memory_space<vmem>> -> memref<128xi32, #tpu.memory_space<vmem>>
    %dma_wait3A_980 = arith.constant 0 : i32
    %dma_wait3A_981 = tpu.memref_slice %arg4[%dma_wait3A_980] : memref<163840xi32, #tpu.memory_space<hbm>> -> memref<163840xi32, #tpu.memory_space<hbm>>
    tpu.wait_indirect_dma semaphore(%arg12 : memref<!tpu.dma_semaphore, #tpu.memory_space<semaphore_mem>>) src(%dma_wait3A_981 : memref<163840xi32, #tpu.memory_space<hbm>>) dst(%dma_wait3A_976 : memref<128xi32, #tpu.memory_space<vmem>>)
    %dma_wait3A_982 = arith.constant 2 : i32
    %dma_wait3A_983 = arith.constant 256 : i32
    %dma_wait3A_984 = tpu.memref_slice %arg10[%dma_wait3A_983] : memref<5120xi32, #tpu.memory_space<vmem>> -> memref<128xi32, #tpu.memory_space<vmem>>
    %dma_wait3A_985 = arith.constant 0 : i32
    %dma_wait3A_986 = tpu.memref_slice %arg8[%dma_wait3A_982, %dma_wait3A_985] : memref<40x128xi32, #tpu.memory_space<vmem>> -> memref<1x128xi32, #tpu.memory_space<vmem>>
    %dma_wait3A_987 = tpu.memref_squeeze %dma_wait3A_986 : memref<1x128xi32, #tpu.memory_space<vmem>> -> memref<128xi32, #tpu.memory_space<vmem>>
    %dma_wait3A_988 = arith.constant 0 : i32
    %dma_wait3A_989 = tpu.memref_slice %arg4[%dma_wait3A_988] : memref<163840xi32, #tpu.memory_space<hbm>> -> memref<163840xi32, #tpu.memory_space<hbm>>
    tpu.wait_indirect_dma semaphore(%arg12 : memref<!tpu.dma_semaphore, #tpu.memory_space<semaphore_mem>>) src(%dma_wait3A_989 : memref<163840xi32, #tpu.memory_space<hbm>>) dst(%dma_wait3A_984 : memref<128xi32, #tpu.memory_space<vmem>>)
    %dma_wait3A_990 = arith.constant 3 : i32
    %dma_wait3A_991 = arith.constant 384 : i32
    %dma_wait3A_992 = tpu.memref_slice %arg10[%dma_wait3A_991] : memref<5120xi32, #tpu.memory_space<vmem>> -> memref<128xi32, #tpu.memory_space<vmem>>
    %dma_wait3A_993 = arith.constant 0 : i32
    %dma_wait3A_994 = tpu.memref_slice %arg8[%dma_wait3A_990, %dma_wait3A_993] : memref<40x128xi32, #tpu.memory_space<vmem>> -> memref<1x128xi32, #tpu.memory_space<vmem>>
    %dma_wait3A_995 = tpu.memref_squeeze %dma_wait3A_994 : memref<1x128xi32, #tpu.memory_space<vmem>> -> memref<128xi32, #tpu.memory_space<vmem>>
    %dma_wait3A_996 = arith.constant 0 : i32
    %dma_wait3A_997 = tpu.memref_slice %arg4[%dma_wait3A_996] : memref<163840xi32, #tpu.memory_space<hbm>> -> memref<163840xi32, #tpu.memory_space<hbm>>
    tpu.wait_indirect_dma semaphore(%arg12 : memref<!tpu.dma_semaphore, #tpu.memory_space<semaphore_mem>>) src(%dma_wait3A_997 : memref<163840xi32, #tpu.memory_space<hbm>>) dst(%dma_wait3A_992 : memref<128xi32, #tpu.memory_space<vmem>>)
    %dma_wait3A_998 = arith.constant 4 : i32
    %dma_wait3A_999 = arith.constant 512 : i32
    %dma_wait3A_1000 = tpu.memref_slice %arg10[%dma_wait3A_999] : memref<5120xi32, #tpu.memory_space<vmem>> -> memref<128xi32, #tpu.memory_space<vmem>>
    %dma_wait3A_1001 = arith.constant 0 : i32
    %dma_wait3A_1002 = tpu.memref_slice %arg8[%dma_wait3A_998, %dma_wait3A_1001] : memref<40x128xi32, #tpu.memory_space<vmem>> -> memref<1x128xi32, #tpu.memory_space<vmem>>
    %dma_wait3A_1003 = tpu.memref_squeeze %dma_wait3A_1002 : memref<1x128xi32, #tpu.memory_space<vmem>> -> memref<128xi32, #tpu.memory_space<vmem>>
    %dma_wait3A_1004 = arith.constant 0 : i32
    %dma_wait3A_1005 = tpu.memref_slice %arg4[%dma_wait3A_1004] : memref<163840xi32, #tpu.memory_space<hbm>> -> memref<163840xi32, #tpu.memory_space<hbm>>
    tpu.wait_indirect_dma semaphore(%arg12 : memref<!tpu.dma_semaphore, #tpu.memory_space<semaphore_mem>>) src(%dma_wait3A_1005 : memref<163840xi32, #tpu.memory_space<hbm>>) dst(%dma_wait3A_1000 : memref<128xi32, #tpu.memory_space<vmem>>)
    %dma_wait3A_1006 = arith.constant 5 : i32
    %dma_wait3A_1007 = arith.constant 640 : i32
    %dma_wait3A_1008 = tpu.memref_slice %arg10[%dma_wait3A_1007] : memref<5120xi32, #tpu.memory_space<vmem>> -> memref<128xi32, #tpu.memory_space<vmem>>
    %dma_wait3A_1009 = arith.constant 0 : i32
    %dma_wait3A_1010 = tpu.memref_slice %arg8[%dma_wait3A_1006, %dma_wait3A_1009] : memref<40x128xi32, #tpu.memory_space<vmem>> -> memref<1x128xi32, #tpu.memory_space<vmem>>
    %dma_wait3A_1011 = tpu.memref_squeeze %dma_wait3A_1010 : memref<1x128xi32, #tpu.memory_space<vmem>> -> memref<128xi32, #tpu.memory_space<vmem>>
    %dma_wait3A_1012 = arith.constant 0 : i32
    %dma_wait3A_1013 = tpu.memref_slice %arg4[%dma_wait3A_1012] : memref<163840xi32, #tpu.memory_space<hbm>> -> memref<163840xi32, #tpu.memory_space<hbm>>
    tpu.wait_indirect_dma semaphore(%arg12 : memref<!tpu.dma_semaphore, #tpu.memory_space<semaphore_mem>>) src(%dma_wait3A_1013 : memref<163840xi32, #tpu.memory_space<hbm>>) dst(%dma_wait3A_1008 : memref<128xi32, #tpu.memory_space<vmem>>)
    %dma_wait3A_1014 = arith.constant 6 : i32
    %dma_wait3A_1015 = arith.constant 768 : i32
    %dma_wait3A_1016 = tpu.memref_slice %arg10[%dma_wait3A_1015] : memref<5120xi32, #tpu.memory_space<vmem>> -> memref<128xi32, #tpu.memory_space<vmem>>
    %dma_wait3A_1017 = arith.constant 0 : i32
    %dma_wait3A_1018 = tpu.memref_slice %arg8[%dma_wait3A_1014, %dma_wait3A_1017] : memref<40x128xi32, #tpu.memory_space<vmem>> -> memref<1x128xi32, #tpu.memory_space<vmem>>
    %dma_wait3A_1019 = tpu.memref_squeeze %dma_wait3A_1018 : memref<1x128xi32, #tpu.memory_space<vmem>> -> memref<128xi32, #tpu.memory_space<vmem>>
    %dma_wait3A_1020 = arith.constant 0 : i32
    %dma_wait3A_1021 = tpu.memref_slice %arg4[%dma_wait3A_1020] : memref<163840xi32, #tpu.memory_space<hbm>> -> memref<163840xi32, #tpu.memory_space<hbm>>
    tpu.wait_indirect_dma semaphore(%arg12 : memref<!tpu.dma_semaphore, #tpu.memory_space<semaphore_mem>>) src(%dma_wait3A_1021 : memref<163840xi32, #tpu.memory_space<hbm>>) dst(%dma_wait3A_1016 : memref<128xi32, #tpu.memory_space<vmem>>)
    %dma_wait3A_1022 = arith.constant 7 : i32
    %dma_wait3A_1023 = arith.constant 896 : i32
    %dma_wait3A_1024 = tpu.memref_slice %arg10[%dma_wait3A_1023] : memref<5120xi32, #tpu.memory_space<vmem>> -> memref<128xi32, #tpu.memory_space<vmem>>
    %dma_wait3A_1025 = arith.constant 0 : i32
    %dma_wait3A_1026 = tpu.memref_slice %arg8[%dma_wait3A_1022, %dma_wait3A_1025] : memref<40x128xi32, #tpu.memory_space<vmem>> -> memref<1x128xi32, #tpu.memory_space<vmem>>
    %dma_wait3A_1027 = tpu.memref_squeeze %dma_wait3A_1026 : memref<1x128xi32, #tpu.memory_space<vmem>> -> memref<128xi32, #tpu.memory_space<vmem>>
    %dma_wait3A_1028 = arith.constant 0 : i32
    %dma_wait3A_1029 = tpu.memref_slice %arg4[%dma_wait3A_1028] : memref<163840xi32, #tpu.memory_space<hbm>> -> memref<163840xi32, #tpu.memory_space<hbm>>
    tpu.wait_indirect_dma semaphore(%arg12 : memref<!tpu.dma_semaphore, #tpu.memory_space<semaphore_mem>>) src(%dma_wait3A_1029 : memref<163840xi32, #tpu.memory_space<hbm>>) dst(%dma_wait3A_1024 : memref<128xi32, #tpu.memory_space<vmem>>)
    %dma_wait3A_1030 = arith.constant 8 : i32
    %dma_wait3A_1031 = arith.constant 1024 : i32
    %dma_wait3A_1032 = tpu.memref_slice %arg10[%dma_wait3A_1031] : memref<5120xi32, #tpu.memory_space<vmem>> -> memref<128xi32, #tpu.memory_space<vmem>>
    %dma_wait3A_1033 = arith.constant 0 : i32
    %dma_wait3A_1034 = tpu.memref_slice %arg8[%dma_wait3A_1030, %dma_wait3A_1033] : memref<40x128xi32, #tpu.memory_space<vmem>> -> memref<1x128xi32, #tpu.memory_space<vmem>>
    %dma_wait3A_1035 = tpu.memref_squeeze %dma_wait3A_1034 : memref<1x128xi32, #tpu.memory_space<vmem>> -> memref<128xi32, #tpu.memory_space<vmem>>
    %dma_wait3A_1036 = arith.constant 0 : i32
    %dma_wait3A_1037 = tpu.memref_slice %arg4[%dma_wait3A_1036] : memref<163840xi32, #tpu.memory_space<hbm>> -> memref<163840xi32, #tpu.memory_space<hbm>>
    tpu.wait_indirect_dma semaphore(%arg12 : memref<!tpu.dma_semaphore, #tpu.memory_space<semaphore_mem>>) src(%dma_wait3A_1037 : memref<163840xi32, #tpu.memory_space<hbm>>) dst(%dma_wait3A_1032 : memref<128xi32, #tpu.memory_space<vmem>>)
    %dma_wait3A_1038 = arith.constant 9 : i32
    %dma_wait3A_1039 = arith.constant 1152 : i32
    %dma_wait3A_1040 = tpu.memref_slice %arg10[%dma_wait3A_1039] : memref<5120xi32, #tpu.memory_space<vmem>> -> memref<128xi32, #tpu.memory_space<vmem>>
    %dma_wait3A_1041 = arith.constant 0 : i32
    %dma_wait3A_1042 = tpu.memref_slice %arg8[%dma_wait3A_1038, %dma_wait3A_1041] : memref<40x128xi32, #tpu.memory_space<vmem>> -> memref<1x128xi32, #tpu.memory_space<vmem>>
    %dma_wait3A_1043 = tpu.memref_squeeze %dma_wait3A_1042 : memref<1x128xi32, #tpu.memory_space<vmem>> -> memref<128xi32, #tpu.memory_space<vmem>>
    %dma_wait3A_1044 = arith.constant 0 : i32
    %dma_wait3A_1045 = tpu.memref_slice %arg4[%dma_wait3A_1044] : memref<163840xi32, #tpu.memory_space<hbm>> -> memref<163840xi32, #tpu.memory_space<hbm>>
    tpu.wait_indirect_dma semaphore(%arg12 : memref<!tpu.dma_semaphore, #tpu.memory_space<semaphore_mem>>) src(%dma_wait3A_1045 : memref<163840xi32, #tpu.memory_space<hbm>>) dst(%dma_wait3A_1040 : memref<128xi32, #tpu.memory_space<vmem>>)
    %dma_wait3A_1046 = arith.constant 10 : i32
    %dma_wait3A_1047 = arith.constant 1280 : i32
    %dma_wait3A_1048 = tpu.memref_slice %arg10[%dma_wait3A_1047] : memref<5120xi32, #tpu.memory_space<vmem>> -> memref<128xi32, #tpu.memory_space<vmem>>
    %dma_wait3A_1049 = arith.constant 0 : i32
    %dma_wait3A_1050 = tpu.memref_slice %arg8[%dma_wait3A_1046, %dma_wait3A_1049] : memref<40x128xi32, #tpu.memory_space<vmem>> -> memref<1x128xi32, #tpu.memory_space<vmem>>
    %dma_wait3A_1051 = tpu.memref_squeeze %dma_wait3A_1050 : memref<1x128xi32, #tpu.memory_space<vmem>> -> memref<128xi32, #tpu.memory_space<vmem>>
    %dma_wait3A_1052 = arith.constant 0 : i32
    %dma_wait3A_1053 = tpu.memref_slice %arg4[%dma_wait3A_1052] : memref<163840xi32, #tpu.memory_space<hbm>> -> memref<163840xi32, #tpu.memory_space<hbm>>
    tpu.wait_indirect_dma semaphore(%arg12 : memref<!tpu.dma_semaphore, #tpu.memory_space<semaphore_mem>>) src(%dma_wait3A_1053 : memref<163840xi32, #tpu.memory_space<hbm>>) dst(%dma_wait3A_1048 : memref<128xi32, #tpu.memory_space<vmem>>)
    %dma_wait3A_1054 = arith.constant 11 : i32
    %dma_wait3A_1055 = arith.constant 1408 : i32
    %dma_wait3A_1056 = tpu.memref_slice %arg10[%dma_wait3A_1055] : memref<5120xi32, #tpu.memory_space<vmem>> -> memref<128xi32, #tpu.memory_space<vmem>>
    %dma_wait3A_1057 = arith.constant 0 : i32
    %dma_wait3A_1058 = tpu.memref_slice %arg8[%dma_wait3A_1054, %dma_wait3A_1057] : memref<40x128xi32, #tpu.memory_space<vmem>> -> memref<1x128xi32, #tpu.memory_space<vmem>>
    %dma_wait3A_1059 = tpu.memref_squeeze %dma_wait3A_1058 : memref<1x128xi32, #tpu.memory_space<vmem>> -> memref<128xi32, #tpu.memory_space<vmem>>
    %dma_wait3A_1060 = arith.constant 0 : i32
    %dma_wait3A_1061 = tpu.memref_slice %arg4[%dma_wait3A_1060] : memref<163840xi32, #tpu.memory_space<hbm>> -> memref<163840xi32, #tpu.memory_space<hbm>>
    tpu.wait_indirect_dma semaphore(%arg12 : memref<!tpu.dma_semaphore, #tpu.memory_space<semaphore_mem>>) src(%dma_wait3A_1061 : memref<163840xi32, #tpu.memory_space<hbm>>) dst(%dma_wait3A_1056 : memref<128xi32, #tpu.memory_space<vmem>>)
    %dma_wait3A_1062 = arith.constant 12 : i32
    %dma_wait3A_1063 = arith.constant 1536 : i32
    %dma_wait3A_1064 = tpu.memref_slice %arg10[%dma_wait3A_1063] : memref<5120xi32, #tpu.memory_space<vmem>> -> memref<128xi32, #tpu.memory_space<vmem>>
    %dma_wait3A_1065 = arith.constant 0 : i32
    %dma_wait3A_1066 = tpu.memref_slice %arg8[%dma_wait3A_1062, %dma_wait3A_1065] : memref<40x128xi32, #tpu.memory_space<vmem>> -> memref<1x128xi32, #tpu.memory_space<vmem>>
    %dma_wait3A_1067 = tpu.memref_squeeze %dma_wait3A_1066 : memref<1x128xi32, #tpu.memory_space<vmem>> -> memref<128xi32, #tpu.memory_space<vmem>>
    %dma_wait3A_1068 = arith.constant 0 : i32
    %dma_wait3A_1069 = tpu.memref_slice %arg4[%dma_wait3A_1068] : memref<163840xi32, #tpu.memory_space<hbm>> -> memref<163840xi32, #tpu.memory_space<hbm>>
    tpu.wait_indirect_dma semaphore(%arg12 : memref<!tpu.dma_semaphore, #tpu.memory_space<semaphore_mem>>) src(%dma_wait3A_1069 : memref<163840xi32, #tpu.memory_space<hbm>>) dst(%dma_wait3A_1064 : memref<128xi32, #tpu.memory_space<vmem>>)
    %dma_wait3A_1070 = arith.constant 13 : i32
    %dma_wait3A_1071 = arith.constant 1664 : i32
    %dma_wait3A_1072 = tpu.memref_slice %arg10[%dma_wait3A_1071] : memref<5120xi32, #tpu.memory_space<vmem>> -> memref<128xi32, #tpu.memory_space<vmem>>
    %dma_wait3A_1073 = arith.constant 0 : i32
    %dma_wait3A_1074 = tpu.memref_slice %arg8[%dma_wait3A_1070, %dma_wait3A_1073] : memref<40x128xi32, #tpu.memory_space<vmem>> -> memref<1x128xi32, #tpu.memory_space<vmem>>
    %dma_wait3A_1075 = tpu.memref_squeeze %dma_wait3A_1074 : memref<1x128xi32, #tpu.memory_space<vmem>> -> memref<128xi32, #tpu.memory_space<vmem>>
    %dma_wait3A_1076 = arith.constant 0 : i32
    %dma_wait3A_1077 = tpu.memref_slice %arg4[%dma_wait3A_1076] : memref<163840xi32, #tpu.memory_space<hbm>> -> memref<163840xi32, #tpu.memory_space<hbm>>
    tpu.wait_indirect_dma semaphore(%arg12 : memref<!tpu.dma_semaphore, #tpu.memory_space<semaphore_mem>>) src(%dma_wait3A_1077 : memref<163840xi32, #tpu.memory_space<hbm>>) dst(%dma_wait3A_1072 : memref<128xi32, #tpu.memory_space<vmem>>)
    %dma_wait3A_1078 = arith.constant 14 : i32
    %dma_wait3A_1079 = arith.constant 1792 : i32
    %dma_wait3A_1080 = tpu.memref_slice %arg10[%dma_wait3A_1079] : memref<5120xi32, #tpu.memory_space<vmem>> -> memref<128xi32, #tpu.memory_space<vmem>>
    %dma_wait3A_1081 = arith.constant 0 : i32
    %dma_wait3A_1082 = tpu.memref_slice %arg8[%dma_wait3A_1078, %dma_wait3A_1081] : memref<40x128xi32, #tpu.memory_space<vmem>> -> memref<1x128xi32, #tpu.memory_space<vmem>>
    %dma_wait3A_1083 = tpu.memref_squeeze %dma_wait3A_1082 : memref<1x128xi32, #tpu.memory_space<vmem>> -> memref<128xi32, #tpu.memory_space<vmem>>
    %dma_wait3A_1084 = arith.constant 0 : i32
    %dma_wait3A_1085 = tpu.memref_slice %arg4[%dma_wait3A_1084] : memref<163840xi32, #tpu.memory_space<hbm>> -> memref<163840xi32, #tpu.memory_space<hbm>>
    tpu.wait_indirect_dma semaphore(%arg12 : memref<!tpu.dma_semaphore, #tpu.memory_space<semaphore_mem>>) src(%dma_wait3A_1085 : memref<163840xi32, #tpu.memory_space<hbm>>) dst(%dma_wait3A_1080 : memref<128xi32, #tpu.memory_space<vmem>>)
    %dma_wait3A_1086 = arith.constant 15 : i32
    %dma_wait3A_1087 = arith.constant 1920 : i32
    %dma_wait3A_1088 = tpu.memref_slice %arg10[%dma_wait3A_1087] : memref<5120xi32, #tpu.memory_space<vmem>> -> memref<128xi32, #tpu.memory_space<vmem>>
    %dma_wait3A_1089 = arith.constant 0 : i32
    %dma_wait3A_1090 = tpu.memref_slice %arg8[%dma_wait3A_1086, %dma_wait3A_1089] : memref<40x128xi32, #tpu.memory_space<vmem>> -> memref<1x128xi32, #tpu.memory_space<vmem>>
    %dma_wait3A_1091 = tpu.memref_squeeze %dma_wait3A_1090 : memref<1x128xi32, #tpu.memory_space<vmem>> -> memref<128xi32, #tpu.memory_space<vmem>>
    %dma_wait3A_1092 = arith.constant 0 : i32
    %dma_wait3A_1093 = tpu.memref_slice %arg4[%dma_wait3A_1092] : memref<163840xi32, #tpu.memory_space<hbm>> -> memref<163840xi32, #tpu.memory_space<hbm>>
    tpu.wait_indirect_dma semaphore(%arg12 : memref<!tpu.dma_semaphore, #tpu.memory_space<semaphore_mem>>) src(%dma_wait3A_1093 : memref<163840xi32, #tpu.memory_space<hbm>>) dst(%dma_wait3A_1088 : memref<128xi32, #tpu.memory_space<vmem>>)
    %dma_wait3A_1094 = arith.constant 16 : i32
    %dma_wait3A_1095 = arith.constant 2048 : i32
    %dma_wait3A_1096 = tpu.memref_slice %arg10[%dma_wait3A_1095] : memref<5120xi32, #tpu.memory_space<vmem>> -> memref<128xi32, #tpu.memory_space<vmem>>
    %dma_wait3A_1097 = arith.constant 0 : i32
    %dma_wait3A_1098 = tpu.memref_slice %arg8[%dma_wait3A_1094, %dma_wait3A_1097] : memref<40x128xi32, #tpu.memory_space<vmem>> -> memref<1x128xi32, #tpu.memory_space<vmem>>
    %dma_wait3A_1099 = tpu.memref_squeeze %dma_wait3A_1098 : memref<1x128xi32, #tpu.memory_space<vmem>> -> memref<128xi32, #tpu.memory_space<vmem>>
    %dma_wait3A_1100 = arith.constant 0 : i32
    %dma_wait3A_1101 = tpu.memref_slice %arg4[%dma_wait3A_1100] : memref<163840xi32, #tpu.memory_space<hbm>> -> memref<163840xi32, #tpu.memory_space<hbm>>
    tpu.wait_indirect_dma semaphore(%arg12 : memref<!tpu.dma_semaphore, #tpu.memory_space<semaphore_mem>>) src(%dma_wait3A_1101 : memref<163840xi32, #tpu.memory_space<hbm>>) dst(%dma_wait3A_1096 : memref<128xi32, #tpu.memory_space<vmem>>)
    %dma_wait3A_1102 = arith.constant 17 : i32
    %dma_wait3A_1103 = arith.constant 2176 : i32
    %dma_wait3A_1104 = tpu.memref_slice %arg10[%dma_wait3A_1103] : memref<5120xi32, #tpu.memory_space<vmem>> -> memref<128xi32, #tpu.memory_space<vmem>>
    %dma_wait3A_1105 = arith.constant 0 : i32
    %dma_wait3A_1106 = tpu.memref_slice %arg8[%dma_wait3A_1102, %dma_wait3A_1105] : memref<40x128xi32, #tpu.memory_space<vmem>> -> memref<1x128xi32, #tpu.memory_space<vmem>>
    %dma_wait3A_1107 = tpu.memref_squeeze %dma_wait3A_1106 : memref<1x128xi32, #tpu.memory_space<vmem>> -> memref<128xi32, #tpu.memory_space<vmem>>
    %dma_wait3A_1108 = arith.constant 0 : i32
    %dma_wait3A_1109 = tpu.memref_slice %arg4[%dma_wait3A_1108] : memref<163840xi32, #tpu.memory_space<hbm>> -> memref<163840xi32, #tpu.memory_space<hbm>>
    tpu.wait_indirect_dma semaphore(%arg12 : memref<!tpu.dma_semaphore, #tpu.memory_space<semaphore_mem>>) src(%dma_wait3A_1109 : memref<163840xi32, #tpu.memory_space<hbm>>) dst(%dma_wait3A_1104 : memref<128xi32, #tpu.memory_space<vmem>>)
    %dma_wait3A_1110 = arith.constant 18 : i32
    %dma_wait3A_1111 = arith.constant 2304 : i32
    %dma_wait3A_1112 = tpu.memref_slice %arg10[%dma_wait3A_1111] : memref<5120xi32, #tpu.memory_space<vmem>> -> memref<128xi32, #tpu.memory_space<vmem>>
    %dma_wait3A_1113 = arith.constant 0 : i32
    %dma_wait3A_1114 = tpu.memref_slice %arg8[%dma_wait3A_1110, %dma_wait3A_1113] : memref<40x128xi32, #tpu.memory_space<vmem>> -> memref<1x128xi32, #tpu.memory_space<vmem>>
    %dma_wait3A_1115 = tpu.memref_squeeze %dma_wait3A_1114 : memref<1x128xi32, #tpu.memory_space<vmem>> -> memref<128xi32, #tpu.memory_space<vmem>>
    %dma_wait3A_1116 = arith.constant 0 : i32
    %dma_wait3A_1117 = tpu.memref_slice %arg4[%dma_wait3A_1116] : memref<163840xi32, #tpu.memory_space<hbm>> -> memref<163840xi32, #tpu.memory_space<hbm>>
    tpu.wait_indirect_dma semaphore(%arg12 : memref<!tpu.dma_semaphore, #tpu.memory_space<semaphore_mem>>) src(%dma_wait3A_1117 : memref<163840xi32, #tpu.memory_space<hbm>>) dst(%dma_wait3A_1112 : memref<128xi32, #tpu.memory_space<vmem>>)
    %dma_wait3A_1118 = arith.constant 19 : i32
    %dma_wait3A_1119 = arith.constant 2432 : i32
    %dma_wait3A_1120 = tpu.memref_slice %arg10[%dma_wait3A_1119] : memref<5120xi32, #tpu.memory_space<vmem>> -> memref<128xi32, #tpu.memory_space<vmem>>
    %dma_wait3A_1121 = arith.constant 0 : i32
    %dma_wait3A_1122 = tpu.memref_slice %arg8[%dma_wait3A_1118, %dma_wait3A_1121] : memref<40x128xi32, #tpu.memory_space<vmem>> -> memref<1x128xi32, #tpu.memory_space<vmem>>
    %dma_wait3A_1123 = tpu.memref_squeeze %dma_wait3A_1122 : memref<1x128xi32, #tpu.memory_space<vmem>> -> memref<128xi32, #tpu.memory_space<vmem>>
    %dma_wait3A_1124 = arith.constant 0 : i32
    %dma_wait3A_1125 = tpu.memref_slice %arg4[%dma_wait3A_1124] : memref<163840xi32, #tpu.memory_space<hbm>> -> memref<163840xi32, #tpu.memory_space<hbm>>
    tpu.wait_indirect_dma semaphore(%arg12 : memref<!tpu.dma_semaphore, #tpu.memory_space<semaphore_mem>>) src(%dma_wait3A_1125 : memref<163840xi32, #tpu.memory_space<hbm>>) dst(%dma_wait3A_1120 : memref<128xi32, #tpu.memory_space<vmem>>)
    %dma_wait3A_1126 = arith.constant 20 : i32
    %dma_wait3A_1127 = arith.constant 2560 : i32
    %dma_wait3A_1128 = tpu.memref_slice %arg10[%dma_wait3A_1127] : memref<5120xi32, #tpu.memory_space<vmem>> -> memref<128xi32, #tpu.memory_space<vmem>>
    %dma_wait3A_1129 = arith.constant 0 : i32
    %dma_wait3A_1130 = tpu.memref_slice %arg8[%dma_wait3A_1126, %dma_wait3A_1129] : memref<40x128xi32, #tpu.memory_space<vmem>> -> memref<1x128xi32, #tpu.memory_space<vmem>>
    %dma_wait3A_1131 = tpu.memref_squeeze %dma_wait3A_1130 : memref<1x128xi32, #tpu.memory_space<vmem>> -> memref<128xi32, #tpu.memory_space<vmem>>
    %dma_wait3A_1132 = arith.constant 0 : i32
    %dma_wait3A_1133 = tpu.memref_slice %arg4[%dma_wait3A_1132] : memref<163840xi32, #tpu.memory_space<hbm>> -> memref<163840xi32, #tpu.memory_space<hbm>>
    tpu.wait_indirect_dma semaphore(%arg12 : memref<!tpu.dma_semaphore, #tpu.memory_space<semaphore_mem>>) src(%dma_wait3A_1133 : memref<163840xi32, #tpu.memory_space<hbm>>) dst(%dma_wait3A_1128 : memref<128xi32, #tpu.memory_space<vmem>>)
    %dma_wait3A_1134 = arith.constant 21 : i32
    %dma_wait3A_1135 = arith.constant 2688 : i32
    %dma_wait3A_1136 = tpu.memref_slice %arg10[%dma_wait3A_1135] : memref<5120xi32, #tpu.memory_space<vmem>> -> memref<128xi32, #tpu.memory_space<vmem>>
    %dma_wait3A_1137 = arith.constant 0 : i32
    %dma_wait3A_1138 = tpu.memref_slice %arg8[%dma_wait3A_1134, %dma_wait3A_1137] : memref<40x128xi32, #tpu.memory_space<vmem>> -> memref<1x128xi32, #tpu.memory_space<vmem>>
    %dma_wait3A_1139 = tpu.memref_squeeze %dma_wait3A_1138 : memref<1x128xi32, #tpu.memory_space<vmem>> -> memref<128xi32, #tpu.memory_space<vmem>>
    %dma_wait3A_1140 = arith.constant 0 : i32
    %dma_wait3A_1141 = tpu.memref_slice %arg4[%dma_wait3A_1140] : memref<163840xi32, #tpu.memory_space<hbm>> -> memref<163840xi32, #tpu.memory_space<hbm>>
    tpu.wait_indirect_dma semaphore(%arg12 : memref<!tpu.dma_semaphore, #tpu.memory_space<semaphore_mem>>) src(%dma_wait3A_1141 : memref<163840xi32, #tpu.memory_space<hbm>>) dst(%dma_wait3A_1136 : memref<128xi32, #tpu.memory_space<vmem>>)
    %dma_wait3A_1142 = arith.constant 22 : i32
    %dma_wait3A_1143 = arith.constant 2816 : i32
    %dma_wait3A_1144 = tpu.memref_slice %arg10[%dma_wait3A_1143] : memref<5120xi32, #tpu.memory_space<vmem>> -> memref<128xi32, #tpu.memory_space<vmem>>
    %dma_wait3A_1145 = arith.constant 0 : i32
    %dma_wait3A_1146 = tpu.memref_slice %arg8[%dma_wait3A_1142, %dma_wait3A_1145] : memref<40x128xi32, #tpu.memory_space<vmem>> -> memref<1x128xi32, #tpu.memory_space<vmem>>
    %dma_wait3A_1147 = tpu.memref_squeeze %dma_wait3A_1146 : memref<1x128xi32, #tpu.memory_space<vmem>> -> memref<128xi32, #tpu.memory_space<vmem>>
    %dma_wait3A_1148 = arith.constant 0 : i32
    %dma_wait3A_1149 = tpu.memref_slice %arg4[%dma_wait3A_1148] : memref<163840xi32, #tpu.memory_space<hbm>> -> memref<163840xi32, #tpu.memory_space<hbm>>
    tpu.wait_indirect_dma semaphore(%arg12 : memref<!tpu.dma_semaphore, #tpu.memory_space<semaphore_mem>>) src(%dma_wait3A_1149 : memref<163840xi32, #tpu.memory_space<hbm>>) dst(%dma_wait3A_1144 : memref<128xi32, #tpu.memory_space<vmem>>)
    %dma_wait3A_1150 = arith.constant 23 : i32
    %dma_wait3A_1151 = arith.constant 2944 : i32
    %dma_wait3A_1152 = tpu.memref_slice %arg10[%dma_wait3A_1151] : memref<5120xi32, #tpu.memory_space<vmem>> -> memref<128xi32, #tpu.memory_space<vmem>>
    %dma_wait3A_1153 = arith.constant 0 : i32
    %dma_wait3A_1154 = tpu.memref_slice %arg8[%dma_wait3A_1150, %dma_wait3A_1153] : memref<40x128xi32, #tpu.memory_space<vmem>> -> memref<1x128xi32, #tpu.memory_space<vmem>>
    %dma_wait3A_1155 = tpu.memref_squeeze %dma_wait3A_1154 : memref<1x128xi32, #tpu.memory_space<vmem>> -> memref<128xi32, #tpu.memory_space<vmem>>
    %dma_wait3A_1156 = arith.constant 0 : i32
    %dma_wait3A_1157 = tpu.memref_slice %arg4[%dma_wait3A_1156] : memref<163840xi32, #tpu.memory_space<hbm>> -> memref<163840xi32, #tpu.memory_space<hbm>>
    tpu.wait_indirect_dma semaphore(%arg12 : memref<!tpu.dma_semaphore, #tpu.memory_space<semaphore_mem>>) src(%dma_wait3A_1157 : memref<163840xi32, #tpu.memory_space<hbm>>) dst(%dma_wait3A_1152 : memref<128xi32, #tpu.memory_space<vmem>>)
    %dma_wait3A_1158 = arith.constant 24 : i32
    %dma_wait3A_1159 = arith.constant 3072 : i32
    %dma_wait3A_1160 = tpu.memref_slice %arg10[%dma_wait3A_1159] : memref<5120xi32, #tpu.memory_space<vmem>> -> memref<128xi32, #tpu.memory_space<vmem>>
    %dma_wait3A_1161 = arith.constant 0 : i32
    %dma_wait3A_1162 = tpu.memref_slice %arg8[%dma_wait3A_1158, %dma_wait3A_1161] : memref<40x128xi32, #tpu.memory_space<vmem>> -> memref<1x128xi32, #tpu.memory_space<vmem>>
    %dma_wait3A_1163 = tpu.memref_squeeze %dma_wait3A_1162 : memref<1x128xi32, #tpu.memory_space<vmem>> -> memref<128xi32, #tpu.memory_space<vmem>>
    %dma_wait3A_1164 = arith.constant 0 : i32
    %dma_wait3A_1165 = tpu.memref_slice %arg4[%dma_wait3A_1164] : memref<163840xi32, #tpu.memory_space<hbm>> -> memref<163840xi32, #tpu.memory_space<hbm>>
    tpu.wait_indirect_dma semaphore(%arg12 : memref<!tpu.dma_semaphore, #tpu.memory_space<semaphore_mem>>) src(%dma_wait3A_1165 : memref<163840xi32, #tpu.memory_space<hbm>>) dst(%dma_wait3A_1160 : memref<128xi32, #tpu.memory_space<vmem>>)
    %dma_wait3A_1166 = arith.constant 25 : i32
    %dma_wait3A_1167 = arith.constant 3200 : i32
    %dma_wait3A_1168 = tpu.memref_slice %arg10[%dma_wait3A_1167] : memref<5120xi32, #tpu.memory_space<vmem>> -> memref<128xi32, #tpu.memory_space<vmem>>
    %dma_wait3A_1169 = arith.constant 0 : i32
    %dma_wait3A_1170 = tpu.memref_slice %arg8[%dma_wait3A_1166, %dma_wait3A_1169] : memref<40x128xi32, #tpu.memory_space<vmem>> -> memref<1x128xi32, #tpu.memory_space<vmem>>
    %dma_wait3A_1171 = tpu.memref_squeeze %dma_wait3A_1170 : memref<1x128xi32, #tpu.memory_space<vmem>> -> memref<128xi32, #tpu.memory_space<vmem>>
    %dma_wait3A_1172 = arith.constant 0 : i32
    %dma_wait3A_1173 = tpu.memref_slice %arg4[%dma_wait3A_1172] : memref<163840xi32, #tpu.memory_space<hbm>> -> memref<163840xi32, #tpu.memory_space<hbm>>
    tpu.wait_indirect_dma semaphore(%arg12 : memref<!tpu.dma_semaphore, #tpu.memory_space<semaphore_mem>>) src(%dma_wait3A_1173 : memref<163840xi32, #tpu.memory_space<hbm>>) dst(%dma_wait3A_1168 : memref<128xi32, #tpu.memory_space<vmem>>)
    %dma_wait3A_1174 = arith.constant 26 : i32
    %dma_wait3A_1175 = arith.constant 3328 : i32
    %dma_wait3A_1176 = tpu.memref_slice %arg10[%dma_wait3A_1175] : memref<5120xi32, #tpu.memory_space<vmem>> -> memref<128xi32, #tpu.memory_space<vmem>>
    %dma_wait3A_1177 = arith.constant 0 : i32
    %dma_wait3A_1178 = tpu.memref_slice %arg8[%dma_wait3A_1174, %dma_wait3A_1177] : memref<40x128xi32, #tpu.memory_space<vmem>> -> memref<1x128xi32, #tpu.memory_space<vmem>>
    %dma_wait3A_1179 = tpu.memref_squeeze %dma_wait3A_1178 : memref<1x128xi32, #tpu.memory_space<vmem>> -> memref<128xi32, #tpu.memory_space<vmem>>
    %dma_wait3A_1180 = arith.constant 0 : i32
    %dma_wait3A_1181 = tpu.memref_slice %arg4[%dma_wait3A_1180] : memref<163840xi32, #tpu.memory_space<hbm>> -> memref<163840xi32, #tpu.memory_space<hbm>>
    tpu.wait_indirect_dma semaphore(%arg12 : memref<!tpu.dma_semaphore, #tpu.memory_space<semaphore_mem>>) src(%dma_wait3A_1181 : memref<163840xi32, #tpu.memory_space<hbm>>) dst(%dma_wait3A_1176 : memref<128xi32, #tpu.memory_space<vmem>>)
    %dma_wait3A_1182 = arith.constant 27 : i32
    %dma_wait3A_1183 = arith.constant 3456 : i32
    %dma_wait3A_1184 = tpu.memref_slice %arg10[%dma_wait3A_1183] : memref<5120xi32, #tpu.memory_space<vmem>> -> memref<128xi32, #tpu.memory_space<vmem>>
    %dma_wait3A_1185 = arith.constant 0 : i32
    %dma_wait3A_1186 = tpu.memref_slice %arg8[%dma_wait3A_1182, %dma_wait3A_1185] : memref<40x128xi32, #tpu.memory_space<vmem>> -> memref<1x128xi32, #tpu.memory_space<vmem>>
    %dma_wait3A_1187 = tpu.memref_squeeze %dma_wait3A_1186 : memref<1x128xi32, #tpu.memory_space<vmem>> -> memref<128xi32, #tpu.memory_space<vmem>>
    %dma_wait3A_1188 = arith.constant 0 : i32
    %dma_wait3A_1189 = tpu.memref_slice %arg4[%dma_wait3A_1188] : memref<163840xi32, #tpu.memory_space<hbm>> -> memref<163840xi32, #tpu.memory_space<hbm>>
    tpu.wait_indirect_dma semaphore(%arg12 : memref<!tpu.dma_semaphore, #tpu.memory_space<semaphore_mem>>) src(%dma_wait3A_1189 : memref<163840xi32, #tpu.memory_space<hbm>>) dst(%dma_wait3A_1184 : memref<128xi32, #tpu.memory_space<vmem>>)
    %dma_wait3A_1190 = arith.constant 28 : i32
    %dma_wait3A_1191 = arith.constant 3584 : i32
    %dma_wait3A_1192 = tpu.memref_slice %arg10[%dma_wait3A_1191] : memref<5120xi32, #tpu.memory_space<vmem>> -> memref<128xi32, #tpu.memory_space<vmem>>
    %dma_wait3A_1193 = arith.constant 0 : i32
    %dma_wait3A_1194 = tpu.memref_slice %arg8[%dma_wait3A_1190, %dma_wait3A_1193] : memref<40x128xi32, #tpu.memory_space<vmem>> -> memref<1x128xi32, #tpu.memory_space<vmem>>
    %dma_wait3A_1195 = tpu.memref_squeeze %dma_wait3A_1194 : memref<1x128xi32, #tpu.memory_space<vmem>> -> memref<128xi32, #tpu.memory_space<vmem>>
    %dma_wait3A_1196 = arith.constant 0 : i32
    %dma_wait3A_1197 = tpu.memref_slice %arg4[%dma_wait3A_1196] : memref<163840xi32, #tpu.memory_space<hbm>> -> memref<163840xi32, #tpu.memory_space<hbm>>
    tpu.wait_indirect_dma semaphore(%arg12 : memref<!tpu.dma_semaphore, #tpu.memory_space<semaphore_mem>>) src(%dma_wait3A_1197 : memref<163840xi32, #tpu.memory_space<hbm>>) dst(%dma_wait3A_1192 : memref<128xi32, #tpu.memory_space<vmem>>)
    %dma_wait3A_1198 = arith.constant 29 : i32
    %dma_wait3A_1199 = arith.constant 3712 : i32
    %dma_wait3A_1200 = tpu.memref_slice %arg10[%dma_wait3A_1199] : memref<5120xi32, #tpu.memory_space<vmem>> -> memref<128xi32, #tpu.memory_space<vmem>>
    %dma_wait3A_1201 = arith.constant 0 : i32
    %dma_wait3A_1202 = tpu.memref_slice %arg8[%dma_wait3A_1198, %dma_wait3A_1201] : memref<40x128xi32, #tpu.memory_space<vmem>> -> memref<1x128xi32, #tpu.memory_space<vmem>>
    %dma_wait3A_1203 = tpu.memref_squeeze %dma_wait3A_1202 : memref<1x128xi32, #tpu.memory_space<vmem>> -> memref<128xi32, #tpu.memory_space<vmem>>
    %dma_wait3A_1204 = arith.constant 0 : i32
    %dma_wait3A_1205 = tpu.memref_slice %arg4[%dma_wait3A_1204] : memref<163840xi32, #tpu.memory_space<hbm>> -> memref<163840xi32, #tpu.memory_space<hbm>>
    tpu.wait_indirect_dma semaphore(%arg12 : memref<!tpu.dma_semaphore, #tpu.memory_space<semaphore_mem>>) src(%dma_wait3A_1205 : memref<163840xi32, #tpu.memory_space<hbm>>) dst(%dma_wait3A_1200 : memref<128xi32, #tpu.memory_space<vmem>>)
    %dma_wait3A_1206 = arith.constant 30 : i32
    %dma_wait3A_1207 = arith.constant 3840 : i32
    %dma_wait3A_1208 = tpu.memref_slice %arg10[%dma_wait3A_1207] : memref<5120xi32, #tpu.memory_space<vmem>> -> memref<128xi32, #tpu.memory_space<vmem>>
    %dma_wait3A_1209 = arith.constant 0 : i32
    %dma_wait3A_1210 = tpu.memref_slice %arg8[%dma_wait3A_1206, %dma_wait3A_1209] : memref<40x128xi32, #tpu.memory_space<vmem>> -> memref<1x128xi32, #tpu.memory_space<vmem>>
    %dma_wait3A_1211 = tpu.memref_squeeze %dma_wait3A_1210 : memref<1x128xi32, #tpu.memory_space<vmem>> -> memref<128xi32, #tpu.memory_space<vmem>>
    %dma_wait3A_1212 = arith.constant 0 : i32
    %dma_wait3A_1213 = tpu.memref_slice %arg4[%dma_wait3A_1212] : memref<163840xi32, #tpu.memory_space<hbm>> -> memref<163840xi32, #tpu.memory_space<hbm>>
    tpu.wait_indirect_dma semaphore(%arg12 : memref<!tpu.dma_semaphore, #tpu.memory_space<semaphore_mem>>) src(%dma_wait3A_1213 : memref<163840xi32, #tpu.memory_space<hbm>>) dst(%dma_wait3A_1208 : memref<128xi32, #tpu.memory_space<vmem>>)
    %dma_wait3A_1214 = arith.constant 31 : i32
    %dma_wait3A_1215 = arith.constant 3968 : i32
    %dma_wait3A_1216 = tpu.memref_slice %arg10[%dma_wait3A_1215] : memref<5120xi32, #tpu.memory_space<vmem>> -> memref<128xi32, #tpu.memory_space<vmem>>
    %dma_wait3A_1217 = arith.constant 0 : i32
    %dma_wait3A_1218 = tpu.memref_slice %arg8[%dma_wait3A_1214, %dma_wait3A_1217] : memref<40x128xi32, #tpu.memory_space<vmem>> -> memref<1x128xi32, #tpu.memory_space<vmem>>
    %dma_wait3A_1219 = tpu.memref_squeeze %dma_wait3A_1218 : memref<1x128xi32, #tpu.memory_space<vmem>> -> memref<128xi32, #tpu.memory_space<vmem>>
    %dma_wait3A_1220 = arith.constant 0 : i32
    %dma_wait3A_1221 = tpu.memref_slice %arg4[%dma_wait3A_1220] : memref<163840xi32, #tpu.memory_space<hbm>> -> memref<163840xi32, #tpu.memory_space<hbm>>
    tpu.wait_indirect_dma semaphore(%arg12 : memref<!tpu.dma_semaphore, #tpu.memory_space<semaphore_mem>>) src(%dma_wait3A_1221 : memref<163840xi32, #tpu.memory_space<hbm>>) dst(%dma_wait3A_1216 : memref<128xi32, #tpu.memory_space<vmem>>)
    %dma_wait3A_1222 = arith.constant 32 : i32
    %dma_wait3A_1223 = arith.constant 4096 : i32
    %dma_wait3A_1224 = tpu.memref_slice %arg10[%dma_wait3A_1223] : memref<5120xi32, #tpu.memory_space<vmem>> -> memref<128xi32, #tpu.memory_space<vmem>>
    %dma_wait3A_1225 = arith.constant 0 : i32
    %dma_wait3A_1226 = tpu.memref_slice %arg8[%dma_wait3A_1222, %dma_wait3A_1225] : memref<40x128xi32, #tpu.memory_space<vmem>> -> memref<1x128xi32, #tpu.memory_space<vmem>>
    %dma_wait3A_1227 = tpu.memref_squeeze %dma_wait3A_1226 : memref<1x128xi32, #tpu.memory_space<vmem>> -> memref<128xi32, #tpu.memory_space<vmem>>
    %dma_wait3A_1228 = arith.constant 0 : i32
    %dma_wait3A_1229 = tpu.memref_slice %arg4[%dma_wait3A_1228] : memref<163840xi32, #tpu.memory_space<hbm>> -> memref<163840xi32, #tpu.memory_space<hbm>>
    tpu.wait_indirect_dma semaphore(%arg12 : memref<!tpu.dma_semaphore, #tpu.memory_space<semaphore_mem>>) src(%dma_wait3A_1229 : memref<163840xi32, #tpu.memory_space<hbm>>) dst(%dma_wait3A_1224 : memref<128xi32, #tpu.memory_space<vmem>>)
    %dma_wait3A_1230 = arith.constant 33 : i32
    %dma_wait3A_1231 = arith.constant 4224 : i32
    %dma_wait3A_1232 = tpu.memref_slice %arg10[%dma_wait3A_1231] : memref<5120xi32, #tpu.memory_space<vmem>> -> memref<128xi32, #tpu.memory_space<vmem>>
    %dma_wait3A_1233 = arith.constant 0 : i32
    %dma_wait3A_1234 = tpu.memref_slice %arg8[%dma_wait3A_1230, %dma_wait3A_1233] : memref<40x128xi32, #tpu.memory_space<vmem>> -> memref<1x128xi32, #tpu.memory_space<vmem>>
    %dma_wait3A_1235 = tpu.memref_squeeze %dma_wait3A_1234 : memref<1x128xi32, #tpu.memory_space<vmem>> -> memref<128xi32, #tpu.memory_space<vmem>>
    %dma_wait3A_1236 = arith.constant 0 : i32
    %dma_wait3A_1237 = tpu.memref_slice %arg4[%dma_wait3A_1236] : memref<163840xi32, #tpu.memory_space<hbm>> -> memref<163840xi32, #tpu.memory_space<hbm>>
    tpu.wait_indirect_dma semaphore(%arg12 : memref<!tpu.dma_semaphore, #tpu.memory_space<semaphore_mem>>) src(%dma_wait3A_1237 : memref<163840xi32, #tpu.memory_space<hbm>>) dst(%dma_wait3A_1232 : memref<128xi32, #tpu.memory_space<vmem>>)
    %dma_wait3A_1238 = arith.constant 34 : i32
    %dma_wait3A_1239 = arith.constant 4352 : i32
    %dma_wait3A_1240 = tpu.memref_slice %arg10[%dma_wait3A_1239] : memref<5120xi32, #tpu.memory_space<vmem>> -> memref<128xi32, #tpu.memory_space<vmem>>
    %dma_wait3A_1241 = arith.constant 0 : i32
    %dma_wait3A_1242 = tpu.memref_slice %arg8[%dma_wait3A_1238, %dma_wait3A_1241] : memref<40x128xi32, #tpu.memory_space<vmem>> -> memref<1x128xi32, #tpu.memory_space<vmem>>
    %dma_wait3A_1243 = tpu.memref_squeeze %dma_wait3A_1242 : memref<1x128xi32, #tpu.memory_space<vmem>> -> memref<128xi32, #tpu.memory_space<vmem>>
    %dma_wait3A_1244 = arith.constant 0 : i32
    %dma_wait3A_1245 = tpu.memref_slice %arg4[%dma_wait3A_1244] : memref<163840xi32, #tpu.memory_space<hbm>> -> memref<163840xi32, #tpu.memory_space<hbm>>
    tpu.wait_indirect_dma semaphore(%arg12 : memref<!tpu.dma_semaphore, #tpu.memory_space<semaphore_mem>>) src(%dma_wait3A_1245 : memref<163840xi32, #tpu.memory_space<hbm>>) dst(%dma_wait3A_1240 : memref<128xi32, #tpu.memory_space<vmem>>)
    %dma_wait3A_1246 = arith.constant 35 : i32
    %dma_wait3A_1247 = arith.constant 4480 : i32
    %dma_wait3A_1248 = tpu.memref_slice %arg10[%dma_wait3A_1247] : memref<5120xi32, #tpu.memory_space<vmem>> -> memref<128xi32, #tpu.memory_space<vmem>>
    %dma_wait3A_1249 = arith.constant 0 : i32
    %dma_wait3A_1250 = tpu.memref_slice %arg8[%dma_wait3A_1246, %dma_wait3A_1249] : memref<40x128xi32, #tpu.memory_space<vmem>> -> memref<1x128xi32, #tpu.memory_space<vmem>>
    %dma_wait3A_1251 = tpu.memref_squeeze %dma_wait3A_1250 : memref<1x128xi32, #tpu.memory_space<vmem>> -> memref<128xi32, #tpu.memory_space<vmem>>
    %dma_wait3A_1252 = arith.constant 0 : i32
    %dma_wait3A_1253 = tpu.memref_slice %arg4[%dma_wait3A_1252] : memref<163840xi32, #tpu.memory_space<hbm>> -> memref<163840xi32, #tpu.memory_space<hbm>>
    tpu.wait_indirect_dma semaphore(%arg12 : memref<!tpu.dma_semaphore, #tpu.memory_space<semaphore_mem>>) src(%dma_wait3A_1253 : memref<163840xi32, #tpu.memory_space<hbm>>) dst(%dma_wait3A_1248 : memref<128xi32, #tpu.memory_space<vmem>>)
    %dma_wait3A_1254 = arith.constant 36 : i32
    %dma_wait3A_1255 = arith.constant 4608 : i32
    %dma_wait3A_1256 = tpu.memref_slice %arg10[%dma_wait3A_1255] : memref<5120xi32, #tpu.memory_space<vmem>> -> memref<128xi32, #tpu.memory_space<vmem>>
    %dma_wait3A_1257 = arith.constant 0 : i32
    %dma_wait3A_1258 = tpu.memref_slice %arg8[%dma_wait3A_1254, %dma_wait3A_1257] : memref<40x128xi32, #tpu.memory_space<vmem>> -> memref<1x128xi32, #tpu.memory_space<vmem>>
    %dma_wait3A_1259 = tpu.memref_squeeze %dma_wait3A_1258 : memref<1x128xi32, #tpu.memory_space<vmem>> -> memref<128xi32, #tpu.memory_space<vmem>>
    %dma_wait3A_1260 = arith.constant 0 : i32
    %dma_wait3A_1261 = tpu.memref_slice %arg4[%dma_wait3A_1260] : memref<163840xi32, #tpu.memory_space<hbm>> -> memref<163840xi32, #tpu.memory_space<hbm>>
    tpu.wait_indirect_dma semaphore(%arg12 : memref<!tpu.dma_semaphore, #tpu.memory_space<semaphore_mem>>) src(%dma_wait3A_1261 : memref<163840xi32, #tpu.memory_space<hbm>>) dst(%dma_wait3A_1256 : memref<128xi32, #tpu.memory_space<vmem>>)
    %dma_wait3A_1262 = arith.constant 37 : i32
    %dma_wait3A_1263 = arith.constant 4736 : i32
    %dma_wait3A_1264 = tpu.memref_slice %arg10[%dma_wait3A_1263] : memref<5120xi32, #tpu.memory_space<vmem>> -> memref<128xi32, #tpu.memory_space<vmem>>
    %dma_wait3A_1265 = arith.constant 0 : i32
    %dma_wait3A_1266 = tpu.memref_slice %arg8[%dma_wait3A_1262, %dma_wait3A_1265] : memref<40x128xi32, #tpu.memory_space<vmem>> -> memref<1x128xi32, #tpu.memory_space<vmem>>
    %dma_wait3A_1267 = tpu.memref_squeeze %dma_wait3A_1266 : memref<1x128xi32, #tpu.memory_space<vmem>> -> memref<128xi32, #tpu.memory_space<vmem>>
    %dma_wait3A_1268 = arith.constant 0 : i32
    %dma_wait3A_1269 = tpu.memref_slice %arg4[%dma_wait3A_1268] : memref<163840xi32, #tpu.memory_space<hbm>> -> memref<163840xi32, #tpu.memory_space<hbm>>
    tpu.wait_indirect_dma semaphore(%arg12 : memref<!tpu.dma_semaphore, #tpu.memory_space<semaphore_mem>>) src(%dma_wait3A_1269 : memref<163840xi32, #tpu.memory_space<hbm>>) dst(%dma_wait3A_1264 : memref<128xi32, #tpu.memory_space<vmem>>)
    %dma_wait3A_1270 = arith.constant 38 : i32
    %dma_wait3A_1271 = arith.constant 4864 : i32
    %dma_wait3A_1272 = tpu.memref_slice %arg10[%dma_wait3A_1271] : memref<5120xi32, #tpu.memory_space<vmem>> -> memref<128xi32, #tpu.memory_space<vmem>>
    %dma_wait3A_1273 = arith.constant 0 : i32
    %dma_wait3A_1274 = tpu.memref_slice %arg8[%dma_wait3A_1270, %dma_wait3A_1273] : memref<40x128xi32, #tpu.memory_space<vmem>> -> memref<1x128xi32, #tpu.memory_space<vmem>>
    %dma_wait3A_1275 = tpu.memref_squeeze %dma_wait3A_1274 : memref<1x128xi32, #tpu.memory_space<vmem>> -> memref<128xi32, #tpu.memory_space<vmem>>
    %dma_wait3A_1276 = arith.constant 0 : i32
    %dma_wait3A_1277 = tpu.memref_slice %arg4[%dma_wait3A_1276] : memref<163840xi32, #tpu.memory_space<hbm>> -> memref<163840xi32, #tpu.memory_space<hbm>>
    tpu.wait_indirect_dma semaphore(%arg12 : memref<!tpu.dma_semaphore, #tpu.memory_space<semaphore_mem>>) src(%dma_wait3A_1277 : memref<163840xi32, #tpu.memory_space<hbm>>) dst(%dma_wait3A_1272 : memref<128xi32, #tpu.memory_space<vmem>>)
    %dma_wait3A_1278 = arith.constant 39 : i32
    %dma_wait3A_1279 = arith.constant 4992 : i32
    %dma_wait3A_1280 = tpu.memref_slice %arg10[%dma_wait3A_1279] : memref<5120xi32, #tpu.memory_space<vmem>> -> memref<128xi32, #tpu.memory_space<vmem>>
    %dma_wait3A_1281 = arith.constant 0 : i32
    %dma_wait3A_1282 = tpu.memref_slice %arg8[%dma_wait3A_1278, %dma_wait3A_1281] : memref<40x128xi32, #tpu.memory_space<vmem>> -> memref<1x128xi32, #tpu.memory_space<vmem>>
    %dma_wait3A_1283 = tpu.memref_squeeze %dma_wait3A_1282 : memref<1x128xi32, #tpu.memory_space<vmem>> -> memref<128xi32, #tpu.memory_space<vmem>>
    %dma_wait3A_1284 = arith.constant 0 : i32
    %dma_wait3A_1285 = tpu.memref_slice %arg4[%dma_wait3A_1284] : memref<163840xi32, #tpu.memory_space<hbm>> -> memref<163840xi32, #tpu.memory_space<hbm>>
    tpu.wait_indirect_dma semaphore(%arg12 : memref<!tpu.dma_semaphore, #tpu.memory_space<semaphore_mem>>) src(%dma_wait3A_1285 : memref<163840xi32, #tpu.memory_space<hbm>>) dst(%dma_wait3A_1280 : memref<128xi32, #tpu.memory_space<vmem>>)
    %scan3A_1286 = arith.constant 0 : i32
    %scan3A_1287 = arith.constant 0 : i32
    %scan3A_1288 = arith.constant 32 : i32
    %scan3A_1289 = arith.addi %scan3A_1287, %scan3A_1288 : i32
    %scan3A_1290 = arith.constant 1 : i32
    scf.for %scan3A_1292 = %scan3A_1287 to %scan3A_1289 step %scan3A_1290  : i32 {
      %mul3A_1293 = arith.constant 16 : i32
      %mul3A_1294 = arith.muli %scan3A_1292, %mul3A_1293 : i32
      %multiple_of3A_1295 = tpu.assume_multiple %mul3A_1294, 16 : i32
      %mul3A_1296 = arith.constant 160 : i32
      %mul3A_1297 = arith.muli %scan3A_1292, %mul3A_1296 : i32
      %multiple_of3A_1298 = tpu.assume_multiple %mul3A_1297, 16 : i32
      %broadcast_in_dim3A = arith.constant 0.000000e+00 : f32
      %broadcast_in_dim3A_1299 = vector.broadcast %broadcast_in_dim3A : f32 to vector<16xf32>
      %broadcast_in_dim3A_1300 = arith.constant 0.000000e+00 : f32
      %broadcast_in_dim3A_1301 = vector.broadcast %broadcast_in_dim3A_1300 : f32 to vector<16xf32>
      %add3A_1302 = arith.constant 0 : i32
      %add3A_1303 = arith.addi %multiple_of3A_1298, %add3A_1302 : i32
      %get3A = arith.index_cast %add3A_1303 : i32 to index
      %get3A_1304 = tpu.vector_load %arg9[%get3A] {strides = array<i32>} : memref<5120xf32, #tpu.memory_space<vmem>>, vector<16xf32>,
      %get3A_1305 = vector.shape_cast %get3A_1304 : vector<16xf32> to vector<16xf32>
      %add3A_1306 = arith.constant 0 : i32
      %add3A_1307 = arith.addi %multiple_of3A_1298, %add3A_1306 : i32
      %get3A_1308 = arith.index_cast %add3A_1307 : i32 to index
      %get3A_1309 = tpu.vector_load %arg10[%get3A_1308] {strides = array<i32>} : memref<5120xi32, #tpu.memory_space<vmem>>, vector<16xi32>,
      %get3A_1310 = vector.shape_cast %get3A_1309 : vector<16xi32> to vector<16xi32>
      %exp3A = math.exp %get3A_1305 : vector<16xf32>
      %neg3A = arith.constant 0.000000e+00 : f32
      %neg3A_1311 = vector.broadcast %neg3A : f32 to vector<16xf32>
      %neg3A_1312 = arith.subf %neg3A_1311, %get3A_1305 : vector<16xf32>
      %exp3A_1313 = math.exp %neg3A_1312 : vector<16xf32>
      %eq3A = arith.constant 0 : i32
      %eq3A_1314 = vector.broadcast %eq3A : i32 to vector<16xi32>
      %eq3A_1315 = arith.cmpi eq, %get3A_1310, %eq3A_1314 : vector<16xi32>
      %jit3A = arith.constant 0.000000e+00 : f32
      %broadcast_in_dim3A_1316 = vector.broadcast %jit3A : f32 to vector<16xf32>
      %select_n3A = arith.select %eq3A_1315, %exp3A, %broadcast_in_dim3A_1316 : vector<16xi1>, vector<16xf32>
      %add3A_1317 = arith.addf %broadcast_in_dim3A_1299, %select_n3A : vector<16xf32>
      %jit3A_1318 = arith.constant 0.000000e+00 : f32
      %broadcast_in_dim3A_1319 = vector.broadcast %jit3A_1318 : f32 to vector<16xf32>
      %select_n3A_1320 = arith.select %eq3A_1315, %broadcast_in_dim3A_1319, %exp3A_1313 : vector<16xi1>, vector<16xf32>
      %add3A_1321 = arith.addf %broadcast_in_dim3A_1301, %select_n3A_1320 : vector<16xf32>
      %add3A_1322 = arith.constant 16 : i32
      %add3A_1323 = arith.addi %multiple_of3A_1298, %add3A_1322 : i32
      %get3A_1324 = arith.index_cast %add3A_1323 : i32 to index
      %get3A_1325 = tpu.vector_load %arg9[%get3A_1324] {strides = array<i32>} : memref<5120xf32, #tpu.memory_space<vmem>>, vector<16xf32>,
      %get3A_1326 = vector.shape_cast %get3A_1325 : vector<16xf32> to vector<16xf32>
      %add3A_1327 = arith.constant 16 : i32
      %add3A_1328 = arith.addi %multiple_of3A_1298, %add3A_1327 : i32
      %get3A_1329 = arith.index_cast %add3A_1328 : i32 to index
      %get3A_1330 = tpu.vector_load %arg10[%get3A_1329] {strides = array<i32>} : memref<5120xi32, #tpu.memory_space<vmem>>, vector<16xi32>,
      %get3A_1331 = vector.shape_cast %get3A_1330 : vector<16xi32> to vector<16xi32>
      %exp3A_1332 = math.exp %get3A_1326 : vector<16xf32>
      %neg3A_1333 = arith.constant 0.000000e+00 : f32
      %neg3A_1334 = vector.broadcast %neg3A_1333 : f32 to vector<16xf32>
      %neg3A_1335 = arith.subf %neg3A_1334, %get3A_1326 : vector<16xf32>
      %exp3A_1336 = math.exp %neg3A_1335 : vector<16xf32>
      %eq3A_1337 = arith.constant 0 : i32
      %eq3A_1338 = vector.broadcast %eq3A_1337 : i32 to vector<16xi32>
      %eq3A_1339 = arith.cmpi eq, %get3A_1331, %eq3A_1338 : vector<16xi32>
      %jit3A_1340 = arith.constant 0.000000e+00 : f32
      %broadcast_in_dim3A_1341 = vector.broadcast %jit3A_1340 : f32 to vector<16xf32>
      %select_n3A_1342 = arith.select %eq3A_1339, %exp3A_1332, %broadcast_in_dim3A_1341 : vector<16xi1>, vector<16xf32>
      %add3A_1343 = arith.addf %add3A_1317, %select_n3A_1342 : vector<16xf32>
      %jit3A_1344 = arith.constant 0.000000e+00 : f32
      %broadcast_in_dim3A_1345 = vector.broadcast %jit3A_1344 : f32 to vector<16xf32>
      %select_n3A_1346 = arith.select %eq3A_1339, %broadcast_in_dim3A_1345, %exp3A_1336 : vector<16xi1>, vector<16xf32>
      %add3A_1347 = arith.addf %add3A_1321, %select_n3A_1346 : vector<16xf32>
      %add3A_1348 = arith.constant 32 : i32
      %add3A_1349 = arith.addi %multiple_of3A_1298, %add3A_1348 : i32
      %get3A_1350 = arith.index_cast %add3A_1349 : i32 to index
      %get3A_1351 = tpu.vector_load %arg9[%get3A_1350] {strides = array<i32>} : memref<5120xf32, #tpu.memory_space<vmem>>, vector<16xf32>,
      %get3A_1352 = vector.shape_cast %get3A_1351 : vector<16xf32> to vector<16xf32>
      %add3A_1353 = arith.constant 32 : i32
      %add3A_1354 = arith.addi %multiple_of3A_1298, %add3A_1353 : i32
      %get3A_1355 = arith.index_cast %add3A_1354 : i32 to index
      %get3A_1356 = tpu.vector_load %arg10[%get3A_1355] {strides = array<i32>} : memref<5120xi32, #tpu.memory_space<vmem>>, vector<16xi32>,
      %get3A_1357 = vector.shape_cast %get3A_1356 : vector<16xi32> to vector<16xi32>
      %exp3A_1358 = math.exp %get3A_1352 : vector<16xf32>
      %neg3A_1359 = arith.constant 0.000000e+00 : f32
      %neg3A_1360 = vector.broadcast %neg3A_1359 : f32 to vector<16xf32>
      %neg3A_1361 = arith.subf %neg3A_1360, %get3A_1352 : vector<16xf32>
      %exp3A_1362 = math.exp %neg3A_1361 : vector<16xf32>
      %eq3A_1363 = arith.constant 0 : i32
      %eq3A_1364 = vector.broadcast %eq3A_1363 : i32 to vector<16xi32>
      %eq3A_1365 = arith.cmpi eq, %get3A_1357, %eq3A_1364 : vector<16xi32>
      %jit3A_1366 = arith.constant 0.000000e+00 : f32
      %broadcast_in_dim3A_1367 = vector.broadcast %jit3A_1366 : f32 to vector<16xf32>
      %select_n3A_1368 = arith.select %eq3A_1365, %exp3A_1358, %broadcast_in_dim3A_1367 : vector<16xi1>, vector<16xf32>
      %add3A_1369 = arith.addf %add3A_1343, %select_n3A_1368 : vector<16xf32>
      %jit3A_1370 = arith.constant 0.000000e+00 : f32
      %broadcast_in_dim3A_1371 = vector.broadcast %jit3A_1370 : f32 to vector<16xf32>
      %select_n3A_1372 = arith.select %eq3A_1365, %broadcast_in_dim3A_1371, %exp3A_1362 : vector<16xi1>, vector<16xf32>
      %add3A_1373 = arith.addf %add3A_1347, %select_n3A_1372 : vector<16xf32>
      %add3A_1374 = arith.constant 48 : i32
      %add3A_1375 = arith.addi %multiple_of3A_1298, %add3A_1374 : i32
      %get3A_1376 = arith.index_cast %add3A_1375 : i32 to index
      %get3A_1377 = tpu.vector_load %arg9[%get3A_1376] {strides = array<i32>} : memref<5120xf32, #tpu.memory_space<vmem>>, vector<16xf32>,
      %get3A_1378 = vector.shape_cast %get3A_1377 : vector<16xf32> to vector<16xf32>
      %add3A_1379 = arith.constant 48 : i32
      %add3A_1380 = arith.addi %multiple_of3A_1298, %add3A_1379 : i32
      %get3A_1381 = arith.index_cast %add3A_1380 : i32 to index
      %get3A_1382 = tpu.vector_load %arg10[%get3A_1381] {strides = array<i32>} : memref<5120xi32, #tpu.memory_space<vmem>>, vector<16xi32>,
      %get3A_1383 = vector.shape_cast %get3A_1382 : vector<16xi32> to vector<16xi32>
      %exp3A_1384 = math.exp %get3A_1378 : vector<16xf32>
      %neg3A_1385 = arith.constant 0.000000e+00 : f32
      %neg3A_1386 = vector.broadcast %neg3A_1385 : f32 to vector<16xf32>
      %neg3A_1387 = arith.subf %neg3A_1386, %get3A_1378 : vector<16xf32>
      %exp3A_1388 = math.exp %neg3A_1387 : vector<16xf32>
      %eq3A_1389 = arith.constant 0 : i32
      %eq3A_1390 = vector.broadcast %eq3A_1389 : i32 to vector<16xi32>
      %eq3A_1391 = arith.cmpi eq, %get3A_1383, %eq3A_1390 : vector<16xi32>
      %jit3A_1392 = arith.constant 0.000000e+00 : f32
      %broadcast_in_dim3A_1393 = vector.broadcast %jit3A_1392 : f32 to vector<16xf32>
      %select_n3A_1394 = arith.select %eq3A_1391, %exp3A_1384, %broadcast_in_dim3A_1393 : vector<16xi1>, vector<16xf32>
      %add3A_1395 = arith.addf %add3A_1369, %select_n3A_1394 : vector<16xf32>
      %jit3A_1396 = arith.constant 0.000000e+00 : f32
      %broadcast_in_dim3A_1397 = vector.broadcast %jit3A_1396 : f32 to vector<16xf32>
      %select_n3A_1398 = arith.select %eq3A_1391, %broadcast_in_dim3A_1397, %exp3A_1388 : vector<16xi1>, vector<16xf32>
      %add3A_1399 = arith.addf %add3A_1373, %select_n3A_1398 : vector<16xf32>
      %add3A_1400 = arith.constant 64 : i32
      %add3A_1401 = arith.addi %multiple_of3A_1298, %add3A_1400 : i32
      %get3A_1402 = arith.index_cast %add3A_1401 : i32 to index
      %get3A_1403 = tpu.vector_load %arg9[%get3A_1402] {strides = array<i32>} : memref<5120xf32, #tpu.memory_space<vmem>>, vector<16xf32>,
      %get3A_1404 = vector.shape_cast %get3A_1403 : vector<16xf32> to vector<16xf32>
      %add3A_1405 = arith.constant 64 : i32
      %add3A_1406 = arith.addi %multiple_of3A_1298, %add3A_1405 : i32
      %get3A_1407 = arith.index_cast %add3A_1406 : i32 to index
      %get3A_1408 = tpu.vector_load %arg10[%get3A_1407] {strides = array<i32>} : memref<5120xi32, #tpu.memory_space<vmem>>, vector<16xi32>,
      %get3A_1409 = vector.shape_cast %get3A_1408 : vector<16xi32> to vector<16xi32>
      %exp3A_1410 = math.exp %get3A_1404 : vector<16xf32>
      %neg3A_1411 = arith.constant 0.000000e+00 : f32
      %neg3A_1412 = vector.broadcast %neg3A_1411 : f32 to vector<16xf32>
      %neg3A_1413 = arith.subf %neg3A_1412, %get3A_1404 : vector<16xf32>
      %exp3A_1414 = math.exp %neg3A_1413 : vector<16xf32>
      %eq3A_1415 = arith.constant 0 : i32
      %eq3A_1416 = vector.broadcast %eq3A_1415 : i32 to vector<16xi32>
      %eq3A_1417 = arith.cmpi eq, %get3A_1409, %eq3A_1416 : vector<16xi32>
      %jit3A_1418 = arith.constant 0.000000e+00 : f32
      %broadcast_in_dim3A_1419 = vector.broadcast %jit3A_1418 : f32 to vector<16xf32>
      %select_n3A_1420 = arith.select %eq3A_1417, %exp3A_1410, %broadcast_in_dim3A_1419 : vector<16xi1>, vector<16xf32>
      %add3A_1421 = arith.addf %add3A_1395, %select_n3A_1420 : vector<16xf32>
      %jit3A_1422 = arith.constant 0.000000e+00 : f32
      %broadcast_in_dim3A_1423 = vector.broadcast %jit3A_1422 : f32 to vector<16xf32>
      %select_n3A_1424 = arith.select %eq3A_1417, %broadcast_in_dim3A_1423, %exp3A_1414 : vector<16xi1>, vector<16xf32>
      %add3A_1425 = arith.addf %add3A_1399, %select_n3A_1424 : vector<16xf32>
      %add3A_1426 = arith.constant 80 : i32
      %add3A_1427 = arith.addi %multiple_of3A_1298, %add3A_1426 : i32
      %get3A_1428 = arith.index_cast %add3A_1427 : i32 to index
      %get3A_1429 = tpu.vector_load %arg9[%get3A_1428] {strides = array<i32>} : memref<5120xf32, #tpu.memory_space<vmem>>, vector<16xf32>,
      %get3A_1430 = vector.shape_cast %get3A_1429 : vector<16xf32> to vector<16xf32>
      %add3A_1431 = arith.constant 80 : i32
      %add3A_1432 = arith.addi %multiple_of3A_1298, %add3A_1431 : i32
      %get3A_1433 = arith.index_cast %add3A_1432 : i32 to index
      %get3A_1434 = tpu.vector_load %arg10[%get3A_1433] {strides = array<i32>} : memref<5120xi32, #tpu.memory_space<vmem>>, vector<16xi32>,
      %get3A_1435 = vector.shape_cast %get3A_1434 : vector<16xi32> to vector<16xi32>
      %exp3A_1436 = math.exp %get3A_1430 : vector<16xf32>
      %neg3A_1437 = arith.constant 0.000000e+00 : f32
      %neg3A_1438 = vector.broadcast %neg3A_1437 : f32 to vector<16xf32>
      %neg3A_1439 = arith.subf %neg3A_1438, %get3A_1430 : vector<16xf32>
      %exp3A_1440 = math.exp %neg3A_1439 : vector<16xf32>
      %eq3A_1441 = arith.constant 0 : i32
      %eq3A_1442 = vector.broadcast %eq3A_1441 : i32 to vector<16xi32>
      %eq3A_1443 = arith.cmpi eq, %get3A_1435, %eq3A_1442 : vector<16xi32>
      %jit3A_1444 = arith.constant 0.000000e+00 : f32
      %broadcast_in_dim3A_1445 = vector.broadcast %jit3A_1444 : f32 to vector<16xf32>
      %select_n3A_1446 = arith.select %eq3A_1443, %exp3A_1436, %broadcast_in_dim3A_1445 : vector<16xi1>, vector<16xf32>
      %add3A_1447 = arith.addf %add3A_1421, %select_n3A_1446 : vector<16xf32>
      %jit3A_1448 = arith.constant 0.000000e+00 : f32
      %broadcast_in_dim3A_1449 = vector.broadcast %jit3A_1448 : f32 to vector<16xf32>
      %select_n3A_1450 = arith.select %eq3A_1443, %broadcast_in_dim3A_1449, %exp3A_1440 : vector<16xi1>, vector<16xf32>
      %add3A_1451 = arith.addf %add3A_1425, %select_n3A_1450 : vector<16xf32>
      %add3A_1452 = arith.constant 96 : i32
      %add3A_1453 = arith.addi %multiple_of3A_1298, %add3A_1452 : i32
      %get3A_1454 = arith.index_cast %add3A_1453 : i32 to index
      %get3A_1455 = tpu.vector_load %arg9[%get3A_1454] {strides = array<i32>} : memref<5120xf32, #tpu.memory_space<vmem>>, vector<16xf32>,
      %get3A_1456 = vector.shape_cast %get3A_1455 : vector<16xf32> to vector<16xf32>
      %add3A_1457 = arith.constant 96 : i32
      %add3A_1458 = arith.addi %multiple_of3A_1298, %add3A_1457 : i32
      %get3A_1459 = arith.index_cast %add3A_1458 : i32 to index
      %get3A_1460 = tpu.vector_load %arg10[%get3A_1459] {strides = array<i32>} : memref<5120xi32, #tpu.memory_space<vmem>>, vector<16xi32>,
      %get3A_1461 = vector.shape_cast %get3A_1460 : vector<16xi32> to vector<16xi32>
      %exp3A_1462 = math.exp %get3A_1456 : vector<16xf32>
      %neg3A_1463 = arith.constant 0.000000e+00 : f32
      %neg3A_1464 = vector.broadcast %neg3A_1463 : f32 to vector<16xf32>
      %neg3A_1465 = arith.subf %neg3A_1464, %get3A_1456 : vector<16xf32>
      %exp3A_1466 = math.exp %neg3A_1465 : vector<16xf32>
      %eq3A_1467 = arith.constant 0 : i32
      %eq3A_1468 = vector.broadcast %eq3A_1467 : i32 to vector<16xi32>
      %eq3A_1469 = arith.cmpi eq, %get3A_1461, %eq3A_1468 : vector<16xi32>
      %jit3A_1470 = arith.constant 0.000000e+00 : f32
      %broadcast_in_dim3A_1471 = vector.broadcast %jit3A_1470 : f32 to vector<16xf32>
      %select_n3A_1472 = arith.select %eq3A_1469, %exp3A_1462, %broadcast_in_dim3A_1471 : vector<16xi1>, vector<16xf32>
      %add3A_1473 = arith.addf %add3A_1447, %select_n3A_1472 : vector<16xf32>
      %jit3A_1474 = arith.constant 0.000000e+00 : f32
      %broadcast_in_dim3A_1475 = vector.broadcast %jit3A_1474 : f32 to vector<16xf32>
      %select_n3A_1476 = arith.select %eq3A_1469, %broadcast_in_dim3A_1475, %exp3A_1466 : vector<16xi1>, vector<16xf32>
      %add3A_1477 = arith.addf %add3A_1451, %select_n3A_1476 : vector<16xf32>
      %add3A_1478 = arith.constant 112 : i32
      %add3A_1479 = arith.addi %multiple_of3A_1298, %add3A_1478 : i32
      %get3A_1480 = arith.index_cast %add3A_1479 : i32 to index
      %get3A_1481 = tpu.vector_load %arg9[%get3A_1480] {strides = array<i32>} : memref<5120xf32, #tpu.memory_space<vmem>>, vector<16xf32>,
      %get3A_1482 = vector.shape_cast %get3A_1481 : vector<16xf32> to vector<16xf32>
      %add3A_1483 = arith.constant 112 : i32
      %add3A_1484 = arith.addi %multiple_of3A_1298, %add3A_1483 : i32
      %get3A_1485 = arith.index_cast %add3A_1484 : i32 to index
      %get3A_1486 = tpu.vector_load %arg10[%get3A_1485] {strides = array<i32>} : memref<5120xi32, #tpu.memory_space<vmem>>, vector<16xi32>,
      %get3A_1487 = vector.shape_cast %get3A_1486 : vector<16xi32> to vector<16xi32>
      %exp3A_1488 = math.exp %get3A_1482 : vector<16xf32>
      %neg3A_1489 = arith.constant 0.000000e+00 : f32
      %neg3A_1490 = vector.broadcast %neg3A_1489 : f32 to vector<16xf32>
      %neg3A_1491 = arith.subf %neg3A_1490, %get3A_1482 : vector<16xf32>
      %exp3A_1492 = math.exp %neg3A_1491 : vector<16xf32>
      %eq3A_1493 = arith.constant 0 : i32
      %eq3A_1494 = vector.broadcast %eq3A_1493 : i32 to vector<16xi32>
      %eq3A_1495 = arith.cmpi eq, %get3A_1487, %eq3A_1494 : vector<16xi32>
      %jit3A_1496 = arith.constant 0.000000e+00 : f32
      %broadcast_in_dim3A_1497 = vector.broadcast %jit3A_1496 : f32 to vector<16xf32>
      %select_n3A_1498 = arith.select %eq3A_1495, %exp3A_1488, %broadcast_in_dim3A_1497 : vector<16xi1>, vector<16xf32>
      %add3A_1499 = arith.addf %add3A_1473, %select_n3A_1498 : vector<16xf32>
      %jit3A_1500 = arith.constant 0.000000e+00 : f32
      %broadcast_in_dim3A_1501 = vector.broadcast %jit3A_1500 : f32 to vector<16xf32>
      %select_n3A_1502 = arith.select %eq3A_1495, %broadcast_in_dim3A_1501, %exp3A_1492 : vector<16xi1>, vector<16xf32>
      %add3A_1503 = arith.addf %add3A_1477, %select_n3A_1502 : vector<16xf32>
      %add3A_1504 = arith.constant 128 : i32
      %add3A_1505 = arith.addi %multiple_of3A_1298, %add3A_1504 : i32
      %get3A_1506 = arith.index_cast %add3A_1505 : i32 to index
      %get3A_1507 = tpu.vector_load %arg9[%get3A_1506] {strides = array<i32>} : memref<5120xf32, #tpu.memory_space<vmem>>, vector<16xf32>,
      %get3A_1508 = vector.shape_cast %get3A_1507 : vector<16xf32> to vector<16xf32>
      %add3A_1509 = arith.constant 128 : i32
      %add3A_1510 = arith.addi %multiple_of3A_1298, %add3A_1509 : i32
      %get3A_1511 = arith.index_cast %add3A_1510 : i32 to index
      %get3A_1512 = tpu.vector_load %arg10[%get3A_1511] {strides = array<i32>} : memref<5120xi32, #tpu.memory_space<vmem>>, vector<16xi32>,
      %get3A_1513 = vector.shape_cast %get3A_1512 : vector<16xi32> to vector<16xi32>
      %exp3A_1514 = math.exp %get3A_1508 : vector<16xf32>
      %neg3A_1515 = arith.constant 0.000000e+00 : f32
      %neg3A_1516 = vector.broadcast %neg3A_1515 : f32 to vector<16xf32>
      %neg3A_1517 = arith.subf %neg3A_1516, %get3A_1508 : vector<16xf32>
      %exp3A_1518 = math.exp %neg3A_1517 : vector<16xf32>
      %eq3A_1519 = arith.constant 0 : i32
      %eq3A_1520 = vector.broadcast %eq3A_1519 : i32 to vector<16xi32>
      %eq3A_1521 = arith.cmpi eq, %get3A_1513, %eq3A_1520 : vector<16xi32>
      %jit3A_1522 = arith.constant 0.000000e+00 : f32
      %broadcast_in_dim3A_1523 = vector.broadcast %jit3A_1522 : f32 to vector<16xf32>
      %select_n3A_1524 = arith.select %eq3A_1521, %exp3A_1514, %broadcast_in_dim3A_1523 : vector<16xi1>, vector<16xf32>
      %add3A_1525 = arith.addf %add3A_1499, %select_n3A_1524 : vector<16xf32>
      %jit3A_1526 = arith.constant 0.000000e+00 : f32
      %broadcast_in_dim3A_1527 = vector.broadcast %jit3A_1526 : f32 to vector<16xf32>
      %select_n3A_1528 = arith.select %eq3A_1521, %broadcast_in_dim3A_1527, %exp3A_1518 : vector<16xi1>, vector<16xf32>
      %add3A_1529 = arith.addf %add3A_1503, %select_n3A_1528 : vector<16xf32>
      %add3A_1530 = arith.constant 144 : i32
      %add3A_1531 = arith.addi %multiple_of3A_1298, %add3A_1530 : i32
      %get3A_1532 = arith.index_cast %add3A_1531 : i32 to index
      %get3A_1533 = tpu.vector_load %arg9[%get3A_1532] {strides = array<i32>} : memref<5120xf32, #tpu.memory_space<vmem>>, vector<16xf32>,
      %get3A_1534 = vector.shape_cast %get3A_1533 : vector<16xf32> to vector<16xf32>
      %add3A_1535 = arith.constant 144 : i32
      %add3A_1536 = arith.addi %multiple_of3A_1298, %add3A_1535 : i32
      %get3A_1537 = arith.index_cast %add3A_1536 : i32 to index
      %get3A_1538 = tpu.vector_load %arg10[%get3A_1537] {strides = array<i32>} : memref<5120xi32, #tpu.memory_space<vmem>>, vector<16xi32>,
      %get3A_1539 = vector.shape_cast %get3A_1538 : vector<16xi32> to vector<16xi32>
      %exp3A_1540 = math.exp %get3A_1534 : vector<16xf32>
      %neg3A_1541 = arith.constant 0.000000e+00 : f32
      %neg3A_1542 = vector.broadcast %neg3A_1541 : f32 to vector<16xf32>
      %neg3A_1543 = arith.subf %neg3A_1542, %get3A_1534 : vector<16xf32>
      %exp3A_1544 = math.exp %neg3A_1543 : vector<16xf32>
      %eq3A_1545 = arith.constant 0 : i32
      %eq3A_1546 = vector.broadcast %eq3A_1545 : i32 to vector<16xi32>
      %eq3A_1547 = arith.cmpi eq, %get3A_1539, %eq3A_1546 : vector<16xi32>
      %jit3A_1548 = arith.constant 0.000000e+00 : f32
      %broadcast_in_dim3A_1549 = vector.broadcast %jit3A_1548 : f32 to vector<16xf32>
      %select_n3A_1550 = arith.select %eq3A_1547, %exp3A_1540, %broadcast_in_dim3A_1549 : vector<16xi1>, vector<16xf32>
      %add3A_1551 = arith.addf %add3A_1525, %select_n3A_1550 : vector<16xf32>
      %jit3A_1552 = arith.constant 0.000000e+00 : f32
      %broadcast_in_dim3A_1553 = vector.broadcast %jit3A_1552 : f32 to vector<16xf32>
      %select_n3A_1554 = arith.select %eq3A_1547, %broadcast_in_dim3A_1553, %exp3A_1544 : vector<16xi1>, vector<16xf32>
      %add3A_1555 = arith.addf %add3A_1529, %select_n3A_1554 : vector<16xf32>
      %mul3A_1556 = arith.mulf %add3A_1551, %add3A_1555 : vector<16xf32>
      %swap3A = arith.index_cast %multiple_of3A_1295 : i32 to index
      %swap3A_1557 = tpu.vector_load %arg11[%swap3A] {strides = array<i32>} : memref<512xf32, #tpu.memory_space<vmem>>, vector<16xf32>,
      %swap3A_1558 = vector.shape_cast %swap3A_1557 : vector<16xf32> to vector<16xf32>
      %swap3A_1559 = vector.shape_cast %mul3A_1556 : vector<16xf32> to vector<16xf32>
      tpu.vector_store %arg11[%swap3A], %swap3A_1559 {strides = array<i32>} : memref<512xf32, #tpu.memory_space<vmem>>, vector<16xf32>,
    }
    %scan3A_1291 = arith.constant 32 : i32
    "tpu.region"() ({
      %run_scoped3A = tpu.sem_alloc : memref<!tpu.dma_semaphore, #tpu.memory_space<semaphore_mem>>
      %dma_start3A_1292 = tpu.memref_slice %arg5[%multiple_of3A] : memref<16384xf32, #tpu.memory_space<hbm>> -> memref<512xf32, #tpu.memory_space<hbm>>
      %dma_start3A_1293 = tpu.memref_slice %arg5[%multiple_of3A] : memref<16384xf32, #tpu.memory_space<hbm>> -> memref<512xf32, #tpu.memory_space<hbm>>
      tpu.enqueue_dma source(%arg11 : memref<512xf32, #tpu.memory_space<vmem>>) target(%dma_start3A_1293 : memref<512xf32, #tpu.memory_space<hbm>>) target_semaphore(%run_scoped3A : memref<!tpu.dma_semaphore, #tpu.memory_space<semaphore_mem>>)
      %dma_wait3A_1294 = tpu.memref_slice %arg5[%multiple_of3A] : memref<16384xf32, #tpu.memory_space<hbm>> -> memref<512xf32, #tpu.memory_space<hbm>>
      %dma_wait3A_1295 = tpu.memref_slice %arg5[%multiple_of3A] : memref<16384xf32, #tpu.memory_space<hbm>> -> memref<512xf32, #tpu.memory_space<hbm>>
      tpu.wait_dma2 semaphore(%run_scoped3A : memref<!tpu.dma_semaphore, #tpu.memory_space<semaphore_mem>>) src(%arg11 : memref<512xf32, #tpu.memory_space<vmem>>) dst(%dma_wait3A_1295 : memref<512xf32, #tpu.memory_space<hbm>>)
      tpu.yield
    }) : () -> ()
    return
  }
}

module attributes {stable_mosaic.version = 14 : i64} {
  func.func @tc_body(%arg0: memref<128x128xf32, #tpu.memory_space<vmem>>, %arg1: memref<1x1xf32, #tpu.memory_space<vmem>>) attributes {dimension_semantics = [], scalar_prefetch = 0 : i64, scratch_operands = 0 : i64, tpu.core_type = #tpu.core_type<tc>} {
    %get3A = arith.constant 0 : index
    %get3A_0 = arith.constant 0 : index
    %get3A_1 = vector.load %arg0[%get3A, %get3A_0] : memref<128x128xf32, #tpu.memory_space<vmem>>, vector<128x128xf32>
    %log1p3A = math.log1p %get3A_1 : vector<128x128xf32>
    %reduce_sum3A = vector.shape_cast %log1p3A : vector<128x128xf32> to vector<1x128x128xf32>
    %reduce_sum3A_2 = arith.constant dense<0.000000e+00> : vector<1xf32>
    %reduce_sum3A_3 = vector.multi_reduction <add>, %reduce_sum3A, %reduce_sum3A_2 [1, 2] : vector<1x128x128xf32> to vector<1xf32>
    %reduce_sum3A_4 = vector.shape_cast %reduce_sum3A_3 : vector<1xf32> to vector<1x1x1xf32>
    %reduce_sum3A_5 = vector.extract %reduce_sum3A_4[0, 0, 0] : f32 from vector<1x1x1xf32>
    %broadcast_in_dim3A = vector.broadcast %reduce_sum3A_5 : f32 to vector<1x1xf32>
    %mul3A = arith.constant 6.10351563E-5 : f32
    %mul3A_6 = vector.broadcast %mul3A : f32 to vector<1x1xf32>
    %mul3A_7 = arith.mulf %broadcast_in_dim3A, %mul3A_6 : vector<1x1xf32>
    %swap3A = arith.constant 0 : index
    %swap3A_8 = arith.constant 0 : index
    %swap3A_9 = vector.load %arg1[%swap3A, %swap3A_8] : memref<1x1xf32, #tpu.memory_space<vmem>>, vector<1x1xf32>
    tpu.vector_store %arg1[%swap3A, %swap3A_8], %mul3A_7 {strides = array<i32>} : memref<1x1xf32, #tpu.memory_space<vmem>>, vector<1x1xf32>,
    return
  }
}

</mosaic_0001>

<sc_bundles>
// kernel: kernel.4.cloned.1.call-start
scs
__scs_entry_jumppad:
0x0: {  	(pc) =	sbr.rel $0x88, $3  }
0x1: {  	(tag) =	ssettag $0x0;
	lr =	simm.s32 $0x1  }
0x2: {  	[smem:$0x3F9E] =	sst lr;
	_ =	strace $0xD0000000  }
0x3: {  	_ = 	snop  }
0x4: {  	_ = 	snop  }
0x5: {  	_ = 	snop  }
0x6: {  	_ = 	snop  }
0x7: {  	_ = 	snop  }
__scs_overlays_trampoline_lowered:
0x8: {  	[smem:$0x3FAD] =	sst s0  }
0x9: {  	[smem:$0x3FAE] =	sst s1  }
0xa: {  	[smem:$0x3FAF] =	sst s2  }
0xb: {  	[smem:$0x3FB0] =	sst s3  }
0xc: {  	[smem:$0x3FB1] =	sst s4  }
0xd: {  	[smem:$0x3FB2] =	sst s5  }
0xe: {  	[smem:$0x3FB3] =	sst s6  }
0xf: {  	[smem:$0x3FB4] =	sst s7  }
0x10: {  	[smem:$0x3FB5] =	sst s8  }
0x11: {  	[smem:$0x3FB6] =	sst s9;
	s0 =	simm.s32 @!p0 $0x0  }
0x12: {  	s1 =	sld [smem:$0x3F9C];
	s0 =	simm.s32 @p0 $0x1  }
0x13: {  	[smem:$0x3FB7] =	sst s0;
	s0 =	simm.s32 @!p1 $0x0  }
0x14: {  	s2 =	sld [smem:$0x3F9B];
	s0 =	simm.s32 @p1 $0x1  }
0x15: {  	[smem:$0x3FB8] =	sst s0;
	s0 =	simm.s32 @!p2 $0x0  }
0x16: {  	s3 =	sld [smem:$0x3FDB];
	s0 =	simm.s32 @p2 $0x1  }
0x17: {  	s4 =	simm.s32 $0x1BF5;
	[smem:$0x3FBA] =	sst s0  }
0x18: {  	s0 =	sld [smem:$0x3F9D];
	_ =	swait.ge [sflag:s4], $0x0  }
0x19: {  	s7 =	sld [smem:$0x3F9E]  }
0x1a: {  	s8 =	sadd.s32 $0xFFFFE003, lr  }
0x1b: {  	s9 =	sadd.s32 $0xFFFFFEF7, lr;
	s5 =	simm.s32 $0xFFFFFFFF;
	p2 =	slt.u32 s8, $0xFFFFF086  }
0x1c: {  	p1 =	slt.u32 s9, $0xF7A;
	s5 =	simm.s32 @!p2 $0x0  }
0x1d: {  	s5 =	simm.s32 @p1 $0x1;
	p0 =	seq.s32 s7, s2  }
0x1e: {  	s7 =	smul.u32 @!p0 $0xF7A, s2;
	p2 =	seq.s32 @!p0 s5, $0x0  }
0x1f: {  	s9 =	smul.u32 $0xF7A, s1;
	s8 =	simm.s32 @!p0 $0x1BF5;
	p2 =	por !p2, p0  }
0x20: {  	[sflag:s8] =	ssyncset.s32 @!p0 $0xFFFFF086;
	s6 =	sadd.s32 @!p0 s3, s7;
	s7 =	simm.s32 @!p0 $0x108  }
0x21: {  	s3 =	sadd.s32 s3, s9;
	s6 =	sadd.s32 @!p0 $0x88, s6;
	s7 =	simm.s32 @p2 $0x1082  }
0x22: {  	[simem:s7], [sflag:s8] =	dma.local @!p0 [hbm:s6], $0xF7A  }
0x23: {  	s9 =	sor.u32 $0xD0000000, s2;
	s6 =	simm.s32 $0x108;
	_ =	swait.ge @!p0 [sflag:s8], $0x0  }
0x24: {  	s3 =	sadd.s32 $0x88, s3;
	s6 =	simm.s32 @!p1 $0x1082;
	[sflag:s4] =	ssyncset.s32 $0xFFFFF086  }
0x25: {  	[simem:s6], [sflag:s4] =	dma.local [hbm:s3], $0xF7A  }
0x26: {  	[smem:$0x3F9E] =	sst s1;
	(tag) =	ssettag s2;
	_ =	strace s9  }
0x27: {  	s1 =	sld [smem:$0x3FAE]  }
0x28: {  	s2 =	sld [smem:$0x3FAF]  }
0x29: {  	s4 =	sld [smem:$0x3FB1]  }
0x2a: {  	p0 =	seq.s32 s5, $0x0;
	s5 =	sld [smem:$0x3FB2]  }
0x2b: {  	s6 =	sld [smem:$0x3FB3]  }
0x2c: {  	s7 =	sld [smem:$0x3FB4]  }
0x2d: {  	s3 =	simm.s32 $0x108;
	s8 =	sld [smem:$0x3FB5]  }
0x2e: {  	s3 =	simm.s32 @!p0 $0x1082;
	s9 =	sld [smem:$0x3FB6]  }
0x2f: {  	lr =	sadd.s32 s0, s3;
	s0 =	sld [smem:$0x3FAD]  }
0x30: {  	s3 =	sld [smem:$0x3FB0]  }
0x31: {  	[smem:$0x3FB9] =	sst s10  }
0x32: {  	s10 =	sld [smem:$0x3FB7];
	_ =	sdelay $0x3  }
0x33: {  	p0 =	seq.s32 s10, $0x1;
	s10 =	sld [smem:$0x3FB9];
	_ =	sdelay $0x3  }
0x34: {  	[smem:$0x3FB9] =	sst s10  }
0x35: {  	s10 =	sld [smem:$0x3FB8];
	_ =	sdelay $0x3  }
0x36: {  	p1 =	seq.s32 s10, $0x1;
	s10 =	sld [smem:$0x3FB9];
	_ =	sdelay $0x3  }
0x37: {  	[smem:$0x3FB9] =	sst s10  }
0x38: {  	s10 =	sld [smem:$0x3FBA]  }
0x39: {  	_ = 	snop;
	(pc) =	sbr.ind lr, $3  }
0x3a: {  	_ = 	snop  }
0x3b: {  	_ = 	snop  }
0x3c: {  	p2 =	seq.s32 s10, $0x1;
	s10 =	sld [smem:$0x3FB9]  }
0x3d: {  	_ =	shalt  }
0x3e: {  	_ =	shalt  }
0x3f: {  	_ =	shalt  }
0x40: {  	_ =	shalt  }
0x41: {  	_ =	shalt  }
0x42: {  	_ =	shalt  }
0x43: {  	_ =	shalt  }
0x44: {  	_ =	shalt  }
0x45: {  	_ =	shalt  }
0x46: {  	_ =	shalt  }
0x47: {  	_ =	shalt  }
0x48: {  	_ =	shalt  }
0x49: {  	_ =	shalt  }
0x4a: {  	_ =	shalt  }
0x4b: {  	_ =	shalt  }
0x4c: {  	_ =	shalt  }
0x4d: {  	_ =	shalt  }
0x4e: {  	_ =	shalt  }
0x4f: {  	_ =	shalt  }
0x50: {  	_ =	shalt  }
0x51: {  	_ =	shalt  }
0x52: {  	_ =	shalt  }
0x53: {  	_ =	shalt  }
0x54: {  	_ =	shalt  }
0x55: {  	_ =	shalt  }
0x56: {  	_ =	shalt  }
0x57: {  	_ =	shalt  }
0x58: {  	_ =	shalt  }
0x59: {  	_ =	shalt  }
0x5a: {  	_ =	shalt  }
0x5b: {  	_ =	shalt  }
0x5c: {  	_ =	shalt  }
0x5d: {  	_ =	shalt  }
0x5e: {  	_ =	shalt  }
0x5f: {  	_ =	shalt  }
0x60: {  	_ =	shalt  }
0x61: {  	_ =	shalt  }
0x62: {  	_ =	shalt  }
0x63: {  	_ =	shalt  }
0x64: {  	_ =	shalt  }
0x65: {  	_ =	shalt  }
0x66: {  	_ =	shalt  }
0x67: {  	_ =	shalt  }
0x68: {  	_ =	shalt  }
0x69: {  	_ =	shalt  }
0x6a: {  	_ =	shalt  }
0x6b: {  	_ =	shalt  }
0x6c: {  	_ =	shalt  }
0x6d: {  	_ =	shalt  }
0x6e: {  	_ =	shalt  }
0x6f: {  	_ =	shalt  }
0x70: {  	_ =	shalt  }
0x71: {  	_ =	shalt  }
0x72: {  	_ =	shalt  }
0x73: {  	_ =	shalt  }
0x74: {  	_ =	shalt  }
0x75: {  	_ =	shalt  }
0x76: {  	_ =	shalt  }
0x77: {  	_ =	shalt  }
0x78: {  	_ =	shalt  }
0x79: {  	_ =	shalt  }
0x7a: {  	_ =	shalt  }
0x7b: {  	_ =	shalt  }
0x7c: {  	_ =	shalt  }
0x7d: {  	_ =	shalt  }
0x7e: {  	_ =	shalt  }
0x7f: {  	_ =	shalt  }
0x80: {  	_ =	shalt  }
0x81: {  	_ =	shalt  }
0x82: {  	_ =	shalt  }
0x83: {  	_ =	shalt  }
0x84: {  	_ =	shalt  }
0x85: {  	_ =	shalt  }
0x86: {  	_ =	shalt  }
0x87: {  	_ =	shalt  }
.Lfunc_end0:
.L_simem_size_0:
called_computation_lowered:
.L_overlay_start_0:
0x88: {  	s2 =	sld [smem:$0x3FD9]  }
0x89: {  	s3 =	sld [smem:$0x3FFE];
	_ =	sdelay $0x1  }
0x8a: {  	s1 =	srdreg.scid  }
0x8b: {  	s0 =	sand.u32 $0x1, s1  }
0x8c: {  	s17 =	sshll.u32 s0, $0xA;
	s2 =	sadd.s32 s3, s2  }
0x8d: {  	s2 =	sadd.s32 s2, s17  }
0x8e: {  	[smem:$0x3FC5] =	sst s2  }
0x8f: {  	_ = 	snop  }
0x90: {  	s2 =	sld [smem:$0x3FC8];
	(tm) =	ssettm $0x1  }
0x91: {  	s18 =	sld [smem:$0x3FFB];
	_ =	sdelay $0x3  }
0x92: {  	_ =	strace s18  }
0x93: {  	s3 =	sld [smem:$0x3FFC];
	_ =	sdelay $0x3  }
0x94: {  	_ =	strace s3  }
0x95: {  	s3 =	sld [smem:$0x3FFD];
	_ =	sdelay $0x3  }
0x96: {  	_ =	strace s3  }
0x97: {  	_ =	strace $0x8FFFFFFF  }
0x98: {  	s19 =	sld [smem:$0x3FDB];
	_ =	sdelay $0x1  }
0x99: {  	s4 =	simm.s32 $_scs_section_size  }
0x9a: {  	s5 =	simm.s32 $_size__tile_overlayer_lowered;
	s6 =	simm.s32 $_tile_overlayer_lowered  }
0x9b: {  	s22 =	simm.s32 $0x1BFF;
	s21 =	sshll.u32 s6, $0x1;
	s3 =	sadd.s32 s4, s19  }
0x9c: {  	s7 =	simm.s32 $0x0;
	s20 =	sshll.u32 s5, $0x1;
	s5 =	sadd.s32 s21, s3  }
0x9d: {  	[timem:s7], [sflag:s22] =	dma.local [hbm:s5], s20  }
0x9e: {  	_ =	swait.ge [sflag:s22], s20  }
0x9f: {  	s4 =	ssub.s32 $0x0, s20;
	[sflag:s22] =	ssyncset.done $0x0  }
0xa0: {  	[sflag:s22] =	ssyncadd.s32 s4;
	_ =	sdelay $0x1  }
0xa1: {  	s23 =	simm.s32 $0x1B8B  }
0xa2: {  	_ =	swait.ge [sflag:s23], $0x1  }
0xa3: {  	[sflag:s23] =	ssyncset.done $0x0  }
0xa4: {  	s25 =	simm.s32 $0x1B8E;
	s24 =	sld [smem:$0x3FFE];
	[sflag:s23] =	ssyncadd.s32 $0xFFFFFFFF  }
0xa5: {  	s26 =	simm.s32 $execute0_lowered;
	[smem:$0x3FD2] =	sst s25  }
0xa6: {  	s5 =	sshll.u32 s26, $0x1;
	_ =	strace $0x80000046;
	[dreg:$0x1] =	wrdreg $0xFFFFFFFF  }
0xa7: {  	s28 =	simm.s32 $_size_execute0_lowered;
	s3 =	sadd.s32 s3, s5;
	[dreg:$0x0] =	wrdreg $0x0  }
0xa8: {  	s5 =	sshll.u32 s28, $0x1;
	[dreg:$0x2] =	wrdreg s3  }
0xa9: {  	[dreg:$0x3] =	wrdreg s5  }
0xaa: {  	[dreg:$0x4] =	wrdreg $0xC0  }
0xab: {  	_ =	task [dreg:s7], $0x5FFFF  }
0xac: {  	[dreg:$0x1] =	wrdreg $0xFFFFFFFF  }
0xad: {  	[dreg:$0x0] =	wrdreg $0x60  }
0xae: {  	[dreg:$0x2] =	wrdreg s24  }
0xaf: {  	[dreg:$0x3] =	wrdreg s2  }
0xb0: {  	[dreg:$0x4] =	wrdreg $0x9  }
0xb1: {  	_ =	task.clear_ibuf [dreg:s7], $0x5FFFF;
	_ =	strace $0x90000046  }
0xb2: {  	s29 =	simm.s32 $0x9;
	_ =	strace $0x80000048  }
0xb3: {  	_ =	swait.ge [sflag:s29], $0x1  }
0xb4: {  	[sflag:s29] =	ssyncadd.s32 $0xFFFFFFFF  }
0xb5: {  	_ =	strace $0x90000048  }
0xb6: {  	_ =	sfence  }
0xb7: {  	s30 =	sld [smem:$0x0];
	_ =	sdelay $0x2  }
0xb8: {  	s31 =	sshll.u32 s1, $0xD;
	s1 =	sshrl.u32 s1, $0x2  }
0xb9: {  	s3 =	sand.u32 $0x4000, s31;
	s1 =	sadd.s32 s1, s30  }
0xba: {  	s0 =	sor.u32 s3, s0;
	s1 =	sshll.u32 s1, $0x11  }
0xbb: {  	s0 =	sor.u32 s1, s0  }
0xbc: {  	s0 =	sadd.s32 $0x8F2B, s0  }
0xbd: {  	[sflag:s0] =	ssyncadd.remote.s32 $0x1  }
0xbe: {  	_ =	sfence.sel $0xFFFF  }
0xbf: {  	[dreg:$0x0] =	wrdreg $0xFFFFFFFF;
	(pc) =	sbr.abs _section_cstart, $3  }
0xc0: {  	[dreg:$0x1] =	wrdreg $0xFFFFFFFF  }
0xc1: {  	_ =	task.clear_ibuf [dreg:s7], $0x2FFFF;
	_ =	strace $0x9FFFFFFF  }
0xc2: {  	(tm) =	ssettm $0x7FFFFFFF  }
0xc3: {  	_ =	shalt  }
tec
execute0_lowered:
.L_overlay_start_1:
0x0: {  	(tag) =	ssettag $0x1  }
0x1: {  	s0 =	rddreg [dreg:$0x0]  }
0x2: {  	s1 =	rddreg [dreg:$0x1];
	s2 =	simm.s32 $0x0  }
0x3: {  	s3 =	srdreg.scid;
	s5 =	stileid.u32;
	s9 =	simm.s32 $0x2  }
0x4: {  	s10 =	simm.s32 $0x80;
	s31 =	simm.s32 $0x4F80;
	s11 =	simm.s32 $0x2880  }
0x5: {  	s12 =	simm.s32 $0x5080;
	s13 =	simm.s32 $0x2900;
	s14 =	simm.s32 $0x5100  }
0x6: {  	s15 =	simm.s32 $0x2980;
	s16 =	simm.s32 $0x5180;
	s17 =	simm.s32 $0x1  }
0x7: {  	s18 =	simm.s32 $0x5200;
	s19 =	simm.s32 $0x0;
	[smem:$0x7FF] =	sst s2  }
0x8: {  	s4 =	sand.u32 $0x1, s3;
	s5 =	sshll.u32 s5, $0xA;
	s3 =	sadd.s32 $0x400800, s0  }
0x9: {  	_ =	strace $0x80000047;
	s6 =	sshll.u32 s4, $0x9;
	s30 =	ssub.s32 $0x2, s4  }
0xa: {  	s4 =	sadd.s32 $0x800, s0;
	s8 =	sor.u32 s6, s5;
	s7 =	sshrl.u32 s30, $0x1  }
0xb: {  	s6 =	sshrl.u32 s8, $0x3;
	s7 =	ssub.s32 s30, s7;
	s28 =	sor.u32 $0x10, s8  }
0xc: {  	s0 =	sadd.s32 s6, s0;
	s5 =	sadd.s32 s1, s6;
	s7 =	smax.u32 s7, $0x1  }
0xd: {  	v0 =	vlaneseq.u32;
	s1 =	simm.s32 $0x5000;
	s6 =	sadd.s32 $0x5800, s0;
	s0 =	simm.s32 $0x2800  }
.LBB2_1:
0xe: {  	[tilespmem:s2], [sflag:$0x2] =	stream.linear.gather [hbm4b:s5+s2], $0x200, $0x38;
	[tilespmem:$0x5400] =	vst v63  }
0xf: {  	_ =	swait.ge [sflag:s9], $0x200  }
0x10: {  	[sflag:s9] =	ssyncset.done $0x0  }
0x11: {  	s20 =	simm.s32 $0x10;
	[sflag:s9] =	ssyncadd.s32 $0xFFFFFE00  }
0x12: {  	v1 =	vld [tilespmem:s20+$0xFFFFFFF0];
	_ =	sdelay $0x2  }
0x13: {  	s8 =	sadd.s32 $0xFFFFFFF0, s28  }
0x14: {  	v2 =	vor.u32 s8, v0  }
0x15: {  	v3 =	vmul.u32 $0x64, v2;
	v1 =	vmul.u32 $0xA, v1;
	_ =	sdelay $0x1  }
0x16: {  	s21 =	simm.s32 $0x2A0;
	v2 =	vmul.u32 $0xA, v2;
	v1 =	vadd.s32 v3, v1  }
0x17: {  	s22 =	simm.s32 $0x16A0;
	[tilespmem:s21+$0xFFFFFF60] =	vst v1  }
0x18: {  	v3 =	vor.u32 $0x1, v1;
	[tilespmem:s22+$0xFFFFFF60] =	vst v2  }
0x19: {  	[tilespmem:s21+$0xFFFFFF70] =	vst v3;
	v3 =	vor.u32 $0x1, v2  }
0x1a: {  	[tilespmem:s22+$0xFFFFFF70] =	vst v3;
	v3 =	vadd.s32 $0x2, v1  }
0x1b: {  	[tilespmem:s21+$0xFFFFFF80] =	vst v3;
	v3 =	vadd.s32 $0x2, v2  }
0x1c: {  	[tilespmem:s22+$0xFFFFFF80] =	vst v3;
	v3 =	vadd.s32 $0x3, v1  }
0x1d: {  	[tilespmem:s21+$0xFFFFFF90] =	vst v3;
	v3 =	vadd.s32 $0x3, v2  }
0x1e: {  	[tilespmem:s22+$0xFFFFFF90] =	vst v3;
	v3 =	vadd.s32 $0x4, v1  }
0x1f: {  	[tilespmem:s21+$0xFFFFFFA0] =	vst v3;
	v3 =	vadd.s32 $0x4, v2  }
0x20: {  	[tilespmem:s22+$0xFFFFFFA0] =	vst v3;
	v3 =	vadd.s32 $0x5, v1  }
0x21: {  	[tilespmem:s21+$0xFFFFFFB0] =	vst v3;
	v3 =	vadd.s32 $0x5, v2  }
0x22: {  	[tilespmem:s22+$0xFFFFFFB0] =	vst v3;
	v3 =	vadd.s32 $0x6, v1  }
0x23: {  	[tilespmem:s21+$0xFFFFFFC0] =	vst v3;
	v3 =	vadd.s32 $0x6, v2  }
0x24: {  	s25 =	simm.s32 $0x80;
	[tilespmem:s22+$0xFFFFFFC0] =	vst v3;
	v3 =	vadd.s32 $0x7, v1  }
0x25: {  	s23 =	sand.u32 $0x40, s2;
	s8 =	sand.u32 $0x3F80, s25;
	[tilespmem:s21+$0xFFFFFFD0] =	vst v3;
	v3 =	vadd.s32 $0x7, v2  }
0x26: {  	s8 =	sor.u32 s23, s8;
	[tilespmem:s22+$0xFFFFFFD0] =	vst v3;
	v3 =	vadd.s32 $0x8, v1  }
0x27: {  	v4 =	vadd.s32 $0x8, v2;
	[tilespmem:s8+$0x200] =	vst v3  }
0x28: {  	v1 =	vadd.s32 $0x9, v1;
	[tilespmem:s8+$0x1600] =	vst v4  }
0x29: {  	v2 =	vadd.s32 $0x9, v2;
	[tilespmem:s21+$0xFFFFFFF0] =	vst v1  }
0x2a: {  	[tilespmem:s22+$0xFFFFFFF0] =	vst v2  }
0x2b: {  	v1 =	vld [tilespmem:s20+$0x0];
	_ =	sdelay $0x3  }
0x2c: {  	v2 =	vor.u32 s28, v0  }
0x2d: {  	v3 =	vmul.u32 $0x64, v2;
	v1 =	vmul.u32 $0xA, v1;
	_ =	sdelay $0x1  }
0x2e: {  	v2 =	vmul.u32 $0xA, v2;
	v1 =	vadd.s32 v3, v1  }
0x2f: {  	[tilespmem:s21+$0x0] =	vst v1  }
0x30: {  	v3 =	vor.u32 $0x1, v1;
	[tilespmem:s22+$0x0] =	vst v2  }
0x31: {  	v4 =	vor.u32 $0x1, v2;
	[tilespmem:s21+$0x10] =	vst v3  }
0x32: {  	v3 =	vadd.s32 $0x2, v1;
	[tilespmem:s22+$0x10] =	vst v4  }
0x33: {  	v4 =	vadd.s32 $0x2, v2;
	[tilespmem:s21+$0x20] =	vst v3  }
0x34: {  	v3 =	vadd.s32 $0x3, v1;
	[tilespmem:s22+$0x20] =	vst v4  }
0x35: {  	v4 =	vadd.s32 $0x3, v2;
	[tilespmem:s21+$0x30] =	vst v3  }
0x36: {  	v3 =	vadd.s32 $0x4, v1;
	[tilespmem:s22+$0x30] =	vst v4  }
0x37: {  	v4 =	vadd.s32 $0x4, v2;
	[tilespmem:s21+$0x40] =	vst v3  }
0x38: {  	v3 =	vadd.s32 $0x5, v1;
	[tilespmem:s22+$0x40] =	vst v4  }
0x39: {  	v4 =	vadd.s32 $0x5, v2;
	[tilespmem:s21+$0x50] =	vst v3  }
0x3a: {  	v3 =	vadd.s32 $0x6, v1;
	[tilespmem:s22+$0x50] =	vst v4  }
0x3b: {  	v4 =	vadd.s32 $0x6, v2;
	[tilespmem:s21+$0x60] =	vst v3  }
0x3c: {  	s26 =	simm.s32 $0xA0;
	s30 =	simm.s32 $0x120;
	v3 =	vadd.s32 $0x7, v1;
	[tilespmem:s22+$0x60] =	vst v4  }
0x3d: {  	s24 =	sand.u32 $0x3F80, s30;
	s8 =	sand.u32 $0x60, s26;
	v4 =	vadd.s32 $0x7, v2;
	[tilespmem:s21+$0x70] =	vst v3  }
0x3e: {  	s25 =	simm.s32 $0x3E0;
	s23 =	simm.s32 $0x0;
	s29 =	sor.u32 s8, s24;
	[tilespmem:s22+$0x70] =	vst v4;
	v4 =	vadd.s32 $0x8, v1  }
0x3f: {  	s26 =	simm.s32 $0x17E0;
	s24 =	simm.s32 $0x140;
	s8 =	smov.u32 s28;
	v3 =	vadd.s32 $0x8, v2;
	v2 =	vadd.s32 $0x9, v2;
	v1 =	vadd.s32 $0x9, v1;
	[tilespmem:s29+$0x200] =	vst v4  }
.LBB2_2:
0x40: {  	s23 =	sadd.s32 $0x2, s23;
	[tilespmem:s29+$0x1600] =	vst v3;
	s8 =	sadd.s32 $0x20, s8;
	s20 =	sadd.s32 $0x20, s20  }
0x41: {  	p0 =	slt.u32 s23, $0x1E;
	[tilespmem:s21+$0x90] =	vst v1;
	s21 =	smov.u32 s25  }
0x42: {  	[tilespmem:s22+$0x90] =	vst v2;
	s22 =	smov.u32 s26  }
0x43: {  	v1 =	vld [tilespmem:s20+$0xFFFFFFF0];
	_ =	sdelay $0x2  }
0x44: {  	s29 =	sadd.s32 $0xFFFFFFF0, s8  }
0x45: {  	v2 =	vor.u32 s29, v0  }
0x46: {  	v3 =	vmul.u32 $0x64, v2;
	v1 =	vmul.u32 $0xA, v1;
	_ =	sdelay $0x1  }
0x47: {  	v2 =	vmul.u32 $0xA, v2;
	v1 =	vadd.s32 v3, v1  }
0x48: {  	[tilespmem:s25+$0xFFFFFF60] =	vst v1  }
0x49: {  	v3 =	vor.u32 $0x1, v1;
	[tilespmem:s26+$0xFFFFFF60] =	vst v2  }
0x4a: {  	[tilespmem:s25+$0xFFFFFF70] =	vst v3;
	v3 =	vor.u32 $0x1, v2  }
0x4b: {  	[tilespmem:s26+$0xFFFFFF70] =	vst v3;
	v3 =	vadd.s32 $0x2, v1  }
0x4c: {  	[tilespmem:s25+$0xFFFFFF80] =	vst v3;
	v3 =	vadd.s32 $0x2, v2  }
0x4d: {  	[tilespmem:s26+$0xFFFFFF80] =	vst v3;
	v3 =	vadd.s32 $0x3, v1  }
0x4e: {  	[tilespmem:s25+$0xFFFFFF90] =	vst v3;
	v3 =	vadd.s32 $0x3, v2  }
0x4f: {  	[tilespmem:s26+$0xFFFFFF90] =	vst v3;
	v3 =	vadd.s32 $0x4, v1  }
0x50: {  	[tilespmem:s25+$0xFFFFFFA0] =	vst v3;
	v3 =	vadd.s32 $0x4, v2  }
0x51: {  	[tilespmem:s26+$0xFFFFFFA0] =	vst v3;
	v3 =	vadd.s32 $0x5, v1  }
0x52: {  	[tilespmem:s25+$0xFFFFFFB0] =	vst v3;
	v3 =	vadd.s32 $0x5, v2  }
0x53: {  	[tilespmem:s26+$0xFFFFFFB0] =	vst v3;
	v3 =	vadd.s32 $0x6, v1  }
0x54: {  	[tilespmem:s25+$0xFFFFFFC0] =	vst v3;
	v3 =	vadd.s32 $0x6, v2  }
0x55: {  	s29 =	sadd.s32 $0x80, s24;
	[tilespmem:s26+$0xFFFFFFC0] =	vst v3;
	v3 =	vadd.s32 $0x7, v1  }
0x56: {  	s30 =	sand.u32 $0x40, s24;
	s29 =	sand.u32 $0x3F80, s29;
	[tilespmem:s25+$0xFFFFFFD0] =	vst v3;
	v3 =	vadd.s32 $0x7, v2  }
0x57: {  	s29 =	sor.u32 s30, s29;
	v4 =	vadd.s32 $0x8, v2;
	[tilespmem:s26+$0xFFFFFFD0] =	vst v3;
	v3 =	vadd.s32 $0x8, v1  }
0x58: {  	v1 =	vadd.s32 $0x9, v1;
	[tilespmem:s29+$0x200] =	vst v3  }
0x59: {  	v2 =	vadd.s32 $0x9, v2;
	[tilespmem:s29+$0x1600] =	vst v4  }
0x5a: {  	[tilespmem:s25+$0xFFFFFFF0] =	vst v1  }
0x5b: {  	[tilespmem:s26+$0xFFFFFFF0] =	vst v2  }
0x5c: {  	v1 =	vld [tilespmem:s20+$0x0];
	_ =	sdelay $0x2  }
0x5d: {  	v2 =	vor.u32 s8, v0  }
0x5e: {  	v3 =	vmul.u32 $0x64, v2  }
0x5f: {  	v1 =	vmul.u32 $0xA, v1;
	_ =	sdelay $0x1  }
0x60: {  	v2 =	vmul.u32 $0xA, v2;
	v1 =	vadd.s32 v3, v1  }
0x61: {  	[tilespmem:s25+$0x0] =	vst v1;
	v3 =	vor.u32 $0x1, v1  }
0x62: {  	v4 =	vor.u32 $0x1, v2;
	[tilespmem:s26+$0x0] =	vst v2  }
0x63: {  	[tilespmem:s25+$0x10] =	vst v3;
	v3 =	vadd.s32 $0x2, v1  }
0x64: {  	[tilespmem:s26+$0x10] =	vst v4;
	v4 =	vadd.s32 $0x2, v2  }
0x65: {  	[tilespmem:s25+$0x20] =	vst v3;
	v3 =	vadd.s32 $0x3, v1  }
0x66: {  	[tilespmem:s26+$0x20] =	vst v4;
	v4 =	vadd.s32 $0x3, v2  }
0x67: {  	[tilespmem:s25+$0x30] =	vst v3;
	v3 =	vadd.s32 $0x4, v1  }
0x68: {  	[tilespmem:s26+$0x30] =	vst v4;
	v4 =	vadd.s32 $0x4, v2  }
0x69: {  	[tilespmem:s25+$0x40] =	vst v3;
	v3 =	vadd.s32 $0x5, v1  }
0x6a: {  	[tilespmem:s26+$0x40] =	vst v4;
	v4 =	vadd.s32 $0x5, v2  }
0x6b: {  	[tilespmem:s25+$0x50] =	vst v3;
	v3 =	vadd.s32 $0x6, v1  }
0x6c: {  	[tilespmem:s26+$0x50] =	vst v4;
	v4 =	vadd.s32 $0x6, v2  }
.Ltmp0:
0x6d: {  	[tilespmem:s25+$0x60] =	vst v3;
	v3 =	vadd.s32 $0x7, v1;
	(pc) =	sbr.rel @p0 .LBB2_2-.Ltmp0, $4  }
0x6e: {  	s30 =	sadd.s32 $0x120, s24;
	s29 =	sadd.s32 $0xA0, s24;
	[tilespmem:s26+$0x60] =	vst v4;
	v4 =	vadd.s32 $0x7, v2  }
0x6f: {  	s30 =	sand.u32 $0x3F80, s30;
	s29 =	sand.u32 $0x60, s29;
	[tilespmem:s25+$0x70] =	vst v3  }
0x70: {  	s29 =	sor.u32 s29, s30;
	v3 =	vadd.s32 $0x8, v2;
	[tilespmem:s26+$0x70] =	vst v4;
	v4 =	vadd.s32 $0x8, v1;
	v1 =	vadd.s32 $0x9, v1  }
0x71: {  	s24 =	sadd.s32 $0x140, s24;
	v2 =	vadd.s32 $0x9, v2;
	s25 =	sadd.s32 $0x140, s25;
	s26 =	sadd.s32 $0x140, s26;
	[tilespmem:s29+$0x200] =	vst v4  }
0x72: {  	[tilespmem:s29+$0x1600] =	vst v3  }
0x73: {  	[tilespmem:s21+$0x90] =	vst v1  }
0x74: {  	s8 =	simm.s32 $0x200;
	s20 =	simm.s32 $0x2A00;
	[tilespmem:s22+$0x90] =	vst v2  }
0x75: {  	[tilespmem:s20], [sflag:$0x1] =	stream.indirect.gather [hbm4b:s3+s10], $0x1, s8, s10, $0xb8;
	[tilespmem:$0x5400] =	vst v63  }
0x76: {  	s23 =	simm.s32 $0x280;
	s24 =	simm.s32 $0x2A80  }
0x77: {  	[tilespmem:s24], [sflag:$0x1] =	stream.indirect.gather [hbm4b:s3+s10], $0x1, s23, s10, $0xb8;
	[tilespmem:$0x5400] =	vst v63  }
0x78: {  	s25 =	simm.s32 $0x300;
	s26 =	simm.s32 $0x2B00  }
0x79: {  	[tilespmem:s26], [sflag:$0x1] =	stream.indirect.gather [hbm4b:s3+s10], $0x1, s25, s10, $0xb8;
	[tilespmem:$0x5400] =	vst v63  }
0x7a: {  	s29 =	simm.s32 $0x380;
	s30 =	simm.s32 $0x2B80  }
0x7b: {  	[tilespmem:s30], [sflag:$0x1] =	stream.indirect.gather [hbm4b:s3+s10], $0x1, s29, s10, $0xb8;
	[tilespmem:$0x5400] =	vst v63  }
0x7c: {  	s21 =	simm.s32 $0x400;
	s22 =	simm.s32 $0x2C00  }
0x7d: {  	[tilespmem:s22], [sflag:$0x1] =	stream.indirect.gather [hbm4b:s3+s10], $0x1, s21, s10, $0xb8;
	[tilespmem:$0x5400] =	vst v63  }
0x7e: {  	s23 =	simm.s32 $0x480;
	s24 =	simm.s32 $0x2C80  }
0x7f: {  	[tilespmem:s24], [sflag:$0x1] =	stream.indirect.gather [hbm4b:s3+s10], $0x1, s23, s10, $0xb8;
	[tilespmem:$0x5400] =	vst v63  }
0x80: {  	s25 =	simm.s32 $0x500;
	s26 =	simm.s32 $0x2D00  }
0x81: {  	[tilespmem:s26], [sflag:$0x1] =	stream.indirect.gather [hbm4b:s3+s10], $0x1, s25, s10, $0xb8;
	[tilespmem:$0x5400] =	vst v63  }
0x82: {  	s29 =	simm.s32 $0x580;
	s30 =	simm.s32 $0x2D80  }
0x83: {  	[tilespmem:s30], [sflag:$0x1] =	stream.indirect.gather [hbm4b:s3+s10], $0x1, s29, s10, $0xb8;
	[tilespmem:$0x5400] =	vst v63  }
0x84: {  	s21 =	simm.s32 $0x600;
	s22 =	simm.s32 $0x2E00  }
0x85: {  	[tilespmem:s22], [sflag:$0x1] =	stream.indirect.gather [hbm4b:s3+s10], $0x1, s21, s10, $0xb8;
	[tilespmem:$0x5400] =	vst v63  }
0x86: {  	s23 =	simm.s32 $0x680;
	s24 =	simm.s32 $0x2E80  }
0x87: {  	[tilespmem:s24], [sflag:$0x1] =	stream.indirect.gather [hbm4b:s3+s10], $0x1, s23, s10, $0xb8;
	[tilespmem:$0x5400] =	vst v63  }
0x88: {  	s25 =	simm.s32 $0x700;
	s26 =	simm.s32 $0x2F00  }
0x89: {  	[tilespmem:s26], [sflag:$0x1] =	stream.indirect.gather [hbm4b:s3+s10], $0x1, s25, s10, $0xb8;
	[tilespmem:$0x5400] =	vst v63  }
0x8a: {  	s29 =	simm.s32 $0x780;
	s30 =	simm.s32 $0x2F80  }
0x8b: {  	[tilespmem:s30], [sflag:$0x1] =	stream.indirect.gather [hbm4b:s3+s10], $0x1, s29, s10, $0xb8;
	[tilespmem:$0x5400] =	vst v63  }
0x8c: {  	s21 =	simm.s32 $0x800;
	s22 =	simm.s32 $0x3000  }
0x8d: {  	[tilespmem:s22], [sflag:$0x1] =	stream.indirect.gather [hbm4b:s3+s10], $0x1, s21, s10, $0xb8;
	[tilespmem:$0x5400] =	vst v63  }
0x8e: {  	s23 =	simm.s32 $0x880;
	s24 =	simm.s32 $0x3080  }
0x8f: {  	[tilespmem:s24], [sflag:$0x1] =	stream.indirect.gather [hbm4b:s3+s10], $0x1, s23, s10, $0xb8;
	[tilespmem:$0x5400] =	vst v63  }
0x90: {  	s25 =	simm.s32 $0x900;
	s26 =	simm.s32 $0x3100  }
0x91: {  	[tilespmem:s26], [sflag:$0x1] =	stream.indirect.gather [hbm4b:s3+s10], $0x1, s25, s10, $0xb8;
	[tilespmem:$0x5400] =	vst v63  }
0x92: {  	s29 =	simm.s32 $0x980;
	s30 =	simm.s32 $0x3180  }
0x93: {  	[tilespmem:s30], [sflag:$0x1] =	stream.indirect.gather [hbm4b:s3+s10], $0x1, s29, s10, $0xb8;
	[tilespmem:$0x5400] =	vst v63  }
0x94: {  	s21 =	simm.s32 $0xA00;
	s22 =	simm.s32 $0x3200  }
0x95: {  	[tilespmem:s22], [sflag:$0x1] =	stream.indirect.gather [hbm4b:s3+s10], $0x1, s21, s10, $0xb8;
	[tilespmem:$0x5400] =	vst v63  }
0x96: {  	s23 =	simm.s32 $0xA80;
	s24 =	simm.s32 $0x3280  }
0x97: {  	[tilespmem:s24], [sflag:$0x1] =	stream.indirect.gather [hbm4b:s3+s10], $0x1, s23, s10, $0xb8;
	[tilespmem:$0x5400] =	vst v63  }
0x98: {  	s25 =	simm.s32 $0xB00;
	s26 =	simm.s32 $0x3300  }
0x99: {  	[tilespmem:s26], [sflag:$0x1] =	stream.indirect.gather [hbm4b:s3+s10], $0x1, s25, s10, $0xb8;
	[tilespmem:$0x5400] =	vst v63  }
0x9a: {  	s29 =	simm.s32 $0xB80;
	s30 =	simm.s32 $0x3380  }
0x9b: {  	[tilespmem:s30], [sflag:$0x1] =	stream.indirect.gather [hbm4b:s3+s10], $0x1, s29, s10, $0xb8;
	[tilespmem:$0x5400] =	vst v63  }
0x9c: {  	s21 =	simm.s32 $0xC00;
	s22 =	simm.s32 $0x3400  }
0x9d: {  	[tilespmem:s22], [sflag:$0x1] =	stream.indirect.gather [hbm4b:s3+s10], $0x1, s21, s10, $0xb8;
	[tilespmem:$0x5400] =	vst v63  }
0x9e: {  	s23 =	simm.s32 $0xC80;
	s24 =	simm.s32 $0x3480  }
0x9f: {  	[tilespmem:s24], [sflag:$0x1] =	stream.indirect.gather [hbm4b:s3+s10], $0x1, s23, s10, $0xb8;
	[tilespmem:$0x5400] =	vst v63  }
0xa0: {  	s25 =	simm.s32 $0xD00;
	s26 =	simm.s32 $0x3500  }
0xa1: {  	[tilespmem:s26], [sflag:$0x1] =	stream.indirect.gather [hbm4b:s3+s10], $0x1, s25, s10, $0xb8;
	[tilespmem:$0x5400] =	vst v63  }
0xa2: {  	s29 =	simm.s32 $0xD80;
	s30 =	simm.s32 $0x3580  }
0xa3: {  	[tilespmem:s30], [sflag:$0x1] =	stream.indirect.gather [hbm4b:s3+s10], $0x1, s29, s10, $0xb8;
	[tilespmem:$0x5400] =	vst v63  }
0xa4: {  	s21 =	simm.s32 $0xE00;
	s22 =	simm.s32 $0x3600  }
0xa5: {  	[tilespmem:s22], [sflag:$0x1] =	stream.indirect.gather [hbm4b:s3+s10], $0x1, s21, s10, $0xb8;
	[tilespmem:$0x5400] =	vst v63  }
0xa6: {  	s23 =	simm.s32 $0xE80;
	s24 =	simm.s32 $0x3680  }
0xa7: {  	[tilespmem:s24], [sflag:$0x1] =	stream.indirect.gather [hbm4b:s3+s10], $0x1, s23, s10, $0xb8;
	[tilespmem:$0x5400] =	vst v63  }
0xa8: {  	s25 =	simm.s32 $0xF00;
	s26 =	simm.s32 $0x3700  }
0xa9: {  	[tilespmem:s26], [sflag:$0x1] =	stream.indirect.gather [hbm4b:s3+s10], $0x1, s25, s10, $0xb8;
	[tilespmem:$0x5400] =	vst v63  }
0xaa: {  	s29 =	simm.s32 $0xF80;
	s30 =	simm.s32 $0x3780  }
0xab: {  	[tilespmem:s30], [sflag:$0x1] =	stream.indirect.gather [hbm4b:s3+s10], $0x1, s29, s10, $0xb8;
	[tilespmem:$0x5400] =	vst v63  }
0xac: {  	s21 =	simm.s32 $0x1000;
	s22 =	simm.s32 $0x3800  }
0xad: {  	[tilespmem:s22], [sflag:$0x1] =	stream.indirect.gather [hbm4b:s3+s10], $0x1, s21, s10, $0xb8;
	[tilespmem:$0x5400] =	vst v63  }
0xae: {  	s23 =	simm.s32 $0x1080;
	s24 =	simm.s32 $0x3880  }
0xaf: {  	[tilespmem:s24], [sflag:$0x1] =	stream.indirect.gather [hbm4b:s3+s10], $0x1, s23, s10, $0xb8;
	[tilespmem:$0x5400] =	vst v63  }
0xb0: {  	s25 =	simm.s32 $0x1100;
	s26 =	simm.s32 $0x3900  }
0xb1: {  	[tilespmem:s26], [sflag:$0x1] =	stream.indirect.gather [hbm4b:s3+s10], $0x1, s25, s10, $0xb8;
	[tilespmem:$0x5400] =	vst v63  }
0xb2: {  	s29 =	simm.s32 $0x1180;
	s30 =	simm.s32 $0x3980  }
0xb3: {  	[tilespmem:s30], [sflag:$0x1] =	stream.indirect.gather [hbm4b:s3+s10], $0x1, s29, s10, $0xb8;
	[tilespmem:$0x5400] =	vst v63  }
0xb4: {  	s21 =	simm.s32 $0x1200;
	s22 =	simm.s32 $0x3A00  }
0xb5: {  	[tilespmem:s22], [sflag:$0x1] =	stream.indirect.gather [hbm4b:s3+s10], $0x1, s21, s10, $0xb8;
	[tilespmem:$0x5400] =	vst v63  }
0xb6: {  	s23 =	simm.s32 $0x1280;
	s24 =	simm.s32 $0x3A80  }
0xb7: {  	[tilespmem:s24], [sflag:$0x1] =	stream.indirect.gather [hbm4b:s3+s10], $0x1, s23, s10, $0xb8;
	[tilespmem:$0x5400] =	vst v63  }
0xb8: {  	s25 =	simm.s32 $0x1300;
	s26 =	simm.s32 $0x3B00  }
0xb9: {  	[tilespmem:s26], [sflag:$0x1] =	stream.indirect.gather [hbm4b:s3+s10], $0x1, s25, s10, $0xb8;
	[tilespmem:$0x5400] =	vst v63  }
0xba: {  	s29 =	simm.s32 $0x1380;
	s30 =	simm.s32 $0x3B80  }
0xbb: {  	[tilespmem:s30], [sflag:$0x1] =	stream.indirect.gather [hbm4b:s3+s10], $0x1, s29, s10, $0xb8;
	[tilespmem:$0x5400] =	vst v63  }
0xbc: {  	s21 =	simm.s32 $0x1400;
	s22 =	simm.s32 $0x3C00  }
0xbd: {  	[tilespmem:s22], [sflag:$0x1] =	stream.indirect.gather [hbm4b:s3+s10], $0x1, s21, s10, $0xb8;
	[tilespmem:$0x5400] =	vst v63  }
0xbe: {  	s23 =	simm.s32 $0x1480;
	s24 =	simm.s32 $0x3C80  }
0xbf: {  	[tilespmem:s24], [sflag:$0x1] =	stream.indirect.gather [hbm4b:s3+s10], $0x1, s23, s10, $0xb8;
	[tilespmem:$0x5400] =	vst v63  }
0xc0: {  	s25 =	simm.s32 $0x1500;
	s26 =	simm.s32 $0x3D00  }
0xc1: {  	[tilespmem:s26], [sflag:$0x1] =	stream.indirect.gather [hbm4b:s3+s10], $0x1, s25, s10, $0xb8;
	[tilespmem:$0x5400] =	vst v63  }
0xc2: {  	s29 =	simm.s32 $0x1580;
	s30 =	simm.s32 $0x3D80  }
0xc3: {  	[tilespmem:s30], [sflag:$0x1] =	stream.indirect.gather [hbm4b:s3+s10], $0x1, s29, s10, $0xb8;
	[tilespmem:$0x5400] =	vst v63  }
0xc4: {  	s21 =	simm.s32 $0x1600;
	s22 =	simm.s32 $0x3E00  }
0xc5: {  	[tilespmem:s22], [sflag:$0x1] =	stream.indirect.gather [hbm4b:s4+s10], $0x1, s21, s10, $0xb8;
	[tilespmem:$0x5400] =	vst v63  }
0xc6: {  	s23 =	simm.s32 $0x1680;
	s24 =	simm.s32 $0x3E80  }
0xc7: {  	[tilespmem:s24], [sflag:$0x1] =	stream.indirect.gather [hbm4b:s4+s10], $0x1, s23, s10, $0xb8;
	[tilespmem:$0x5400] =	vst v63  }
0xc8: {  	s25 =	simm.s32 $0x1700;
	s26 =	simm.s32 $0x3F00  }
0xc9: {  	[tilespmem:s26], [sflag:$0x1] =	stream.indirect.gather [hbm4b:s4+s10], $0x1, s25, s10, $0xb8;
	[tilespmem:$0x5400] =	vst v63  }
0xca: {  	s29 =	simm.s32 $0x1780;
	s30 =	simm.s32 $0x3F80  }
0xcb: {  	[tilespmem:s30], [sflag:$0x1] =	stream.indirect.gather [hbm4b:s4+s10], $0x1, s29, s10, $0xb8;
	[tilespmem:$0x5400] =	vst v63  }
0xcc: {  	s21 =	simm.s32 $0x1800;
	s22 =	simm.s32 $0x4000  }
0xcd: {  	[tilespmem:s22], [sflag:$0x1] =	stream.indirect.gather [hbm4b:s4+s10], $0x1, s21, s10, $0xb8;
	[tilespmem:$0x5400] =	vst v63  }
0xce: {  	s23 =	simm.s32 $0x1880;
	s24 =	simm.s32 $0x4080  }
0xcf: {  	[tilespmem:s24], [sflag:$0x1] =	stream.indirect.gather [hbm4b:s4+s10], $0x1, s23, s10, $0xb8;
	[tilespmem:$0x5400] =	vst v63  }
0xd0: {  	s25 =	simm.s32 $0x1900;
	s26 =	simm.s32 $0x4100  }
0xd1: {  	[tilespmem:s26], [sflag:$0x1] =	stream.indirect.gather [hbm4b:s4+s10], $0x1, s25, s10, $0xb8;
	[tilespmem:$0x5400] =	vst v63  }
0xd2: {  	s29 =	simm.s32 $0x1980;
	s30 =	simm.s32 $0x4180  }
0xd3: {  	[tilespmem:s30], [sflag:$0x1] =	stream.indirect.gather [hbm4b:s4+s10], $0x1, s29, s10, $0xb8;
	[tilespmem:$0x5400] =	vst v63  }
0xd4: {  	s21 =	simm.s32 $0x1A00;
	s22 =	simm.s32 $0x4200  }
0xd5: {  	[tilespmem:s22], [sflag:$0x1] =	stream.indirect.gather [hbm4b:s4+s10], $0x1, s21, s10, $0xb8;
	[tilespmem:$0x5400] =	vst v63  }
0xd6: {  	s23 =	simm.s32 $0x1A80;
	s24 =	simm.s32 $0x4280  }
0xd7: {  	[tilespmem:s24], [sflag:$0x1] =	stream.indirect.gather [hbm4b:s4+s10], $0x1, s23, s10, $0xb8;
	[tilespmem:$0x5400] =	vst v63  }
0xd8: {  	s25 =	simm.s32 $0x1B00;
	s26 =	simm.s32 $0x4300  }
0xd9: {  	[tilespmem:s26], [sflag:$0x1] =	stream.indirect.gather [hbm4b:s4+s10], $0x1, s25, s10, $0xb8;
	[tilespmem:$0x5400] =	vst v63  }
0xda: {  	s29 =	simm.s32 $0x1B80;
	s30 =	simm.s32 $0x4380  }
0xdb: {  	[tilespmem:s30], [sflag:$0x1] =	stream.indirect.gather [hbm4b:s4+s10], $0x1, s29, s10, $0xb8;
	[tilespmem:$0x5400] =	vst v63  }
0xdc: {  	s21 =	simm.s32 $0x1C00;
	s22 =	simm.s32 $0x4400  }
0xdd: {  	[tilespmem:s22], [sflag:$0x1] =	stream.indirect.gather [hbm4b:s4+s10], $0x1, s21, s10, $0xb8;
	[tilespmem:$0x5400] =	vst v63  }
0xde: {  	s23 =	simm.s32 $0x1C80;
	s24 =	simm.s32 $0x4480  }
0xdf: {  	[tilespmem:s24], [sflag:$0x1] =	stream.indirect.gather [hbm4b:s4+s10], $0x1, s23, s10, $0xb8;
	[tilespmem:$0x5400] =	vst v63  }
0xe0: {  	s25 =	simm.s32 $0x1D00;
	s26 =	simm.s32 $0x4500  }
0xe1: {  	[tilespmem:s26], [sflag:$0x1] =	stream.indirect.gather [hbm4b:s4+s10], $0x1, s25, s10, $0xb8;
	[tilespmem:$0x5400] =	vst v63  }
0xe2: {  	s29 =	simm.s32 $0x1D80;
	s30 =	simm.s32 $0x4580  }
0xe3: {  	[tilespmem:s30], [sflag:$0x1] =	stream.indirect.gather [hbm4b:s4+s10], $0x1, s29, s10, $0xb8;
	[tilespmem:$0x5400] =	vst v63  }
0xe4: {  	s21 =	simm.s32 $0x1E00;
	s22 =	simm.s32 $0x4600  }
0xe5: {  	[tilespmem:s22], [sflag:$0x1] =	stream.indirect.gather [hbm4b:s4+s10], $0x1, s21, s10, $0xb8;
	[tilespmem:$0x5400] =	vst v63  }
0xe6: {  	s23 =	simm.s32 $0x1E80;
	s24 =	simm.s32 $0x4680  }
0xe7: {  	[tilespmem:s24], [sflag:$0x1] =	stream.indirect.gather [hbm4b:s4+s10], $0x1, s23, s10, $0xb8;
	[tilespmem:$0x5400] =	vst v63  }
0xe8: {  	s25 =	simm.s32 $0x1F00;
	s26 =	simm.s32 $0x4700  }
0xe9: {  	[tilespmem:s26], [sflag:$0x1] =	stream.indirect.gather [hbm4b:s4+s10], $0x1, s25, s10, $0xb8;
	[tilespmem:$0x5400] =	vst v63  }
0xea: {  	s29 =	simm.s32 $0x1F80;
	s30 =	simm.s32 $0x4780  }
0xeb: {  	[tilespmem:s30], [sflag:$0x1] =	stream.indirect.gather [hbm4b:s4+s10], $0x1, s29, s10, $0xb8;
	[tilespmem:$0x5400] =	vst v63  }
0xec: {  	s21 =	simm.s32 $0x2000;
	s22 =	simm.s32 $0x4800  }
0xed: {  	[tilespmem:s22], [sflag:$0x1] =	stream.indirect.gather [hbm4b:s4+s10], $0x1, s21, s10, $0xb8;
	[tilespmem:$0x5400] =	vst v63  }
0xee: {  	s23 =	simm.s32 $0x2080;
	s24 =	simm.s32 $0x4880  }
0xef: {  	[tilespmem:s24], [sflag:$0x1] =	stream.indirect.gather [hbm4b:s4+s10], $0x1, s23, s10, $0xb8;
	[tilespmem:$0x5400] =	vst v63  }
0xf0: {  	s25 =	simm.s32 $0x2100;
	s26 =	simm.s32 $0x4900  }
0xf1: {  	[tilespmem:s26], [sflag:$0x1] =	stream.indirect.gather [hbm4b:s4+s10], $0x1, s25, s10, $0xb8;
	[tilespmem:$0x5400] =	vst v63  }
0xf2: {  	s29 =	simm.s32 $0x2180;
	s30 =	simm.s32 $0x4980  }
0xf3: {  	[tilespmem:s30], [sflag:$0x1] =	stream.indirect.gather [hbm4b:s4+s10], $0x1, s29, s10, $0xb8;
	[tilespmem:$0x5400] =	vst v63  }
0xf4: {  	s21 =	simm.s32 $0x2200;
	s22 =	simm.s32 $0x4A00  }
0xf5: {  	[tilespmem:s22], [sflag:$0x1] =	stream.indirect.gather [hbm4b:s4+s10], $0x1, s21, s10, $0xb8;
	[tilespmem:$0x5400] =	vst v63  }
0xf6: {  	s23 =	simm.s32 $0x2280;
	s24 =	simm.s32 $0x4A80  }
0xf7: {  	[tilespmem:s24], [sflag:$0x1] =	stream.indirect.gather [hbm4b:s4+s10], $0x1, s23, s10, $0xb8;
	[tilespmem:$0x5400] =	vst v63  }
0xf8: {  	s25 =	simm.s32 $0x2300;
	s26 =	simm.s32 $0x4B00  }
0xf9: {  	[tilespmem:s26], [sflag:$0x1] =	stream.indirect.gather [hbm4b:s4+s10], $0x1, s25, s10, $0xb8;
	[tilespmem:$0x5400] =	vst v63  }
0xfa: {  	s29 =	simm.s32 $0x2380;
	s30 =	simm.s32 $0x4B80  }
0xfb: {  	[tilespmem:s30], [sflag:$0x1] =	stream.indirect.gather [hbm4b:s4+s10], $0x1, s29, s10, $0xb8;
	[tilespmem:$0x5400] =	vst v63  }
0xfc: {  	s21 =	simm.s32 $0x2400;
	s22 =	simm.s32 $0x4C00  }
0xfd: {  	[tilespmem:s22], [sflag:$0x1] =	stream.indirect.gather [hbm4b:s4+s10], $0x1, s21, s10, $0xb8;
	[tilespmem:$0x5400] =	vst v63  }
0xfe: {  	s23 =	simm.s32 $0x2480;
	s24 =	simm.s32 $0x4C80  }
0xff: {  	[tilespmem:s24], [sflag:$0x1] =	stream.indirect.gather [hbm4b:s4+s10], $0x1, s23, s10, $0xb8;
	[tilespmem:$0x5400] =	vst v63  }
0x100: {  	s25 =	simm.s32 $0x2500;
	s26 =	simm.s32 $0x4D00  }
0x101: {  	[tilespmem:s26], [sflag:$0x1] =	stream.indirect.gather [hbm4b:s4+s10], $0x1, s25, s10, $0xb8;
	[tilespmem:$0x5400] =	vst v63  }
0x102: {  	s29 =	simm.s32 $0x2580;
	s30 =	simm.s32 $0x4D80  }
0x103: {  	[tilespmem:s30], [sflag:$0x1] =	stream.indirect.gather [hbm4b:s4+s10], $0x1, s29, s10, $0xb8;
	[tilespmem:$0x5400] =	vst v63  }
0x104: {  	s21 =	simm.s32 $0x2600;
	s22 =	simm.s32 $0x4E00  }
0x105: {  	[tilespmem:s22], [sflag:$0x1] =	stream.indirect.gather [hbm4b:s4+s10], $0x1, s21, s10, $0xb8;
	[tilespmem:$0x5400] =	vst v63  }
0x106: {  	s23 =	simm.s32 $0x2680;
	s24 =	simm.s32 $0x4E80  }
0x107: {  	[tilespmem:s24], [sflag:$0x1] =	stream.indirect.gather [hbm4b:s4+s10], $0x1, s23, s10, $0xb8;
	[tilespmem:$0x5400] =	vst v63  }
0x108: {  	s25 =	simm.s32 $0x2700;
	s26 =	simm.s32 $0x4F00  }
0x109: {  	[tilespmem:s26], [sflag:$0x1] =	stream.indirect.gather [hbm4b:s4+s10], $0x1, s25, s10, $0xb8;
	[tilespmem:$0x5400] =	vst v63  }
0x10a: {  	s29 =	simm.s32 $0x2780  }
0x10b: {  	[tilespmem:s31], [sflag:$0x1] =	stream.indirect.gather [hbm4b:s4+s10], $0x1, s29, s10, $0xb8;
	[tilespmem:$0x5400] =	vst v63  }
0x10c: {  	_ = 	snop  }
0x10d: {  	[tilespmem:s1], [sflag:$0x1] =	stream.indirect.gather [hbm4b:s4+s10], $0x1, s0, s10, $0xb8;
	[tilespmem:$0x5400] =	vst v63  }
0x10e: {  	_ = 	snop  }
0x10f: {  	[tilespmem:s12], [sflag:$0x1] =	stream.indirect.gather [hbm4b:s4+s10], $0x1, s11, s10, $0xb8;
	[tilespmem:$0x5400] =	vst v63  }
0x110: {  	_ = 	snop  }
0x111: {  	[tilespmem:s14], [sflag:$0x1] =	stream.indirect.gather [hbm4b:s4+s10], $0x1, s13, s10, $0xb8;
	[tilespmem:$0x5400] =	vst v63  }
0x112: {  	_ = 	snop  }
0x113: {  	[tilespmem:s16], [sflag:$0x1] =	stream.indirect.gather [hbm4b:s4+s10], $0x1, s15, s10, $0xb8;
	[tilespmem:$0x5400] =	vst v63  }
0x114: {  	_ =	swait.ge [sflag:s17], $0x80  }
0x115: {  	[sflag:s17] =	ssyncset.done $0x0  }
0x116: {  	[sflag:s17] =	ssyncadd.s32 $0xFFFFFF80  }
0x117: {  	_ =	swait.ge [sflag:s17], $0x80  }
0x118: {  	[sflag:s17] =	ssyncset.done $0x0  }
0x119: {  	[sflag:s17] =	ssyncadd.s32 $0xFFFFFF80  }
0x11a: {  	_ =	swait.ge [sflag:s17], $0x80  }
0x11b: {  	[sflag:s17] =	ssyncset.done $0x0  }
0x11c: {  	[sflag:s17] =	ssyncadd.s32 $0xFFFFFF80  }
0x11d: {  	_ =	swait.ge [sflag:s17], $0x80  }
0x11e: {  	[sflag:s17] =	ssyncset.done $0x0  }
0x11f: {  	[sflag:s17] =	ssyncadd.s32 $0xFFFFFF80  }
0x120: {  	_ =	swait.ge [sflag:s17], $0x80  }
0x121: {  	[sflag:s17] =	ssyncset.done $0x0  }
0x122: {  	[sflag:s17] =	ssyncadd.s32 $0xFFFFFF80  }
0x123: {  	_ =	swait.ge [sflag:s17], $0x80  }
0x124: {  	[sflag:s17] =	ssyncset.done $0x0  }
0x125: {  	[sflag:s17] =	ssyncadd.s32 $0xFFFFFF80  }
0x126: {  	_ =	swait.ge [sflag:s17], $0x80  }
0x127: {  	[sflag:s17] =	ssyncset.done $0x0  }
0x128: {  	[sflag:s17] =	ssyncadd.s32 $0xFFFFFF80  }
0x129: {  	_ =	swait.ge [sflag:s17], $0x80  }
0x12a: {  	[sflag:s17] =	ssyncset.done $0x0  }
0x12b: {  	[sflag:s17] =	ssyncadd.s32 $0xFFFFFF80  }
0x12c: {  	_ =	swait.ge [sflag:s17], $0x80  }
0x12d: {  	[sflag:s17] =	ssyncset.done $0x0  }
0x12e: {  	[sflag:s17] =	ssyncadd.s32 $0xFFFFFF80  }
0x12f: {  	_ =	swait.ge [sflag:s17], $0x80  }
0x130: {  	[sflag:s17] =	ssyncset.done $0x0  }
0x131: {  	[sflag:s17] =	ssyncadd.s32 $0xFFFFFF80  }
0x132: {  	_ =	swait.ge [sflag:s17], $0x80  }
0x133: {  	[sflag:s17] =	ssyncset.done $0x0  }
0x134: {  	[sflag:s17] =	ssyncadd.s32 $0xFFFFFF80  }
0x135: {  	_ =	swait.ge [sflag:s17], $0x80  }
0x136: {  	[sflag:s17] =	ssyncset.done $0x0  }
0x137: {  	[sflag:s17] =	ssyncadd.s32 $0xFFFFFF80  }
0x138: {  	_ =	swait.ge [sflag:s17], $0x80  }
0x139: {  	[sflag:s17] =	ssyncset.done $0x0  }
0x13a: {  	[sflag:s17] =	ssyncadd.s32 $0xFFFFFF80  }
0x13b: {  	_ =	swait.ge [sflag:s17], $0x80  }
0x13c: {  	[sflag:s17] =	ssyncset.done $0x0  }
0x13d: {  	[sflag:s17] =	ssyncadd.s32 $0xFFFFFF80  }
0x13e: {  	_ =	swait.ge [sflag:s17], $0x80  }
0x13f: {  	[sflag:s17] =	ssyncset.done $0x0  }
0x140: {  	[sflag:s17] =	ssyncadd.s32 $0xFFFFFF80  }
0x141: {  	_ =	swait.ge [sflag:s17], $0x80  }
0x142: {  	[sflag:s17] =	ssyncset.done $0x0  }
0x143: {  	[sflag:s17] =	ssyncadd.s32 $0xFFFFFF80  }
0x144: {  	_ =	swait.ge [sflag:s17], $0x80  }
0x145: {  	[sflag:s17] =	ssyncset.done $0x0  }
0x146: {  	[sflag:s17] =	ssyncadd.s32 $0xFFFFFF80  }
0x147: {  	_ =	swait.ge [sflag:s17], $0x80  }
0x148: {  	[sflag:s17] =	ssyncset.done $0x0  }
0x149: {  	[sflag:s17] =	ssyncadd.s32 $0xFFFFFF80  }
0x14a: {  	_ =	swait.ge [sflag:s17], $0x80  }
0x14b: {  	[sflag:s17] =	ssyncset.done $0x0  }
0x14c: {  	[sflag:s17] =	ssyncadd.s32 $0xFFFFFF80  }
0x14d: {  	_ =	swait.ge [sflag:s17], $0x80  }
0x14e: {  	[sflag:s17] =	ssyncset.done $0x0  }
0x14f: {  	[sflag:s17] =	ssyncadd.s32 $0xFFFFFF80  }
0x150: {  	_ =	swait.ge [sflag:s17], $0x80  }
0x151: {  	[sflag:s17] =	ssyncset.done $0x0  }
0x152: {  	[sflag:s17] =	ssyncadd.s32 $0xFFFFFF80  }
0x153: {  	_ =	swait.ge [sflag:s17], $0x80  }
0x154: {  	[sflag:s17] =	ssyncset.done $0x0  }
0x155: {  	[sflag:s17] =	ssyncadd.s32 $0xFFFFFF80  }
0x156: {  	_ =	swait.ge [sflag:s17], $0x80  }
0x157: {  	[sflag:s17] =	ssyncset.done $0x0  }
0x158: {  	[sflag:s17] =	ssyncadd.s32 $0xFFFFFF80  }
0x159: {  	_ =	swait.ge [sflag:s17], $0x80  }
0x15a: {  	[sflag:s17] =	ssyncset.done $0x0  }
0x15b: {  	[sflag:s17] =	ssyncadd.s32 $0xFFFFFF80  }
0x15c: {  	_ =	swait.ge [sflag:s17], $0x80  }
0x15d: {  	[sflag:s17] =	ssyncset.done $0x0  }
0x15e: {  	[sflag:s17] =	ssyncadd.s32 $0xFFFFFF80  }
0x15f: {  	_ =	swait.ge [sflag:s17], $0x80  }
0x160: {  	[sflag:s17] =	ssyncset.done $0x0  }
0x161: {  	[sflag:s17] =	ssyncadd.s32 $0xFFFFFF80  }
0x162: {  	_ =	swait.ge [sflag:s17], $0x80  }
0x163: {  	[sflag:s17] =	ssyncset.done $0x0  }
0x164: {  	[sflag:s17] =	ssyncadd.s32 $0xFFFFFF80  }
0x165: {  	_ =	swait.ge [sflag:s17], $0x80  }
0x166: {  	[sflag:s17] =	ssyncset.done $0x0  }
0x167: {  	[sflag:s17] =	ssyncadd.s32 $0xFFFFFF80  }
0x168: {  	_ =	swait.ge [sflag:s17], $0x80  }
0x169: {  	[sflag:s17] =	ssyncset.done $0x0  }
0x16a: {  	[sflag:s17] =	ssyncadd.s32 $0xFFFFFF80  }
0x16b: {  	_ =	swait.ge [sflag:s17], $0x80  }
0x16c: {  	[sflag:s17] =	ssyncset.done $0x0  }
0x16d: {  	[sflag:s17] =	ssyncadd.s32 $0xFFFFFF80  }
0x16e: {  	_ =	swait.ge [sflag:s17], $0x80  }
0x16f: {  	[sflag:s17] =	ssyncset.done $0x0  }
0x170: {  	[sflag:s17] =	ssyncadd.s32 $0xFFFFFF80  }
0x171: {  	_ =	swait.ge [sflag:s17], $0x80  }
0x172: {  	[sflag:s17] =	ssyncset.done $0x0  }
0x173: {  	[sflag:s17] =	ssyncadd.s32 $0xFFFFFF80  }
0x174: {  	_ =	swait.ge [sflag:s17], $0x80  }
0x175: {  	[sflag:s17] =	ssyncset.done $0x0  }
0x176: {  	[sflag:s17] =	ssyncadd.s32 $0xFFFFFF80  }
0x177: {  	_ =	swait.ge [sflag:s17], $0x80  }
0x178: {  	[sflag:s17] =	ssyncset.done $0x0  }
0x179: {  	[sflag:s17] =	ssyncadd.s32 $0xFFFFFF80  }
0x17a: {  	_ =	swait.ge [sflag:s17], $0x80  }
0x17b: {  	[sflag:s17] =	ssyncset.done $0x0  }
0x17c: {  	[sflag:s17] =	ssyncadd.s32 $0xFFFFFF80  }
0x17d: {  	_ =	swait.ge [sflag:s17], $0x80  }
0x17e: {  	[sflag:s17] =	ssyncset.done $0x0  }
0x17f: {  	[sflag:s17] =	ssyncadd.s32 $0xFFFFFF80  }
0x180: {  	_ =	swait.ge [sflag:s17], $0x80  }
0x181: {  	[sflag:s17] =	ssyncset.done $0x0  }
0x182: {  	[sflag:s17] =	ssyncadd.s32 $0xFFFFFF80  }
0x183: {  	_ =	swait.ge [sflag:s17], $0x80  }
0x184: {  	[sflag:s17] =	ssyncset.done $0x0  }
0x185: {  	[sflag:s17] =	ssyncadd.s32 $0xFFFFFF80  }
0x186: {  	_ =	swait.ge [sflag:s17], $0x80  }
0x187: {  	[sflag:s17] =	ssyncset.done $0x0  }
0x188: {  	[sflag:s17] =	ssyncadd.s32 $0xFFFFFF80  }
0x189: {  	_ =	swait.ge [sflag:s17], $0x80  }
0x18a: {  	[sflag:s17] =	ssyncset.done $0x0  }
0x18b: {  	[sflag:s17] =	ssyncadd.s32 $0xFFFFFF80  }
0x18c: {  	_ =	swait.ge [sflag:s17], $0x80  }
0x18d: {  	[sflag:s17] =	ssyncset.done $0x0  }
0x18e: {  	[sflag:s17] =	ssyncadd.s32 $0xFFFFFF80  }
0x18f: {  	_ =	swait.ge [sflag:s17], $0x80  }
0x190: {  	[sflag:s17] =	ssyncset.done $0x0  }
0x191: {  	[sflag:s17] =	ssyncadd.s32 $0xFFFFFF80  }
0x192: {  	_ =	swait.ge [sflag:s17], $0x80  }
0x193: {  	[sflag:s17] =	ssyncset.done $0x0  }
0x194: {  	[sflag:s17] =	ssyncadd.s32 $0xFFFFFF80  }
0x195: {  	_ =	swait.ge [sflag:s17], $0x80  }
0x196: {  	[sflag:s17] =	ssyncset.done $0x0  }
0x197: {  	[sflag:s17] =	ssyncadd.s32 $0xFFFFFF80  }
0x198: {  	_ =	swait.ge [sflag:s17], $0x80  }
0x199: {  	[sflag:s17] =	ssyncset.done $0x0  }
0x19a: {  	[sflag:s17] =	ssyncadd.s32 $0xFFFFFF80  }
0x19b: {  	_ =	swait.ge [sflag:s17], $0x80  }
0x19c: {  	[sflag:s17] =	ssyncset.done $0x0  }
0x19d: {  	[sflag:s17] =	ssyncadd.s32 $0xFFFFFF80  }
0x19e: {  	_ =	swait.ge [sflag:s17], $0x80  }
0x19f: {  	[sflag:s17] =	ssyncset.done $0x0  }
0x1a0: {  	[sflag:s17] =	ssyncadd.s32 $0xFFFFFF80  }
0x1a1: {  	_ =	swait.ge [sflag:s17], $0x80  }
0x1a2: {  	[sflag:s17] =	ssyncset.done $0x0  }
0x1a3: {  	[sflag:s17] =	ssyncadd.s32 $0xFFFFFF80  }
0x1a4: {  	_ =	swait.ge [sflag:s17], $0x80  }
0x1a5: {  	[sflag:s17] =	ssyncset.done $0x0  }
0x1a6: {  	[sflag:s17] =	ssyncadd.s32 $0xFFFFFF80  }
0x1a7: {  	_ =	swait.ge [sflag:s17], $0x80  }
0x1a8: {  	[sflag:s17] =	ssyncset.done $0x0  }
0x1a9: {  	[sflag:s17] =	ssyncadd.s32 $0xFFFFFF80  }
0x1aa: {  	_ =	swait.ge [sflag:s17], $0x80  }
0x1ab: {  	[sflag:s17] =	ssyncset.done $0x0  }
0x1ac: {  	[sflag:s17] =	ssyncadd.s32 $0xFFFFFF80  }
0x1ad: {  	_ =	swait.ge [sflag:s17], $0x80  }
0x1ae: {  	[sflag:s17] =	ssyncset.done $0x0  }
0x1af: {  	[sflag:s17] =	ssyncadd.s32 $0xFFFFFF80  }
0x1b0: {  	_ =	swait.ge [sflag:s17], $0x80  }
0x1b1: {  	[sflag:s17] =	ssyncset.done $0x0  }
0x1b2: {  	[sflag:s17] =	ssyncadd.s32 $0xFFFFFF80  }
0x1b3: {  	_ =	swait.ge [sflag:s17], $0x80  }
0x1b4: {  	[sflag:s17] =	ssyncset.done $0x0  }
0x1b5: {  	[sflag:s17] =	ssyncadd.s32 $0xFFFFFF80  }
0x1b6: {  	_ =	swait.ge [sflag:s17], $0x80  }
0x1b7: {  	[sflag:s17] =	ssyncset.done $0x0  }
0x1b8: {  	[sflag:s17] =	ssyncadd.s32 $0xFFFFFF80  }
0x1b9: {  	_ =	swait.ge [sflag:s17], $0x80  }
0x1ba: {  	[sflag:s17] =	ssyncset.done $0x0  }
0x1bb: {  	[sflag:s17] =	ssyncadd.s32 $0xFFFFFF80  }
0x1bc: {  	_ =	swait.ge [sflag:s17], $0x80  }
0x1bd: {  	[sflag:s17] =	ssyncset.done $0x0  }
0x1be: {  	[sflag:s17] =	ssyncadd.s32 $0xFFFFFF80  }
0x1bf: {  	_ =	swait.ge [sflag:s17], $0x80  }
0x1c0: {  	[sflag:s17] =	ssyncset.done $0x0  }
0x1c1: {  	[sflag:s17] =	ssyncadd.s32 $0xFFFFFF80  }
0x1c2: {  	_ =	swait.ge [sflag:s17], $0x80  }
0x1c3: {  	[sflag:s17] =	ssyncset.done $0x0  }
0x1c4: {  	[sflag:s17] =	ssyncadd.s32 $0xFFFFFF80  }
0x1c5: {  	_ =	swait.ge [sflag:s17], $0x80  }
0x1c6: {  	[sflag:s17] =	ssyncset.done $0x0  }
0x1c7: {  	[sflag:s17] =	ssyncadd.s32 $0xFFFFFF80  }
0x1c8: {  	_ =	swait.ge [sflag:s17], $0x80  }
0x1c9: {  	[sflag:s17] =	ssyncset.done $0x0  }
0x1ca: {  	[sflag:s17] =	ssyncadd.s32 $0xFFFFFF80  }
0x1cb: {  	_ =	swait.ge [sflag:s17], $0x80  }
0x1cc: {  	[sflag:s17] =	ssyncset.done $0x0  }
0x1cd: {  	[sflag:s17] =	ssyncadd.s32 $0xFFFFFF80  }
0x1ce: {  	_ =	swait.ge [sflag:s17], $0x80  }
0x1cf: {  	[sflag:s17] =	ssyncset.done $0x0  }
0x1d0: {  	[sflag:s17] =	ssyncadd.s32 $0xFFFFFF80  }
0x1d1: {  	_ =	swait.ge [sflag:s17], $0x80  }
0x1d2: {  	[sflag:s17] =	ssyncset.done $0x0  }
0x1d3: {  	[sflag:s17] =	ssyncadd.s32 $0xFFFFFF80  }
0x1d4: {  	_ =	swait.ge [sflag:s17], $0x80  }
0x1d5: {  	[sflag:s17] =	ssyncset.done $0x0  }
0x1d6: {  	[sflag:s17] =	ssyncadd.s32 $0xFFFFFF80  }
0x1d7: {  	_ =	swait.ge [sflag:s17], $0x80  }
0x1d8: {  	[sflag:s17] =	ssyncset.done $0x0  }
0x1d9: {  	[sflag:s17] =	ssyncadd.s32 $0xFFFFFF80  }
0x1da: {  	_ =	swait.ge [sflag:s17], $0x80  }
0x1db: {  	[sflag:s17] =	ssyncset.done $0x0  }
0x1dc: {  	[sflag:s17] =	ssyncadd.s32 $0xFFFFFF80  }
0x1dd: {  	_ =	swait.ge [sflag:s17], $0x80  }
0x1de: {  	[sflag:s17] =	ssyncset.done $0x0  }
0x1df: {  	[sflag:s17] =	ssyncadd.s32 $0xFFFFFF80  }
0x1e0: {  	_ =	swait.ge [sflag:s17], $0x80  }
0x1e1: {  	[sflag:s17] =	ssyncset.done $0x0  }
0x1e2: {  	[sflag:s17] =	ssyncadd.s32 $0xFFFFFF80  }
0x1e3: {  	_ =	swait.ge [sflag:s17], $0x80  }
0x1e4: {  	[sflag:s17] =	ssyncset.done $0x0  }
0x1e5: {  	[sflag:s17] =	ssyncadd.s32 $0xFFFFFF80  }
0x1e6: {  	_ =	swait.ge [sflag:s17], $0x80  }
0x1e7: {  	[sflag:s17] =	ssyncset.done $0x0  }
0x1e8: {  	[sflag:s17] =	ssyncadd.s32 $0xFFFFFF80  }
0x1e9: {  	_ =	swait.ge [sflag:s17], $0x80  }
0x1ea: {  	[sflag:s17] =	ssyncset.done $0x0  }
0x1eb: {  	[sflag:s17] =	ssyncadd.s32 $0xFFFFFF80  }
0x1ec: {  	_ =	swait.ge [sflag:s17], $0x80  }
0x1ed: {  	[sflag:s17] =	ssyncset.done $0x0  }
0x1ee: {  	[sflag:s17] =	ssyncadd.s32 $0xFFFFFF80  }
0x1ef: {  	_ =	swait.ge [sflag:s17], $0x80  }
0x1f0: {  	[sflag:s17] =	ssyncset.done $0x0  }
0x1f1: {  	[sflag:s17] =	ssyncadd.s32 $0xFFFFFF80  }
0x1f2: {  	_ =	swait.ge [sflag:s17], $0x80  }
0x1f3: {  	[sflag:s17] =	ssyncset.done $0x0  }
0x1f4: {  	[sflag:s17] =	ssyncadd.s32 $0xFFFFFF80  }
0x1f5: {  	_ =	swait.ge [sflag:s17], $0x80  }
0x1f6: {  	[sflag:s17] =	ssyncset.done $0x0  }
0x1f7: {  	[sflag:s17] =	ssyncadd.s32 $0xFFFFFF80  }
0x1f8: {  	_ =	swait.ge [sflag:s17], $0x80  }
0x1f9: {  	[sflag:s17] =	ssyncset.done $0x0  }
0x1fa: {  	[sflag:s17] =	ssyncadd.s32 $0xFFFFFF80  }
0x1fb: {  	_ =	swait.ge [sflag:s17], $0x80  }
0x1fc: {  	[sflag:s17] =	ssyncset.done $0x0  }
0x1fd: {  	[sflag:s17] =	ssyncadd.s32 $0xFFFFFF80  }
0x1fe: {  	_ =	swait.ge [sflag:s17], $0x80  }
0x1ff: {  	[sflag:s17] =	ssyncset.done $0x0  }
0x200: {  	[sflag:s17] =	ssyncadd.s32 $0xFFFFFF80  }
0x201: {  	_ =	swait.ge [sflag:s17], $0x80  }
0x202: {  	[sflag:s17] =	ssyncset.done $0x0  }
0x203: {  	s20 =	simm.s32 $0x2A50;
	[sflag:s17] =	ssyncadd.s32 $0xFFFFFF80  }
0x204: {  	v1 =	vld [tilespmem:s20+$0xFFFFFFD0]  }
0x205: {  	v2 =	vld [tilespmem:s20+$0xFFFFFFC0]  }
0x206: {  	v3 =	vld [tilespmem:s20+$0xFFFFFFB0];
	_ =	sdelay $0x2  }
0x207: {  	v5 =	vld [tilespmem:s20+$0x0];
	v4 =	vmul.f32 $1.442695020e+00, v1  }
0x208: {  	v8 =	vld [tilespmem:s20+$0xFFFFFFE0];
	v1 =	vsub.f32 $0.0e+00, v1;
	v6 =	vmul.f32 $1.442695020e+00, v2  }
0x209: {  	v7 =	vmul.f32 $1.442695020e+00, v3;
	v3 =	vsub.f32 $0.0e+00, v3;
	(erf) = vpow2.f32 v4  }
0x20a: {  	v2 =	vsub.f32 $0.0e+00, v2;
	v4 =	vld [tilespmem:s20+$0xFFFFFFF0];
	v9 =	vmul.f32 $1.442695020e+00, v1;
	(erf) = vpow2.f32 v6  }
0x20b: {  	v3 =	vmul.f32 $1.442695020e+00, v3;
	v6 =	vld [tilespmem:s20+$0x10];
	(erf) = vpow2.f32 v7  }
0x20c: {  	s21 =	simm.s32 $0x3E50;
	v2 =	vmul.f32 $1.442695020e+00, v2;
	(erf) = vpow2.f32 v9;
	v9 =	vsub.f32 $0.0e+00, v5  }
0x20d: {  	v12 =	vld [tilespmem:s21+$0xFFFFFFB0];
	v10 =	vmul.f32 $1.442695020e+00, v8;
	v8 =	vsub.f32 $0.0e+00, v8;
	(erf) = vpow2.f32 v3  }
0x20e: {  	v7 =	vld [tilespmem:s21+$0xFFFFFFD0];
	v9 =	vmul.f32 $1.442695020e+00, v9;
	(erf) = vpow2.f32 v2  }
0x20f: {  	s30 =	simm.s32 $0x0;
	v8 =	vmul.f32 $1.442695020e+00, v8;
	v3 =	vld [tilespmem:s21+$0xFFFFFFC0];
	v11 =	vsub.f32 $0.0e+00, v4;
	(erf) = vpow2.f32 v10  }
0x210: {  	s24 =	sand.u32 $0x1FE0, s30;
	v14 =	vld [tilespmem:s20+$0x20];
	v2 =	vsub.f32 $0.0e+00, v6;
	(erf) = vpow2.f32 v9  }
0x211: {  	v1 =	vld [tilespmem:s24+$0x2A80];
	(erf) = vpow2.f32 v8;
	v8 =	vmul.f32 $1.442695020e+00, v11  }
0x212: {  	v2 =	vmul.f32 $1.442695020e+00, v2;
	v9 =	vpop (erf)  }
0x213: {  	vm2 =	veq.s32 v12, $0x0;
	v5 =	vmul.f32 $1.442695020e+00, v5;
	v10 =	vmul.f32 $1.442695020e+00, v6;
	v11 =	vpop (erf)  }
0x214: {  	vm0 =	veq.s32 v7, $0x0;
	vm1 =	veq.s32 v3, $0x0;
	(erf) = vpow2.f32 v2;
	v3 =	vpop (erf)  }
0x215: {  	v13 =	vld [tilespmem:s20+$0x40];
	v2 =	vmul.f32 $1.442695020e+00, v4;
	(erf) = vpow2.f32 v8;
	v4 =	vadd.f32 $0.0e+00, v3;
	v8 =	vpop (erf)  }
0x216: {  	v6 =	vsub.f32 $0.0e+00, v1;
	v7 =	vnsel vm0, $0x0, v9;
	v9 =	vsub.f32 $0.0e+00, v14;
	v12 =	vpop (erf)  }
0x217: {  	(erf) = vpow2.f32 v2;
	v2 =	vnsel vm2, $0x0, v4;
	v4 =	vadd.f32 $0.0e+00, v12  }
0x218: {  	(erf) = vpow2.f32 v10;
	v10 =	vnsel vm1, $0x0, v11;
	v11 =	vmul.f32 $1.442695020e+00, v9  }
0x219: {  	v6 =	vmul.f32 $1.442695020e+00, v6;
	v12 =	vpop (erf);
	v15 =	vsel vm2, $0x0, v4;
	v4 =	vld [tilespmem:s21+$0xFFFFFFE0]  }
0x21a: {  	v14 =	vmul.f32 $1.442695020e+00, v14;
	v3 =	vsub.f32 $0.0e+00, v13;
	(erf) = vpow2.f32 v5;
	v9 =	vpop (erf)  }
0x21b: {  	s22 =	simm.s32 $0x5200;
	v13 =	vmul.f32 $1.442695020e+00, v13;
	v12 =	vsel vm1, $0x0, v12;
	(erf) = vpow2.f32 v11;
	v5 =	vpop (erf)  }
0x21c: {  	s23 =	simm.s32 $0x3E50;
	s25 =	simm.s32 $0x5200;
	s26 =	simm.s32 $0xA0;
	v10 =	vadd.f32 v10, v2;
	v2 =	vld [tilespmem:s21+$0xFFFFFFF0];
	(erf) = vpow2.f32 v14;
	v12 =	vadd.f32 v12, v15;
	v11 =	vpop (erf)  }
.LBB2_4:
0x21d: {  	v1 =	vmul.f32 $1.442695020e+00, v1;
	s25 =	sadd.s32 $0x10, s25;
	s21 =	sadd.s32 $0xA0, s21;
	s20 =	sadd.s32 $0xA0, s20;
	v14 =	vpop (erf);
	(erf) = vpow2.f32 v6  }
0x21e: {  	p0 =	sne.s32 s26, $0x1360;
	v6 =	vsel vm0, $0x0, v8;
	vm0 =	veq.s32 v4, $0x0;
	s8 =	smov.u32 s26;
	s26 =	sadd.s32 $0xA0, s26;
	v4 =	vld [tilespmem:s23+$0x0];
	v8 =	vpop (erf);
	(erf) = vpow2.f32 v13  }
0x21f: {  	v7 =	vadd.f32 v7, v10;
	v6 =	vadd.f32 v6, v12;
	(erf) = vpow2.f32 v1  }
0x220: {  	v3 =	vmul.f32 $1.442695020e+00, v3;
	v1 =	vnsel vm0, $0x0, v9;
	v9 =	vsel vm0, $0x0, v11;
	v10 =	vld [tilespmem:s23+$0x10];
	v11 =	vpop (erf)  }
0x221: {  	vm0 =	veq.s32 v2, $0x0;
	v1 =	vadd.f32 v1, v7;
	v6 =	vadd.f32 v9, v6;
	v2 =	vpop (erf)  }
0x222: {  	v8 =	vsel vm0, $0x0, v8;
	v11 =	vnsel vm0, $0x0, v11;
	v9 =	vld [tilespmem:s23+$0x20];
	(erf) = vpow2.f32 v3  }
0x223: {  	v1 =	vadd.f32 v11, v1;
	v3 =	vadd.f32 v8, v6;
	vm0 =	veq.s32 v4, $0x0;
	v4 =	vpop (erf)  }
0x224: {  	v8 =	vnsel vm0, $0x0, v4;
	v5 =	vsel vm0, $0x0, v5;
	v6 =	vld [tilespmem:s24+$0x3E80];
	v7 =	vpop (erf)  }
0x225: {  	v1 =	vadd.f32 v8, v1;
	v11 =	vadd.f32 v5, v3;
	vm0 =	veq.s32 v10, $0x0;
	v4 =	vpop (erf)  }
0x226: {  	v2 =	vnsel vm0, $0x0, v2;
	v5 =	vsel vm0, $0x0, v14;
	v8 =	vld [tilespmem:s23+$0x40];
	v10 =	vpop (erf);
	s23 =	smov.u32 s21  }
0x227: {  	v1 =	vadd.f32 v2, v1;
	v2 =	vadd.f32 v5, v11;
	vm0 =	veq.s32 v9, $0x0;
	v3 =	vpop (erf)  }
0x228: {  	v4 =	vnsel vm0, $0x0, v4;
	v5 =	vsel vm0, $0x0, v7;
	v7 =	vpop (erf)  }
0x229: {  	v1 =	vadd.f32 v4, v1;
	v2 =	vadd.f32 v5, v2;
	vm0 =	veq.s32 v6, $0x0  }
0x22a: {  	v6 =	vnsel vm0, $0x0, v7;
	v5 =	vsel vm0, $0x0, v10  }
0x22b: {  	v1 =	vadd.f32 v6, v1;
	v2 =	vadd.f32 v5, v2;
	vm0 =	veq.s32 v8, $0x0;
	v4 =	vpop (erf)  }
0x22c: {  	v3 =	vnsel vm0, $0x0, v3;
	v4 =	vsel vm0, $0x0, v4  }
0x22d: {  	v1 =	vadd.f32 v3, v1;
	v2 =	vadd.f32 v4, v2;
	_ =	sdelay $0x1  }
0x22e: {  	v1 =	vmul.f32 v2, v1;
	_ =	sdelay $0x1  }
0x22f: {  	[tilespmem:s22+$0x0] =	vst v1;
	s22 =	smov.u32 s25  }
0x230: {  	v1 =	vld [tilespmem:s20+$0xFFFFFFD0]  }
0x231: {  	v2 =	vld [tilespmem:s20+$0xFFFFFFC0]  }
0x232: {  	v3 =	vld [tilespmem:s20+$0xFFFFFFB0];
	_ =	sdelay $0x1  }
0x233: {  	v4 =	vld [tilespmem:s20+$0x0]  }
0x234: {  	v5 =	vld [tilespmem:s21+$0xFFFFFFD0];
	v6 =	vmul.f32 $1.442695020e+00, v1;
	v1 =	vsub.f32 $0.0e+00, v1  }
0x235: {  	v7 =	vmul.f32 $1.442695020e+00, v2;
	v2 =	vsub.f32 $0.0e+00, v2;
	v8 =	vld [tilespmem:s20+$0xFFFFFFF0]  }
0x236: {  	v9 =	vmul.f32 $1.442695020e+00, v3;
	v3 =	vsub.f32 $0.0e+00, v3;
	v10 =	vld [tilespmem:s20+$0xFFFFFFE0];
	(erf) = vpow2.f32 v6  }
0x237: {  	v6 =	vmul.f32 $1.442695020e+00, v1;
	v11 =	vld [tilespmem:s20+$0x10];
	(erf) = vpow2.f32 v7  }
0x238: {  	s24 =	sand.u32 $0x1FE0, s8;
	v3 =	vmul.f32 $1.442695020e+00, v3;
	v7 =	vld [tilespmem:s21+$0xFFFFFFC0];
	v12 =	vsub.f32 $0.0e+00, v4;
	(erf) = vpow2.f32 v9  }
0x239: {  	v13 =	vmul.f32 $1.442695020e+00, v4;
	v1 =	vld [tilespmem:s24+$0x2A80];
	(erf) = vpow2.f32 v6  }
0x23a: {  	v6 =	vmul.f32 $1.442695020e+00, v2;
	v4 =	vld [tilespmem:s21+$0xFFFFFFE0];
	v9 =	vsub.f32 $0.0e+00, v8;
	(erf) = vpow2.f32 v3  }
0x23b: {  	v12 =	vmul.f32 $1.442695020e+00, v12;
	v14 =	vld [tilespmem:s21+$0xFFFFFFB0];
	v3 =	vmul.f32 $1.442695020e+00, v10;
	v10 =	vsub.f32 $0.0e+00, v10  }
0x23c: {  	v2 =	vld [tilespmem:s21+$0xFFFFFFF0];
	v15 =	vmul.f32 $1.442695020e+00, v11;
	v11 =	vsub.f32 $0.0e+00, v11;
	(erf) = vpow2.f32 v6  }
0x23d: {  	v6 =	vmul.f32 $1.442695020e+00, v10;
	v16 =	vld [tilespmem:s20+$0x40];
	(erf) = vpow2.f32 v3  }
0x23e: {  	v17 =	vmul.f32 $1.442695020e+00, v11;
	v10 =	vld [tilespmem:s20+$0x20];
	v11 =	vsub.f32 $0.0e+00, v1;
	(erf) = vpow2.f32 v12  }
0x23f: {  	v9 =	vmul.f32 $1.442695020e+00, v9;
	v12 =	vpop (erf);
	(erf) = vpow2.f32 v6  }
0x240: {  	vm0 =	veq.s32 v5, $0x0;
	v6 =	vmul.f32 $1.442695020e+00, v11;
	v5 =	vpop (erf);
	(erf) = vpow2.f32 v17  }
0x241: {  	vm1 =	veq.s32 v7, $0x0;
	v11 =	vmul.f32 $1.442695020e+00, v8;
	v3 =	vpop (erf);
	(erf) = vpow2.f32 v9  }
0x242: {  	v7 =	vnsel vm0, $0x0, v12;
	v9 =	vadd.f32 $0.0e+00, v3;
	v3 =	vsub.f32 $0.0e+00, v16;
	v8 =	vpop (erf)  }
0x243: {  	vm2 =	veq.s32 v14, $0x0;
	v12 =	vsub.f32 $0.0e+00, v10;
	v14 =	vpop (erf);
	(erf) = vpow2.f32 v11  }
.Ltmp1:
0x244: {  	v11 =	vnsel vm2, $0x0, v9;
	v18 =	vadd.f32 $0.0e+00, v14;
	(erf) = vpow2.f32 v15;
	(pc) =	sbr.rel @p0 .LBB2_4-.Ltmp1, $4  }
0x245: {  	v19 =	vnsel vm1, $0x0, v5;
	v14 =	vmul.f32 $1.442695020e+00, v10;
	v15 =	vmul.f32 $1.442695020e+00, v12;
	v10 =	vpop (erf)  }
0x246: {  	v12 =	vsel vm2, $0x0, v18;
	v17 =	vsel vm1, $0x0, v10;
	v9 =	vpop (erf);
	(erf) = vpow2.f32 v13  }
0x247: {  	v10 =	vadd.f32 v19, v11;
	v12 =	vadd.f32 v17, v12;
	v5 =	vpop (erf);
	(erf) = vpow2.f32 v15  }
0x248: {  	v13 =	vmul.f32 $1.442695020e+00, v16;
	v11 =	vpop (erf);
	(erf) = vpow2.f32 v14  }
0x249: {  	v1 =	vmul.f32 $1.442695020e+00, v1;
	_ =	sdelay $0x1  }
0x24a: {  	(erf) = vpow2.f32 v6;
	v44 =	vsel vm0, $0x0, v8;
	vm9 =	veq.s32 v4, $0x0;
	v45 =	vld [tilespmem:s23+$0x0]  }
0x24b: {  	v46 =	vpop (erf);
	v7 =	vadd.f32 v7, v10;
	v3 =	vmul.f32 $1.442695020e+00, v3;
	(erf) = vpow2.f32 v13  }
0x24c: {  	v6 =	vadd.f32 v44, v12;
	v9 =	vnsel vm9, $0x0, v9;
	(erf) = vpow2.f32 v1;
	v1 =	vpop (erf)  }
0x24d: {  	v48 =	vld [tilespmem:s23+$0x10];
	vm10 =	veq.s32 v2, $0x0;
	v47 =	vsel vm9, $0x0, v11;
	v7 =	vadd.f32 v9, v7;
	v49 =	vpop (erf)  }
0x24e: {  	v6 =	vadd.f32 v47, v6;
	v1 =	vsel vm10, $0x0, v1;
	v2 =	vpop (erf);
	v50 =	vnsel vm10, $0x0, v49  }
0x24f: {  	v51 =	vld [tilespmem:s23+$0x20];
	vm11 =	veq.s32 v45, $0x0;
	(erf) = vpow2.f32 v3;
	v3 =	vadd.f32 v50, v7;
	v52 =	vpop (erf)  }
0x250: {  	v1 =	vadd.f32 v1, v6;
	v4 =	vnsel vm11, $0x0, v52  }
0x251: {  	v53 =	vld [tilespmem:s24+$0x3E80];
	v5 =	vsel vm11, $0x0, v5;
	v3 =	vadd.f32 v4, v3  }
0x252: {  	vm12 =	veq.s32 v48, $0x0;
	v54 =	vpop (erf);
	v1 =	vadd.f32 v5, v1  }
0x253: {  	v57 =	vld [tilespmem:s23+$0x40];
	v56 =	vsel vm12, $0x0, v46;
	v2 =	vnsel vm12, $0x0, v2;
	v55 =	vpop (erf)  }
0x254: {  	vm13 =	veq.s32 v51, $0x0;
	v58 =	vpop (erf);
	v1 =	vadd.f32 v56, v1;
	v2 =	vadd.f32 v2, v3  }
0x255: {  	v59 =	vsel vm13, $0x0, v54;
	v4 =	vnsel vm13, $0x0, v55;
	v3 =	vpop (erf)  }
0x256: {  	vm14 =	veq.s32 v53, $0x0;
	v1 =	vadd.f32 v59, v1;
	v2 =	vadd.f32 v4, v2;
	v60 =	vpop (erf)  }
0x257: {  	v62 =	vsel vm14, $0x0, v58;
	v61 =	vnsel vm14, $0x0, v60  }
0x258: {  	vm15 =	veq.s32 v57, $0x0;
	v1 =	vadd.f32 v62, v1;
	v63 =	vpop (erf);
	v2 =	vadd.f32 v61, v2  }
0x259: {  	v3 =	vnsel vm15, $0x0, v3;
	v4 =	vsel vm15, $0x0, v63  }
0x25a: {  	v1 =	vadd.f32 v4, v1;
	v2 =	vadd.f32 v3, v2;
	_ =	sdelay $0x1  }
0x25b: {  	s19 =	sadd.s32 $0x1, s19;
	v1 =	vmul.f32 v1, v2  }
0x25c: {  	p0 =	sne.s32 s19, s7  }
.Ltmp2:
0x25d: {  	[tilespmem:s22+$0x0] =	vst v1;
	(pc) =	sbr.rel @p0 .LBB2_1-.Ltmp2, $4  }
0x25e: {  	[hbm4b:s6+s2] =	stream.linear.scatter [tilespmem:s18], [sflag:$0x2], $0x200, $0x38;
	[tilespmem:$0x5400] =	vst v63  }
0x25f: {  	_ =	swait.ge [sflag:s9], $0x200  }
0x260: {  	[sflag:s9] =	ssyncset.done $0x0  }
0x261: {  	[sflag:s9] =	ssyncadd.s32 $0xFFFFFE00  }
0x262: {  	_ =	sfence.sel $0x180000  }
0x263: {  	[bflag:$0x0] =	sbarrier.arrive $0xFFFF  }
0x264: {  	_ =	strace $0x90000047  }
0x265: {  	s0 =	stileid.u32;
	[bflag:$0x2] =	sbarrier.arrive $0xFFFF  }
0x266: {  	p0 =	sne.s32 s0, $0x0;
	s0 =	rddreg [dreg:$0x2]  }
0x267: {  	s0 =	sadd.s32 @!p0 $0x100000, s0  }
0x268: {  	[sflag:s0] =	ssyncadd.tile.s32 @!p0 $0x1;
	_ =	shalt  }
.Lfunc_end2:
_tile_overlayer_lowered:
.L_overlay_start_2:
0x269: {  	(tag) =	ssettag $0x2  }
0x26a: {  	s0 =	rddreg [dreg:$0x0];
	s2 =	stileid.u32  }
0x26b: {  	s1 =	rddreg [dreg:$0x1];
	p0 =	sne.s32 s2, $0x0  }
0x26c: {  	s3 =	rddreg [dreg:$0x2];
	[bflag:$0x3] =	sbarrier.arrive $0xFFFF;
	s2 =	simm.s32 @!p0 $0x1C02  }
0x26d: {  	[timem:s3], [sflag:s2] =	dma.local @!p0 [hbm:s0], s1  }
0x26e: {  	s0 =	simm.s32 @!p0 $0x2  }
0x26f: {  	_ =	swait.ge @!p0 [sflag:s0], s1  }
0x270: {  	s1 =	ssub.s32 @!p0 $0x0, s1;
	[sflag:s0] =	ssyncset.done @!p0 $0x0  }
0x271: {  	[sflag:s0] =	ssyncadd.s32 @!p0 s1  }
0x272: {  	[bflag:$0x3] =	sbarrier.arrive $0xFFFF  }
0x273: {  	_ =	shalt  }

</sc_bundles>
